<compile_context>
chip_gen: v7x
topology: tpu7x:2x2x1
jax: 0.10.2.dev20260603
libtpu: 0.0.44.dev20260713+nightly
codegen_flags: <defaults>
</compile_context>

<pallas_src>
import functools

import jax
import jax.numpy as jnp
from jax import lax
from jax.experimental import pallas as pl
from jax.experimental.pallas import tpu as pltpu
from jax.experimental.pallas import tpu_sc as plsc

N_NODES = 10000
IN_FEATS = 128
OUT_FEATS = 128
N_EDGES = 320000

NC = 2
NS = 16
CH = 80
EPW = N_EDGES // (NC * NS)
NCHUNK = EPW // CH
NPAD = 10240
ROWS_PER_SUB = NPAD // NS
ZROWS = 16
IR = 6
NRB = 3
MAIN = 120


def _poly_body(x_ref, c_ref, e_ref, y_ref, s_ref, d_ref):
    x = x_ref[...]
    dn = (((1,), (0,)), ((), ()))
    y = jnp.sum(c_ref[0], axis=0)[None, :]
    y = y + lax.dot_general(x, c_ref[1], dn, preferred_element_type=jnp.float32)
    x2 = x * x
    y = y + lax.dot_general(x2, c_ref[2], dn, preferred_element_type=jnp.float32)
    y = y + lax.dot_general(x2 * x, c_ref[3], dn, preferred_element_type=jnp.float32)
    y_ref[...] = y
    e = e_ref[...]
    eb = e.shape[1]
    i = pl.program_id(0)
    s_ref[pl.ds(i * eb, eb)] = e[0]
    d_ref[pl.ds(i * eb, eb)] = e[1]


def _tc_poly(x, cw, edge_index):
    blk = 2000
    grid = N_NODES // blk
    eb = N_EDGES // grid
    return pl.pallas_call(
        _poly_body,
        grid=(grid,),
        in_specs=[
            pl.BlockSpec((blk, IN_FEATS), lambda i: (i, 0)),
            pl.BlockSpec((4, IN_FEATS, OUT_FEATS), lambda i: (0, 0, 0)),
            pl.BlockSpec((2, eb), lambda i: (0, i)),
        ],
        out_specs=[
            pl.BlockSpec((blk, OUT_FEATS), lambda i: (i, 0)),
            pl.BlockSpec((N_EDGES,), lambda i: (0,)),
            pl.BlockSpec((N_EDGES,), lambda i: (0,)),
        ],
        out_shape=[
            jax.ShapeDtypeStruct((N_NODES, OUT_FEATS), jnp.float32),
            jax.ShapeDtypeStruct((N_EDGES,), jnp.int32),
            jax.ShapeDtypeStruct((N_EDGES,), jnp.int32),
        ],
    )(x, cw, edge_index)


def _sc_body(y_hbm, src_hbm, dst_hbm, out_hbm,
             sidxr, didxr, rows0, rows1, rows2, zbuf, acc, sems):
    c = lax.axis_index("c")
    s = lax.axis_index("s")
    w = c * NS + s
    base = w * EPW
    r0 = s * ROWS_PER_SUB
    rows = (rows0, rows1, rows2)
    gsem = tuple(sems.at[t] for t in range(NRB))
    ssem = tuple(sems.at[NRB + t] for t in range(NRB))
    isem = tuple(sems.at[2 * NRB + t] for t in range(IR))
    idsem = tuple(sems.at[2 * NRB + IR + t] for t in range(IR))
    zsem = sems.at[2 * NRB + 2 * IR]

    def fire_idx(k, slot):
        off = base + k * CH
        pltpu.async_copy(src_hbm.at[pl.ds(off, CH)], sidxr.at[slot],
                         isem[slot])
        pltpu.async_copy(dst_hbm.at[pl.ds(off, CH)], didxr.at[slot],
                         idsem[slot])

    def fire_gather(slot, b):
        pltpu.make_async_copy(src_hbm.at[pl.ds(0, CH)], sidxr.at[slot],
                              isem[slot]).wait()
        pltpu.async_copy(y_hbm.at[sidxr.at[slot]], rows[b], gsem[b])

    def wait_gather(b):
        pltpu.make_async_copy(y_hbm.at[sidxr.at[0]], rows[b], gsem[b]).wait()

    def fire_scatter(slot, b):
        pltpu.make_async_copy(src_hbm.at[pl.ds(0, CH)], didxr.at[slot],
                              idsem[slot]).wait()
        pltpu.async_copy(rows[b], acc.at[didxr.at[slot]], ssem[b], add=True)

    def wait_scatter(slot, b):
        pltpu.make_async_copy(rows[b], acc.at[didxr.at[slot]], ssem[b]).wait()

    for t in range(IR):
        fire_idx(t, t)
    fire_gather(0, 0)
    fire_gather(1, 1)

    def zrow(r, carry):
        for q in range(OUT_FEATS // 16):
            zbuf[r, pl.ds(q * 16, 16)] = jnp.zeros((16,), jnp.float32)
        return carry
    lax.fori_loop(0, ZROWS, zrow, 0)
    for t in range(ROWS_PER_SUB // ZROWS):
        pltpu.async_copy(zbuf, acc.at[pl.ds(r0 + t * ZROWS, ZROWS)], zsem)
    for t in range(ROWS_PER_SUB // ZROWS):
        pltpu.make_async_copy(zbuf, acc.at[pl.ds(r0, ZROWS)], zsem).wait()
    plsc.subcore_barrier()

    @pl.loop(0, MAIN, step=IR)
    def _(j):
        for b in range(IR):
            k = j + b
            buf = b % NRB
            wait_gather(buf)
            fire_scatter(b, buf)

            if b == 0:
                @pl.when(k > 0)
                def _():
                    wait_scatter(IR - 1, NRB - 1)
                    fire_idx(k + IR - 1, IR - 1)
            else:
                wait_scatter(b - 1, (b - 1) % NRB)
                fire_idx(k + IR - 1, b - 1)

            @pl.when(k + 2 < NCHUNK)
            def _():
                fire_gather((b + 2) % IR, (b + 2) % NRB)

    for t in range(MAIN, NCHUNK):
        wait_gather(t % NRB)
        fire_scatter(t % IR, t % NRB)
        wait_scatter((t - 1) % IR, (t - 1) % NRB)
        if t + 2 < NCHUNK:
            fire_gather((t + 2) % IR, (t + 2) % NRB)
    wait_scatter((NCHUNK - 1) % IR, (NCHUNK - 1) % NRB)
    plsc.subcore_barrier()

    pltpu.sync_copy(acc.at[pl.ds(r0, ROWS_PER_SUB)],
                    out_hbm.at[c, pl.ds(r0, ROWS_PER_SUB)])


_sc_edges = functools.partial(
    pl.kernel,
    out_type=jax.ShapeDtypeStruct((NC, NPAD, OUT_FEATS), jnp.float32),
    mesh=plsc.VectorSubcoreMesh(core_axis_name="c", subcore_axis_name="s"),
    scratch_types=[
        pltpu.VMEM((IR, CH), jnp.int32),
        pltpu.VMEM((IR, CH), jnp.int32),
        pltpu.VMEM((CH, OUT_FEATS), jnp.float32),
        pltpu.VMEM((CH, OUT_FEATS), jnp.float32),
        pltpu.VMEM((CH, OUT_FEATS), jnp.float32),
        pltpu.VMEM((ZROWS, OUT_FEATS), jnp.float32),
        pltpu.VMEM_SHARED((NPAD, OUT_FEATS), jnp.float32),
        pltpu.SemaphoreType.DMA((2 * NRB + 2 * IR + 1,)),
    ],
)(_sc_body)


def _combine_body(p_ref, b_ref, h_ref):
    h_ref[...] = p_ref[0] + p_ref[1] + b_ref[...]


def _tc_combine(p, bias2d):
    blk = 2000
    grid = N_NODES // blk
    return pl.pallas_call(
        _combine_body,
        grid=(grid,),
        in_specs=[
            pl.BlockSpec((NC, blk, OUT_FEATS), lambda i: (0, i, 0)),
            pl.BlockSpec((1, OUT_FEATS), lambda i: (0, 0)),
        ],
        out_specs=pl.BlockSpec((blk, OUT_FEATS), lambda i: (i, 0)),
        out_shape=jax.ShapeDtypeStruct((N_NODES, OUT_FEATS), jnp.float32),
    )(p, bias2d)


def kernel(x, edge_index, coeffs, bias):
    cw = jnp.transpose(coeffs, (2, 1, 0))
    y, sflat, dflat = _tc_poly(x, cw, edge_index)
    p = _sc_edges(y, sflat, dflat)
    return _tc_combine(p, bias.reshape(1, OUT_FEATS))

# --- scband reference (transcript-rebuilt; emitter-appended) ---
"""Pipeline reference for scband-naive-polynomial-kanlayer-37142877176051 (READ-ONLY COPY).

The authoritative reference and input builder live on the scoring server;
editing this copy changes nothing except your own understanding.
"""

import jax, jax.numpy as jnp
import numpy as np

N_NODES = 10000
N_EDGES = 320000
IN_FEATS = 128
OUT_FEATS = 128
DEGREE = 3


def setup_inputs(seed: int = 0) -> dict:
    key = jax.random.key(seed)
    k1, k2, k3 = jax.random.split(key, 3)
    x = jax.random.normal(k1, (N_NODES, IN_FEATS), dtype=jnp.float32)
    edge_index = jax.random.randint(k2, (2, N_EDGES), 0, N_NODES, dtype=jnp.int32)
    coeffs = jax.random.normal(k3, (OUT_FEATS, IN_FEATS, DEGREE + 1), dtype=jnp.float32) / (
        np.sqrt(IN_FEATS) * np.sqrt(DEGREE + 1)
    )
    bias = jnp.zeros((OUT_FEATS,), dtype=jnp.float32)
    return {"x": x, "edge_index": edge_index, "coeffs": coeffs, "bias": bias}


def reference(x, edge_index, coeffs, bias):
    src = edge_index[0]
    dst = edge_index[1]
    # gather source node features per edge
    h_src = jnp.take(x, src, axis=0)  # [E, in]
    # per-edge polynomial message: powers of src feature up to DEGREE
    powers = jnp.stack([h_src ** i for i in range(DEGREE + 1)], axis=-1)  # [E, in, deg+1]
    m = jnp.einsum('bij,oij->bo', powers, coeffs)  # [E, out]
    # sum-reduce messages onto destination nodes
    h = jax.ops.segment_sum(m, dst, num_segments=N_NODES)  # [N, out]
    h = h + bias
    return h

if __name__ == "__main__":
    import jax
    _d = setup_inputs()
    print(jax.jit(kernel)(*tuple(_d.values())))

</pallas_src>

<mosaic_0001>
#map = affine_map<(d0, d1) -> (0, 0)>
#map1 = affine_map<(d0, d1) -> (0)>
#map2 = affine_map<(d0, d1) -> (0, 0, 0)>
module attributes {stable_mosaic.version = 14 : i64} {
  func.func @_sc_body(%arg0: i32, %arg1: i32, %arg2: memref<10000x128xf32, #tpu.memory_space<hbm>>, %arg3: memref<320000xi32, #tpu.memory_space<hbm>>, %arg4: memref<320000xi32, #tpu.memory_space<hbm>>, %arg5: memref<2x10240x128xf32, #tpu.memory_space<hbm>>, %arg6: memref<6x80xi32, #tpu.memory_space<vmem>>, %arg7: memref<6x80xi32, #tpu.memory_space<vmem>>, %arg8: memref<80x128xf32, #tpu.memory_space<vmem>>, %arg9: memref<80x128xf32, #tpu.memory_space<vmem>>, %arg10: memref<80x128xf32, #tpu.memory_space<vmem>>, %arg11: memref<16x128xf32, #tpu.memory_space<vmem>>, %arg12: memref<10240x128xf32, #tpu.memory_space<vmem_shared>>, %arg13: memref<19x!tpu.dma_semaphore, #tpu.memory_space<semaphore_mem>>) attributes {dimension_semantics = [#tpu.dimension_semantics<core_parallel>, #tpu.dimension_semantics<subcore_parallel>], iteration_bounds = array<i64: 2, 16>, scalar_prefetch = 0 : i64, scratch_operands = 8 : i64, tpu.core_type = #tpu.core_type<sc_vector_subcore>, window_params = [{transform_indices = #map}, {transform_indices = #map1}, {transform_indices = #map1}, {transform_indices = #map2}]} {
    %mul3A = arith.constant 16 : i32
    %mul3A_0 = arith.muli %arg0, %mul3A : i32
    %add3A = arith.addi %mul3A_0, %arg1 : i32
    %mul3A_1 = arith.constant 10000 : i32
    %mul3A_2 = arith.muli %add3A, %mul3A_1 : i32
    %mul3A_3 = arith.constant 640 : i32
    %mul3A_4 = arith.muli %arg1, %mul3A_3 : i32
    %add3A_5 = arith.constant 0 : i32
    %add3A_6 = arith.addi %mul3A_2, %add3A_5 : i32
    %dma_start3A = arith.constant 0 : i32
    %dma_start3A_7 = arith.constant 6 : i32
    %dma_start3A_8 = arith.constant 0 : i32
    %dma_start3A_9 = tpu.memref_slice %arg6[%dma_start3A, %dma_start3A_8] : memref<6x80xi32, #tpu.memory_space<vmem>> -> memref<1x80xi32, #tpu.memory_space<vmem>>
    %dma_start3A_10 = tpu.memref_squeeze %dma_start3A_9 : memref<1x80xi32, #tpu.memory_space<vmem>> -> memref<80xi32, #tpu.memory_space<vmem>>
    %dma_start3A_11 = tpu.memref_slice %arg3[%add3A_6] : memref<320000xi32, #tpu.memory_space<hbm>> -> memref<80xi32, #tpu.memory_space<hbm>>
    %dma_start3A_12 = tpu.memref_slice %arg13[%dma_start3A_7] : memref<19x!tpu.dma_semaphore, #tpu.memory_space<semaphore_mem>> -> memref<1x!tpu.dma_semaphore, #tpu.memory_space<semaphore_mem>>
    %dma_start3A_13 = tpu.memref_squeeze %dma_start3A_12 : memref<1x!tpu.dma_semaphore, #tpu.memory_space<semaphore_mem>> -> memref<!tpu.dma_semaphore, #tpu.memory_space<semaphore_mem>>
    %dma_start3A_14 = arith.constant 0 : i32
    %dma_start3A_15 = tpu.memref_slice %arg6[%dma_start3A, %dma_start3A_14] : memref<6x80xi32, #tpu.memory_space<vmem>> -> memref<1x80xi32, #tpu.memory_space<vmem>>
    %dma_start3A_16 = tpu.memref_squeeze %dma_start3A_15 : memref<1x80xi32, #tpu.memory_space<vmem>> -> memref<80xi32, #tpu.memory_space<vmem>>
    %dma_start3A_17 = tpu.memref_slice %arg3[%add3A_6] : memref<320000xi32, #tpu.memory_space<hbm>> -> memref<80xi32, #tpu.memory_space<hbm>>
    tpu.enqueue_dma source(%dma_start3A_17 : memref<80xi32, #tpu.memory_space<hbm>>) target(%dma_start3A_16 : memref<80xi32, #tpu.memory_space<vmem>>) target_semaphore(%dma_start3A_13 : memref<!tpu.dma_semaphore, #tpu.memory_space<semaphore_mem>>)
    %dma_start3A_18 = arith.constant 0 : i32
    %dma_start3A_19 = arith.constant 12 : i32
    %dma_start3A_20 = arith.constant 0 : i32
    %dma_start3A_21 = tpu.memref_slice %arg7[%dma_start3A_18, %dma_start3A_20] : memref<6x80xi32, #tpu.memory_space<vmem>> -> memref<1x80xi32, #tpu.memory_space<vmem>>
    %dma_start3A_22 = tpu.memref_squeeze %dma_start3A_21 : memref<1x80xi32, #tpu.memory_space<vmem>> -> memref<80xi32, #tpu.memory_space<vmem>>
    %dma_start3A_23 = tpu.memref_slice %arg4[%add3A_6] : memref<320000xi32, #tpu.memory_space<hbm>> -> memref<80xi32, #tpu.memory_space<hbm>>
    %dma_start3A_24 = tpu.memref_slice %arg13[%dma_start3A_19] : memref<19x!tpu.dma_semaphore, #tpu.memory_space<semaphore_mem>> -> memref<1x!tpu.dma_semaphore, #tpu.memory_space<semaphore_mem>>
    %dma_start3A_25 = tpu.memref_squeeze %dma_start3A_24 : memref<1x!tpu.dma_semaphore, #tpu.memory_space<semaphore_mem>> -> memref<!tpu.dma_semaphore, #tpu.memory_space<semaphore_mem>>
    %dma_start3A_26 = arith.constant 0 : i32
    %dma_start3A_27 = tpu.memref_slice %arg7[%dma_start3A_18, %dma_start3A_26] : memref<6x80xi32, #tpu.memory_space<vmem>> -> memref<1x80xi32, #tpu.memory_space<vmem>>
    %dma_start3A_28 = tpu.memref_squeeze %dma_start3A_27 : memref<1x80xi32, #tpu.memory_space<vmem>> -> memref<80xi32, #tpu.memory_space<vmem>>
    %dma_start3A_29 = tpu.memref_slice %arg4[%add3A_6] : memref<320000xi32, #tpu.memory_space<hbm>> -> memref<80xi32, #tpu.memory_space<hbm>>
    tpu.enqueue_dma source(%dma_start3A_29 : memref<80xi32, #tpu.memory_space<hbm>>) target(%dma_start3A_28 : memref<80xi32, #tpu.memory_space<vmem>>) target_semaphore(%dma_start3A_25 : memref<!tpu.dma_semaphore, #tpu.memory_space<semaphore_mem>>)
    %add3A_30 = arith.constant 80 : i32
    %add3A_31 = arith.addi %mul3A_2, %add3A_30 : i32
    %dma_start3A_32 = arith.constant 1 : i32
    %dma_start3A_33 = arith.constant 7 : i32
    %dma_start3A_34 = arith.constant 0 : i32
    %dma_start3A_35 = tpu.memref_slice %arg6[%dma_start3A_32, %dma_start3A_34] : memref<6x80xi32, #tpu.memory_space<vmem>> -> memref<1x80xi32, #tpu.memory_space<vmem>>
    %dma_start3A_36 = tpu.memref_squeeze %dma_start3A_35 : memref<1x80xi32, #tpu.memory_space<vmem>> -> memref<80xi32, #tpu.memory_space<vmem>>
    %dma_start3A_37 = tpu.memref_slice %arg3[%add3A_31] : memref<320000xi32, #tpu.memory_space<hbm>> -> memref<80xi32, #tpu.memory_space<hbm>>
    %dma_start3A_38 = tpu.memref_slice %arg13[%dma_start3A_33] : memref<19x!tpu.dma_semaphore, #tpu.memory_space<semaphore_mem>> -> memref<1x!tpu.dma_semaphore, #tpu.memory_space<semaphore_mem>>
    %dma_start3A_39 = tpu.memref_squeeze %dma_start3A_38 : memref<1x!tpu.dma_semaphore, #tpu.memory_space<semaphore_mem>> -> memref<!tpu.dma_semaphore, #tpu.memory_space<semaphore_mem>>
    %dma_start3A_40 = arith.constant 0 : i32
    %dma_start3A_41 = tpu.memref_slice %arg6[%dma_start3A_32, %dma_start3A_40] : memref<6x80xi32, #tpu.memory_space<vmem>> -> memref<1x80xi32, #tpu.memory_space<vmem>>
    %dma_start3A_42 = tpu.memref_squeeze %dma_start3A_41 : memref<1x80xi32, #tpu.memory_space<vmem>> -> memref<80xi32, #tpu.memory_space<vmem>>
    %dma_start3A_43 = tpu.memref_slice %arg3[%add3A_31] : memref<320000xi32, #tpu.memory_space<hbm>> -> memref<80xi32, #tpu.memory_space<hbm>>
    tpu.enqueue_dma source(%dma_start3A_43 : memref<80xi32, #tpu.memory_space<hbm>>) target(%dma_start3A_42 : memref<80xi32, #tpu.memory_space<vmem>>) target_semaphore(%dma_start3A_39 : memref<!tpu.dma_semaphore, #tpu.memory_space<semaphore_mem>>)
    %dma_start3A_44 = arith.constant 1 : i32
    %dma_start3A_45 = arith.constant 13 : i32
    %dma_start3A_46 = arith.constant 0 : i32
    %dma_start3A_47 = tpu.memref_slice %arg7[%dma_start3A_44, %dma_start3A_46] : memref<6x80xi32, #tpu.memory_space<vmem>> -> memref<1x80xi32, #tpu.memory_space<vmem>>
    %dma_start3A_48 = tpu.memref_squeeze %dma_start3A_47 : memref<1x80xi32, #tpu.memory_space<vmem>> -> memref<80xi32, #tpu.memory_space<vmem>>
    %dma_start3A_49 = tpu.memref_slice %arg4[%add3A_31] : memref<320000xi32, #tpu.memory_space<hbm>> -> memref<80xi32, #tpu.memory_space<hbm>>
    %dma_start3A_50 = tpu.memref_slice %arg13[%dma_start3A_45] : memref<19x!tpu.dma_semaphore, #tpu.memory_space<semaphore_mem>> -> memref<1x!tpu.dma_semaphore, #tpu.memory_space<semaphore_mem>>
    %dma_start3A_51 = tpu.memref_squeeze %dma_start3A_50 : memref<1x!tpu.dma_semaphore, #tpu.memory_space<semaphore_mem>> -> memref<!tpu.dma_semaphore, #tpu.memory_space<semaphore_mem>>
    %dma_start3A_52 = arith.constant 0 : i32
    %dma_start3A_53 = tpu.memref_slice %arg7[%dma_start3A_44, %dma_start3A_52] : memref<6x80xi32, #tpu.memory_space<vmem>> -> memref<1x80xi32, #tpu.memory_space<vmem>>
    %dma_start3A_54 = tpu.memref_squeeze %dma_start3A_53 : memref<1x80xi32, #tpu.memory_space<vmem>> -> memref<80xi32, #tpu.memory_space<vmem>>
    %dma_start3A_55 = tpu.memref_slice %arg4[%add3A_31] : memref<320000xi32, #tpu.memory_space<hbm>> -> memref<80xi32, #tpu.memory_space<hbm>>
    tpu.enqueue_dma source(%dma_start3A_55 : memref<80xi32, #tpu.memory_space<hbm>>) target(%dma_start3A_54 : memref<80xi32, #tpu.memory_space<vmem>>) target_semaphore(%dma_start3A_51 : memref<!tpu.dma_semaphore, #tpu.memory_space<semaphore_mem>>)
    %add3A_56 = arith.constant 160 : i32
    %add3A_57 = arith.addi %mul3A_2, %add3A_56 : i32
    %dma_start3A_58 = arith.constant 2 : i32
    %dma_start3A_59 = arith.constant 8 : i32
    %dma_start3A_60 = arith.constant 0 : i32
    %dma_start3A_61 = tpu.memref_slice %arg6[%dma_start3A_58, %dma_start3A_60] : memref<6x80xi32, #tpu.memory_space<vmem>> -> memref<1x80xi32, #tpu.memory_space<vmem>>
    %dma_start3A_62 = tpu.memref_squeeze %dma_start3A_61 : memref<1x80xi32, #tpu.memory_space<vmem>> -> memref<80xi32, #tpu.memory_space<vmem>>
    %dma_start3A_63 = tpu.memref_slice %arg3[%add3A_57] : memref<320000xi32, #tpu.memory_space<hbm>> -> memref<80xi32, #tpu.memory_space<hbm>>
    %dma_start3A_64 = tpu.memref_slice %arg13[%dma_start3A_59] : memref<19x!tpu.dma_semaphore, #tpu.memory_space<semaphore_mem>> -> memref<1x!tpu.dma_semaphore, #tpu.memory_space<semaphore_mem>>
    %dma_start3A_65 = tpu.memref_squeeze %dma_start3A_64 : memref<1x!tpu.dma_semaphore, #tpu.memory_space<semaphore_mem>> -> memref<!tpu.dma_semaphore, #tpu.memory_space<semaphore_mem>>
    %dma_start3A_66 = arith.constant 0 : i32
    %dma_start3A_67 = tpu.memref_slice %arg6[%dma_start3A_58, %dma_start3A_66] : memref<6x80xi32, #tpu.memory_space<vmem>> -> memref<1x80xi32, #tpu.memory_space<vmem>>
    %dma_start3A_68 = tpu.memref_squeeze %dma_start3A_67 : memref<1x80xi32, #tpu.memory_space<vmem>> -> memref<80xi32, #tpu.memory_space<vmem>>
    %dma_start3A_69 = tpu.memref_slice %arg3[%add3A_57] : memref<320000xi32, #tpu.memory_space<hbm>> -> memref<80xi32, #tpu.memory_space<hbm>>
    tpu.enqueue_dma source(%dma_start3A_69 : memref<80xi32, #tpu.memory_space<hbm>>) target(%dma_start3A_68 : memref<80xi32, #tpu.memory_space<vmem>>) target_semaphore(%dma_start3A_65 : memref<!tpu.dma_semaphore, #tpu.memory_space<semaphore_mem>>)
    %dma_start3A_70 = arith.constant 2 : i32
    %dma_start3A_71 = arith.constant 14 : i32
    %dma_start3A_72 = arith.constant 0 : i32
    %dma_start3A_73 = tpu.memref_slice %arg7[%dma_start3A_70, %dma_start3A_72] : memref<6x80xi32, #tpu.memory_space<vmem>> -> memref<1x80xi32, #tpu.memory_space<vmem>>
    %dma_start3A_74 = tpu.memref_squeeze %dma_start3A_73 : memref<1x80xi32, #tpu.memory_space<vmem>> -> memref<80xi32, #tpu.memory_space<vmem>>
    %dma_start3A_75 = tpu.memref_slice %arg4[%add3A_57] : memref<320000xi32, #tpu.memory_space<hbm>> -> memref<80xi32, #tpu.memory_space<hbm>>
    %dma_start3A_76 = tpu.memref_slice %arg13[%dma_start3A_71] : memref<19x!tpu.dma_semaphore, #tpu.memory_space<semaphore_mem>> -> memref<1x!tpu.dma_semaphore, #tpu.memory_space<semaphore_mem>>
    %dma_start3A_77 = tpu.memref_squeeze %dma_start3A_76 : memref<1x!tpu.dma_semaphore, #tpu.memory_space<semaphore_mem>> -> memref<!tpu.dma_semaphore, #tpu.memory_space<semaphore_mem>>
    %dma_start3A_78 = arith.constant 0 : i32
    %dma_start3A_79 = tpu.memref_slice %arg7[%dma_start3A_70, %dma_start3A_78] : memref<6x80xi32, #tpu.memory_space<vmem>> -> memref<1x80xi32, #tpu.memory_space<vmem>>
    %dma_start3A_80 = tpu.memref_squeeze %dma_start3A_79 : memref<1x80xi32, #tpu.memory_space<vmem>> -> memref<80xi32, #tpu.memory_space<vmem>>
    %dma_start3A_81 = tpu.memref_slice %arg4[%add3A_57] : memref<320000xi32, #tpu.memory_space<hbm>> -> memref<80xi32, #tpu.memory_space<hbm>>
    tpu.enqueue_dma source(%dma_start3A_81 : memref<80xi32, #tpu.memory_space<hbm>>) target(%dma_start3A_80 : memref<80xi32, #tpu.memory_space<vmem>>) target_semaphore(%dma_start3A_77 : memref<!tpu.dma_semaphore, #tpu.memory_space<semaphore_mem>>)
    %add3A_82 = arith.constant 240 : i32
    %add3A_83 = arith.addi %mul3A_2, %add3A_82 : i32
    %dma_start3A_84 = arith.constant 3 : i32
    %dma_start3A_85 = arith.constant 9 : i32
    %dma_start3A_86 = arith.constant 0 : i32
    %dma_start3A_87 = tpu.memref_slice %arg6[%dma_start3A_84, %dma_start3A_86] : memref<6x80xi32, #tpu.memory_space<vmem>> -> memref<1x80xi32, #tpu.memory_space<vmem>>
    %dma_start3A_88 = tpu.memref_squeeze %dma_start3A_87 : memref<1x80xi32, #tpu.memory_space<vmem>> -> memref<80xi32, #tpu.memory_space<vmem>>
    %dma_start3A_89 = tpu.memref_slice %arg3[%add3A_83] : memref<320000xi32, #tpu.memory_space<hbm>> -> memref<80xi32, #tpu.memory_space<hbm>>
    %dma_start3A_90 = tpu.memref_slice %arg13[%dma_start3A_85] : memref<19x!tpu.dma_semaphore, #tpu.memory_space<semaphore_mem>> -> memref<1x!tpu.dma_semaphore, #tpu.memory_space<semaphore_mem>>
    %dma_start3A_91 = tpu.memref_squeeze %dma_start3A_90 : memref<1x!tpu.dma_semaphore, #tpu.memory_space<semaphore_mem>> -> memref<!tpu.dma_semaphore, #tpu.memory_space<semaphore_mem>>
    %dma_start3A_92 = arith.constant 0 : i32
    %dma_start3A_93 = tpu.memref_slice %arg6[%dma_start3A_84, %dma_start3A_92] : memref<6x80xi32, #tpu.memory_space<vmem>> -> memref<1x80xi32, #tpu.memory_space<vmem>>
    %dma_start3A_94 = tpu.memref_squeeze %dma_start3A_93 : memref<1x80xi32, #tpu.memory_space<vmem>> -> memref<80xi32, #tpu.memory_space<vmem>>
    %dma_start3A_95 = tpu.memref_slice %arg3[%add3A_83] : memref<320000xi32, #tpu.memory_space<hbm>> -> memref<80xi32, #tpu.memory_space<hbm>>
    tpu.enqueue_dma source(%dma_start3A_95 : memref<80xi32, #tpu.memory_space<hbm>>) target(%dma_start3A_94 : memref<80xi32, #tpu.memory_space<vmem>>) target_semaphore(%dma_start3A_91 : memref<!tpu.dma_semaphore, #tpu.memory_space<semaphore_mem>>)
    %dma_start3A_96 = arith.constant 3 : i32
    %dma_start3A_97 = arith.constant 15 : i32
    %dma_start3A_98 = arith.constant 0 : i32
    %dma_start3A_99 = tpu.memref_slice %arg7[%dma_start3A_96, %dma_start3A_98] : memref<6x80xi32, #tpu.memory_space<vmem>> -> memref<1x80xi32, #tpu.memory_space<vmem>>
    %dma_start3A_100 = tpu.memref_squeeze %dma_start3A_99 : memref<1x80xi32, #tpu.memory_space<vmem>> -> memref<80xi32, #tpu.memory_space<vmem>>
    %dma_start3A_101 = tpu.memref_slice %arg4[%add3A_83] : memref<320000xi32, #tpu.memory_space<hbm>> -> memref<80xi32, #tpu.memory_space<hbm>>
    %dma_start3A_102 = tpu.memref_slice %arg13[%dma_start3A_97] : memref<19x!tpu.dma_semaphore, #tpu.memory_space<semaphore_mem>> -> memref<1x!tpu.dma_semaphore, #tpu.memory_space<semaphore_mem>>
    %dma_start3A_103 = tpu.memref_squeeze %dma_start3A_102 : memref<1x!tpu.dma_semaphore, #tpu.memory_space<semaphore_mem>> -> memref<!tpu.dma_semaphore, #tpu.memory_space<semaphore_mem>>
    %dma_start3A_104 = arith.constant 0 : i32
    %dma_start3A_105 = tpu.memref_slice %arg7[%dma_start3A_96, %dma_start3A_104] : memref<6x80xi32, #tpu.memory_space<vmem>> -> memref<1x80xi32, #tpu.memory_space<vmem>>
    %dma_start3A_106 = tpu.memref_squeeze %dma_start3A_105 : memref<1x80xi32, #tpu.memory_space<vmem>> -> memref<80xi32, #tpu.memory_space<vmem>>
    %dma_start3A_107 = tpu.memref_slice %arg4[%add3A_83] : memref<320000xi32, #tpu.memory_space<hbm>> -> memref<80xi32, #tpu.memory_space<hbm>>
    tpu.enqueue_dma source(%dma_start3A_107 : memref<80xi32, #tpu.memory_space<hbm>>) target(%dma_start3A_106 : memref<80xi32, #tpu.memory_space<vmem>>) target_semaphore(%dma_start3A_103 : memref<!tpu.dma_semaphore, #tpu.memory_space<semaphore_mem>>)
    %add3A_108 = arith.constant 320 : i32
    %add3A_109 = arith.addi %mul3A_2, %add3A_108 : i32
    %dma_start3A_110 = arith.constant 4 : i32
    %dma_start3A_111 = arith.constant 10 : i32
    %dma_start3A_112 = arith.constant 0 : i32
    %dma_start3A_113 = tpu.memref_slice %arg6[%dma_start3A_110, %dma_start3A_112] : memref<6x80xi32, #tpu.memory_space<vmem>> -> memref<1x80xi32, #tpu.memory_space<vmem>>
    %dma_start3A_114 = tpu.memref_squeeze %dma_start3A_113 : memref<1x80xi32, #tpu.memory_space<vmem>> -> memref<80xi32, #tpu.memory_space<vmem>>
    %dma_start3A_115 = tpu.memref_slice %arg3[%add3A_109] : memref<320000xi32, #tpu.memory_space<hbm>> -> memref<80xi32, #tpu.memory_space<hbm>>
    %dma_start3A_116 = tpu.memref_slice %arg13[%dma_start3A_111] : memref<19x!tpu.dma_semaphore, #tpu.memory_space<semaphore_mem>> -> memref<1x!tpu.dma_semaphore, #tpu.memory_space<semaphore_mem>>
    %dma_start3A_117 = tpu.memref_squeeze %dma_start3A_116 : memref<1x!tpu.dma_semaphore, #tpu.memory_space<semaphore_mem>> -> memref<!tpu.dma_semaphore, #tpu.memory_space<semaphore_mem>>
    %dma_start3A_118 = arith.constant 0 : i32
    %dma_start3A_119 = tpu.memref_slice %arg6[%dma_start3A_110, %dma_start3A_118] : memref<6x80xi32, #tpu.memory_space<vmem>> -> memref<1x80xi32, #tpu.memory_space<vmem>>
    %dma_start3A_120 = tpu.memref_squeeze %dma_start3A_119 : memref<1x80xi32, #tpu.memory_space<vmem>> -> memref<80xi32, #tpu.memory_space<vmem>>
    %dma_start3A_121 = tpu.memref_slice %arg3[%add3A_109] : memref<320000xi32, #tpu.memory_space<hbm>> -> memref<80xi32, #tpu.memory_space<hbm>>
    tpu.enqueue_dma source(%dma_start3A_121 : memref<80xi32, #tpu.memory_space<hbm>>) target(%dma_start3A_120 : memref<80xi32, #tpu.memory_space<vmem>>) target_semaphore(%dma_start3A_117 : memref<!tpu.dma_semaphore, #tpu.memory_space<semaphore_mem>>)
    %dma_start3A_122 = arith.constant 4 : i32
    %dma_start3A_123 = arith.constant 16 : i32
    %dma_start3A_124 = arith.constant 0 : i32
    %dma_start3A_125 = tpu.memref_slice %arg7[%dma_start3A_122, %dma_start3A_124] : memref<6x80xi32, #tpu.memory_space<vmem>> -> memref<1x80xi32, #tpu.memory_space<vmem>>
    %dma_start3A_126 = tpu.memref_squeeze %dma_start3A_125 : memref<1x80xi32, #tpu.memory_space<vmem>> -> memref<80xi32, #tpu.memory_space<vmem>>
    %dma_start3A_127 = tpu.memref_slice %arg4[%add3A_109] : memref<320000xi32, #tpu.memory_space<hbm>> -> memref<80xi32, #tpu.memory_space<hbm>>
    %dma_start3A_128 = tpu.memref_slice %arg13[%dma_start3A_123] : memref<19x!tpu.dma_semaphore, #tpu.memory_space<semaphore_mem>> -> memref<1x!tpu.dma_semaphore, #tpu.memory_space<semaphore_mem>>
    %dma_start3A_129 = tpu.memref_squeeze %dma_start3A_128 : memref<1x!tpu.dma_semaphore, #tpu.memory_space<semaphore_mem>> -> memref<!tpu.dma_semaphore, #tpu.memory_space<semaphore_mem>>
    %dma_start3A_130 = arith.constant 0 : i32
    %dma_start3A_131 = tpu.memref_slice %arg7[%dma_start3A_122, %dma_start3A_130] : memref<6x80xi32, #tpu.memory_space<vmem>> -> memref<1x80xi32, #tpu.memory_space<vmem>>
    %dma_start3A_132 = tpu.memref_squeeze %dma_start3A_131 : memref<1x80xi32, #tpu.memory_space<vmem>> -> memref<80xi32, #tpu.memory_space<vmem>>
    %dma_start3A_133 = tpu.memref_slice %arg4[%add3A_109] : memref<320000xi32, #tpu.memory_space<hbm>> -> memref<80xi32, #tpu.memory_space<hbm>>
    tpu.enqueue_dma source(%dma_start3A_133 : memref<80xi32, #tpu.memory_space<hbm>>) target(%dma_start3A_132 : memref<80xi32, #tpu.memory_space<vmem>>) target_semaphore(%dma_start3A_129 : memref<!tpu.dma_semaphore, #tpu.memory_space<semaphore_mem>>)
    %add3A_134 = arith.constant 400 : i32
    %add3A_135 = arith.addi %mul3A_2, %add3A_134 : i32
    %dma_start3A_136 = arith.constant 5 : i32
    %dma_start3A_137 = arith.constant 11 : i32
    %dma_start3A_138 = arith.constant 0 : i32
    %dma_start3A_139 = tpu.memref_slice %arg6[%dma_start3A_136, %dma_start3A_138] : memref<6x80xi32, #tpu.memory_space<vmem>> -> memref<1x80xi32, #tpu.memory_space<vmem>>
    %dma_start3A_140 = tpu.memref_squeeze %dma_start3A_139 : memref<1x80xi32, #tpu.memory_space<vmem>> -> memref<80xi32, #tpu.memory_space<vmem>>
    %dma_start3A_141 = tpu.memref_slice %arg3[%add3A_135] : memref<320000xi32, #tpu.memory_space<hbm>> -> memref<80xi32, #tpu.memory_space<hbm>>
    %dma_start3A_142 = tpu.memref_slice %arg13[%dma_start3A_137] : memref<19x!tpu.dma_semaphore, #tpu.memory_space<semaphore_mem>> -> memref<1x!tpu.dma_semaphore, #tpu.memory_space<semaphore_mem>>
    %dma_start3A_143 = tpu.memref_squeeze %dma_start3A_142 : memref<1x!tpu.dma_semaphore, #tpu.memory_space<semaphore_mem>> -> memref<!tpu.dma_semaphore, #tpu.memory_space<semaphore_mem>>
    %dma_start3A_144 = arith.constant 0 : i32
    %dma_start3A_145 = tpu.memref_slice %arg6[%dma_start3A_136, %dma_start3A_144] : memref<6x80xi32, #tpu.memory_space<vmem>> -> memref<1x80xi32, #tpu.memory_space<vmem>>
    %dma_start3A_146 = tpu.memref_squeeze %dma_start3A_145 : memref<1x80xi32, #tpu.memory_space<vmem>> -> memref<80xi32, #tpu.memory_space<vmem>>
    %dma_start3A_147 = tpu.memref_slice %arg3[%add3A_135] : memref<320000xi32, #tpu.memory_space<hbm>> -> memref<80xi32, #tpu.memory_space<hbm>>
    tpu.enqueue_dma source(%dma_start3A_147 : memref<80xi32, #tpu.memory_space<hbm>>) target(%dma_start3A_146 : memref<80xi32, #tpu.memory_space<vmem>>) target_semaphore(%dma_start3A_143 : memref<!tpu.dma_semaphore, #tpu.memory_space<semaphore_mem>>)
    %dma_start3A_148 = arith.constant 5 : i32
    %dma_start3A_149 = arith.constant 17 : i32
    %dma_start3A_150 = arith.constant 0 : i32
    %dma_start3A_151 = tpu.memref_slice %arg7[%dma_start3A_148, %dma_start3A_150] : memref<6x80xi32, #tpu.memory_space<vmem>> -> memref<1x80xi32, #tpu.memory_space<vmem>>
    %dma_start3A_152 = tpu.memref_squeeze %dma_start3A_151 : memref<1x80xi32, #tpu.memory_space<vmem>> -> memref<80xi32, #tpu.memory_space<vmem>>
    %dma_start3A_153 = tpu.memref_slice %arg4[%add3A_135] : memref<320000xi32, #tpu.memory_space<hbm>> -> memref<80xi32, #tpu.memory_space<hbm>>
    %dma_start3A_154 = tpu.memref_slice %arg13[%dma_start3A_149] : memref<19x!tpu.dma_semaphore, #tpu.memory_space<semaphore_mem>> -> memref<1x!tpu.dma_semaphore, #tpu.memory_space<semaphore_mem>>
    %dma_start3A_155 = tpu.memref_squeeze %dma_start3A_154 : memref<1x!tpu.dma_semaphore, #tpu.memory_space<semaphore_mem>> -> memref<!tpu.dma_semaphore, #tpu.memory_space<semaphore_mem>>
    %dma_start3A_156 = arith.constant 0 : i32
    %dma_start3A_157 = tpu.memref_slice %arg7[%dma_start3A_148, %dma_start3A_156] : memref<6x80xi32, #tpu.memory_space<vmem>> -> memref<1x80xi32, #tpu.memory_space<vmem>>
    %dma_start3A_158 = tpu.memref_squeeze %dma_start3A_157 : memref<1x80xi32, #tpu.memory_space<vmem>> -> memref<80xi32, #tpu.memory_space<vmem>>
    %dma_start3A_159 = tpu.memref_slice %arg4[%add3A_135] : memref<320000xi32, #tpu.memory_space<hbm>> -> memref<80xi32, #tpu.memory_space<hbm>>
    tpu.enqueue_dma source(%dma_start3A_159 : memref<80xi32, #tpu.memory_space<hbm>>) target(%dma_start3A_158 : memref<80xi32, #tpu.memory_space<vmem>>) target_semaphore(%dma_start3A_155 : memref<!tpu.dma_semaphore, #tpu.memory_space<semaphore_mem>>)
    %dma_wait3A = arith.constant 0 : i32
    %dma_wait3A_160 = arith.constant 6 : i32
    %dma_wait3A_161 = arith.constant 0 : i32
    %dma_wait3A_162 = tpu.memref_slice %arg6[%dma_wait3A, %dma_wait3A_161] : memref<6x80xi32, #tpu.memory_space<vmem>> -> memref<1x80xi32, #tpu.memory_space<vmem>>
    %dma_wait3A_163 = tpu.memref_squeeze %dma_wait3A_162 : memref<1x80xi32, #tpu.memory_space<vmem>> -> memref<80xi32, #tpu.memory_space<vmem>>
    %dma_wait3A_164 = arith.constant 0 : i32
    %dma_wait3A_165 = tpu.memref_slice %arg3[%dma_wait3A_164] : memref<320000xi32, #tpu.memory_space<hbm>> -> memref<80xi32, #tpu.memory_space<hbm>>
    %dma_wait3A_166 = tpu.memref_slice %arg13[%dma_wait3A_160] : memref<19x!tpu.dma_semaphore, #tpu.memory_space<semaphore_mem>> -> memref<1x!tpu.dma_semaphore, #tpu.memory_space<semaphore_mem>>
    %dma_wait3A_167 = tpu.memref_squeeze %dma_wait3A_166 : memref<1x!tpu.dma_semaphore, #tpu.memory_space<semaphore_mem>> -> memref<!tpu.dma_semaphore, #tpu.memory_space<semaphore_mem>>
    %dma_wait3A_168 = arith.constant 0 : i32
    %dma_wait3A_169 = tpu.memref_slice %arg6[%dma_wait3A, %dma_wait3A_168] : memref<6x80xi32, #tpu.memory_space<vmem>> -> memref<1x80xi32, #tpu.memory_space<vmem>>
    %dma_wait3A_170 = tpu.memref_squeeze %dma_wait3A_169 : memref<1x80xi32, #tpu.memory_space<vmem>> -> memref<80xi32, #tpu.memory_space<vmem>>
    %dma_wait3A_171 = arith.constant 0 : i32
    %dma_wait3A_172 = tpu.memref_slice %arg3[%dma_wait3A_171] : memref<320000xi32, #tpu.memory_space<hbm>> -> memref<80xi32, #tpu.memory_space<hbm>>
    tpu.wait_dma2 semaphore(%dma_wait3A_167 : memref<!tpu.dma_semaphore, #tpu.memory_space<semaphore_mem>>) src(%dma_wait3A_172 : memref<80xi32, #tpu.memory_space<hbm>>) dst(%dma_wait3A_170 : memref<80xi32, #tpu.memory_space<vmem>>)
    %dma_start3A_173 = arith.constant 0 : i32
    %dma_start3A_174 = arith.constant 0 : i32
    %dma_start3A_175 = arith.constant 0 : i32
    %dma_start3A_176 = tpu.memref_slice %arg6[%dma_start3A_173, %dma_start3A_175] : memref<6x80xi32, #tpu.memory_space<vmem>> -> memref<1x80xi32, #tpu.memory_space<vmem>>
    %dma_start3A_177 = tpu.memref_squeeze %dma_start3A_176 : memref<1x80xi32, #tpu.memory_space<vmem>> -> memref<80xi32, #tpu.memory_space<vmem>>
    %dma_start3A_178 = arith.constant 0 : i32
    %dma_start3A_179 = arith.constant 0 : i32
    %dma_start3A_180 = tpu.memref_slice %arg2[%dma_start3A_178, %dma_start3A_179] : memref<10000x128xf32, #tpu.memory_space<hbm>> -> memref<10000x128xf32, #tpu.memory_space<hbm>>
    %dma_start3A_181 = tpu.memref_slice %arg13[%dma_start3A_174] : memref<19x!tpu.dma_semaphore, #tpu.memory_space<semaphore_mem>> -> memref<1x!tpu.dma_semaphore, #tpu.memory_space<semaphore_mem>>
    %dma_start3A_182 = tpu.memref_squeeze %dma_start3A_181 : memref<1x!tpu.dma_semaphore, #tpu.memory_space<semaphore_mem>> -> memref<!tpu.dma_semaphore, #tpu.memory_space<semaphore_mem>>
    tpu.enqueue_indirect_dma source(%dma_start3A_180 : memref<10000x128xf32, #tpu.memory_space<hbm>>) target(%arg8 : memref<80x128xf32, #tpu.memory_space<vmem>>) offsets(%dma_start3A_177 : memref<80xi32, #tpu.memory_space<vmem>>) semaphore(%dma_start3A_182 : memref<!tpu.dma_semaphore, #tpu.memory_space<semaphore_mem>>)
    %dma_wait3A_183 = arith.constant 1 : i32
    %dma_wait3A_184 = arith.constant 7 : i32
    %dma_wait3A_185 = arith.constant 0 : i32
    %dma_wait3A_186 = tpu.memref_slice %arg6[%dma_wait3A_183, %dma_wait3A_185] : memref<6x80xi32, #tpu.memory_space<vmem>> -> memref<1x80xi32, #tpu.memory_space<vmem>>
    %dma_wait3A_187 = tpu.memref_squeeze %dma_wait3A_186 : memref<1x80xi32, #tpu.memory_space<vmem>> -> memref<80xi32, #tpu.memory_space<vmem>>
    %dma_wait3A_188 = arith.constant 0 : i32
    %dma_wait3A_189 = tpu.memref_slice %arg3[%dma_wait3A_188] : memref<320000xi32, #tpu.memory_space<hbm>> -> memref<80xi32, #tpu.memory_space<hbm>>
    %dma_wait3A_190 = tpu.memref_slice %arg13[%dma_wait3A_184] : memref<19x!tpu.dma_semaphore, #tpu.memory_space<semaphore_mem>> -> memref<1x!tpu.dma_semaphore, #tpu.memory_space<semaphore_mem>>
    %dma_wait3A_191 = tpu.memref_squeeze %dma_wait3A_190 : memref<1x!tpu.dma_semaphore, #tpu.memory_space<semaphore_mem>> -> memref<!tpu.dma_semaphore, #tpu.memory_space<semaphore_mem>>
    %dma_wait3A_192 = arith.constant 0 : i32
    %dma_wait3A_193 = tpu.memref_slice %arg6[%dma_wait3A_183, %dma_wait3A_192] : memref<6x80xi32, #tpu.memory_space<vmem>> -> memref<1x80xi32, #tpu.memory_space<vmem>>
    %dma_wait3A_194 = tpu.memref_squeeze %dma_wait3A_193 : memref<1x80xi32, #tpu.memory_space<vmem>> -> memref<80xi32, #tpu.memory_space<vmem>>
    %dma_wait3A_195 = arith.constant 0 : i32
    %dma_wait3A_196 = tpu.memref_slice %arg3[%dma_wait3A_195] : memref<320000xi32, #tpu.memory_space<hbm>> -> memref<80xi32, #tpu.memory_space<hbm>>
    tpu.wait_dma2 semaphore(%dma_wait3A_191 : memref<!tpu.dma_semaphore, #tpu.memory_space<semaphore_mem>>) src(%dma_wait3A_196 : memref<80xi32, #tpu.memory_space<hbm>>) dst(%dma_wait3A_194 : memref<80xi32, #tpu.memory_space<vmem>>)
    %dma_start3A_197 = arith.constant 1 : i32
    %dma_start3A_198 = arith.constant 1 : i32
    %dma_start3A_199 = arith.constant 0 : i32
    %dma_start3A_200 = tpu.memref_slice %arg6[%dma_start3A_197, %dma_start3A_199] : memref<6x80xi32, #tpu.memory_space<vmem>> -> memref<1x80xi32, #tpu.memory_space<vmem>>
    %dma_start3A_201 = tpu.memref_squeeze %dma_start3A_200 : memref<1x80xi32, #tpu.memory_space<vmem>> -> memref<80xi32, #tpu.memory_space<vmem>>
    %dma_start3A_202 = arith.constant 0 : i32
    %dma_start3A_203 = arith.constant 0 : i32
    %dma_start3A_204 = tpu.memref_slice %arg2[%dma_start3A_202, %dma_start3A_203] : memref<10000x128xf32, #tpu.memory_space<hbm>> -> memref<10000x128xf32, #tpu.memory_space<hbm>>
    %dma_start3A_205 = tpu.memref_slice %arg13[%dma_start3A_198] : memref<19x!tpu.dma_semaphore, #tpu.memory_space<semaphore_mem>> -> memref<1x!tpu.dma_semaphore, #tpu.memory_space<semaphore_mem>>
    %dma_start3A_206 = tpu.memref_squeeze %dma_start3A_205 : memref<1x!tpu.dma_semaphore, #tpu.memory_space<semaphore_mem>> -> memref<!tpu.dma_semaphore, #tpu.memory_space<semaphore_mem>>
    tpu.enqueue_indirect_dma source(%dma_start3A_204 : memref<10000x128xf32, #tpu.memory_space<hbm>>) target(%arg9 : memref<80x128xf32, #tpu.memory_space<vmem>>) offsets(%dma_start3A_201 : memref<80xi32, #tpu.memory_space<vmem>>) semaphore(%dma_start3A_206 : memref<!tpu.dma_semaphore, #tpu.memory_space<semaphore_mem>>)
    %scan3A = arith.constant 0 : i32
    %scan3A_207 = arith.constant 0 : i32
    %scan3A_208 = arith.constant 16 : i32
    %scan3A_209 = arith.addi %scan3A_207, %scan3A_208 : i32
    %scan3A_210 = arith.constant 1 : i32
    scf.for %scan3A_1178 = %scan3A_207 to %scan3A_209 step %scan3A_210  : i32 {
      %broadcast_in_dim3A = arith.constant 0.000000e+00 : f32
      %broadcast_in_dim3A_1179 = vector.broadcast %broadcast_in_dim3A : f32 to vector<16xf32>
      %swap3A = arith.index_cast %scan3A_1178 : i32 to index
      %swap3A_1180 = arith.constant 0 : index
      %swap3A_1181 = tpu.vector_load %arg11[%swap3A, %swap3A_1180] {strides = array<i32>} : memref<16x128xf32, #tpu.memory_space<vmem>>, vector<1x16xf32>,
      %swap3A_1182 = vector.shape_cast %swap3A_1181 : vector<1x16xf32> to vector<16xf32>
      %swap3A_1183 = vector.shape_cast %broadcast_in_dim3A_1179 : vector<16xf32> to vector<1x16xf32>
      tpu.vector_store %arg11[%swap3A, %swap3A_1180], %swap3A_1183 {strides = array<i32>} : memref<16x128xf32, #tpu.memory_space<vmem>>, vector<1x16xf32>,
      %broadcast_in_dim3A_1184 = arith.constant 0.000000e+00 : f32
      %broadcast_in_dim3A_1185 = vector.broadcast %broadcast_in_dim3A_1184 : f32 to vector<16xf32>
      %swap3A_1186 = arith.index_cast %scan3A_1178 : i32 to index
      %swap3A_1187 = arith.constant 16 : index
      %swap3A_1188 = tpu.vector_load %arg11[%swap3A_1186, %swap3A_1187] {strides = array<i32>} : memref<16x128xf32, #tpu.memory_space<vmem>>, vector<1x16xf32>,
      %swap3A_1189 = vector.shape_cast %swap3A_1188 : vector<1x16xf32> to vector<16xf32>
      %swap3A_1190 = vector.shape_cast %broadcast_in_dim3A_1185 : vector<16xf32> to vector<1x16xf32>
      tpu.vector_store %arg11[%swap3A_1186, %swap3A_1187], %swap3A_1190 {strides = array<i32>} : memref<16x128xf32, #tpu.memory_space<vmem>>, vector<1x16xf32>,
      %broadcast_in_dim3A_1191 = arith.constant 0.000000e+00 : f32
      %broadcast_in_dim3A_1192 = vector.broadcast %broadcast_in_dim3A_1191 : f32 to vector<16xf32>
      %swap3A_1193 = arith.index_cast %scan3A_1178 : i32 to index
      %swap3A_1194 = arith.constant 32 : index
      %swap3A_1195 = tpu.vector_load %arg11[%swap3A_1193, %swap3A_1194] {strides = array<i32>} : memref<16x128xf32, #tpu.memory_space<vmem>>, vector<1x16xf32>,
      %swap3A_1196 = vector.shape_cast %swap3A_1195 : vector<1x16xf32> to vector<16xf32>
      %swap3A_1197 = vector.shape_cast %broadcast_in_dim3A_1192 : vector<16xf32> to vector<1x16xf32>
      tpu.vector_store %arg11[%swap3A_1193, %swap3A_1194], %swap3A_1197 {strides = array<i32>} : memref<16x128xf32, #tpu.memory_space<vmem>>, vector<1x16xf32>,
      %broadcast_in_dim3A_1198 = arith.constant 0.000000e+00 : f32
      %broadcast_in_dim3A_1199 = vector.broadcast %broadcast_in_dim3A_1198 : f32 to vector<16xf32>
      %swap3A_1200 = arith.index_cast %scan3A_1178 : i32 to index
      %swap3A_1201 = arith.constant 48 : index
      %swap3A_1202 = tpu.vector_load %arg11[%swap3A_1200, %swap3A_1201] {strides = array<i32>} : memref<16x128xf32, #tpu.memory_space<vmem>>, vector<1x16xf32>,
      %swap3A_1203 = vector.shape_cast %swap3A_1202 : vector<1x16xf32> to vector<16xf32>
      %swap3A_1204 = vector.shape_cast %broadcast_in_dim3A_1199 : vector<16xf32> to vector<1x16xf32>
      tpu.vector_store %arg11[%swap3A_1200, %swap3A_1201], %swap3A_1204 {strides = array<i32>} : memref<16x128xf32, #tpu.memory_space<vmem>>, vector<1x16xf32>,
      %broadcast_in_dim3A_1205 = arith.constant 0.000000e+00 : f32
      %broadcast_in_dim3A_1206 = vector.broadcast %broadcast_in_dim3A_1205 : f32 to vector<16xf32>
      %swap3A_1207 = arith.index_cast %scan3A_1178 : i32 to index
      %swap3A_1208 = arith.constant 64 : index
      %swap3A_1209 = tpu.vector_load %arg11[%swap3A_1207, %swap3A_1208] {strides = array<i32>} : memref<16x128xf32, #tpu.memory_space<vmem>>, vector<1x16xf32>,
      %swap3A_1210 = vector.shape_cast %swap3A_1209 : vector<1x16xf32> to vector<16xf32>
      %swap3A_1211 = vector.shape_cast %broadcast_in_dim3A_1206 : vector<16xf32> to vector<1x16xf32>
      tpu.vector_store %arg11[%swap3A_1207, %swap3A_1208], %swap3A_1211 {strides = array<i32>} : memref<16x128xf32, #tpu.memory_space<vmem>>, vector<1x16xf32>,
      %broadcast_in_dim3A_1212 = arith.constant 0.000000e+00 : f32
      %broadcast_in_dim3A_1213 = vector.broadcast %broadcast_in_dim3A_1212 : f32 to vector<16xf32>
      %swap3A_1214 = arith.index_cast %scan3A_1178 : i32 to index
      %swap3A_1215 = arith.constant 80 : index
      %swap3A_1216 = tpu.vector_load %arg11[%swap3A_1214, %swap3A_1215] {strides = array<i32>} : memref<16x128xf32, #tpu.memory_space<vmem>>, vector<1x16xf32>,
      %swap3A_1217 = vector.shape_cast %swap3A_1216 : vector<1x16xf32> to vector<16xf32>
      %swap3A_1218 = vector.shape_cast %broadcast_in_dim3A_1213 : vector<16xf32> to vector<1x16xf32>
      tpu.vector_store %arg11[%swap3A_1214, %swap3A_1215], %swap3A_1218 {strides = array<i32>} : memref<16x128xf32, #tpu.memory_space<vmem>>, vector<1x16xf32>,
      %broadcast_in_dim3A_1219 = arith.constant 0.000000e+00 : f32
      %broadcast_in_dim3A_1220 = vector.broadcast %broadcast_in_dim3A_1219 : f32 to vector<16xf32>
      %swap3A_1221 = arith.index_cast %scan3A_1178 : i32 to index
      %swap3A_1222 = arith.constant 96 : index
      %swap3A_1223 = tpu.vector_load %arg11[%swap3A_1221, %swap3A_1222] {strides = array<i32>} : memref<16x128xf32, #tpu.memory_space<vmem>>, vector<1x16xf32>,
      %swap3A_1224 = vector.shape_cast %swap3A_1223 : vector<1x16xf32> to vector<16xf32>
      %swap3A_1225 = vector.shape_cast %broadcast_in_dim3A_1220 : vector<16xf32> to vector<1x16xf32>
      tpu.vector_store %arg11[%swap3A_1221, %swap3A_1222], %swap3A_1225 {strides = array<i32>} : memref<16x128xf32, #tpu.memory_space<vmem>>, vector<1x16xf32>,
      %broadcast_in_dim3A_1226 = arith.constant 0.000000e+00 : f32
      %broadcast_in_dim3A_1227 = vector.broadcast %broadcast_in_dim3A_1226 : f32 to vector<16xf32>
      %swap3A_1228 = arith.index_cast %scan3A_1178 : i32 to index
      %swap3A_1229 = arith.constant 112 : index
      %swap3A_1230 = tpu.vector_load %arg11[%swap3A_1228, %swap3A_1229] {strides = array<i32>} : memref<16x128xf32, #tpu.memory_space<vmem>>, vector<1x16xf32>,
      %swap3A_1231 = vector.shape_cast %swap3A_1230 : vector<1x16xf32> to vector<16xf32>
      %swap3A_1232 = vector.shape_cast %broadcast_in_dim3A_1227 : vector<16xf32> to vector<1x16xf32>
      tpu.vector_store %arg11[%swap3A_1228, %swap3A_1229], %swap3A_1232 {strides = array<i32>} : memref<16x128xf32, #tpu.memory_space<vmem>>, vector<1x16xf32>,
    }
    %scan3A_211 = arith.constant 16 : i32
    %add3A_212 = arith.constant 0 : i32
    %add3A_213 = arith.addi %mul3A_4, %add3A_212 : i32
    %dma_start3A_214 = arith.constant 18 : i32
    %dma_start3A_215 = arith.constant 0 : i32
    %dma_start3A_216 = tpu.memref_slice %arg12[%add3A_213, %dma_start3A_215] : memref<10240x128xf32, #tpu.memory_space<vmem_shared>> -> memref<16x128xf32, #tpu.memory_space<vmem_shared>>
    %dma_start3A_217 = tpu.memref_slice %arg13[%dma_start3A_214] : memref<19x!tpu.dma_semaphore, #tpu.memory_space<semaphore_mem>> -> memref<1x!tpu.dma_semaphore, #tpu.memory_space<semaphore_mem>>
    %dma_start3A_218 = tpu.memref_squeeze %dma_start3A_217 : memref<1x!tpu.dma_semaphore, #tpu.memory_space<semaphore_mem>> -> memref<!tpu.dma_semaphore, #tpu.memory_space<semaphore_mem>>
    %dma_start3A_219 = arith.constant 0 : i32
    %dma_start3A_220 = tpu.memref_slice %arg12[%add3A_213, %dma_start3A_219] : memref<10240x128xf32, #tpu.memory_space<vmem_shared>> -> memref<16x128xf32, #tpu.memory_space<vmem_shared>>
    tpu.enqueue_dma source(%arg11 : memref<16x128xf32, #tpu.memory_space<vmem>>) target(%dma_start3A_220 : memref<16x128xf32, #tpu.memory_space<vmem_shared>>) target_semaphore(%dma_start3A_218 : memref<!tpu.dma_semaphore, #tpu.memory_space<semaphore_mem>>)
    %add3A_221 = arith.constant 16 : i32
    %add3A_222 = arith.addi %mul3A_4, %add3A_221 : i32
    %dma_start3A_223 = arith.constant 18 : i32
    %dma_start3A_224 = arith.constant 0 : i32
    %dma_start3A_225 = tpu.memref_slice %arg12[%add3A_222, %dma_start3A_224] : memref<10240x128xf32, #tpu.memory_space<vmem_shared>> -> memref<16x128xf32, #tpu.memory_space<vmem_shared>>
    %dma_start3A_226 = tpu.memref_slice %arg13[%dma_start3A_223] : memref<19x!tpu.dma_semaphore, #tpu.memory_space<semaphore_mem>> -> memref<1x!tpu.dma_semaphore, #tpu.memory_space<semaphore_mem>>
    %dma_start3A_227 = tpu.memref_squeeze %dma_start3A_226 : memref<1x!tpu.dma_semaphore, #tpu.memory_space<semaphore_mem>> -> memref<!tpu.dma_semaphore, #tpu.memory_space<semaphore_mem>>
    %dma_start3A_228 = arith.constant 0 : i32
    %dma_start3A_229 = tpu.memref_slice %arg12[%add3A_222, %dma_start3A_228] : memref<10240x128xf32, #tpu.memory_space<vmem_shared>> -> memref<16x128xf32, #tpu.memory_space<vmem_shared>>
    tpu.enqueue_dma source(%arg11 : memref<16x128xf32, #tpu.memory_space<vmem>>) target(%dma_start3A_229 : memref<16x128xf32, #tpu.memory_space<vmem_shared>>) target_semaphore(%dma_start3A_227 : memref<!tpu.dma_semaphore, #tpu.memory_space<semaphore_mem>>)
    %add3A_230 = arith.constant 32 : i32
    %add3A_231 = arith.addi %mul3A_4, %add3A_230 : i32
    %dma_start3A_232 = arith.constant 18 : i32
    %dma_start3A_233 = arith.constant 0 : i32
    %dma_start3A_234 = tpu.memref_slice %arg12[%add3A_231, %dma_start3A_233] : memref<10240x128xf32, #tpu.memory_space<vmem_shared>> -> memref<16x128xf32, #tpu.memory_space<vmem_shared>>
    %dma_start3A_235 = tpu.memref_slice %arg13[%dma_start3A_232] : memref<19x!tpu.dma_semaphore, #tpu.memory_space<semaphore_mem>> -> memref<1x!tpu.dma_semaphore, #tpu.memory_space<semaphore_mem>>
    %dma_start3A_236 = tpu.memref_squeeze %dma_start3A_235 : memref<1x!tpu.dma_semaphore, #tpu.memory_space<semaphore_mem>> -> memref<!tpu.dma_semaphore, #tpu.memory_space<semaphore_mem>>
    %dma_start3A_237 = arith.constant 0 : i32
    %dma_start3A_238 = tpu.memref_slice %arg12[%add3A_231, %dma_start3A_237] : memref<10240x128xf32, #tpu.memory_space<vmem_shared>> -> memref<16x128xf32, #tpu.memory_space<vmem_shared>>
    tpu.enqueue_dma source(%arg11 : memref<16x128xf32, #tpu.memory_space<vmem>>) target(%dma_start3A_238 : memref<16x128xf32, #tpu.memory_space<vmem_shared>>) target_semaphore(%dma_start3A_236 : memref<!tpu.dma_semaphore, #tpu.memory_space<semaphore_mem>>)
    %add3A_239 = arith.constant 48 : i32
    %add3A_240 = arith.addi %mul3A_4, %add3A_239 : i32
    %dma_start3A_241 = arith.constant 18 : i32
    %dma_start3A_242 = arith.constant 0 : i32
    %dma_start3A_243 = tpu.memref_slice %arg12[%add3A_240, %dma_start3A_242] : memref<10240x128xf32, #tpu.memory_space<vmem_shared>> -> memref<16x128xf32, #tpu.memory_space<vmem_shared>>
    %dma_start3A_244 = tpu.memref_slice %arg13[%dma_start3A_241] : memref<19x!tpu.dma_semaphore, #tpu.memory_space<semaphore_mem>> -> memref<1x!tpu.dma_semaphore, #tpu.memory_space<semaphore_mem>>
    %dma_start3A_245 = tpu.memref_squeeze %dma_start3A_244 : memref<1x!tpu.dma_semaphore, #tpu.memory_space<semaphore_mem>> -> memref<!tpu.dma_semaphore, #tpu.memory_space<semaphore_mem>>
    %dma_start3A_246 = arith.constant 0 : i32
    %dma_start3A_247 = tpu.memref_slice %arg12[%add3A_240, %dma_start3A_246] : memref<10240x128xf32, #tpu.memory_space<vmem_shared>> -> memref<16x128xf32, #tpu.memory_space<vmem_shared>>
    tpu.enqueue_dma source(%arg11 : memref<16x128xf32, #tpu.memory_space<vmem>>) target(%dma_start3A_247 : memref<16x128xf32, #tpu.memory_space<vmem_shared>>) target_semaphore(%dma_start3A_245 : memref<!tpu.dma_semaphore, #tpu.memory_space<semaphore_mem>>)
    %add3A_248 = arith.constant 64 : i32
    %add3A_249 = arith.addi %mul3A_4, %add3A_248 : i32
    %dma_start3A_250 = arith.constant 18 : i32
    %dma_start3A_251 = arith.constant 0 : i32
    %dma_start3A_252 = tpu.memref_slice %arg12[%add3A_249, %dma_start3A_251] : memref<10240x128xf32, #tpu.memory_space<vmem_shared>> -> memref<16x128xf32, #tpu.memory_space<vmem_shared>>
    %dma_start3A_253 = tpu.memref_slice %arg13[%dma_start3A_250] : memref<19x!tpu.dma_semaphore, #tpu.memory_space<semaphore_mem>> -> memref<1x!tpu.dma_semaphore, #tpu.memory_space<semaphore_mem>>
    %dma_start3A_254 = tpu.memref_squeeze %dma_start3A_253 : memref<1x!tpu.dma_semaphore, #tpu.memory_space<semaphore_mem>> -> memref<!tpu.dma_semaphore, #tpu.memory_space<semaphore_mem>>
    %dma_start3A_255 = arith.constant 0 : i32
    %dma_start3A_256 = tpu.memref_slice %arg12[%add3A_249, %dma_start3A_255] : memref<10240x128xf32, #tpu.memory_space<vmem_shared>> -> memref<16x128xf32, #tpu.memory_space<vmem_shared>>
    tpu.enqueue_dma source(%arg11 : memref<16x128xf32, #tpu.memory_space<vmem>>) target(%dma_start3A_256 : memref<16x128xf32, #tpu.memory_space<vmem_shared>>) target_semaphore(%dma_start3A_254 : memref<!tpu.dma_semaphore, #tpu.memory_space<semaphore_mem>>)
    %add3A_257 = arith.constant 80 : i32
    %add3A_258 = arith.addi %mul3A_4, %add3A_257 : i32
    %dma_start3A_259 = arith.constant 18 : i32
    %dma_start3A_260 = arith.constant 0 : i32
    %dma_start3A_261 = tpu.memref_slice %arg12[%add3A_258, %dma_start3A_260] : memref<10240x128xf32, #tpu.memory_space<vmem_shared>> -> memref<16x128xf32, #tpu.memory_space<vmem_shared>>
    %dma_start3A_262 = tpu.memref_slice %arg13[%dma_start3A_259] : memref<19x!tpu.dma_semaphore, #tpu.memory_space<semaphore_mem>> -> memref<1x!tpu.dma_semaphore, #tpu.memory_space<semaphore_mem>>
    %dma_start3A_263 = tpu.memref_squeeze %dma_start3A_262 : memref<1x!tpu.dma_semaphore, #tpu.memory_space<semaphore_mem>> -> memref<!tpu.dma_semaphore, #tpu.memory_space<semaphore_mem>>
    %dma_start3A_264 = arith.constant 0 : i32
    %dma_start3A_265 = tpu.memref_slice %arg12[%add3A_258, %dma_start3A_264] : memref<10240x128xf32, #tpu.memory_space<vmem_shared>> -> memref<16x128xf32, #tpu.memory_space<vmem_shared>>
    tpu.enqueue_dma source(%arg11 : memref<16x128xf32, #tpu.memory_space<vmem>>) target(%dma_start3A_265 : memref<16x128xf32, #tpu.memory_space<vmem_shared>>) target_semaphore(%dma_start3A_263 : memref<!tpu.dma_semaphore, #tpu.memory_space<semaphore_mem>>)
    %add3A_266 = arith.constant 96 : i32
    %add3A_267 = arith.addi %mul3A_4, %add3A_266 : i32
    %dma_start3A_268 = arith.constant 18 : i32
    %dma_start3A_269 = arith.constant 0 : i32
    %dma_start3A_270 = tpu.memref_slice %arg12[%add3A_267, %dma_start3A_269] : memref<10240x128xf32, #tpu.memory_space<vmem_shared>> -> memref<16x128xf32, #tpu.memory_space<vmem_shared>>
    %dma_start3A_271 = tpu.memref_slice %arg13[%dma_start3A_268] : memref<19x!tpu.dma_semaphore, #tpu.memory_space<semaphore_mem>> -> memref<1x!tpu.dma_semaphore, #tpu.memory_space<semaphore_mem>>
    %dma_start3A_272 = tpu.memref_squeeze %dma_start3A_271 : memref<1x!tpu.dma_semaphore, #tpu.memory_space<semaphore_mem>> -> memref<!tpu.dma_semaphore, #tpu.memory_space<semaphore_mem>>
    %dma_start3A_273 = arith.constant 0 : i32
    %dma_start3A_274 = tpu.memref_slice %arg12[%add3A_267, %dma_start3A_273] : memref<10240x128xf32, #tpu.memory_space<vmem_shared>> -> memref<16x128xf32, #tpu.memory_space<vmem_shared>>
    tpu.enqueue_dma source(%arg11 : memref<16x128xf32, #tpu.memory_space<vmem>>) target(%dma_start3A_274 : memref<16x128xf32, #tpu.memory_space<vmem_shared>>) target_semaphore(%dma_start3A_272 : memref<!tpu.dma_semaphore, #tpu.memory_space<semaphore_mem>>)
    %add3A_275 = arith.constant 112 : i32
    %add3A_276 = arith.addi %mul3A_4, %add3A_275 : i32
    %dma_start3A_277 = arith.constant 18 : i32
    %dma_start3A_278 = arith.constant 0 : i32
    %dma_start3A_279 = tpu.memref_slice %arg12[%add3A_276, %dma_start3A_278] : memref<10240x128xf32, #tpu.memory_space<vmem_shared>> -> memref<16x128xf32, #tpu.memory_space<vmem_shared>>
    %dma_start3A_280 = tpu.memref_slice %arg13[%dma_start3A_277] : memref<19x!tpu.dma_semaphore, #tpu.memory_space<semaphore_mem>> -> memref<1x!tpu.dma_semaphore, #tpu.memory_space<semaphore_mem>>
    %dma_start3A_281 = tpu.memref_squeeze %dma_start3A_280 : memref<1x!tpu.dma_semaphore, #tpu.memory_space<semaphore_mem>> -> memref<!tpu.dma_semaphore, #tpu.memory_space<semaphore_mem>>
    %dma_start3A_282 = arith.constant 0 : i32
    %dma_start3A_283 = tpu.memref_slice %arg12[%add3A_276, %dma_start3A_282] : memref<10240x128xf32, #tpu.memory_space<vmem_shared>> -> memref<16x128xf32, #tpu.memory_space<vmem_shared>>
    tpu.enqueue_dma source(%arg11 : memref<16x128xf32, #tpu.memory_space<vmem>>) target(%dma_start3A_283 : memref<16x128xf32, #tpu.memory_space<vmem_shared>>) target_semaphore(%dma_start3A_281 : memref<!tpu.dma_semaphore, #tpu.memory_space<semaphore_mem>>)
    %add3A_284 = arith.constant 128 : i32
    %add3A_285 = arith.addi %mul3A_4, %add3A_284 : i32
    %dma_start3A_286 = arith.constant 18 : i32
    %dma_start3A_287 = arith.constant 0 : i32
    %dma_start3A_288 = tpu.memref_slice %arg12[%add3A_285, %dma_start3A_287] : memref<10240x128xf32, #tpu.memory_space<vmem_shared>> -> memref<16x128xf32, #tpu.memory_space<vmem_shared>>
    %dma_start3A_289 = tpu.memref_slice %arg13[%dma_start3A_286] : memref<19x!tpu.dma_semaphore, #tpu.memory_space<semaphore_mem>> -> memref<1x!tpu.dma_semaphore, #tpu.memory_space<semaphore_mem>>
    %dma_start3A_290 = tpu.memref_squeeze %dma_start3A_289 : memref<1x!tpu.dma_semaphore, #tpu.memory_space<semaphore_mem>> -> memref<!tpu.dma_semaphore, #tpu.memory_space<semaphore_mem>>
    %dma_start3A_291 = arith.constant 0 : i32
    %dma_start3A_292 = tpu.memref_slice %arg12[%add3A_285, %dma_start3A_291] : memref<10240x128xf32, #tpu.memory_space<vmem_shared>> -> memref<16x128xf32, #tpu.memory_space<vmem_shared>>
    tpu.enqueue_dma source(%arg11 : memref<16x128xf32, #tpu.memory_space<vmem>>) target(%dma_start3A_292 : memref<16x128xf32, #tpu.memory_space<vmem_shared>>) target_semaphore(%dma_start3A_290 : memref<!tpu.dma_semaphore, #tpu.memory_space<semaphore_mem>>)
    %add3A_293 = arith.constant 144 : i32
    %add3A_294 = arith.addi %mul3A_4, %add3A_293 : i32
    %dma_start3A_295 = arith.constant 18 : i32
    %dma_start3A_296 = arith.constant 0 : i32
    %dma_start3A_297 = tpu.memref_slice %arg12[%add3A_294, %dma_start3A_296] : memref<10240x128xf32, #tpu.memory_space<vmem_shared>> -> memref<16x128xf32, #tpu.memory_space<vmem_shared>>
    %dma_start3A_298 = tpu.memref_slice %arg13[%dma_start3A_295] : memref<19x!tpu.dma_semaphore, #tpu.memory_space<semaphore_mem>> -> memref<1x!tpu.dma_semaphore, #tpu.memory_space<semaphore_mem>>
    %dma_start3A_299 = tpu.memref_squeeze %dma_start3A_298 : memref<1x!tpu.dma_semaphore, #tpu.memory_space<semaphore_mem>> -> memref<!tpu.dma_semaphore, #tpu.memory_space<semaphore_mem>>
    %dma_start3A_300 = arith.constant 0 : i32
    %dma_start3A_301 = tpu.memref_slice %arg12[%add3A_294, %dma_start3A_300] : memref<10240x128xf32, #tpu.memory_space<vmem_shared>> -> memref<16x128xf32, #tpu.memory_space<vmem_shared>>
    tpu.enqueue_dma source(%arg11 : memref<16x128xf32, #tpu.memory_space<vmem>>) target(%dma_start3A_301 : memref<16x128xf32, #tpu.memory_space<vmem_shared>>) target_semaphore(%dma_start3A_299 : memref<!tpu.dma_semaphore, #tpu.memory_space<semaphore_mem>>)
    %add3A_302 = arith.constant 160 : i32
    %add3A_303 = arith.addi %mul3A_4, %add3A_302 : i32
    %dma_start3A_304 = arith.constant 18 : i32
    %dma_start3A_305 = arith.constant 0 : i32
    %dma_start3A_306 = tpu.memref_slice %arg12[%add3A_303, %dma_start3A_305] : memref<10240x128xf32, #tpu.memory_space<vmem_shared>> -> memref<16x128xf32, #tpu.memory_space<vmem_shared>>
    %dma_start3A_307 = tpu.memref_slice %arg13[%dma_start3A_304] : memref<19x!tpu.dma_semaphore, #tpu.memory_space<semaphore_mem>> -> memref<1x!tpu.dma_semaphore, #tpu.memory_space<semaphore_mem>>
    %dma_start3A_308 = tpu.memref_squeeze %dma_start3A_307 : memref<1x!tpu.dma_semaphore, #tpu.memory_space<semaphore_mem>> -> memref<!tpu.dma_semaphore, #tpu.memory_space<semaphore_mem>>
    %dma_start3A_309 = arith.constant 0 : i32
    %dma_start3A_310 = tpu.memref_slice %arg12[%add3A_303, %dma_start3A_309] : memref<10240x128xf32, #tpu.memory_space<vmem_shared>> -> memref<16x128xf32, #tpu.memory_space<vmem_shared>>
    tpu.enqueue_dma source(%arg11 : memref<16x128xf32, #tpu.memory_space<vmem>>) target(%dma_start3A_310 : memref<16x128xf32, #tpu.memory_space<vmem_shared>>) target_semaphore(%dma_start3A_308 : memref<!tpu.dma_semaphore, #tpu.memory_space<semaphore_mem>>)
    %add3A_311 = arith.constant 176 : i32
    %add3A_312 = arith.addi %mul3A_4, %add3A_311 : i32
    %dma_start3A_313 = arith.constant 18 : i32
    %dma_start3A_314 = arith.constant 0 : i32
    %dma_start3A_315 = tpu.memref_slice %arg12[%add3A_312, %dma_start3A_314] : memref<10240x128xf32, #tpu.memory_space<vmem_shared>> -> memref<16x128xf32, #tpu.memory_space<vmem_shared>>
    %dma_start3A_316 = tpu.memref_slice %arg13[%dma_start3A_313] : memref<19x!tpu.dma_semaphore, #tpu.memory_space<semaphore_mem>> -> memref<1x!tpu.dma_semaphore, #tpu.memory_space<semaphore_mem>>
    %dma_start3A_317 = tpu.memref_squeeze %dma_start3A_316 : memref<1x!tpu.dma_semaphore, #tpu.memory_space<semaphore_mem>> -> memref<!tpu.dma_semaphore, #tpu.memory_space<semaphore_mem>>
    %dma_start3A_318 = arith.constant 0 : i32
    %dma_start3A_319 = tpu.memref_slice %arg12[%add3A_312, %dma_start3A_318] : memref<10240x128xf32, #tpu.memory_space<vmem_shared>> -> memref<16x128xf32, #tpu.memory_space<vmem_shared>>
    tpu.enqueue_dma source(%arg11 : memref<16x128xf32, #tpu.memory_space<vmem>>) target(%dma_start3A_319 : memref<16x128xf32, #tpu.memory_space<vmem_shared>>) target_semaphore(%dma_start3A_317 : memref<!tpu.dma_semaphore, #tpu.memory_space<semaphore_mem>>)
    %add3A_320 = arith.constant 192 : i32
    %add3A_321 = arith.addi %mul3A_4, %add3A_320 : i32
    %dma_start3A_322 = arith.constant 18 : i32
    %dma_start3A_323 = arith.constant 0 : i32
    %dma_start3A_324 = tpu.memref_slice %arg12[%add3A_321, %dma_start3A_323] : memref<10240x128xf32, #tpu.memory_space<vmem_shared>> -> memref<16x128xf32, #tpu.memory_space<vmem_shared>>
    %dma_start3A_325 = tpu.memref_slice %arg13[%dma_start3A_322] : memref<19x!tpu.dma_semaphore, #tpu.memory_space<semaphore_mem>> -> memref<1x!tpu.dma_semaphore, #tpu.memory_space<semaphore_mem>>
    %dma_start3A_326 = tpu.memref_squeeze %dma_start3A_325 : memref<1x!tpu.dma_semaphore, #tpu.memory_space<semaphore_mem>> -> memref<!tpu.dma_semaphore, #tpu.memory_space<semaphore_mem>>
    %dma_start3A_327 = arith.constant 0 : i32
    %dma_start3A_328 = tpu.memref_slice %arg12[%add3A_321, %dma_start3A_327] : memref<10240x128xf32, #tpu.memory_space<vmem_shared>> -> memref<16x128xf32, #tpu.memory_space<vmem_shared>>
    tpu.enqueue_dma source(%arg11 : memref<16x128xf32, #tpu.memory_space<vmem>>) target(%dma_start3A_328 : memref<16x128xf32, #tpu.memory_space<vmem_shared>>) target_semaphore(%dma_start3A_326 : memref<!tpu.dma_semaphore, #tpu.memory_space<semaphore_mem>>)
    %add3A_329 = arith.constant 208 : i32
    %add3A_330 = arith.addi %mul3A_4, %add3A_329 : i32
    %dma_start3A_331 = arith.constant 18 : i32
    %dma_start3A_332 = arith.constant 0 : i32
    %dma_start3A_333 = tpu.memref_slice %arg12[%add3A_330, %dma_start3A_332] : memref<10240x128xf32, #tpu.memory_space<vmem_shared>> -> memref<16x128xf32, #tpu.memory_space<vmem_shared>>
    %dma_start3A_334 = tpu.memref_slice %arg13[%dma_start3A_331] : memref<19x!tpu.dma_semaphore, #tpu.memory_space<semaphore_mem>> -> memref<1x!tpu.dma_semaphore, #tpu.memory_space<semaphore_mem>>
    %dma_start3A_335 = tpu.memref_squeeze %dma_start3A_334 : memref<1x!tpu.dma_semaphore, #tpu.memory_space<semaphore_mem>> -> memref<!tpu.dma_semaphore, #tpu.memory_space<semaphore_mem>>
    %dma_start3A_336 = arith.constant 0 : i32
    %dma_start3A_337 = tpu.memref_slice %arg12[%add3A_330, %dma_start3A_336] : memref<10240x128xf32, #tpu.memory_space<vmem_shared>> -> memref<16x128xf32, #tpu.memory_space<vmem_shared>>
    tpu.enqueue_dma source(%arg11 : memref<16x128xf32, #tpu.memory_space<vmem>>) target(%dma_start3A_337 : memref<16x128xf32, #tpu.memory_space<vmem_shared>>) target_semaphore(%dma_start3A_335 : memref<!tpu.dma_semaphore, #tpu.memory_space<semaphore_mem>>)
    %add3A_338 = arith.constant 224 : i32
    %add3A_339 = arith.addi %mul3A_4, %add3A_338 : i32
    %dma_start3A_340 = arith.constant 18 : i32
    %dma_start3A_341 = arith.constant 0 : i32
    %dma_start3A_342 = tpu.memref_slice %arg12[%add3A_339, %dma_start3A_341] : memref<10240x128xf32, #tpu.memory_space<vmem_shared>> -> memref<16x128xf32, #tpu.memory_space<vmem_shared>>
    %dma_start3A_343 = tpu.memref_slice %arg13[%dma_start3A_340] : memref<19x!tpu.dma_semaphore, #tpu.memory_space<semaphore_mem>> -> memref<1x!tpu.dma_semaphore, #tpu.memory_space<semaphore_mem>>
    %dma_start3A_344 = tpu.memref_squeeze %dma_start3A_343 : memref<1x!tpu.dma_semaphore, #tpu.memory_space<semaphore_mem>> -> memref<!tpu.dma_semaphore, #tpu.memory_space<semaphore_mem>>
    %dma_start3A_345 = arith.constant 0 : i32
    %dma_start3A_346 = tpu.memref_slice %arg12[%add3A_339, %dma_start3A_345] : memref<10240x128xf32, #tpu.memory_space<vmem_shared>> -> memref<16x128xf32, #tpu.memory_space<vmem_shared>>
    tpu.enqueue_dma source(%arg11 : memref<16x128xf32, #tpu.memory_space<vmem>>) target(%dma_start3A_346 : memref<16x128xf32, #tpu.memory_space<vmem_shared>>) target_semaphore(%dma_start3A_344 : memref<!tpu.dma_semaphore, #tpu.memory_space<semaphore_mem>>)
    %add3A_347 = arith.constant 240 : i32
    %add3A_348 = arith.addi %mul3A_4, %add3A_347 : i32
    %dma_start3A_349 = arith.constant 18 : i32
    %dma_start3A_350 = arith.constant 0 : i32
    %dma_start3A_351 = tpu.memref_slice %arg12[%add3A_348, %dma_start3A_350] : memref<10240x128xf32, #tpu.memory_space<vmem_shared>> -> memref<16x128xf32, #tpu.memory_space<vmem_shared>>
    %dma_start3A_352 = tpu.memref_slice %arg13[%dma_start3A_349] : memref<19x!tpu.dma_semaphore, #tpu.memory_space<semaphore_mem>> -> memref<1x!tpu.dma_semaphore, #tpu.memory_space<semaphore_mem>>
    %dma_start3A_353 = tpu.memref_squeeze %dma_start3A_352 : memref<1x!tpu.dma_semaphore, #tpu.memory_space<semaphore_mem>> -> memref<!tpu.dma_semaphore, #tpu.memory_space<semaphore_mem>>
    %dma_start3A_354 = arith.constant 0 : i32
    %dma_start3A_355 = tpu.memref_slice %arg12[%add3A_348, %dma_start3A_354] : memref<10240x128xf32, #tpu.memory_space<vmem_shared>> -> memref<16x128xf32, #tpu.memory_space<vmem_shared>>
    tpu.enqueue_dma source(%arg11 : memref<16x128xf32, #tpu.memory_space<vmem>>) target(%dma_start3A_355 : memref<16x128xf32, #tpu.memory_space<vmem_shared>>) target_semaphore(%dma_start3A_353 : memref<!tpu.dma_semaphore, #tpu.memory_space<semaphore_mem>>)
    %add3A_356 = arith.constant 256 : i32
    %add3A_357 = arith.addi %mul3A_4, %add3A_356 : i32
    %dma_start3A_358 = arith.constant 18 : i32
    %dma_start3A_359 = arith.constant 0 : i32
    %dma_start3A_360 = tpu.memref_slice %arg12[%add3A_357, %dma_start3A_359] : memref<10240x128xf32, #tpu.memory_space<vmem_shared>> -> memref<16x128xf32, #tpu.memory_space<vmem_shared>>
    %dma_start3A_361 = tpu.memref_slice %arg13[%dma_start3A_358] : memref<19x!tpu.dma_semaphore, #tpu.memory_space<semaphore_mem>> -> memref<1x!tpu.dma_semaphore, #tpu.memory_space<semaphore_mem>>
    %dma_start3A_362 = tpu.memref_squeeze %dma_start3A_361 : memref<1x!tpu.dma_semaphore, #tpu.memory_space<semaphore_mem>> -> memref<!tpu.dma_semaphore, #tpu.memory_space<semaphore_mem>>
    %dma_start3A_363 = arith.constant 0 : i32
    %dma_start3A_364 = tpu.memref_slice %arg12[%add3A_357, %dma_start3A_363] : memref<10240x128xf32, #tpu.memory_space<vmem_shared>> -> memref<16x128xf32, #tpu.memory_space<vmem_shared>>
    tpu.enqueue_dma source(%arg11 : memref<16x128xf32, #tpu.memory_space<vmem>>) target(%dma_start3A_364 : memref<16x128xf32, #tpu.memory_space<vmem_shared>>) target_semaphore(%dma_start3A_362 : memref<!tpu.dma_semaphore, #tpu.memory_space<semaphore_mem>>)
    %add3A_365 = arith.constant 272 : i32
    %add3A_366 = arith.addi %mul3A_4, %add3A_365 : i32
    %dma_start3A_367 = arith.constant 18 : i32
    %dma_start3A_368 = arith.constant 0 : i32
    %dma_start3A_369 = tpu.memref_slice %arg12[%add3A_366, %dma_start3A_368] : memref<10240x128xf32, #tpu.memory_space<vmem_shared>> -> memref<16x128xf32, #tpu.memory_space<vmem_shared>>
    %dma_start3A_370 = tpu.memref_slice %arg13[%dma_start3A_367] : memref<19x!tpu.dma_semaphore, #tpu.memory_space<semaphore_mem>> -> memref<1x!tpu.dma_semaphore, #tpu.memory_space<semaphore_mem>>
    %dma_start3A_371 = tpu.memref_squeeze %dma_start3A_370 : memref<1x!tpu.dma_semaphore, #tpu.memory_space<semaphore_mem>> -> memref<!tpu.dma_semaphore, #tpu.memory_space<semaphore_mem>>
    %dma_start3A_372 = arith.constant 0 : i32
    %dma_start3A_373 = tpu.memref_slice %arg12[%add3A_366, %dma_start3A_372] : memref<10240x128xf32, #tpu.memory_space<vmem_shared>> -> memref<16x128xf32, #tpu.memory_space<vmem_shared>>
    tpu.enqueue_dma source(%arg11 : memref<16x128xf32, #tpu.memory_space<vmem>>) target(%dma_start3A_373 : memref<16x128xf32, #tpu.memory_space<vmem_shared>>) target_semaphore(%dma_start3A_371 : memref<!tpu.dma_semaphore, #tpu.memory_space<semaphore_mem>>)
    %add3A_374 = arith.constant 288 : i32
    %add3A_375 = arith.addi %mul3A_4, %add3A_374 : i32
    %dma_start3A_376 = arith.constant 18 : i32
    %dma_start3A_377 = arith.constant 0 : i32
    %dma_start3A_378 = tpu.memref_slice %arg12[%add3A_375, %dma_start3A_377] : memref<10240x128xf32, #tpu.memory_space<vmem_shared>> -> memref<16x128xf32, #tpu.memory_space<vmem_shared>>
    %dma_start3A_379 = tpu.memref_slice %arg13[%dma_start3A_376] : memref<19x!tpu.dma_semaphore, #tpu.memory_space<semaphore_mem>> -> memref<1x!tpu.dma_semaphore, #tpu.memory_space<semaphore_mem>>
    %dma_start3A_380 = tpu.memref_squeeze %dma_start3A_379 : memref<1x!tpu.dma_semaphore, #tpu.memory_space<semaphore_mem>> -> memref<!tpu.dma_semaphore, #tpu.memory_space<semaphore_mem>>
    %dma_start3A_381 = arith.constant 0 : i32
    %dma_start3A_382 = tpu.memref_slice %arg12[%add3A_375, %dma_start3A_381] : memref<10240x128xf32, #tpu.memory_space<vmem_shared>> -> memref<16x128xf32, #tpu.memory_space<vmem_shared>>
    tpu.enqueue_dma source(%arg11 : memref<16x128xf32, #tpu.memory_space<vmem>>) target(%dma_start3A_382 : memref<16x128xf32, #tpu.memory_space<vmem_shared>>) target_semaphore(%dma_start3A_380 : memref<!tpu.dma_semaphore, #tpu.memory_space<semaphore_mem>>)
    %add3A_383 = arith.constant 304 : i32
    %add3A_384 = arith.addi %mul3A_4, %add3A_383 : i32
    %dma_start3A_385 = arith.constant 18 : i32
    %dma_start3A_386 = arith.constant 0 : i32
    %dma_start3A_387 = tpu.memref_slice %arg12[%add3A_384, %dma_start3A_386] : memref<10240x128xf32, #tpu.memory_space<vmem_shared>> -> memref<16x128xf32, #tpu.memory_space<vmem_shared>>
    %dma_start3A_388 = tpu.memref_slice %arg13[%dma_start3A_385] : memref<19x!tpu.dma_semaphore, #tpu.memory_space<semaphore_mem>> -> memref<1x!tpu.dma_semaphore, #tpu.memory_space<semaphore_mem>>
    %dma_start3A_389 = tpu.memref_squeeze %dma_start3A_388 : memref<1x!tpu.dma_semaphore, #tpu.memory_space<semaphore_mem>> -> memref<!tpu.dma_semaphore, #tpu.memory_space<semaphore_mem>>
    %dma_start3A_390 = arith.constant 0 : i32
    %dma_start3A_391 = tpu.memref_slice %arg12[%add3A_384, %dma_start3A_390] : memref<10240x128xf32, #tpu.memory_space<vmem_shared>> -> memref<16x128xf32, #tpu.memory_space<vmem_shared>>
    tpu.enqueue_dma source(%arg11 : memref<16x128xf32, #tpu.memory_space<vmem>>) target(%dma_start3A_391 : memref<16x128xf32, #tpu.memory_space<vmem_shared>>) target_semaphore(%dma_start3A_389 : memref<!tpu.dma_semaphore, #tpu.memory_space<semaphore_mem>>)
    %add3A_392 = arith.constant 320 : i32
    %add3A_393 = arith.addi %mul3A_4, %add3A_392 : i32
    %dma_start3A_394 = arith.constant 18 : i32
    %dma_start3A_395 = arith.constant 0 : i32
    %dma_start3A_396 = tpu.memref_slice %arg12[%add3A_393, %dma_start3A_395] : memref<10240x128xf32, #tpu.memory_space<vmem_shared>> -> memref<16x128xf32, #tpu.memory_space<vmem_shared>>
    %dma_start3A_397 = tpu.memref_slice %arg13[%dma_start3A_394] : memref<19x!tpu.dma_semaphore, #tpu.memory_space<semaphore_mem>> -> memref<1x!tpu.dma_semaphore, #tpu.memory_space<semaphore_mem>>
    %dma_start3A_398 = tpu.memref_squeeze %dma_start3A_397 : memref<1x!tpu.dma_semaphore, #tpu.memory_space<semaphore_mem>> -> memref<!tpu.dma_semaphore, #tpu.memory_space<semaphore_mem>>
    %dma_start3A_399 = arith.constant 0 : i32
    %dma_start3A_400 = tpu.memref_slice %arg12[%add3A_393, %dma_start3A_399] : memref<10240x128xf32, #tpu.memory_space<vmem_shared>> -> memref<16x128xf32, #tpu.memory_space<vmem_shared>>
    tpu.enqueue_dma source(%arg11 : memref<16x128xf32, #tpu.memory_space<vmem>>) target(%dma_start3A_400 : memref<16x128xf32, #tpu.memory_space<vmem_shared>>) target_semaphore(%dma_start3A_398 : memref<!tpu.dma_semaphore, #tpu.memory_space<semaphore_mem>>)
    %add3A_401 = arith.constant 336 : i32
    %add3A_402 = arith.addi %mul3A_4, %add3A_401 : i32
    %dma_start3A_403 = arith.constant 18 : i32
    %dma_start3A_404 = arith.constant 0 : i32
    %dma_start3A_405 = tpu.memref_slice %arg12[%add3A_402, %dma_start3A_404] : memref<10240x128xf32, #tpu.memory_space<vmem_shared>> -> memref<16x128xf32, #tpu.memory_space<vmem_shared>>
    %dma_start3A_406 = tpu.memref_slice %arg13[%dma_start3A_403] : memref<19x!tpu.dma_semaphore, #tpu.memory_space<semaphore_mem>> -> memref<1x!tpu.dma_semaphore, #tpu.memory_space<semaphore_mem>>
    %dma_start3A_407 = tpu.memref_squeeze %dma_start3A_406 : memref<1x!tpu.dma_semaphore, #tpu.memory_space<semaphore_mem>> -> memref<!tpu.dma_semaphore, #tpu.memory_space<semaphore_mem>>
    %dma_start3A_408 = arith.constant 0 : i32
    %dma_start3A_409 = tpu.memref_slice %arg12[%add3A_402, %dma_start3A_408] : memref<10240x128xf32, #tpu.memory_space<vmem_shared>> -> memref<16x128xf32, #tpu.memory_space<vmem_shared>>
    tpu.enqueue_dma source(%arg11 : memref<16x128xf32, #tpu.memory_space<vmem>>) target(%dma_start3A_409 : memref<16x128xf32, #tpu.memory_space<vmem_shared>>) target_semaphore(%dma_start3A_407 : memref<!tpu.dma_semaphore, #tpu.memory_space<semaphore_mem>>)
    %add3A_410 = arith.constant 352 : i32
    %add3A_411 = arith.addi %mul3A_4, %add3A_410 : i32
    %dma_start3A_412 = arith.constant 18 : i32
    %dma_start3A_413 = arith.constant 0 : i32
    %dma_start3A_414 = tpu.memref_slice %arg12[%add3A_411, %dma_start3A_413] : memref<10240x128xf32, #tpu.memory_space<vmem_shared>> -> memref<16x128xf32, #tpu.memory_space<vmem_shared>>
    %dma_start3A_415 = tpu.memref_slice %arg13[%dma_start3A_412] : memref<19x!tpu.dma_semaphore, #tpu.memory_space<semaphore_mem>> -> memref<1x!tpu.dma_semaphore, #tpu.memory_space<semaphore_mem>>
    %dma_start3A_416 = tpu.memref_squeeze %dma_start3A_415 : memref<1x!tpu.dma_semaphore, #tpu.memory_space<semaphore_mem>> -> memref<!tpu.dma_semaphore, #tpu.memory_space<semaphore_mem>>
    %dma_start3A_417 = arith.constant 0 : i32
    %dma_start3A_418 = tpu.memref_slice %arg12[%add3A_411, %dma_start3A_417] : memref<10240x128xf32, #tpu.memory_space<vmem_shared>> -> memref<16x128xf32, #tpu.memory_space<vmem_shared>>
    tpu.enqueue_dma source(%arg11 : memref<16x128xf32, #tpu.memory_space<vmem>>) target(%dma_start3A_418 : memref<16x128xf32, #tpu.memory_space<vmem_shared>>) target_semaphore(%dma_start3A_416 : memref<!tpu.dma_semaphore, #tpu.memory_space<semaphore_mem>>)
    %add3A_419 = arith.constant 368 : i32
    %add3A_420 = arith.addi %mul3A_4, %add3A_419 : i32
    %dma_start3A_421 = arith.constant 18 : i32
    %dma_start3A_422 = arith.constant 0 : i32
    %dma_start3A_423 = tpu.memref_slice %arg12[%add3A_420, %dma_start3A_422] : memref<10240x128xf32, #tpu.memory_space<vmem_shared>> -> memref<16x128xf32, #tpu.memory_space<vmem_shared>>
    %dma_start3A_424 = tpu.memref_slice %arg13[%dma_start3A_421] : memref<19x!tpu.dma_semaphore, #tpu.memory_space<semaphore_mem>> -> memref<1x!tpu.dma_semaphore, #tpu.memory_space<semaphore_mem>>
    %dma_start3A_425 = tpu.memref_squeeze %dma_start3A_424 : memref<1x!tpu.dma_semaphore, #tpu.memory_space<semaphore_mem>> -> memref<!tpu.dma_semaphore, #tpu.memory_space<semaphore_mem>>
    %dma_start3A_426 = arith.constant 0 : i32
    %dma_start3A_427 = tpu.memref_slice %arg12[%add3A_420, %dma_start3A_426] : memref<10240x128xf32, #tpu.memory_space<vmem_shared>> -> memref<16x128xf32, #tpu.memory_space<vmem_shared>>
    tpu.enqueue_dma source(%arg11 : memref<16x128xf32, #tpu.memory_space<vmem>>) target(%dma_start3A_427 : memref<16x128xf32, #tpu.memory_space<vmem_shared>>) target_semaphore(%dma_start3A_425 : memref<!tpu.dma_semaphore, #tpu.memory_space<semaphore_mem>>)
    %add3A_428 = arith.constant 384 : i32
    %add3A_429 = arith.addi %mul3A_4, %add3A_428 : i32
    %dma_start3A_430 = arith.constant 18 : i32
    %dma_start3A_431 = arith.constant 0 : i32
    %dma_start3A_432 = tpu.memref_slice %arg12[%add3A_429, %dma_start3A_431] : memref<10240x128xf32, #tpu.memory_space<vmem_shared>> -> memref<16x128xf32, #tpu.memory_space<vmem_shared>>
    %dma_start3A_433 = tpu.memref_slice %arg13[%dma_start3A_430] : memref<19x!tpu.dma_semaphore, #tpu.memory_space<semaphore_mem>> -> memref<1x!tpu.dma_semaphore, #tpu.memory_space<semaphore_mem>>
    %dma_start3A_434 = tpu.memref_squeeze %dma_start3A_433 : memref<1x!tpu.dma_semaphore, #tpu.memory_space<semaphore_mem>> -> memref<!tpu.dma_semaphore, #tpu.memory_space<semaphore_mem>>
    %dma_start3A_435 = arith.constant 0 : i32
    %dma_start3A_436 = tpu.memref_slice %arg12[%add3A_429, %dma_start3A_435] : memref<10240x128xf32, #tpu.memory_space<vmem_shared>> -> memref<16x128xf32, #tpu.memory_space<vmem_shared>>
    tpu.enqueue_dma source(%arg11 : memref<16x128xf32, #tpu.memory_space<vmem>>) target(%dma_start3A_436 : memref<16x128xf32, #tpu.memory_space<vmem_shared>>) target_semaphore(%dma_start3A_434 : memref<!tpu.dma_semaphore, #tpu.memory_space<semaphore_mem>>)
    %add3A_437 = arith.constant 400 : i32
    %add3A_438 = arith.addi %mul3A_4, %add3A_437 : i32
    %dma_start3A_439 = arith.constant 18 : i32
    %dma_start3A_440 = arith.constant 0 : i32
    %dma_start3A_441 = tpu.memref_slice %arg12[%add3A_438, %dma_start3A_440] : memref<10240x128xf32, #tpu.memory_space<vmem_shared>> -> memref<16x128xf32, #tpu.memory_space<vmem_shared>>
    %dma_start3A_442 = tpu.memref_slice %arg13[%dma_start3A_439] : memref<19x!tpu.dma_semaphore, #tpu.memory_space<semaphore_mem>> -> memref<1x!tpu.dma_semaphore, #tpu.memory_space<semaphore_mem>>
    %dma_start3A_443 = tpu.memref_squeeze %dma_start3A_442 : memref<1x!tpu.dma_semaphore, #tpu.memory_space<semaphore_mem>> -> memref<!tpu.dma_semaphore, #tpu.memory_space<semaphore_mem>>
    %dma_start3A_444 = arith.constant 0 : i32
    %dma_start3A_445 = tpu.memref_slice %arg12[%add3A_438, %dma_start3A_444] : memref<10240x128xf32, #tpu.memory_space<vmem_shared>> -> memref<16x128xf32, #tpu.memory_space<vmem_shared>>
    tpu.enqueue_dma source(%arg11 : memref<16x128xf32, #tpu.memory_space<vmem>>) target(%dma_start3A_445 : memref<16x128xf32, #tpu.memory_space<vmem_shared>>) target_semaphore(%dma_start3A_443 : memref<!tpu.dma_semaphore, #tpu.memory_space<semaphore_mem>>)
    %add3A_446 = arith.constant 416 : i32
    %add3A_447 = arith.addi %mul3A_4, %add3A_446 : i32
    %dma_start3A_448 = arith.constant 18 : i32
    %dma_start3A_449 = arith.constant 0 : i32
    %dma_start3A_450 = tpu.memref_slice %arg12[%add3A_447, %dma_start3A_449] : memref<10240x128xf32, #tpu.memory_space<vmem_shared>> -> memref<16x128xf32, #tpu.memory_space<vmem_shared>>
    %dma_start3A_451 = tpu.memref_slice %arg13[%dma_start3A_448] : memref<19x!tpu.dma_semaphore, #tpu.memory_space<semaphore_mem>> -> memref<1x!tpu.dma_semaphore, #tpu.memory_space<semaphore_mem>>
    %dma_start3A_452 = tpu.memref_squeeze %dma_start3A_451 : memref<1x!tpu.dma_semaphore, #tpu.memory_space<semaphore_mem>> -> memref<!tpu.dma_semaphore, #tpu.memory_space<semaphore_mem>>
    %dma_start3A_453 = arith.constant 0 : i32
    %dma_start3A_454 = tpu.memref_slice %arg12[%add3A_447, %dma_start3A_453] : memref<10240x128xf32, #tpu.memory_space<vmem_shared>> -> memref<16x128xf32, #tpu.memory_space<vmem_shared>>
    tpu.enqueue_dma source(%arg11 : memref<16x128xf32, #tpu.memory_space<vmem>>) target(%dma_start3A_454 : memref<16x128xf32, #tpu.memory_space<vmem_shared>>) target_semaphore(%dma_start3A_452 : memref<!tpu.dma_semaphore, #tpu.memory_space<semaphore_mem>>)
    %add3A_455 = arith.constant 432 : i32
    %add3A_456 = arith.addi %mul3A_4, %add3A_455 : i32
    %dma_start3A_457 = arith.constant 18 : i32
    %dma_start3A_458 = arith.constant 0 : i32
    %dma_start3A_459 = tpu.memref_slice %arg12[%add3A_456, %dma_start3A_458] : memref<10240x128xf32, #tpu.memory_space<vmem_shared>> -> memref<16x128xf32, #tpu.memory_space<vmem_shared>>
    %dma_start3A_460 = tpu.memref_slice %arg13[%dma_start3A_457] : memref<19x!tpu.dma_semaphore, #tpu.memory_space<semaphore_mem>> -> memref<1x!tpu.dma_semaphore, #tpu.memory_space<semaphore_mem>>
    %dma_start3A_461 = tpu.memref_squeeze %dma_start3A_460 : memref<1x!tpu.dma_semaphore, #tpu.memory_space<semaphore_mem>> -> memref<!tpu.dma_semaphore, #tpu.memory_space<semaphore_mem>>
    %dma_start3A_462 = arith.constant 0 : i32
    %dma_start3A_463 = tpu.memref_slice %arg12[%add3A_456, %dma_start3A_462] : memref<10240x128xf32, #tpu.memory_space<vmem_shared>> -> memref<16x128xf32, #tpu.memory_space<vmem_shared>>
    tpu.enqueue_dma source(%arg11 : memref<16x128xf32, #tpu.memory_space<vmem>>) target(%dma_start3A_463 : memref<16x128xf32, #tpu.memory_space<vmem_shared>>) target_semaphore(%dma_start3A_461 : memref<!tpu.dma_semaphore, #tpu.memory_space<semaphore_mem>>)
    %add3A_464 = arith.constant 448 : i32
    %add3A_465 = arith.addi %mul3A_4, %add3A_464 : i32
    %dma_start3A_466 = arith.constant 18 : i32
    %dma_start3A_467 = arith.constant 0 : i32
    %dma_start3A_468 = tpu.memref_slice %arg12[%add3A_465, %dma_start3A_467] : memref<10240x128xf32, #tpu.memory_space<vmem_shared>> -> memref<16x128xf32, #tpu.memory_space<vmem_shared>>
    %dma_start3A_469 = tpu.memref_slice %arg13[%dma_start3A_466] : memref<19x!tpu.dma_semaphore, #tpu.memory_space<semaphore_mem>> -> memref<1x!tpu.dma_semaphore, #tpu.memory_space<semaphore_mem>>
    %dma_start3A_470 = tpu.memref_squeeze %dma_start3A_469 : memref<1x!tpu.dma_semaphore, #tpu.memory_space<semaphore_mem>> -> memref<!tpu.dma_semaphore, #tpu.memory_space<semaphore_mem>>
    %dma_start3A_471 = arith.constant 0 : i32
    %dma_start3A_472 = tpu.memref_slice %arg12[%add3A_465, %dma_start3A_471] : memref<10240x128xf32, #tpu.memory_space<vmem_shared>> -> memref<16x128xf32, #tpu.memory_space<vmem_shared>>
    tpu.enqueue_dma source(%arg11 : memref<16x128xf32, #tpu.memory_space<vmem>>) target(%dma_start3A_472 : memref<16x128xf32, #tpu.memory_space<vmem_shared>>) target_semaphore(%dma_start3A_470 : memref<!tpu.dma_semaphore, #tpu.memory_space<semaphore_mem>>)
    %add3A_473 = arith.constant 464 : i32
    %add3A_474 = arith.addi %mul3A_4, %add3A_473 : i32
    %dma_start3A_475 = arith.constant 18 : i32
    %dma_start3A_476 = arith.constant 0 : i32
    %dma_start3A_477 = tpu.memref_slice %arg12[%add3A_474, %dma_start3A_476] : memref<10240x128xf32, #tpu.memory_space<vmem_shared>> -> memref<16x128xf32, #tpu.memory_space<vmem_shared>>
    %dma_start3A_478 = tpu.memref_slice %arg13[%dma_start3A_475] : memref<19x!tpu.dma_semaphore, #tpu.memory_space<semaphore_mem>> -> memref<1x!tpu.dma_semaphore, #tpu.memory_space<semaphore_mem>>
    %dma_start3A_479 = tpu.memref_squeeze %dma_start3A_478 : memref<1x!tpu.dma_semaphore, #tpu.memory_space<semaphore_mem>> -> memref<!tpu.dma_semaphore, #tpu.memory_space<semaphore_mem>>
    %dma_start3A_480 = arith.constant 0 : i32
    %dma_start3A_481 = tpu.memref_slice %arg12[%add3A_474, %dma_start3A_480] : memref<10240x128xf32, #tpu.memory_space<vmem_shared>> -> memref<16x128xf32, #tpu.memory_space<vmem_shared>>
    tpu.enqueue_dma source(%arg11 : memref<16x128xf32, #tpu.memory_space<vmem>>) target(%dma_start3A_481 : memref<16x128xf32, #tpu.memory_space<vmem_shared>>) target_semaphore(%dma_start3A_479 : memref<!tpu.dma_semaphore, #tpu.memory_space<semaphore_mem>>)
    %add3A_482 = arith.constant 480 : i32
    %add3A_483 = arith.addi %mul3A_4, %add3A_482 : i32
    %dma_start3A_484 = arith.constant 18 : i32
    %dma_start3A_485 = arith.constant 0 : i32
    %dma_start3A_486 = tpu.memref_slice %arg12[%add3A_483, %dma_start3A_485] : memref<10240x128xf32, #tpu.memory_space<vmem_shared>> -> memref<16x128xf32, #tpu.memory_space<vmem_shared>>
    %dma_start3A_487 = tpu.memref_slice %arg13[%dma_start3A_484] : memref<19x!tpu.dma_semaphore, #tpu.memory_space<semaphore_mem>> -> memref<1x!tpu.dma_semaphore, #tpu.memory_space<semaphore_mem>>
    %dma_start3A_488 = tpu.memref_squeeze %dma_start3A_487 : memref<1x!tpu.dma_semaphore, #tpu.memory_space<semaphore_mem>> -> memref<!tpu.dma_semaphore, #tpu.memory_space<semaphore_mem>>
    %dma_start3A_489 = arith.constant 0 : i32
    %dma_start3A_490 = tpu.memref_slice %arg12[%add3A_483, %dma_start3A_489] : memref<10240x128xf32, #tpu.memory_space<vmem_shared>> -> memref<16x128xf32, #tpu.memory_space<vmem_shared>>
    tpu.enqueue_dma source(%arg11 : memref<16x128xf32, #tpu.memory_space<vmem>>) target(%dma_start3A_490 : memref<16x128xf32, #tpu.memory_space<vmem_shared>>) target_semaphore(%dma_start3A_488 : memref<!tpu.dma_semaphore, #tpu.memory_space<semaphore_mem>>)
    %add3A_491 = arith.constant 496 : i32
    %add3A_492 = arith.addi %mul3A_4, %add3A_491 : i32
    %dma_start3A_493 = arith.constant 18 : i32
    %dma_start3A_494 = arith.constant 0 : i32
    %dma_start3A_495 = tpu.memref_slice %arg12[%add3A_492, %dma_start3A_494] : memref<10240x128xf32, #tpu.memory_space<vmem_shared>> -> memref<16x128xf32, #tpu.memory_space<vmem_shared>>
    %dma_start3A_496 = tpu.memref_slice %arg13[%dma_start3A_493] : memref<19x!tpu.dma_semaphore, #tpu.memory_space<semaphore_mem>> -> memref<1x!tpu.dma_semaphore, #tpu.memory_space<semaphore_mem>>
    %dma_start3A_497 = tpu.memref_squeeze %dma_start3A_496 : memref<1x!tpu.dma_semaphore, #tpu.memory_space<semaphore_mem>> -> memref<!tpu.dma_semaphore, #tpu.memory_space<semaphore_mem>>
    %dma_start3A_498 = arith.constant 0 : i32
    %dma_start3A_499 = tpu.memref_slice %arg12[%add3A_492, %dma_start3A_498] : memref<10240x128xf32, #tpu.memory_space<vmem_shared>> -> memref<16x128xf32, #tpu.memory_space<vmem_shared>>
    tpu.enqueue_dma source(%arg11 : memref<16x128xf32, #tpu.memory_space<vmem>>) target(%dma_start3A_499 : memref<16x128xf32, #tpu.memory_space<vmem_shared>>) target_semaphore(%dma_start3A_497 : memref<!tpu.dma_semaphore, #tpu.memory_space<semaphore_mem>>)
    %add3A_500 = arith.constant 512 : i32
    %add3A_501 = arith.addi %mul3A_4, %add3A_500 : i32
    %dma_start3A_502 = arith.constant 18 : i32
    %dma_start3A_503 = arith.constant 0 : i32
    %dma_start3A_504 = tpu.memref_slice %arg12[%add3A_501, %dma_start3A_503] : memref<10240x128xf32, #tpu.memory_space<vmem_shared>> -> memref<16x128xf32, #tpu.memory_space<vmem_shared>>
    %dma_start3A_505 = tpu.memref_slice %arg13[%dma_start3A_502] : memref<19x!tpu.dma_semaphore, #tpu.memory_space<semaphore_mem>> -> memref<1x!tpu.dma_semaphore, #tpu.memory_space<semaphore_mem>>
    %dma_start3A_506 = tpu.memref_squeeze %dma_start3A_505 : memref<1x!tpu.dma_semaphore, #tpu.memory_space<semaphore_mem>> -> memref<!tpu.dma_semaphore, #tpu.memory_space<semaphore_mem>>
    %dma_start3A_507 = arith.constant 0 : i32
    %dma_start3A_508 = tpu.memref_slice %arg12[%add3A_501, %dma_start3A_507] : memref<10240x128xf32, #tpu.memory_space<vmem_shared>> -> memref<16x128xf32, #tpu.memory_space<vmem_shared>>
    tpu.enqueue_dma source(%arg11 : memref<16x128xf32, #tpu.memory_space<vmem>>) target(%dma_start3A_508 : memref<16x128xf32, #tpu.memory_space<vmem_shared>>) target_semaphore(%dma_start3A_506 : memref<!tpu.dma_semaphore, #tpu.memory_space<semaphore_mem>>)
    %add3A_509 = arith.constant 528 : i32
    %add3A_510 = arith.addi %mul3A_4, %add3A_509 : i32
    %dma_start3A_511 = arith.constant 18 : i32
    %dma_start3A_512 = arith.constant 0 : i32
    %dma_start3A_513 = tpu.memref_slice %arg12[%add3A_510, %dma_start3A_512] : memref<10240x128xf32, #tpu.memory_space<vmem_shared>> -> memref<16x128xf32, #tpu.memory_space<vmem_shared>>
    %dma_start3A_514 = tpu.memref_slice %arg13[%dma_start3A_511] : memref<19x!tpu.dma_semaphore, #tpu.memory_space<semaphore_mem>> -> memref<1x!tpu.dma_semaphore, #tpu.memory_space<semaphore_mem>>
    %dma_start3A_515 = tpu.memref_squeeze %dma_start3A_514 : memref<1x!tpu.dma_semaphore, #tpu.memory_space<semaphore_mem>> -> memref<!tpu.dma_semaphore, #tpu.memory_space<semaphore_mem>>
    %dma_start3A_516 = arith.constant 0 : i32
    %dma_start3A_517 = tpu.memref_slice %arg12[%add3A_510, %dma_start3A_516] : memref<10240x128xf32, #tpu.memory_space<vmem_shared>> -> memref<16x128xf32, #tpu.memory_space<vmem_shared>>
    tpu.enqueue_dma source(%arg11 : memref<16x128xf32, #tpu.memory_space<vmem>>) target(%dma_start3A_517 : memref<16x128xf32, #tpu.memory_space<vmem_shared>>) target_semaphore(%dma_start3A_515 : memref<!tpu.dma_semaphore, #tpu.memory_space<semaphore_mem>>)
    %add3A_518 = arith.constant 544 : i32
    %add3A_519 = arith.addi %mul3A_4, %add3A_518 : i32
    %dma_start3A_520 = arith.constant 18 : i32
    %dma_start3A_521 = arith.constant 0 : i32
    %dma_start3A_522 = tpu.memref_slice %arg12[%add3A_519, %dma_start3A_521] : memref<10240x128xf32, #tpu.memory_space<vmem_shared>> -> memref<16x128xf32, #tpu.memory_space<vmem_shared>>
    %dma_start3A_523 = tpu.memref_slice %arg13[%dma_start3A_520] : memref<19x!tpu.dma_semaphore, #tpu.memory_space<semaphore_mem>> -> memref<1x!tpu.dma_semaphore, #tpu.memory_space<semaphore_mem>>
    %dma_start3A_524 = tpu.memref_squeeze %dma_start3A_523 : memref<1x!tpu.dma_semaphore, #tpu.memory_space<semaphore_mem>> -> memref<!tpu.dma_semaphore, #tpu.memory_space<semaphore_mem>>
    %dma_start3A_525 = arith.constant 0 : i32
    %dma_start3A_526 = tpu.memref_slice %arg12[%add3A_519, %dma_start3A_525] : memref<10240x128xf32, #tpu.memory_space<vmem_shared>> -> memref<16x128xf32, #tpu.memory_space<vmem_shared>>
    tpu.enqueue_dma source(%arg11 : memref<16x128xf32, #tpu.memory_space<vmem>>) target(%dma_start3A_526 : memref<16x128xf32, #tpu.memory_space<vmem_shared>>) target_semaphore(%dma_start3A_524 : memref<!tpu.dma_semaphore, #tpu.memory_space<semaphore_mem>>)
    %add3A_527 = arith.constant 560 : i32
    %add3A_528 = arith.addi %mul3A_4, %add3A_527 : i32
    %dma_start3A_529 = arith.constant 18 : i32
    %dma_start3A_530 = arith.constant 0 : i32
    %dma_start3A_531 = tpu.memref_slice %arg12[%add3A_528, %dma_start3A_530] : memref<10240x128xf32, #tpu.memory_space<vmem_shared>> -> memref<16x128xf32, #tpu.memory_space<vmem_shared>>
    %dma_start3A_532 = tpu.memref_slice %arg13[%dma_start3A_529] : memref<19x!tpu.dma_semaphore, #tpu.memory_space<semaphore_mem>> -> memref<1x!tpu.dma_semaphore, #tpu.memory_space<semaphore_mem>>
    %dma_start3A_533 = tpu.memref_squeeze %dma_start3A_532 : memref<1x!tpu.dma_semaphore, #tpu.memory_space<semaphore_mem>> -> memref<!tpu.dma_semaphore, #tpu.memory_space<semaphore_mem>>
    %dma_start3A_534 = arith.constant 0 : i32
    %dma_start3A_535 = tpu.memref_slice %arg12[%add3A_528, %dma_start3A_534] : memref<10240x128xf32, #tpu.memory_space<vmem_shared>> -> memref<16x128xf32, #tpu.memory_space<vmem_shared>>
    tpu.enqueue_dma source(%arg11 : memref<16x128xf32, #tpu.memory_space<vmem>>) target(%dma_start3A_535 : memref<16x128xf32, #tpu.memory_space<vmem_shared>>) target_semaphore(%dma_start3A_533 : memref<!tpu.dma_semaphore, #tpu.memory_space<semaphore_mem>>)
    %add3A_536 = arith.constant 576 : i32
    %add3A_537 = arith.addi %mul3A_4, %add3A_536 : i32
    %dma_start3A_538 = arith.constant 18 : i32
    %dma_start3A_539 = arith.constant 0 : i32
    %dma_start3A_540 = tpu.memref_slice %arg12[%add3A_537, %dma_start3A_539] : memref<10240x128xf32, #tpu.memory_space<vmem_shared>> -> memref<16x128xf32, #tpu.memory_space<vmem_shared>>
    %dma_start3A_541 = tpu.memref_slice %arg13[%dma_start3A_538] : memref<19x!tpu.dma_semaphore, #tpu.memory_space<semaphore_mem>> -> memref<1x!tpu.dma_semaphore, #tpu.memory_space<semaphore_mem>>
    %dma_start3A_542 = tpu.memref_squeeze %dma_start3A_541 : memref<1x!tpu.dma_semaphore, #tpu.memory_space<semaphore_mem>> -> memref<!tpu.dma_semaphore, #tpu.memory_space<semaphore_mem>>
    %dma_start3A_543 = arith.constant 0 : i32
    %dma_start3A_544 = tpu.memref_slice %arg12[%add3A_537, %dma_start3A_543] : memref<10240x128xf32, #tpu.memory_space<vmem_shared>> -> memref<16x128xf32, #tpu.memory_space<vmem_shared>>
    tpu.enqueue_dma source(%arg11 : memref<16x128xf32, #tpu.memory_space<vmem>>) target(%dma_start3A_544 : memref<16x128xf32, #tpu.memory_space<vmem_shared>>) target_semaphore(%dma_start3A_542 : memref<!tpu.dma_semaphore, #tpu.memory_space<semaphore_mem>>)
    %add3A_545 = arith.constant 592 : i32
    %add3A_546 = arith.addi %mul3A_4, %add3A_545 : i32
    %dma_start3A_547 = arith.constant 18 : i32
    %dma_start3A_548 = arith.constant 0 : i32
    %dma_start3A_549 = tpu.memref_slice %arg12[%add3A_546, %dma_start3A_548] : memref<10240x128xf32, #tpu.memory_space<vmem_shared>> -> memref<16x128xf32, #tpu.memory_space<vmem_shared>>
    %dma_start3A_550 = tpu.memref_slice %arg13[%dma_start3A_547] : memref<19x!tpu.dma_semaphore, #tpu.memory_space<semaphore_mem>> -> memref<1x!tpu.dma_semaphore, #tpu.memory_space<semaphore_mem>>
    %dma_start3A_551 = tpu.memref_squeeze %dma_start3A_550 : memref<1x!tpu.dma_semaphore, #tpu.memory_space<semaphore_mem>> -> memref<!tpu.dma_semaphore, #tpu.memory_space<semaphore_mem>>
    %dma_start3A_552 = arith.constant 0 : i32
    %dma_start3A_553 = tpu.memref_slice %arg12[%add3A_546, %dma_start3A_552] : memref<10240x128xf32, #tpu.memory_space<vmem_shared>> -> memref<16x128xf32, #tpu.memory_space<vmem_shared>>
    tpu.enqueue_dma source(%arg11 : memref<16x128xf32, #tpu.memory_space<vmem>>) target(%dma_start3A_553 : memref<16x128xf32, #tpu.memory_space<vmem_shared>>) target_semaphore(%dma_start3A_551 : memref<!tpu.dma_semaphore, #tpu.memory_space<semaphore_mem>>)
    %add3A_554 = arith.constant 608 : i32
    %add3A_555 = arith.addi %mul3A_4, %add3A_554 : i32
    %dma_start3A_556 = arith.constant 18 : i32
    %dma_start3A_557 = arith.constant 0 : i32
    %dma_start3A_558 = tpu.memref_slice %arg12[%add3A_555, %dma_start3A_557] : memref<10240x128xf32, #tpu.memory_space<vmem_shared>> -> memref<16x128xf32, #tpu.memory_space<vmem_shared>>
    %dma_start3A_559 = tpu.memref_slice %arg13[%dma_start3A_556] : memref<19x!tpu.dma_semaphore, #tpu.memory_space<semaphore_mem>> -> memref<1x!tpu.dma_semaphore, #tpu.memory_space<semaphore_mem>>
    %dma_start3A_560 = tpu.memref_squeeze %dma_start3A_559 : memref<1x!tpu.dma_semaphore, #tpu.memory_space<semaphore_mem>> -> memref<!tpu.dma_semaphore, #tpu.memory_space<semaphore_mem>>
    %dma_start3A_561 = arith.constant 0 : i32
    %dma_start3A_562 = tpu.memref_slice %arg12[%add3A_555, %dma_start3A_561] : memref<10240x128xf32, #tpu.memory_space<vmem_shared>> -> memref<16x128xf32, #tpu.memory_space<vmem_shared>>
    tpu.enqueue_dma source(%arg11 : memref<16x128xf32, #tpu.memory_space<vmem>>) target(%dma_start3A_562 : memref<16x128xf32, #tpu.memory_space<vmem_shared>>) target_semaphore(%dma_start3A_560 : memref<!tpu.dma_semaphore, #tpu.memory_space<semaphore_mem>>)
    %add3A_563 = arith.constant 624 : i32
    %add3A_564 = arith.addi %mul3A_4, %add3A_563 : i32
    %dma_start3A_565 = arith.constant 18 : i32
    %dma_start3A_566 = arith.constant 0 : i32
    %dma_start3A_567 = tpu.memref_slice %arg12[%add3A_564, %dma_start3A_566] : memref<10240x128xf32, #tpu.memory_space<vmem_shared>> -> memref<16x128xf32, #tpu.memory_space<vmem_shared>>
    %dma_start3A_568 = tpu.memref_slice %arg13[%dma_start3A_565] : memref<19x!tpu.dma_semaphore, #tpu.memory_space<semaphore_mem>> -> memref<1x!tpu.dma_semaphore, #tpu.memory_space<semaphore_mem>>
    %dma_start3A_569 = tpu.memref_squeeze %dma_start3A_568 : memref<1x!tpu.dma_semaphore, #tpu.memory_space<semaphore_mem>> -> memref<!tpu.dma_semaphore, #tpu.memory_space<semaphore_mem>>
    %dma_start3A_570 = arith.constant 0 : i32
    %dma_start3A_571 = tpu.memref_slice %arg12[%add3A_564, %dma_start3A_570] : memref<10240x128xf32, #tpu.memory_space<vmem_shared>> -> memref<16x128xf32, #tpu.memory_space<vmem_shared>>
    tpu.enqueue_dma source(%arg11 : memref<16x128xf32, #tpu.memory_space<vmem>>) target(%dma_start3A_571 : memref<16x128xf32, #tpu.memory_space<vmem_shared>>) target_semaphore(%dma_start3A_569 : memref<!tpu.dma_semaphore, #tpu.memory_space<semaphore_mem>>)
    %dma_wait3A_572 = arith.constant 18 : i32
    %dma_wait3A_573 = arith.constant 0 : i32
    %dma_wait3A_574 = tpu.memref_slice %arg12[%mul3A_4, %dma_wait3A_573] : memref<10240x128xf32, #tpu.memory_space<vmem_shared>> -> memref<16x128xf32, #tpu.memory_space<vmem_shared>>
    %dma_wait3A_575 = tpu.memref_slice %arg13[%dma_wait3A_572] : memref<19x!tpu.dma_semaphore, #tpu.memory_space<semaphore_mem>> -> memref<1x!tpu.dma_semaphore, #tpu.memory_space<semaphore_mem>>
    %dma_wait3A_576 = tpu.memref_squeeze %dma_wait3A_575 : memref<1x!tpu.dma_semaphore, #tpu.memory_space<semaphore_mem>> -> memref<!tpu.dma_semaphore, #tpu.memory_space<semaphore_mem>>
    %dma_wait3A_577 = arith.constant 0 : i32
    %dma_wait3A_578 = tpu.memref_slice %arg12[%mul3A_4, %dma_wait3A_577] : memref<10240x128xf32, #tpu.memory_space<vmem_shared>> -> memref<16x128xf32, #tpu.memory_space<vmem_shared>>
    tpu.wait_dma2 semaphore(%dma_wait3A_576 : memref<!tpu.dma_semaphore, #tpu.memory_space<semaphore_mem>>) src(%arg11 : memref<16x128xf32, #tpu.memory_space<vmem>>) dst(%dma_wait3A_578 : memref<16x128xf32, #tpu.memory_space<vmem_shared>>)
    %dma_wait3A_579 = arith.constant 18 : i32
    %dma_wait3A_580 = arith.constant 0 : i32
    %dma_wait3A_581 = tpu.memref_slice %arg12[%mul3A_4, %dma_wait3A_580] : memref<10240x128xf32, #tpu.memory_space<vmem_shared>> -> memref<16x128xf32, #tpu.memory_space<vmem_shared>>
    %dma_wait3A_582 = tpu.memref_slice %arg13[%dma_wait3A_579] : memref<19x!tpu.dma_semaphore, #tpu.memory_space<semaphore_mem>> -> memref<1x!tpu.dma_semaphore, #tpu.memory_space<semaphore_mem>>
    %dma_wait3A_583 = tpu.memref_squeeze %dma_wait3A_582 : memref<1x!tpu.dma_semaphore, #tpu.memory_space<semaphore_mem>> -> memref<!tpu.dma_semaphore, #tpu.memory_space<semaphore_mem>>
    %dma_wait3A_584 = arith.constant 0 : i32
    %dma_wait3A_585 = tpu.memref_slice %arg12[%mul3A_4, %dma_wait3A_584] : memref<10240x128xf32, #tpu.memory_space<vmem_shared>> -> memref<16x128xf32, #tpu.memory_space<vmem_shared>>
    tpu.wait_dma2 semaphore(%dma_wait3A_583 : memref<!tpu.dma_semaphore, #tpu.memory_space<semaphore_mem>>) src(%arg11 : memref<16x128xf32, #tpu.memory_space<vmem>>) dst(%dma_wait3A_585 : memref<16x128xf32, #tpu.memory_space<vmem_shared>>)
    %dma_wait3A_586 = arith.constant 18 : i32
    %dma_wait3A_587 = arith.constant 0 : i32
    %dma_wait3A_588 = tpu.memref_slice %arg12[%mul3A_4, %dma_wait3A_587] : memref<10240x128xf32, #tpu.memory_space<vmem_shared>> -> memref<16x128xf32, #tpu.memory_space<vmem_shared>>
    %dma_wait3A_589 = tpu.memref_slice %arg13[%dma_wait3A_586] : memref<19x!tpu.dma_semaphore, #tpu.memory_space<semaphore_mem>> -> memref<1x!tpu.dma_semaphore, #tpu.memory_space<semaphore_mem>>
    %dma_wait3A_590 = tpu.memref_squeeze %dma_wait3A_589 : memref<1x!tpu.dma_semaphore, #tpu.memory_space<semaphore_mem>> -> memref<!tpu.dma_semaphore, #tpu.memory_space<semaphore_mem>>
    %dma_wait3A_591 = arith.constant 0 : i32
    %dma_wait3A_592 = tpu.memref_slice %arg12[%mul3A_4, %dma_wait3A_591] : memref<10240x128xf32, #tpu.memory_space<vmem_shared>> -> memref<16x128xf32, #tpu.memory_space<vmem_shared>>
    tpu.wait_dma2 semaphore(%dma_wait3A_590 : memref<!tpu.dma_semaphore, #tpu.memory_space<semaphore_mem>>) src(%arg11 : memref<16x128xf32, #tpu.memory_space<vmem>>) dst(%dma_wait3A_592 : memref<16x128xf32, #tpu.memory_space<vmem_shared>>)
    %dma_wait3A_593 = arith.constant 18 : i32
    %dma_wait3A_594 = arith.constant 0 : i32
    %dma_wait3A_595 = tpu.memref_slice %arg12[%mul3A_4, %dma_wait3A_594] : memref<10240x128xf32, #tpu.memory_space<vmem_shared>> -> memref<16x128xf32, #tpu.memory_space<vmem_shared>>
    %dma_wait3A_596 = tpu.memref_slice %arg13[%dma_wait3A_593] : memref<19x!tpu.dma_semaphore, #tpu.memory_space<semaphore_mem>> -> memref<1x!tpu.dma_semaphore, #tpu.memory_space<semaphore_mem>>
    %dma_wait3A_597 = tpu.memref_squeeze %dma_wait3A_596 : memref<1x!tpu.dma_semaphore, #tpu.memory_space<semaphore_mem>> -> memref<!tpu.dma_semaphore, #tpu.memory_space<semaphore_mem>>
    %dma_wait3A_598 = arith.constant 0 : i32
    %dma_wait3A_599 = tpu.memref_slice %arg12[%mul3A_4, %dma_wait3A_598] : memref<10240x128xf32, #tpu.memory_space<vmem_shared>> -> memref<16x128xf32, #tpu.memory_space<vmem_shared>>
    tpu.wait_dma2 semaphore(%dma_wait3A_597 : memref<!tpu.dma_semaphore, #tpu.memory_space<semaphore_mem>>) src(%arg11 : memref<16x128xf32, #tpu.memory_space<vmem>>) dst(%dma_wait3A_599 : memref<16x128xf32, #tpu.memory_space<vmem_shared>>)
    %dma_wait3A_600 = arith.constant 18 : i32
    %dma_wait3A_601 = arith.constant 0 : i32
    %dma_wait3A_602 = tpu.memref_slice %arg12[%mul3A_4, %dma_wait3A_601] : memref<10240x128xf32, #tpu.memory_space<vmem_shared>> -> memref<16x128xf32, #tpu.memory_space<vmem_shared>>
    %dma_wait3A_603 = tpu.memref_slice %arg13[%dma_wait3A_600] : memref<19x!tpu.dma_semaphore, #tpu.memory_space<semaphore_mem>> -> memref<1x!tpu.dma_semaphore, #tpu.memory_space<semaphore_mem>>
    %dma_wait3A_604 = tpu.memref_squeeze %dma_wait3A_603 : memref<1x!tpu.dma_semaphore, #tpu.memory_space<semaphore_mem>> -> memref<!tpu.dma_semaphore, #tpu.memory_space<semaphore_mem>>
    %dma_wait3A_605 = arith.constant 0 : i32
    %dma_wait3A_606 = tpu.memref_slice %arg12[%mul3A_4, %dma_wait3A_605] : memref<10240x128xf32, #tpu.memory_space<vmem_shared>> -> memref<16x128xf32, #tpu.memory_space<vmem_shared>>
    tpu.wait_dma2 semaphore(%dma_wait3A_604 : memref<!tpu.dma_semaphore, #tpu.memory_space<semaphore_mem>>) src(%arg11 : memref<16x128xf32, #tpu.memory_space<vmem>>) dst(%dma_wait3A_606 : memref<16x128xf32, #tpu.memory_space<vmem_shared>>)
    %dma_wait3A_607 = arith.constant 18 : i32
    %dma_wait3A_608 = arith.constant 0 : i32
    %dma_wait3A_609 = tpu.memref_slice %arg12[%mul3A_4, %dma_wait3A_608] : memref<10240x128xf32, #tpu.memory_space<vmem_shared>> -> memref<16x128xf32, #tpu.memory_space<vmem_shared>>
    %dma_wait3A_610 = tpu.memref_slice %arg13[%dma_wait3A_607] : memref<19x!tpu.dma_semaphore, #tpu.memory_space<semaphore_mem>> -> memref<1x!tpu.dma_semaphore, #tpu.memory_space<semaphore_mem>>
    %dma_wait3A_611 = tpu.memref_squeeze %dma_wait3A_610 : memref<1x!tpu.dma_semaphore, #tpu.memory_space<semaphore_mem>> -> memref<!tpu.dma_semaphore, #tpu.memory_space<semaphore_mem>>
    %dma_wait3A_612 = arith.constant 0 : i32
    %dma_wait3A_613 = tpu.memref_slice %arg12[%mul3A_4, %dma_wait3A_612] : memref<10240x128xf32, #tpu.memory_space<vmem_shared>> -> memref<16x128xf32, #tpu.memory_space<vmem_shared>>
    tpu.wait_dma2 semaphore(%dma_wait3A_611 : memref<!tpu.dma_semaphore, #tpu.memory_space<semaphore_mem>>) src(%arg11 : memref<16x128xf32, #tpu.memory_space<vmem>>) dst(%dma_wait3A_613 : memref<16x128xf32, #tpu.memory_space<vmem_shared>>)
    %dma_wait3A_614 = arith.constant 18 : i32
    %dma_wait3A_615 = arith.constant 0 : i32
    %dma_wait3A_616 = tpu.memref_slice %arg12[%mul3A_4, %dma_wait3A_615] : memref<10240x128xf32, #tpu.memory_space<vmem_shared>> -> memref<16x128xf32, #tpu.memory_space<vmem_shared>>
    %dma_wait3A_617 = tpu.memref_slice %arg13[%dma_wait3A_614] : memref<19x!tpu.dma_semaphore, #tpu.memory_space<semaphore_mem>> -> memref<1x!tpu.dma_semaphore, #tpu.memory_space<semaphore_mem>>
    %dma_wait3A_618 = tpu.memref_squeeze %dma_wait3A_617 : memref<1x!tpu.dma_semaphore, #tpu.memory_space<semaphore_mem>> -> memref<!tpu.dma_semaphore, #tpu.memory_space<semaphore_mem>>
    %dma_wait3A_619 = arith.constant 0 : i32
    %dma_wait3A_620 = tpu.memref_slice %arg12[%mul3A_4, %dma_wait3A_619] : memref<10240x128xf32, #tpu.memory_space<vmem_shared>> -> memref<16x128xf32, #tpu.memory_space<vmem_shared>>
    tpu.wait_dma2 semaphore(%dma_wait3A_618 : memref<!tpu.dma_semaphore, #tpu.memory_space<semaphore_mem>>) src(%arg11 : memref<16x128xf32, #tpu.memory_space<vmem>>) dst(%dma_wait3A_620 : memref<16x128xf32, #tpu.memory_space<vmem_shared>>)
    %dma_wait3A_621 = arith.constant 18 : i32
    %dma_wait3A_622 = arith.constant 0 : i32
    %dma_wait3A_623 = tpu.memref_slice %arg12[%mul3A_4, %dma_wait3A_622] : memref<10240x128xf32, #tpu.memory_space<vmem_shared>> -> memref<16x128xf32, #tpu.memory_space<vmem_shared>>
    %dma_wait3A_624 = tpu.memref_slice %arg13[%dma_wait3A_621] : memref<19x!tpu.dma_semaphore, #tpu.memory_space<semaphore_mem>> -> memref<1x!tpu.dma_semaphore, #tpu.memory_space<semaphore_mem>>
    %dma_wait3A_625 = tpu.memref_squeeze %dma_wait3A_624 : memref<1x!tpu.dma_semaphore, #tpu.memory_space<semaphore_mem>> -> memref<!tpu.dma_semaphore, #tpu.memory_space<semaphore_mem>>
    %dma_wait3A_626 = arith.constant 0 : i32
    %dma_wait3A_627 = tpu.memref_slice %arg12[%mul3A_4, %dma_wait3A_626] : memref<10240x128xf32, #tpu.memory_space<vmem_shared>> -> memref<16x128xf32, #tpu.memory_space<vmem_shared>>
    tpu.wait_dma2 semaphore(%dma_wait3A_625 : memref<!tpu.dma_semaphore, #tpu.memory_space<semaphore_mem>>) src(%arg11 : memref<16x128xf32, #tpu.memory_space<vmem>>) dst(%dma_wait3A_627 : memref<16x128xf32, #tpu.memory_space<vmem_shared>>)
    %dma_wait3A_628 = arith.constant 18 : i32
    %dma_wait3A_629 = arith.constant 0 : i32
    %dma_wait3A_630 = tpu.memref_slice %arg12[%mul3A_4, %dma_wait3A_629] : memref<10240x128xf32, #tpu.memory_space<vmem_shared>> -> memref<16x128xf32, #tpu.memory_space<vmem_shared>>
    %dma_wait3A_631 = tpu.memref_slice %arg13[%dma_wait3A_628] : memref<19x!tpu.dma_semaphore, #tpu.memory_space<semaphore_mem>> -> memref<1x!tpu.dma_semaphore, #tpu.memory_space<semaphore_mem>>
    %dma_wait3A_632 = tpu.memref_squeeze %dma_wait3A_631 : memref<1x!tpu.dma_semaphore, #tpu.memory_space<semaphore_mem>> -> memref<!tpu.dma_semaphore, #tpu.memory_space<semaphore_mem>>
    %dma_wait3A_633 = arith.constant 0 : i32
    %dma_wait3A_634 = tpu.memref_slice %arg12[%mul3A_4, %dma_wait3A_633] : memref<10240x128xf32, #tpu.memory_space<vmem_shared>> -> memref<16x128xf32, #tpu.memory_space<vmem_shared>>
    tpu.wait_dma2 semaphore(%dma_wait3A_632 : memref<!tpu.dma_semaphore, #tpu.memory_space<semaphore_mem>>) src(%arg11 : memref<16x128xf32, #tpu.memory_space<vmem>>) dst(%dma_wait3A_634 : memref<16x128xf32, #tpu.memory_space<vmem_shared>>)
    %dma_wait3A_635 = arith.constant 18 : i32
    %dma_wait3A_636 = arith.constant 0 : i32
    %dma_wait3A_637 = tpu.memref_slice %arg12[%mul3A_4, %dma_wait3A_636] : memref<10240x128xf32, #tpu.memory_space<vmem_shared>> -> memref<16x128xf32, #tpu.memory_space<vmem_shared>>
    %dma_wait3A_638 = tpu.memref_slice %arg13[%dma_wait3A_635] : memref<19x!tpu.dma_semaphore, #tpu.memory_space<semaphore_mem>> -> memref<1x!tpu.dma_semaphore, #tpu.memory_space<semaphore_mem>>
    %dma_wait3A_639 = tpu.memref_squeeze %dma_wait3A_638 : memref<1x!tpu.dma_semaphore, #tpu.memory_space<semaphore_mem>> -> memref<!tpu.dma_semaphore, #tpu.memory_space<semaphore_mem>>
    %dma_wait3A_640 = arith.constant 0 : i32
    %dma_wait3A_641 = tpu.memref_slice %arg12[%mul3A_4, %dma_wait3A_640] : memref<10240x128xf32, #tpu.memory_space<vmem_shared>> -> memref<16x128xf32, #tpu.memory_space<vmem_shared>>
    tpu.wait_dma2 semaphore(%dma_wait3A_639 : memref<!tpu.dma_semaphore, #tpu.memory_space<semaphore_mem>>) src(%arg11 : memref<16x128xf32, #tpu.memory_space<vmem>>) dst(%dma_wait3A_641 : memref<16x128xf32, #tpu.memory_space<vmem_shared>>)
    %dma_wait3A_642 = arith.constant 18 : i32
    %dma_wait3A_643 = arith.constant 0 : i32
    %dma_wait3A_644 = tpu.memref_slice %arg12[%mul3A_4, %dma_wait3A_643] : memref<10240x128xf32, #tpu.memory_space<vmem_shared>> -> memref<16x128xf32, #tpu.memory_space<vmem_shared>>
    %dma_wait3A_645 = tpu.memref_slice %arg13[%dma_wait3A_642] : memref<19x!tpu.dma_semaphore, #tpu.memory_space<semaphore_mem>> -> memref<1x!tpu.dma_semaphore, #tpu.memory_space<semaphore_mem>>
    %dma_wait3A_646 = tpu.memref_squeeze %dma_wait3A_645 : memref<1x!tpu.dma_semaphore, #tpu.memory_space<semaphore_mem>> -> memref<!tpu.dma_semaphore, #tpu.memory_space<semaphore_mem>>
    %dma_wait3A_647 = arith.constant 0 : i32
    %dma_wait3A_648 = tpu.memref_slice %arg12[%mul3A_4, %dma_wait3A_647] : memref<10240x128xf32, #tpu.memory_space<vmem_shared>> -> memref<16x128xf32, #tpu.memory_space<vmem_shared>>
    tpu.wait_dma2 semaphore(%dma_wait3A_646 : memref<!tpu.dma_semaphore, #tpu.memory_space<semaphore_mem>>) src(%arg11 : memref<16x128xf32, #tpu.memory_space<vmem>>) dst(%dma_wait3A_648 : memref<16x128xf32, #tpu.memory_space<vmem_shared>>)
    %dma_wait3A_649 = arith.constant 18 : i32
    %dma_wait3A_650 = arith.constant 0 : i32
    %dma_wait3A_651 = tpu.memref_slice %arg12[%mul3A_4, %dma_wait3A_650] : memref<10240x128xf32, #tpu.memory_space<vmem_shared>> -> memref<16x128xf32, #tpu.memory_space<vmem_shared>>
    %dma_wait3A_652 = tpu.memref_slice %arg13[%dma_wait3A_649] : memref<19x!tpu.dma_semaphore, #tpu.memory_space<semaphore_mem>> -> memref<1x!tpu.dma_semaphore, #tpu.memory_space<semaphore_mem>>
    %dma_wait3A_653 = tpu.memref_squeeze %dma_wait3A_652 : memref<1x!tpu.dma_semaphore, #tpu.memory_space<semaphore_mem>> -> memref<!tpu.dma_semaphore, #tpu.memory_space<semaphore_mem>>
    %dma_wait3A_654 = arith.constant 0 : i32
    %dma_wait3A_655 = tpu.memref_slice %arg12[%mul3A_4, %dma_wait3A_654] : memref<10240x128xf32, #tpu.memory_space<vmem_shared>> -> memref<16x128xf32, #tpu.memory_space<vmem_shared>>
    tpu.wait_dma2 semaphore(%dma_wait3A_653 : memref<!tpu.dma_semaphore, #tpu.memory_space<semaphore_mem>>) src(%arg11 : memref<16x128xf32, #tpu.memory_space<vmem>>) dst(%dma_wait3A_655 : memref<16x128xf32, #tpu.memory_space<vmem_shared>>)
    %dma_wait3A_656 = arith.constant 18 : i32
    %dma_wait3A_657 = arith.constant 0 : i32
    %dma_wait3A_658 = tpu.memref_slice %arg12[%mul3A_4, %dma_wait3A_657] : memref<10240x128xf32, #tpu.memory_space<vmem_shared>> -> memref<16x128xf32, #tpu.memory_space<vmem_shared>>
    %dma_wait3A_659 = tpu.memref_slice %arg13[%dma_wait3A_656] : memref<19x!tpu.dma_semaphore, #tpu.memory_space<semaphore_mem>> -> memref<1x!tpu.dma_semaphore, #tpu.memory_space<semaphore_mem>>
    %dma_wait3A_660 = tpu.memref_squeeze %dma_wait3A_659 : memref<1x!tpu.dma_semaphore, #tpu.memory_space<semaphore_mem>> -> memref<!tpu.dma_semaphore, #tpu.memory_space<semaphore_mem>>
    %dma_wait3A_661 = arith.constant 0 : i32
    %dma_wait3A_662 = tpu.memref_slice %arg12[%mul3A_4, %dma_wait3A_661] : memref<10240x128xf32, #tpu.memory_space<vmem_shared>> -> memref<16x128xf32, #tpu.memory_space<vmem_shared>>
    tpu.wait_dma2 semaphore(%dma_wait3A_660 : memref<!tpu.dma_semaphore, #tpu.memory_space<semaphore_mem>>) src(%arg11 : memref<16x128xf32, #tpu.memory_space<vmem>>) dst(%dma_wait3A_662 : memref<16x128xf32, #tpu.memory_space<vmem_shared>>)
    %dma_wait3A_663 = arith.constant 18 : i32
    %dma_wait3A_664 = arith.constant 0 : i32
    %dma_wait3A_665 = tpu.memref_slice %arg12[%mul3A_4, %dma_wait3A_664] : memref<10240x128xf32, #tpu.memory_space<vmem_shared>> -> memref<16x128xf32, #tpu.memory_space<vmem_shared>>
    %dma_wait3A_666 = tpu.memref_slice %arg13[%dma_wait3A_663] : memref<19x!tpu.dma_semaphore, #tpu.memory_space<semaphore_mem>> -> memref<1x!tpu.dma_semaphore, #tpu.memory_space<semaphore_mem>>
    %dma_wait3A_667 = tpu.memref_squeeze %dma_wait3A_666 : memref<1x!tpu.dma_semaphore, #tpu.memory_space<semaphore_mem>> -> memref<!tpu.dma_semaphore, #tpu.memory_space<semaphore_mem>>
    %dma_wait3A_668 = arith.constant 0 : i32
    %dma_wait3A_669 = tpu.memref_slice %arg12[%mul3A_4, %dma_wait3A_668] : memref<10240x128xf32, #tpu.memory_space<vmem_shared>> -> memref<16x128xf32, #tpu.memory_space<vmem_shared>>
    tpu.wait_dma2 semaphore(%dma_wait3A_667 : memref<!tpu.dma_semaphore, #tpu.memory_space<semaphore_mem>>) src(%arg11 : memref<16x128xf32, #tpu.memory_space<vmem>>) dst(%dma_wait3A_669 : memref<16x128xf32, #tpu.memory_space<vmem_shared>>)
    %dma_wait3A_670 = arith.constant 18 : i32
    %dma_wait3A_671 = arith.constant 0 : i32
    %dma_wait3A_672 = tpu.memref_slice %arg12[%mul3A_4, %dma_wait3A_671] : memref<10240x128xf32, #tpu.memory_space<vmem_shared>> -> memref<16x128xf32, #tpu.memory_space<vmem_shared>>
    %dma_wait3A_673 = tpu.memref_slice %arg13[%dma_wait3A_670] : memref<19x!tpu.dma_semaphore, #tpu.memory_space<semaphore_mem>> -> memref<1x!tpu.dma_semaphore, #tpu.memory_space<semaphore_mem>>
    %dma_wait3A_674 = tpu.memref_squeeze %dma_wait3A_673 : memref<1x!tpu.dma_semaphore, #tpu.memory_space<semaphore_mem>> -> memref<!tpu.dma_semaphore, #tpu.memory_space<semaphore_mem>>
    %dma_wait3A_675 = arith.constant 0 : i32
    %dma_wait3A_676 = tpu.memref_slice %arg12[%mul3A_4, %dma_wait3A_675] : memref<10240x128xf32, #tpu.memory_space<vmem_shared>> -> memref<16x128xf32, #tpu.memory_space<vmem_shared>>
    tpu.wait_dma2 semaphore(%dma_wait3A_674 : memref<!tpu.dma_semaphore, #tpu.memory_space<semaphore_mem>>) src(%arg11 : memref<16x128xf32, #tpu.memory_space<vmem>>) dst(%dma_wait3A_676 : memref<16x128xf32, #tpu.memory_space<vmem_shared>>)
    %dma_wait3A_677 = arith.constant 18 : i32
    %dma_wait3A_678 = arith.constant 0 : i32
    %dma_wait3A_679 = tpu.memref_slice %arg12[%mul3A_4, %dma_wait3A_678] : memref<10240x128xf32, #tpu.memory_space<vmem_shared>> -> memref<16x128xf32, #tpu.memory_space<vmem_shared>>
    %dma_wait3A_680 = tpu.memref_slice %arg13[%dma_wait3A_677] : memref<19x!tpu.dma_semaphore, #tpu.memory_space<semaphore_mem>> -> memref<1x!tpu.dma_semaphore, #tpu.memory_space<semaphore_mem>>
    %dma_wait3A_681 = tpu.memref_squeeze %dma_wait3A_680 : memref<1x!tpu.dma_semaphore, #tpu.memory_space<semaphore_mem>> -> memref<!tpu.dma_semaphore, #tpu.memory_space<semaphore_mem>>
    %dma_wait3A_682 = arith.constant 0 : i32
    %dma_wait3A_683 = tpu.memref_slice %arg12[%mul3A_4, %dma_wait3A_682] : memref<10240x128xf32, #tpu.memory_space<vmem_shared>> -> memref<16x128xf32, #tpu.memory_space<vmem_shared>>
    tpu.wait_dma2 semaphore(%dma_wait3A_681 : memref<!tpu.dma_semaphore, #tpu.memory_space<semaphore_mem>>) src(%arg11 : memref<16x128xf32, #tpu.memory_space<vmem>>) dst(%dma_wait3A_683 : memref<16x128xf32, #tpu.memory_space<vmem_shared>>)
    %dma_wait3A_684 = arith.constant 18 : i32
    %dma_wait3A_685 = arith.constant 0 : i32
    %dma_wait3A_686 = tpu.memref_slice %arg12[%mul3A_4, %dma_wait3A_685] : memref<10240x128xf32, #tpu.memory_space<vmem_shared>> -> memref<16x128xf32, #tpu.memory_space<vmem_shared>>
    %dma_wait3A_687 = tpu.memref_slice %arg13[%dma_wait3A_684] : memref<19x!tpu.dma_semaphore, #tpu.memory_space<semaphore_mem>> -> memref<1x!tpu.dma_semaphore, #tpu.memory_space<semaphore_mem>>
    %dma_wait3A_688 = tpu.memref_squeeze %dma_wait3A_687 : memref<1x!tpu.dma_semaphore, #tpu.memory_space<semaphore_mem>> -> memref<!tpu.dma_semaphore, #tpu.memory_space<semaphore_mem>>
    %dma_wait3A_689 = arith.constant 0 : i32
    %dma_wait3A_690 = tpu.memref_slice %arg12[%mul3A_4, %dma_wait3A_689] : memref<10240x128xf32, #tpu.memory_space<vmem_shared>> -> memref<16x128xf32, #tpu.memory_space<vmem_shared>>
    tpu.wait_dma2 semaphore(%dma_wait3A_688 : memref<!tpu.dma_semaphore, #tpu.memory_space<semaphore_mem>>) src(%arg11 : memref<16x128xf32, #tpu.memory_space<vmem>>) dst(%dma_wait3A_690 : memref<16x128xf32, #tpu.memory_space<vmem_shared>>)
    %dma_wait3A_691 = arith.constant 18 : i32
    %dma_wait3A_692 = arith.constant 0 : i32
    %dma_wait3A_693 = tpu.memref_slice %arg12[%mul3A_4, %dma_wait3A_692] : memref<10240x128xf32, #tpu.memory_space<vmem_shared>> -> memref<16x128xf32, #tpu.memory_space<vmem_shared>>
    %dma_wait3A_694 = tpu.memref_slice %arg13[%dma_wait3A_691] : memref<19x!tpu.dma_semaphore, #tpu.memory_space<semaphore_mem>> -> memref<1x!tpu.dma_semaphore, #tpu.memory_space<semaphore_mem>>
    %dma_wait3A_695 = tpu.memref_squeeze %dma_wait3A_694 : memref<1x!tpu.dma_semaphore, #tpu.memory_space<semaphore_mem>> -> memref<!tpu.dma_semaphore, #tpu.memory_space<semaphore_mem>>
    %dma_wait3A_696 = arith.constant 0 : i32
    %dma_wait3A_697 = tpu.memref_slice %arg12[%mul3A_4, %dma_wait3A_696] : memref<10240x128xf32, #tpu.memory_space<vmem_shared>> -> memref<16x128xf32, #tpu.memory_space<vmem_shared>>
    tpu.wait_dma2 semaphore(%dma_wait3A_695 : memref<!tpu.dma_semaphore, #tpu.memory_space<semaphore_mem>>) src(%arg11 : memref<16x128xf32, #tpu.memory_space<vmem>>) dst(%dma_wait3A_697 : memref<16x128xf32, #tpu.memory_space<vmem_shared>>)
    %dma_wait3A_698 = arith.constant 18 : i32
    %dma_wait3A_699 = arith.constant 0 : i32
    %dma_wait3A_700 = tpu.memref_slice %arg12[%mul3A_4, %dma_wait3A_699] : memref<10240x128xf32, #tpu.memory_space<vmem_shared>> -> memref<16x128xf32, #tpu.memory_space<vmem_shared>>
    %dma_wait3A_701 = tpu.memref_slice %arg13[%dma_wait3A_698] : memref<19x!tpu.dma_semaphore, #tpu.memory_space<semaphore_mem>> -> memref<1x!tpu.dma_semaphore, #tpu.memory_space<semaphore_mem>>
    %dma_wait3A_702 = tpu.memref_squeeze %dma_wait3A_701 : memref<1x!tpu.dma_semaphore, #tpu.memory_space<semaphore_mem>> -> memref<!tpu.dma_semaphore, #tpu.memory_space<semaphore_mem>>
    %dma_wait3A_703 = arith.constant 0 : i32
    %dma_wait3A_704 = tpu.memref_slice %arg12[%mul3A_4, %dma_wait3A_703] : memref<10240x128xf32, #tpu.memory_space<vmem_shared>> -> memref<16x128xf32, #tpu.memory_space<vmem_shared>>
    tpu.wait_dma2 semaphore(%dma_wait3A_702 : memref<!tpu.dma_semaphore, #tpu.memory_space<semaphore_mem>>) src(%arg11 : memref<16x128xf32, #tpu.memory_space<vmem>>) dst(%dma_wait3A_704 : memref<16x128xf32, #tpu.memory_space<vmem_shared>>)
    %dma_wait3A_705 = arith.constant 18 : i32
    %dma_wait3A_706 = arith.constant 0 : i32
    %dma_wait3A_707 = tpu.memref_slice %arg12[%mul3A_4, %dma_wait3A_706] : memref<10240x128xf32, #tpu.memory_space<vmem_shared>> -> memref<16x128xf32, #tpu.memory_space<vmem_shared>>
    %dma_wait3A_708 = tpu.memref_slice %arg13[%dma_wait3A_705] : memref<19x!tpu.dma_semaphore, #tpu.memory_space<semaphore_mem>> -> memref<1x!tpu.dma_semaphore, #tpu.memory_space<semaphore_mem>>
    %dma_wait3A_709 = tpu.memref_squeeze %dma_wait3A_708 : memref<1x!tpu.dma_semaphore, #tpu.memory_space<semaphore_mem>> -> memref<!tpu.dma_semaphore, #tpu.memory_space<semaphore_mem>>
    %dma_wait3A_710 = arith.constant 0 : i32
    %dma_wait3A_711 = tpu.memref_slice %arg12[%mul3A_4, %dma_wait3A_710] : memref<10240x128xf32, #tpu.memory_space<vmem_shared>> -> memref<16x128xf32, #tpu.memory_space<vmem_shared>>
    tpu.wait_dma2 semaphore(%dma_wait3A_709 : memref<!tpu.dma_semaphore, #tpu.memory_space<semaphore_mem>>) src(%arg11 : memref<16x128xf32, #tpu.memory_space<vmem>>) dst(%dma_wait3A_711 : memref<16x128xf32, #tpu.memory_space<vmem_shared>>)
    %dma_wait3A_712 = arith.constant 18 : i32
    %dma_wait3A_713 = arith.constant 0 : i32
    %dma_wait3A_714 = tpu.memref_slice %arg12[%mul3A_4, %dma_wait3A_713] : memref<10240x128xf32, #tpu.memory_space<vmem_shared>> -> memref<16x128xf32, #tpu.memory_space<vmem_shared>>
    %dma_wait3A_715 = tpu.memref_slice %arg13[%dma_wait3A_712] : memref<19x!tpu.dma_semaphore, #tpu.memory_space<semaphore_mem>> -> memref<1x!tpu.dma_semaphore, #tpu.memory_space<semaphore_mem>>
    %dma_wait3A_716 = tpu.memref_squeeze %dma_wait3A_715 : memref<1x!tpu.dma_semaphore, #tpu.memory_space<semaphore_mem>> -> memref<!tpu.dma_semaphore, #tpu.memory_space<semaphore_mem>>
    %dma_wait3A_717 = arith.constant 0 : i32
    %dma_wait3A_718 = tpu.memref_slice %arg12[%mul3A_4, %dma_wait3A_717] : memref<10240x128xf32, #tpu.memory_space<vmem_shared>> -> memref<16x128xf32, #tpu.memory_space<vmem_shared>>
    tpu.wait_dma2 semaphore(%dma_wait3A_716 : memref<!tpu.dma_semaphore, #tpu.memory_space<semaphore_mem>>) src(%arg11 : memref<16x128xf32, #tpu.memory_space<vmem>>) dst(%dma_wait3A_718 : memref<16x128xf32, #tpu.memory_space<vmem_shared>>)
    %dma_wait3A_719 = arith.constant 18 : i32
    %dma_wait3A_720 = arith.constant 0 : i32
    %dma_wait3A_721 = tpu.memref_slice %arg12[%mul3A_4, %dma_wait3A_720] : memref<10240x128xf32, #tpu.memory_space<vmem_shared>> -> memref<16x128xf32, #tpu.memory_space<vmem_shared>>
    %dma_wait3A_722 = tpu.memref_slice %arg13[%dma_wait3A_719] : memref<19x!tpu.dma_semaphore, #tpu.memory_space<semaphore_mem>> -> memref<1x!tpu.dma_semaphore, #tpu.memory_space<semaphore_mem>>
    %dma_wait3A_723 = tpu.memref_squeeze %dma_wait3A_722 : memref<1x!tpu.dma_semaphore, #tpu.memory_space<semaphore_mem>> -> memref<!tpu.dma_semaphore, #tpu.memory_space<semaphore_mem>>
    %dma_wait3A_724 = arith.constant 0 : i32
    %dma_wait3A_725 = tpu.memref_slice %arg12[%mul3A_4, %dma_wait3A_724] : memref<10240x128xf32, #tpu.memory_space<vmem_shared>> -> memref<16x128xf32, #tpu.memory_space<vmem_shared>>
    tpu.wait_dma2 semaphore(%dma_wait3A_723 : memref<!tpu.dma_semaphore, #tpu.memory_space<semaphore_mem>>) src(%arg11 : memref<16x128xf32, #tpu.memory_space<vmem>>) dst(%dma_wait3A_725 : memref<16x128xf32, #tpu.memory_space<vmem_shared>>)
    %dma_wait3A_726 = arith.constant 18 : i32
    %dma_wait3A_727 = arith.constant 0 : i32
    %dma_wait3A_728 = tpu.memref_slice %arg12[%mul3A_4, %dma_wait3A_727] : memref<10240x128xf32, #tpu.memory_space<vmem_shared>> -> memref<16x128xf32, #tpu.memory_space<vmem_shared>>
    %dma_wait3A_729 = tpu.memref_slice %arg13[%dma_wait3A_726] : memref<19x!tpu.dma_semaphore, #tpu.memory_space<semaphore_mem>> -> memref<1x!tpu.dma_semaphore, #tpu.memory_space<semaphore_mem>>
    %dma_wait3A_730 = tpu.memref_squeeze %dma_wait3A_729 : memref<1x!tpu.dma_semaphore, #tpu.memory_space<semaphore_mem>> -> memref<!tpu.dma_semaphore, #tpu.memory_space<semaphore_mem>>
    %dma_wait3A_731 = arith.constant 0 : i32
    %dma_wait3A_732 = tpu.memref_slice %arg12[%mul3A_4, %dma_wait3A_731] : memref<10240x128xf32, #tpu.memory_space<vmem_shared>> -> memref<16x128xf32, #tpu.memory_space<vmem_shared>>
    tpu.wait_dma2 semaphore(%dma_wait3A_730 : memref<!tpu.dma_semaphore, #tpu.memory_space<semaphore_mem>>) src(%arg11 : memref<16x128xf32, #tpu.memory_space<vmem>>) dst(%dma_wait3A_732 : memref<16x128xf32, #tpu.memory_space<vmem_shared>>)
    %dma_wait3A_733 = arith.constant 18 : i32
    %dma_wait3A_734 = arith.constant 0 : i32
    %dma_wait3A_735 = tpu.memref_slice %arg12[%mul3A_4, %dma_wait3A_734] : memref<10240x128xf32, #tpu.memory_space<vmem_shared>> -> memref<16x128xf32, #tpu.memory_space<vmem_shared>>
    %dma_wait3A_736 = tpu.memref_slice %arg13[%dma_wait3A_733] : memref<19x!tpu.dma_semaphore, #tpu.memory_space<semaphore_mem>> -> memref<1x!tpu.dma_semaphore, #tpu.memory_space<semaphore_mem>>
    %dma_wait3A_737 = tpu.memref_squeeze %dma_wait3A_736 : memref<1x!tpu.dma_semaphore, #tpu.memory_space<semaphore_mem>> -> memref<!tpu.dma_semaphore, #tpu.memory_space<semaphore_mem>>
    %dma_wait3A_738 = arith.constant 0 : i32
    %dma_wait3A_739 = tpu.memref_slice %arg12[%mul3A_4, %dma_wait3A_738] : memref<10240x128xf32, #tpu.memory_space<vmem_shared>> -> memref<16x128xf32, #tpu.memory_space<vmem_shared>>
    tpu.wait_dma2 semaphore(%dma_wait3A_737 : memref<!tpu.dma_semaphore, #tpu.memory_space<semaphore_mem>>) src(%arg11 : memref<16x128xf32, #tpu.memory_space<vmem>>) dst(%dma_wait3A_739 : memref<16x128xf32, #tpu.memory_space<vmem_shared>>)
    %dma_wait3A_740 = arith.constant 18 : i32
    %dma_wait3A_741 = arith.constant 0 : i32
    %dma_wait3A_742 = tpu.memref_slice %arg12[%mul3A_4, %dma_wait3A_741] : memref<10240x128xf32, #tpu.memory_space<vmem_shared>> -> memref<16x128xf32, #tpu.memory_space<vmem_shared>>
    %dma_wait3A_743 = tpu.memref_slice %arg13[%dma_wait3A_740] : memref<19x!tpu.dma_semaphore, #tpu.memory_space<semaphore_mem>> -> memref<1x!tpu.dma_semaphore, #tpu.memory_space<semaphore_mem>>
    %dma_wait3A_744 = tpu.memref_squeeze %dma_wait3A_743 : memref<1x!tpu.dma_semaphore, #tpu.memory_space<semaphore_mem>> -> memref<!tpu.dma_semaphore, #tpu.memory_space<semaphore_mem>>
    %dma_wait3A_745 = arith.constant 0 : i32
    %dma_wait3A_746 = tpu.memref_slice %arg12[%mul3A_4, %dma_wait3A_745] : memref<10240x128xf32, #tpu.memory_space<vmem_shared>> -> memref<16x128xf32, #tpu.memory_space<vmem_shared>>
    tpu.wait_dma2 semaphore(%dma_wait3A_744 : memref<!tpu.dma_semaphore, #tpu.memory_space<semaphore_mem>>) src(%arg11 : memref<16x128xf32, #tpu.memory_space<vmem>>) dst(%dma_wait3A_746 : memref<16x128xf32, #tpu.memory_space<vmem_shared>>)
    %dma_wait3A_747 = arith.constant 18 : i32
    %dma_wait3A_748 = arith.constant 0 : i32
    %dma_wait3A_749 = tpu.memref_slice %arg12[%mul3A_4, %dma_wait3A_748] : memref<10240x128xf32, #tpu.memory_space<vmem_shared>> -> memref<16x128xf32, #tpu.memory_space<vmem_shared>>
    %dma_wait3A_750 = tpu.memref_slice %arg13[%dma_wait3A_747] : memref<19x!tpu.dma_semaphore, #tpu.memory_space<semaphore_mem>> -> memref<1x!tpu.dma_semaphore, #tpu.memory_space<semaphore_mem>>
    %dma_wait3A_751 = tpu.memref_squeeze %dma_wait3A_750 : memref<1x!tpu.dma_semaphore, #tpu.memory_space<semaphore_mem>> -> memref<!tpu.dma_semaphore, #tpu.memory_space<semaphore_mem>>
    %dma_wait3A_752 = arith.constant 0 : i32
    %dma_wait3A_753 = tpu.memref_slice %arg12[%mul3A_4, %dma_wait3A_752] : memref<10240x128xf32, #tpu.memory_space<vmem_shared>> -> memref<16x128xf32, #tpu.memory_space<vmem_shared>>
    tpu.wait_dma2 semaphore(%dma_wait3A_751 : memref<!tpu.dma_semaphore, #tpu.memory_space<semaphore_mem>>) src(%arg11 : memref<16x128xf32, #tpu.memory_space<vmem>>) dst(%dma_wait3A_753 : memref<16x128xf32, #tpu.memory_space<vmem_shared>>)
    %dma_wait3A_754 = arith.constant 18 : i32
    %dma_wait3A_755 = arith.constant 0 : i32
    %dma_wait3A_756 = tpu.memref_slice %arg12[%mul3A_4, %dma_wait3A_755] : memref<10240x128xf32, #tpu.memory_space<vmem_shared>> -> memref<16x128xf32, #tpu.memory_space<vmem_shared>>
    %dma_wait3A_757 = tpu.memref_slice %arg13[%dma_wait3A_754] : memref<19x!tpu.dma_semaphore, #tpu.memory_space<semaphore_mem>> -> memref<1x!tpu.dma_semaphore, #tpu.memory_space<semaphore_mem>>
    %dma_wait3A_758 = tpu.memref_squeeze %dma_wait3A_757 : memref<1x!tpu.dma_semaphore, #tpu.memory_space<semaphore_mem>> -> memref<!tpu.dma_semaphore, #tpu.memory_space<semaphore_mem>>
    %dma_wait3A_759 = arith.constant 0 : i32
    %dma_wait3A_760 = tpu.memref_slice %arg12[%mul3A_4, %dma_wait3A_759] : memref<10240x128xf32, #tpu.memory_space<vmem_shared>> -> memref<16x128xf32, #tpu.memory_space<vmem_shared>>
    tpu.wait_dma2 semaphore(%dma_wait3A_758 : memref<!tpu.dma_semaphore, #tpu.memory_space<semaphore_mem>>) src(%arg11 : memref<16x128xf32, #tpu.memory_space<vmem>>) dst(%dma_wait3A_760 : memref<16x128xf32, #tpu.memory_space<vmem_shared>>)
    %dma_wait3A_761 = arith.constant 18 : i32
    %dma_wait3A_762 = arith.constant 0 : i32
    %dma_wait3A_763 = tpu.memref_slice %arg12[%mul3A_4, %dma_wait3A_762] : memref<10240x128xf32, #tpu.memory_space<vmem_shared>> -> memref<16x128xf32, #tpu.memory_space<vmem_shared>>
    %dma_wait3A_764 = tpu.memref_slice %arg13[%dma_wait3A_761] : memref<19x!tpu.dma_semaphore, #tpu.memory_space<semaphore_mem>> -> memref<1x!tpu.dma_semaphore, #tpu.memory_space<semaphore_mem>>
    %dma_wait3A_765 = tpu.memref_squeeze %dma_wait3A_764 : memref<1x!tpu.dma_semaphore, #tpu.memory_space<semaphore_mem>> -> memref<!tpu.dma_semaphore, #tpu.memory_space<semaphore_mem>>
    %dma_wait3A_766 = arith.constant 0 : i32
    %dma_wait3A_767 = tpu.memref_slice %arg12[%mul3A_4, %dma_wait3A_766] : memref<10240x128xf32, #tpu.memory_space<vmem_shared>> -> memref<16x128xf32, #tpu.memory_space<vmem_shared>>
    tpu.wait_dma2 semaphore(%dma_wait3A_765 : memref<!tpu.dma_semaphore, #tpu.memory_space<semaphore_mem>>) src(%arg11 : memref<16x128xf32, #tpu.memory_space<vmem>>) dst(%dma_wait3A_767 : memref<16x128xf32, #tpu.memory_space<vmem_shared>>)
    %dma_wait3A_768 = arith.constant 18 : i32
    %dma_wait3A_769 = arith.constant 0 : i32
    %dma_wait3A_770 = tpu.memref_slice %arg12[%mul3A_4, %dma_wait3A_769] : memref<10240x128xf32, #tpu.memory_space<vmem_shared>> -> memref<16x128xf32, #tpu.memory_space<vmem_shared>>
    %dma_wait3A_771 = tpu.memref_slice %arg13[%dma_wait3A_768] : memref<19x!tpu.dma_semaphore, #tpu.memory_space<semaphore_mem>> -> memref<1x!tpu.dma_semaphore, #tpu.memory_space<semaphore_mem>>
    %dma_wait3A_772 = tpu.memref_squeeze %dma_wait3A_771 : memref<1x!tpu.dma_semaphore, #tpu.memory_space<semaphore_mem>> -> memref<!tpu.dma_semaphore, #tpu.memory_space<semaphore_mem>>
    %dma_wait3A_773 = arith.constant 0 : i32
    %dma_wait3A_774 = tpu.memref_slice %arg12[%mul3A_4, %dma_wait3A_773] : memref<10240x128xf32, #tpu.memory_space<vmem_shared>> -> memref<16x128xf32, #tpu.memory_space<vmem_shared>>
    tpu.wait_dma2 semaphore(%dma_wait3A_772 : memref<!tpu.dma_semaphore, #tpu.memory_space<semaphore_mem>>) src(%arg11 : memref<16x128xf32, #tpu.memory_space<vmem>>) dst(%dma_wait3A_774 : memref<16x128xf32, #tpu.memory_space<vmem_shared>>)
    %dma_wait3A_775 = arith.constant 18 : i32
    %dma_wait3A_776 = arith.constant 0 : i32
    %dma_wait3A_777 = tpu.memref_slice %arg12[%mul3A_4, %dma_wait3A_776] : memref<10240x128xf32, #tpu.memory_space<vmem_shared>> -> memref<16x128xf32, #tpu.memory_space<vmem_shared>>
    %dma_wait3A_778 = tpu.memref_slice %arg13[%dma_wait3A_775] : memref<19x!tpu.dma_semaphore, #tpu.memory_space<semaphore_mem>> -> memref<1x!tpu.dma_semaphore, #tpu.memory_space<semaphore_mem>>
    %dma_wait3A_779 = tpu.memref_squeeze %dma_wait3A_778 : memref<1x!tpu.dma_semaphore, #tpu.memory_space<semaphore_mem>> -> memref<!tpu.dma_semaphore, #tpu.memory_space<semaphore_mem>>
    %dma_wait3A_780 = arith.constant 0 : i32
    %dma_wait3A_781 = tpu.memref_slice %arg12[%mul3A_4, %dma_wait3A_780] : memref<10240x128xf32, #tpu.memory_space<vmem_shared>> -> memref<16x128xf32, #tpu.memory_space<vmem_shared>>
    tpu.wait_dma2 semaphore(%dma_wait3A_779 : memref<!tpu.dma_semaphore, #tpu.memory_space<semaphore_mem>>) src(%arg11 : memref<16x128xf32, #tpu.memory_space<vmem>>) dst(%dma_wait3A_781 : memref<16x128xf32, #tpu.memory_space<vmem_shared>>)
    %dma_wait3A_782 = arith.constant 18 : i32
    %dma_wait3A_783 = arith.constant 0 : i32
    %dma_wait3A_784 = tpu.memref_slice %arg12[%mul3A_4, %dma_wait3A_783] : memref<10240x128xf32, #tpu.memory_space<vmem_shared>> -> memref<16x128xf32, #tpu.memory_space<vmem_shared>>
    %dma_wait3A_785 = tpu.memref_slice %arg13[%dma_wait3A_782] : memref<19x!tpu.dma_semaphore, #tpu.memory_space<semaphore_mem>> -> memref<1x!tpu.dma_semaphore, #tpu.memory_space<semaphore_mem>>
    %dma_wait3A_786 = tpu.memref_squeeze %dma_wait3A_785 : memref<1x!tpu.dma_semaphore, #tpu.memory_space<semaphore_mem>> -> memref<!tpu.dma_semaphore, #tpu.memory_space<semaphore_mem>>
    %dma_wait3A_787 = arith.constant 0 : i32
    %dma_wait3A_788 = tpu.memref_slice %arg12[%mul3A_4, %dma_wait3A_787] : memref<10240x128xf32, #tpu.memory_space<vmem_shared>> -> memref<16x128xf32, #tpu.memory_space<vmem_shared>>
    tpu.wait_dma2 semaphore(%dma_wait3A_786 : memref<!tpu.dma_semaphore, #tpu.memory_space<semaphore_mem>>) src(%arg11 : memref<16x128xf32, #tpu.memory_space<vmem>>) dst(%dma_wait3A_788 : memref<16x128xf32, #tpu.memory_space<vmem_shared>>)
    %dma_wait3A_789 = arith.constant 18 : i32
    %dma_wait3A_790 = arith.constant 0 : i32
    %dma_wait3A_791 = tpu.memref_slice %arg12[%mul3A_4, %dma_wait3A_790] : memref<10240x128xf32, #tpu.memory_space<vmem_shared>> -> memref<16x128xf32, #tpu.memory_space<vmem_shared>>
    %dma_wait3A_792 = tpu.memref_slice %arg13[%dma_wait3A_789] : memref<19x!tpu.dma_semaphore, #tpu.memory_space<semaphore_mem>> -> memref<1x!tpu.dma_semaphore, #tpu.memory_space<semaphore_mem>>
    %dma_wait3A_793 = tpu.memref_squeeze %dma_wait3A_792 : memref<1x!tpu.dma_semaphore, #tpu.memory_space<semaphore_mem>> -> memref<!tpu.dma_semaphore, #tpu.memory_space<semaphore_mem>>
    %dma_wait3A_794 = arith.constant 0 : i32
    %dma_wait3A_795 = tpu.memref_slice %arg12[%mul3A_4, %dma_wait3A_794] : memref<10240x128xf32, #tpu.memory_space<vmem_shared>> -> memref<16x128xf32, #tpu.memory_space<vmem_shared>>
    tpu.wait_dma2 semaphore(%dma_wait3A_793 : memref<!tpu.dma_semaphore, #tpu.memory_space<semaphore_mem>>) src(%arg11 : memref<16x128xf32, #tpu.memory_space<vmem>>) dst(%dma_wait3A_795 : memref<16x128xf32, #tpu.memory_space<vmem_shared>>)
    %dma_wait3A_796 = arith.constant 18 : i32
    %dma_wait3A_797 = arith.constant 0 : i32
    %dma_wait3A_798 = tpu.memref_slice %arg12[%mul3A_4, %dma_wait3A_797] : memref<10240x128xf32, #tpu.memory_space<vmem_shared>> -> memref<16x128xf32, #tpu.memory_space<vmem_shared>>
    %dma_wait3A_799 = tpu.memref_slice %arg13[%dma_wait3A_796] : memref<19x!tpu.dma_semaphore, #tpu.memory_space<semaphore_mem>> -> memref<1x!tpu.dma_semaphore, #tpu.memory_space<semaphore_mem>>
    %dma_wait3A_800 = tpu.memref_squeeze %dma_wait3A_799 : memref<1x!tpu.dma_semaphore, #tpu.memory_space<semaphore_mem>> -> memref<!tpu.dma_semaphore, #tpu.memory_space<semaphore_mem>>
    %dma_wait3A_801 = arith.constant 0 : i32
    %dma_wait3A_802 = tpu.memref_slice %arg12[%mul3A_4, %dma_wait3A_801] : memref<10240x128xf32, #tpu.memory_space<vmem_shared>> -> memref<16x128xf32, #tpu.memory_space<vmem_shared>>
    tpu.wait_dma2 semaphore(%dma_wait3A_800 : memref<!tpu.dma_semaphore, #tpu.memory_space<semaphore_mem>>) src(%arg11 : memref<16x128xf32, #tpu.memory_space<vmem>>) dst(%dma_wait3A_802 : memref<16x128xf32, #tpu.memory_space<vmem_shared>>)
    %dma_wait3A_803 = arith.constant 18 : i32
    %dma_wait3A_804 = arith.constant 0 : i32
    %dma_wait3A_805 = tpu.memref_slice %arg12[%mul3A_4, %dma_wait3A_804] : memref<10240x128xf32, #tpu.memory_space<vmem_shared>> -> memref<16x128xf32, #tpu.memory_space<vmem_shared>>
    %dma_wait3A_806 = tpu.memref_slice %arg13[%dma_wait3A_803] : memref<19x!tpu.dma_semaphore, #tpu.memory_space<semaphore_mem>> -> memref<1x!tpu.dma_semaphore, #tpu.memory_space<semaphore_mem>>
    %dma_wait3A_807 = tpu.memref_squeeze %dma_wait3A_806 : memref<1x!tpu.dma_semaphore, #tpu.memory_space<semaphore_mem>> -> memref<!tpu.dma_semaphore, #tpu.memory_space<semaphore_mem>>
    %dma_wait3A_808 = arith.constant 0 : i32
    %dma_wait3A_809 = tpu.memref_slice %arg12[%mul3A_4, %dma_wait3A_808] : memref<10240x128xf32, #tpu.memory_space<vmem_shared>> -> memref<16x128xf32, #tpu.memory_space<vmem_shared>>
    tpu.wait_dma2 semaphore(%dma_wait3A_807 : memref<!tpu.dma_semaphore, #tpu.memory_space<semaphore_mem>>) src(%arg11 : memref<16x128xf32, #tpu.memory_space<vmem>>) dst(%dma_wait3A_809 : memref<16x128xf32, #tpu.memory_space<vmem_shared>>)
    %dma_wait3A_810 = arith.constant 18 : i32
    %dma_wait3A_811 = arith.constant 0 : i32
    %dma_wait3A_812 = tpu.memref_slice %arg12[%mul3A_4, %dma_wait3A_811] : memref<10240x128xf32, #tpu.memory_space<vmem_shared>> -> memref<16x128xf32, #tpu.memory_space<vmem_shared>>
    %dma_wait3A_813 = tpu.memref_slice %arg13[%dma_wait3A_810] : memref<19x!tpu.dma_semaphore, #tpu.memory_space<semaphore_mem>> -> memref<1x!tpu.dma_semaphore, #tpu.memory_space<semaphore_mem>>
    %dma_wait3A_814 = tpu.memref_squeeze %dma_wait3A_813 : memref<1x!tpu.dma_semaphore, #tpu.memory_space<semaphore_mem>> -> memref<!tpu.dma_semaphore, #tpu.memory_space<semaphore_mem>>
    %dma_wait3A_815 = arith.constant 0 : i32
    %dma_wait3A_816 = tpu.memref_slice %arg12[%mul3A_4, %dma_wait3A_815] : memref<10240x128xf32, #tpu.memory_space<vmem_shared>> -> memref<16x128xf32, #tpu.memory_space<vmem_shared>>
    tpu.wait_dma2 semaphore(%dma_wait3A_814 : memref<!tpu.dma_semaphore, #tpu.memory_space<semaphore_mem>>) src(%arg11 : memref<16x128xf32, #tpu.memory_space<vmem>>) dst(%dma_wait3A_816 : memref<16x128xf32, #tpu.memory_space<vmem_shared>>)
    %dma_wait3A_817 = arith.constant 18 : i32
    %dma_wait3A_818 = arith.constant 0 : i32
    %dma_wait3A_819 = tpu.memref_slice %arg12[%mul3A_4, %dma_wait3A_818] : memref<10240x128xf32, #tpu.memory_space<vmem_shared>> -> memref<16x128xf32, #tpu.memory_space<vmem_shared>>
    %dma_wait3A_820 = tpu.memref_slice %arg13[%dma_wait3A_817] : memref<19x!tpu.dma_semaphore, #tpu.memory_space<semaphore_mem>> -> memref<1x!tpu.dma_semaphore, #tpu.memory_space<semaphore_mem>>
    %dma_wait3A_821 = tpu.memref_squeeze %dma_wait3A_820 : memref<1x!tpu.dma_semaphore, #tpu.memory_space<semaphore_mem>> -> memref<!tpu.dma_semaphore, #tpu.memory_space<semaphore_mem>>
    %dma_wait3A_822 = arith.constant 0 : i32
    %dma_wait3A_823 = tpu.memref_slice %arg12[%mul3A_4, %dma_wait3A_822] : memref<10240x128xf32, #tpu.memory_space<vmem_shared>> -> memref<16x128xf32, #tpu.memory_space<vmem_shared>>
    tpu.wait_dma2 semaphore(%dma_wait3A_821 : memref<!tpu.dma_semaphore, #tpu.memory_space<semaphore_mem>>) src(%arg11 : memref<16x128xf32, #tpu.memory_space<vmem>>) dst(%dma_wait3A_823 : memref<16x128xf32, #tpu.memory_space<vmem_shared>>)
    %dma_wait3A_824 = arith.constant 18 : i32
    %dma_wait3A_825 = arith.constant 0 : i32
    %dma_wait3A_826 = tpu.memref_slice %arg12[%mul3A_4, %dma_wait3A_825] : memref<10240x128xf32, #tpu.memory_space<vmem_shared>> -> memref<16x128xf32, #tpu.memory_space<vmem_shared>>
    %dma_wait3A_827 = tpu.memref_slice %arg13[%dma_wait3A_824] : memref<19x!tpu.dma_semaphore, #tpu.memory_space<semaphore_mem>> -> memref<1x!tpu.dma_semaphore, #tpu.memory_space<semaphore_mem>>
    %dma_wait3A_828 = tpu.memref_squeeze %dma_wait3A_827 : memref<1x!tpu.dma_semaphore, #tpu.memory_space<semaphore_mem>> -> memref<!tpu.dma_semaphore, #tpu.memory_space<semaphore_mem>>
    %dma_wait3A_829 = arith.constant 0 : i32
    %dma_wait3A_830 = tpu.memref_slice %arg12[%mul3A_4, %dma_wait3A_829] : memref<10240x128xf32, #tpu.memory_space<vmem_shared>> -> memref<16x128xf32, #tpu.memory_space<vmem_shared>>
    tpu.wait_dma2 semaphore(%dma_wait3A_828 : memref<!tpu.dma_semaphore, #tpu.memory_space<semaphore_mem>>) src(%arg11 : memref<16x128xf32, #tpu.memory_space<vmem>>) dst(%dma_wait3A_830 : memref<16x128xf32, #tpu.memory_space<vmem_shared>>)
    %dma_wait3A_831 = arith.constant 18 : i32
    %dma_wait3A_832 = arith.constant 0 : i32
    %dma_wait3A_833 = tpu.memref_slice %arg12[%mul3A_4, %dma_wait3A_832] : memref<10240x128xf32, #tpu.memory_space<vmem_shared>> -> memref<16x128xf32, #tpu.memory_space<vmem_shared>>
    %dma_wait3A_834 = tpu.memref_slice %arg13[%dma_wait3A_831] : memref<19x!tpu.dma_semaphore, #tpu.memory_space<semaphore_mem>> -> memref<1x!tpu.dma_semaphore, #tpu.memory_space<semaphore_mem>>
    %dma_wait3A_835 = tpu.memref_squeeze %dma_wait3A_834 : memref<1x!tpu.dma_semaphore, #tpu.memory_space<semaphore_mem>> -> memref<!tpu.dma_semaphore, #tpu.memory_space<semaphore_mem>>
    %dma_wait3A_836 = arith.constant 0 : i32
    %dma_wait3A_837 = tpu.memref_slice %arg12[%mul3A_4, %dma_wait3A_836] : memref<10240x128xf32, #tpu.memory_space<vmem_shared>> -> memref<16x128xf32, #tpu.memory_space<vmem_shared>>
    tpu.wait_dma2 semaphore(%dma_wait3A_835 : memref<!tpu.dma_semaphore, #tpu.memory_space<semaphore_mem>>) src(%arg11 : memref<16x128xf32, #tpu.memory_space<vmem>>) dst(%dma_wait3A_837 : memref<16x128xf32, #tpu.memory_space<vmem_shared>>)
    %dma_wait3A_838 = arith.constant 18 : i32
    %dma_wait3A_839 = arith.constant 0 : i32
    %dma_wait3A_840 = tpu.memref_slice %arg12[%mul3A_4, %dma_wait3A_839] : memref<10240x128xf32, #tpu.memory_space<vmem_shared>> -> memref<16x128xf32, #tpu.memory_space<vmem_shared>>
    %dma_wait3A_841 = tpu.memref_slice %arg13[%dma_wait3A_838] : memref<19x!tpu.dma_semaphore, #tpu.memory_space<semaphore_mem>> -> memref<1x!tpu.dma_semaphore, #tpu.memory_space<semaphore_mem>>
    %dma_wait3A_842 = tpu.memref_squeeze %dma_wait3A_841 : memref<1x!tpu.dma_semaphore, #tpu.memory_space<semaphore_mem>> -> memref<!tpu.dma_semaphore, #tpu.memory_space<semaphore_mem>>
    %dma_wait3A_843 = arith.constant 0 : i32
    %dma_wait3A_844 = tpu.memref_slice %arg12[%mul3A_4, %dma_wait3A_843] : memref<10240x128xf32, #tpu.memory_space<vmem_shared>> -> memref<16x128xf32, #tpu.memory_space<vmem_shared>>
    tpu.wait_dma2 semaphore(%dma_wait3A_842 : memref<!tpu.dma_semaphore, #tpu.memory_space<semaphore_mem>>) src(%arg11 : memref<16x128xf32, #tpu.memory_space<vmem>>) dst(%dma_wait3A_844 : memref<16x128xf32, #tpu.memory_space<vmem_shared>>)
    %dma_wait3A_845 = arith.constant 18 : i32
    %dma_wait3A_846 = arith.constant 0 : i32
    %dma_wait3A_847 = tpu.memref_slice %arg12[%mul3A_4, %dma_wait3A_846] : memref<10240x128xf32, #tpu.memory_space<vmem_shared>> -> memref<16x128xf32, #tpu.memory_space<vmem_shared>>
    %dma_wait3A_848 = tpu.memref_slice %arg13[%dma_wait3A_845] : memref<19x!tpu.dma_semaphore, #tpu.memory_space<semaphore_mem>> -> memref<1x!tpu.dma_semaphore, #tpu.memory_space<semaphore_mem>>
    %dma_wait3A_849 = tpu.memref_squeeze %dma_wait3A_848 : memref<1x!tpu.dma_semaphore, #tpu.memory_space<semaphore_mem>> -> memref<!tpu.dma_semaphore, #tpu.memory_space<semaphore_mem>>
    %dma_wait3A_850 = arith.constant 0 : i32
    %dma_wait3A_851 = tpu.memref_slice %arg12[%mul3A_4, %dma_wait3A_850] : memref<10240x128xf32, #tpu.memory_space<vmem_shared>> -> memref<16x128xf32, #tpu.memory_space<vmem_shared>>
    tpu.wait_dma2 semaphore(%dma_wait3A_849 : memref<!tpu.dma_semaphore, #tpu.memory_space<semaphore_mem>>) src(%arg11 : memref<16x128xf32, #tpu.memory_space<vmem>>) dst(%dma_wait3A_851 : memref<16x128xf32, #tpu.memory_space<vmem_shared>>)
    %barrier3A = arith.constant 0 : index
    tpu.barrier barrier_id(%barrier3A)
    %scan3A_852 = arith.constant 0 : i32
    %scan3A_853 = arith.constant 12 : i32
    %scan3A_854 = arith.constant 3 : i32
    %scan3A_855 = arith.constant 5 : i32
    %scan3A_856 = arith.constant 11 : i32
    %scan3A_857 = arith.constant 17 : i32
    %scan3A_858 = arith.constant 8 : i32
    %scan3A_859 = arith.constant 2 : i32
    %scan3A_860 = arith.constant 1 : i32
    %scan3A_861 = arith.constant 13 : i32
    %scan3A_862 = arith.constant 4 : i32
    %scan3A_863 = arith.constant 6 : i32
    %scan3A_864 = arith.constant 9 : i32
    %scan3A_865 = arith.constant 14 : i32
    %scan3A_866 = arith.constant 7 : i32
    %scan3A_867 = arith.constant 10 : i32
    %scan3A_868 = arith.constant 15 : i32
    %scan3A_869 = arith.constant 16 : i32
    %scan3A_870 = arith.constant 0 : i32
    %scan3A_871 = arith.constant 20 : i32
    %scan3A_872 = arith.addi %scan3A_870, %scan3A_871 : i32
    %scan3A_873 = arith.constant 1 : i32
    scf.for %scan3A_1178 = %scan3A_870 to %scan3A_872 step %scan3A_873  : i32 {
      %mul3A_1179 = arith.constant 6 : i32
      %mul3A_1180 = arith.muli %scan3A_1178, %mul3A_1179 : i32
      %add3A_1181 = arith.constant 0 : i32
      %add3A_1182 = arith.addi %add3A_1181, %mul3A_1180 : i32
      %add3A_1183 = arith.constant 0 : i32
      %add3A_1184 = arith.addi %add3A_1182, %add3A_1183 : i32
      %dma_wait3A_1185 = arith.constant 0 : i32
      %dma_wait3A_1186 = arith.constant 0 : i32
      %dma_wait3A_1187 = tpu.memref_slice %arg6[%dma_wait3A_1185, %dma_wait3A_1186] : memref<6x80xi32, #tpu.memory_space<vmem>> -> memref<1x80xi32, #tpu.memory_space<vmem>>
      %dma_wait3A_1188 = tpu.memref_squeeze %dma_wait3A_1187 : memref<1x80xi32, #tpu.memory_space<vmem>> -> memref<80xi32, #tpu.memory_space<vmem>>
      %dma_wait3A_1189 = arith.constant 0 : i32
      %dma_wait3A_1190 = arith.constant 0 : i32
      %dma_wait3A_1191 = tpu.memref_slice %arg2[%dma_wait3A_1189, %dma_wait3A_1190] : memref<10000x128xf32, #tpu.memory_space<hbm>> -> memref<10000x128xf32, #tpu.memory_space<hbm>>
      %dma_wait3A_1192 = tpu.memref_slice %arg13[%scan3A_852] : memref<19x!tpu.dma_semaphore, #tpu.memory_space<semaphore_mem>> -> memref<1x!tpu.dma_semaphore, #tpu.memory_space<semaphore_mem>>
      %dma_wait3A_1193 = tpu.memref_squeeze %dma_wait3A_1192 : memref<1x!tpu.dma_semaphore, #tpu.memory_space<semaphore_mem>> -> memref<!tpu.dma_semaphore, #tpu.memory_space<semaphore_mem>>
      tpu.wait_indirect_dma semaphore(%dma_wait3A_1193 : memref<!tpu.dma_semaphore, #tpu.memory_space<semaphore_mem>>) src(%dma_wait3A_1191 : memref<10000x128xf32, #tpu.memory_space<hbm>>) dst(%arg8 : memref<80x128xf32, #tpu.memory_space<vmem>>)
      %dma_wait3A_1194 = arith.constant 0 : i32
      %dma_wait3A_1195 = arith.constant 0 : i32
      %dma_wait3A_1196 = tpu.memref_slice %arg7[%dma_wait3A_1194, %dma_wait3A_1195] : memref<6x80xi32, #tpu.memory_space<vmem>> -> memref<1x80xi32, #tpu.memory_space<vmem>>
      %dma_wait3A_1197 = tpu.memref_squeeze %dma_wait3A_1196 : memref<1x80xi32, #tpu.memory_space<vmem>> -> memref<80xi32, #tpu.memory_space<vmem>>
      %dma_wait3A_1198 = arith.constant 0 : i32
      %dma_wait3A_1199 = tpu.memref_slice %arg3[%dma_wait3A_1198] : memref<320000xi32, #tpu.memory_space<hbm>> -> memref<80xi32, #tpu.memory_space<hbm>>
      %dma_wait3A_1200 = tpu.memref_slice %arg13[%scan3A_853] : memref<19x!tpu.dma_semaphore, #tpu.memory_space<semaphore_mem>> -> memref<1x!tpu.dma_semaphore, #tpu.memory_space<semaphore_mem>>
      %dma_wait3A_1201 = tpu.memref_squeeze %dma_wait3A_1200 : memref<1x!tpu.dma_semaphore, #tpu.memory_space<semaphore_mem>> -> memref<!tpu.dma_semaphore, #tpu.memory_space<semaphore_mem>>
      %dma_wait3A_1202 = arith.constant 0 : i32
      %dma_wait3A_1203 = tpu.memref_slice %arg7[%dma_wait3A_1194, %dma_wait3A_1202] : memref<6x80xi32, #tpu.memory_space<vmem>> -> memref<1x80xi32, #tpu.memory_space<vmem>>
      %dma_wait3A_1204 = tpu.memref_squeeze %dma_wait3A_1203 : memref<1x80xi32, #tpu.memory_space<vmem>> -> memref<80xi32, #tpu.memory_space<vmem>>
      %dma_wait3A_1205 = arith.constant 0 : i32
      %dma_wait3A_1206 = tpu.memref_slice %arg3[%dma_wait3A_1205] : memref<320000xi32, #tpu.memory_space<hbm>> -> memref<80xi32, #tpu.memory_space<hbm>>
      tpu.wait_dma2 semaphore(%dma_wait3A_1201 : memref<!tpu.dma_semaphore, #tpu.memory_space<semaphore_mem>>) src(%dma_wait3A_1206 : memref<80xi32, #tpu.memory_space<hbm>>) dst(%dma_wait3A_1204 : memref<80xi32, #tpu.memory_space<vmem>>)
      %dma_start3A_1207 = arith.constant 0 : i32
      %dma_start3A_1208 = arith.constant 0 : i32
      %dma_start3A_1209 = tpu.memref_slice %arg7[%dma_start3A_1207, %dma_start3A_1208] : memref<6x80xi32, #tpu.memory_space<vmem>> -> memref<1x80xi32, #tpu.memory_space<vmem>>
      %dma_start3A_1210 = tpu.memref_squeeze %dma_start3A_1209 : memref<1x80xi32, #tpu.memory_space<vmem>> -> memref<80xi32, #tpu.memory_space<vmem>>
      %dma_start3A_1211 = arith.constant 0 : i32
      %dma_start3A_1212 = arith.constant 0 : i32
      %dma_start3A_1213 = tpu.memref_slice %arg12[%dma_start3A_1211, %dma_start3A_1212] : memref<10240x128xf32, #tpu.memory_space<vmem_shared>> -> memref<10240x128xf32, #tpu.memory_space<vmem_shared>>
      %dma_start3A_1214 = tpu.memref_slice %arg13[%scan3A_854] : memref<19x!tpu.dma_semaphore, #tpu.memory_space<semaphore_mem>> -> memref<1x!tpu.dma_semaphore, #tpu.memory_space<semaphore_mem>>
      %dma_start3A_1215 = tpu.memref_squeeze %dma_start3A_1214 : memref<1x!tpu.dma_semaphore, #tpu.memory_space<semaphore_mem>> -> memref<!tpu.dma_semaphore, #tpu.memory_space<semaphore_mem>>
      tpu.enqueue_indirect_dma source(%arg8 : memref<80x128xf32, #tpu.memory_space<vmem>>) target(%dma_start3A_1213 : memref<10240x128xf32, #tpu.memory_space<vmem_shared>>) offsets(%dma_start3A_1210 : memref<80xi32, #tpu.memory_space<vmem>>) semaphore(%dma_start3A_1215 : memref<!tpu.dma_semaphore, #tpu.memory_space<semaphore_mem>>) {add = true}
      %gt3A = arith.constant 0 : i32
      %gt3A_1216 = arith.cmpi sgt, %add3A_1184, %gt3A : i32
      %convert_element_type3A = arith.extui %gt3A_1216 : i1 to i32
      %cond3A = arith.constant 0 : i32
      %cond3A_1217 = arith.cmpi ne, %convert_element_type3A, %cond3A : i32
      scf.if %cond3A_1217 {
        %dma_wait3A_1613 = arith.constant 5 : i32
        %dma_wait3A_1614 = arith.constant 0 : i32
        %dma_wait3A_1615 = tpu.memref_slice %arg7[%dma_wait3A_1613, %dma_wait3A_1614] : memref<6x80xi32, #tpu.memory_space<vmem>> -> memref<1x80xi32, #tpu.memory_space<vmem>>
        %dma_wait3A_1616 = tpu.memref_squeeze %dma_wait3A_1615 : memref<1x80xi32, #tpu.memory_space<vmem>> -> memref<80xi32, #tpu.memory_space<vmem>>
        %dma_wait3A_1617 = arith.constant 0 : i32
        %dma_wait3A_1618 = arith.constant 0 : i32
        %dma_wait3A_1619 = tpu.memref_slice %arg12[%dma_wait3A_1617, %dma_wait3A_1618] : memref<10240x128xf32, #tpu.memory_space<vmem_shared>> -> memref<10240x128xf32, #tpu.memory_space<vmem_shared>>
        %dma_wait3A_1620 = tpu.memref_slice %arg13[%scan3A_855] : memref<19x!tpu.dma_semaphore, #tpu.memory_space<semaphore_mem>> -> memref<1x!tpu.dma_semaphore, #tpu.memory_space<semaphore_mem>>
        %dma_wait3A_1621 = tpu.memref_squeeze %dma_wait3A_1620 : memref<1x!tpu.dma_semaphore, #tpu.memory_space<semaphore_mem>> -> memref<!tpu.dma_semaphore, #tpu.memory_space<semaphore_mem>>
        tpu.wait_indirect_dma semaphore(%dma_wait3A_1621 : memref<!tpu.dma_semaphore, #tpu.memory_space<semaphore_mem>>) src(%arg10 : memref<80x128xf32, #tpu.memory_space<vmem>>) dst(%dma_wait3A_1619 : memref<10240x128xf32, #tpu.memory_space<vmem_shared>>)
        %add3A_1622 = arith.constant 6 : i32
        %add3A_1623 = arith.addi %add3A_1184, %add3A_1622 : i32
        %sub3A_1624 = arith.constant 1 : i32
        %sub3A_1625 = arith.subi %add3A_1623, %sub3A_1624 : i32
        %mul3A_1626 = arith.constant 80 : i32
        %mul3A_1627 = arith.muli %sub3A_1625, %mul3A_1626 : i32
        %add3A_1628 = arith.addi %mul3A_2, %mul3A_1627 : i32
        %dma_start3A_1629 = arith.constant 5 : i32
        %dma_start3A_1630 = arith.constant 0 : i32
        %dma_start3A_1631 = tpu.memref_slice %arg6[%dma_start3A_1629, %dma_start3A_1630] : memref<6x80xi32, #tpu.memory_space<vmem>> -> memref<1x80xi32, #tpu.memory_space<vmem>>
        %dma_start3A_1632 = tpu.memref_squeeze %dma_start3A_1631 : memref<1x80xi32, #tpu.memory_space<vmem>> -> memref<80xi32, #tpu.memory_space<vmem>>
        %dma_start3A_1633 = tpu.memref_slice %arg3[%add3A_1628] : memref<320000xi32, #tpu.memory_space<hbm>> -> memref<80xi32, #tpu.memory_space<hbm>>
        %dma_start3A_1634 = tpu.memref_slice %arg13[%scan3A_856] : memref<19x!tpu.dma_semaphore, #tpu.memory_space<semaphore_mem>> -> memref<1x!tpu.dma_semaphore, #tpu.memory_space<semaphore_mem>>
        %dma_start3A_1635 = tpu.memref_squeeze %dma_start3A_1634 : memref<1x!tpu.dma_semaphore, #tpu.memory_space<semaphore_mem>> -> memref<!tpu.dma_semaphore, #tpu.memory_space<semaphore_mem>>
        %dma_start3A_1636 = arith.constant 0 : i32
        %dma_start3A_1637 = tpu.memref_slice %arg6[%dma_start3A_1629, %dma_start3A_1636] : memref<6x80xi32, #tpu.memory_space<vmem>> -> memref<1x80xi32, #tpu.memory_space<vmem>>
        %dma_start3A_1638 = tpu.memref_squeeze %dma_start3A_1637 : memref<1x80xi32, #tpu.memory_space<vmem>> -> memref<80xi32, #tpu.memory_space<vmem>>
        %dma_start3A_1639 = tpu.memref_slice %arg3[%add3A_1628] : memref<320000xi32, #tpu.memory_space<hbm>> -> memref<80xi32, #tpu.memory_space<hbm>>
        tpu.enqueue_dma source(%dma_start3A_1639 : memref<80xi32, #tpu.memory_space<hbm>>) target(%dma_start3A_1638 : memref<80xi32, #tpu.memory_space<vmem>>) target_semaphore(%dma_start3A_1635 : memref<!tpu.dma_semaphore, #tpu.memory_space<semaphore_mem>>)
        %dma_start3A_1640 = arith.constant 5 : i32
        %dma_start3A_1641 = arith.constant 0 : i32
        %dma_start3A_1642 = tpu.memref_slice %arg7[%dma_start3A_1640, %dma_start3A_1641] : memref<6x80xi32, #tpu.memory_space<vmem>> -> memref<1x80xi32, #tpu.memory_space<vmem>>
        %dma_start3A_1643 = tpu.memref_squeeze %dma_start3A_1642 : memref<1x80xi32, #tpu.memory_space<vmem>> -> memref<80xi32, #tpu.memory_space<vmem>>
        %dma_start3A_1644 = tpu.memref_slice %arg4[%add3A_1628] : memref<320000xi32, #tpu.memory_space<hbm>> -> memref<80xi32, #tpu.memory_space<hbm>>
        %dma_start3A_1645 = tpu.memref_slice %arg13[%scan3A_857] : memref<19x!tpu.dma_semaphore, #tpu.memory_space<semaphore_mem>> -> memref<1x!tpu.dma_semaphore, #tpu.memory_space<semaphore_mem>>
        %dma_start3A_1646 = tpu.memref_squeeze %dma_start3A_1645 : memref<1x!tpu.dma_semaphore, #tpu.memory_space<semaphore_mem>> -> memref<!tpu.dma_semaphore, #tpu.memory_space<semaphore_mem>>
        %dma_start3A_1647 = arith.constant 0 : i32
        %dma_start3A_1648 = tpu.memref_slice %arg7[%dma_start3A_1640, %dma_start3A_1647] : memref<6x80xi32, #tpu.memory_space<vmem>> -> memref<1x80xi32, #tpu.memory_space<vmem>>
        %dma_start3A_1649 = tpu.memref_squeeze %dma_start3A_1648 : memref<1x80xi32, #tpu.memory_space<vmem>> -> memref<80xi32, #tpu.memory_space<vmem>>
        %dma_start3A_1650 = tpu.memref_slice %arg4[%add3A_1628] : memref<320000xi32, #tpu.memory_space<hbm>> -> memref<80xi32, #tpu.memory_space<hbm>>
        tpu.enqueue_dma source(%dma_start3A_1650 : memref<80xi32, #tpu.memory_space<hbm>>) target(%dma_start3A_1649 : memref<80xi32, #tpu.memory_space<vmem>>) target_semaphore(%dma_start3A_1646 : memref<!tpu.dma_semaphore, #tpu.memory_space<semaphore_mem>>)
      } else {
      }
      %add3A_1218 = arith.constant 2 : i32
      %add3A_1219 = arith.addi %add3A_1184, %add3A_1218 : i32
      %lt3A = arith.constant 125 : i32
      %lt3A_1220 = arith.cmpi slt, %add3A_1219, %lt3A : i32
      %convert_element_type3A_1221 = arith.extui %lt3A_1220 : i1 to i32
      %cond3A_1222 = arith.constant 0 : i32
      %cond3A_1223 = arith.cmpi ne, %convert_element_type3A_1221, %cond3A_1222 : i32
      scf.if %cond3A_1223 {
        %dma_wait3A_1613 = arith.constant 2 : i32
        %dma_wait3A_1614 = arith.constant 0 : i32
        %dma_wait3A_1615 = tpu.memref_slice %arg6[%dma_wait3A_1613, %dma_wait3A_1614] : memref<6x80xi32, #tpu.memory_space<vmem>> -> memref<1x80xi32, #tpu.memory_space<vmem>>
        %dma_wait3A_1616 = tpu.memref_squeeze %dma_wait3A_1615 : memref<1x80xi32, #tpu.memory_space<vmem>> -> memref<80xi32, #tpu.memory_space<vmem>>
        %dma_wait3A_1617 = arith.constant 0 : i32
        %dma_wait3A_1618 = tpu.memref_slice %arg3[%dma_wait3A_1617] : memref<320000xi32, #tpu.memory_space<hbm>> -> memref<80xi32, #tpu.memory_space<hbm>>
        %dma_wait3A_1619 = tpu.memref_slice %arg13[%scan3A_858] : memref<19x!tpu.dma_semaphore, #tpu.memory_space<semaphore_mem>> -> memref<1x!tpu.dma_semaphore, #tpu.memory_space<semaphore_mem>>
        %dma_wait3A_1620 = tpu.memref_squeeze %dma_wait3A_1619 : memref<1x!tpu.dma_semaphore, #tpu.memory_space<semaphore_mem>> -> memref<!tpu.dma_semaphore, #tpu.memory_space<semaphore_mem>>
        %dma_wait3A_1621 = arith.constant 0 : i32
        %dma_wait3A_1622 = tpu.memref_slice %arg6[%dma_wait3A_1613, %dma_wait3A_1621] : memref<6x80xi32, #tpu.memory_space<vmem>> -> memref<1x80xi32, #tpu.memory_space<vmem>>
        %dma_wait3A_1623 = tpu.memref_squeeze %dma_wait3A_1622 : memref<1x80xi32, #tpu.memory_space<vmem>> -> memref<80xi32, #tpu.memory_space<vmem>>
        %dma_wait3A_1624 = arith.constant 0 : i32
        %dma_wait3A_1625 = tpu.memref_slice %arg3[%dma_wait3A_1624] : memref<320000xi32, #tpu.memory_space<hbm>> -> memref<80xi32, #tpu.memory_space<hbm>>
        tpu.wait_dma2 semaphore(%dma_wait3A_1620 : memref<!tpu.dma_semaphore, #tpu.memory_space<semaphore_mem>>) src(%dma_wait3A_1625 : memref<80xi32, #tpu.memory_space<hbm>>) dst(%dma_wait3A_1623 : memref<80xi32, #tpu.memory_space<vmem>>)
        %dma_start3A_1626 = arith.constant 2 : i32
        %dma_start3A_1627 = arith.constant 0 : i32
        %dma_start3A_1628 = tpu.memref_slice %arg6[%dma_start3A_1626, %dma_start3A_1627] : memref<6x80xi32, #tpu.memory_space<vmem>> -> memref<1x80xi32, #tpu.memory_space<vmem>>
        %dma_start3A_1629 = tpu.memref_squeeze %dma_start3A_1628 : memref<1x80xi32, #tpu.memory_space<vmem>> -> memref<80xi32, #tpu.memory_space<vmem>>
        %dma_start3A_1630 = arith.constant 0 : i32
        %dma_start3A_1631 = arith.constant 0 : i32
        %dma_start3A_1632 = tpu.memref_slice %arg2[%dma_start3A_1630, %dma_start3A_1631] : memref<10000x128xf32, #tpu.memory_space<hbm>> -> memref<10000x128xf32, #tpu.memory_space<hbm>>
        %dma_start3A_1633 = tpu.memref_slice %arg13[%scan3A_859] : memref<19x!tpu.dma_semaphore, #tpu.memory_space<semaphore_mem>> -> memref<1x!tpu.dma_semaphore, #tpu.memory_space<semaphore_mem>>
        %dma_start3A_1634 = tpu.memref_squeeze %dma_start3A_1633 : memref<1x!tpu.dma_semaphore, #tpu.memory_space<semaphore_mem>> -> memref<!tpu.dma_semaphore, #tpu.memory_space<semaphore_mem>>
        tpu.enqueue_indirect_dma source(%dma_start3A_1632 : memref<10000x128xf32, #tpu.memory_space<hbm>>) target(%arg10 : memref<80x128xf32, #tpu.memory_space<vmem>>) offsets(%dma_start3A_1629 : memref<80xi32, #tpu.memory_space<vmem>>) semaphore(%dma_start3A_1634 : memref<!tpu.dma_semaphore, #tpu.memory_space<semaphore_mem>>)
      } else {
      }
      %add3A_1224 = arith.constant 1 : i32
      %add3A_1225 = arith.addi %add3A_1182, %add3A_1224 : i32
      %dma_wait3A_1226 = arith.constant 0 : i32
      %dma_wait3A_1227 = arith.constant 0 : i32
      %dma_wait3A_1228 = tpu.memref_slice %arg6[%dma_wait3A_1226, %dma_wait3A_1227] : memref<6x80xi32, #tpu.memory_space<vmem>> -> memref<1x80xi32, #tpu.memory_space<vmem>>
      %dma_wait3A_1229 = tpu.memref_squeeze %dma_wait3A_1228 : memref<1x80xi32, #tpu.memory_space<vmem>> -> memref<80xi32, #tpu.memory_space<vmem>>
      %dma_wait3A_1230 = arith.constant 0 : i32
      %dma_wait3A_1231 = arith.constant 0 : i32
      %dma_wait3A_1232 = tpu.memref_slice %arg2[%dma_wait3A_1230, %dma_wait3A_1231] : memref<10000x128xf32, #tpu.memory_space<hbm>> -> memref<10000x128xf32, #tpu.memory_space<hbm>>
      %dma_wait3A_1233 = tpu.memref_slice %arg13[%scan3A_860] : memref<19x!tpu.dma_semaphore, #tpu.memory_space<semaphore_mem>> -> memref<1x!tpu.dma_semaphore, #tpu.memory_space<semaphore_mem>>
      %dma_wait3A_1234 = tpu.memref_squeeze %dma_wait3A_1233 : memref<1x!tpu.dma_semaphore, #tpu.memory_space<semaphore_mem>> -> memref<!tpu.dma_semaphore, #tpu.memory_space<semaphore_mem>>
      tpu.wait_indirect_dma semaphore(%dma_wait3A_1234 : memref<!tpu.dma_semaphore, #tpu.memory_space<semaphore_mem>>) src(%dma_wait3A_1232 : memref<10000x128xf32, #tpu.memory_space<hbm>>) dst(%arg9 : memref<80x128xf32, #tpu.memory_space<vmem>>)
      %dma_wait3A_1235 = arith.constant 1 : i32
      %dma_wait3A_1236 = arith.constant 0 : i32
      %dma_wait3A_1237 = tpu.memref_slice %arg7[%dma_wait3A_1235, %dma_wait3A_1236] : memref<6x80xi32, #tpu.memory_space<vmem>> -> memref<1x80xi32, #tpu.memory_space<vmem>>
      %dma_wait3A_1238 = tpu.memref_squeeze %dma_wait3A_1237 : memref<1x80xi32, #tpu.memory_space<vmem>> -> memref<80xi32, #tpu.memory_space<vmem>>
      %dma_wait3A_1239 = arith.constant 0 : i32
      %dma_wait3A_1240 = tpu.memref_slice %arg3[%dma_wait3A_1239] : memref<320000xi32, #tpu.memory_space<hbm>> -> memref<80xi32, #tpu.memory_space<hbm>>
      %dma_wait3A_1241 = tpu.memref_slice %arg13[%scan3A_861] : memref<19x!tpu.dma_semaphore, #tpu.memory_space<semaphore_mem>> -> memref<1x!tpu.dma_semaphore, #tpu.memory_space<semaphore_mem>>
      %dma_wait3A_1242 = tpu.memref_squeeze %dma_wait3A_1241 : memref<1x!tpu.dma_semaphore, #tpu.memory_space<semaphore_mem>> -> memref<!tpu.dma_semaphore, #tpu.memory_space<semaphore_mem>>
      %dma_wait3A_1243 = arith.constant 0 : i32
      %dma_wait3A_1244 = tpu.memref_slice %arg7[%dma_wait3A_1235, %dma_wait3A_1243] : memref<6x80xi32, #tpu.memory_space<vmem>> -> memref<1x80xi32, #tpu.memory_space<vmem>>
      %dma_wait3A_1245 = tpu.memref_squeeze %dma_wait3A_1244 : memref<1x80xi32, #tpu.memory_space<vmem>> -> memref<80xi32, #tpu.memory_space<vmem>>
      %dma_wait3A_1246 = arith.constant 0 : i32
      %dma_wait3A_1247 = tpu.memref_slice %arg3[%dma_wait3A_1246] : memref<320000xi32, #tpu.memory_space<hbm>> -> memref<80xi32, #tpu.memory_space<hbm>>
      tpu.wait_dma2 semaphore(%dma_wait3A_1242 : memref<!tpu.dma_semaphore, #tpu.memory_space<semaphore_mem>>) src(%dma_wait3A_1247 : memref<80xi32, #tpu.memory_space<hbm>>) dst(%dma_wait3A_1245 : memref<80xi32, #tpu.memory_space<vmem>>)
      %dma_start3A_1248 = arith.constant 1 : i32
      %dma_start3A_1249 = arith.constant 0 : i32
      %dma_start3A_1250 = tpu.memref_slice %arg7[%dma_start3A_1248, %dma_start3A_1249] : memref<6x80xi32, #tpu.memory_space<vmem>> -> memref<1x80xi32, #tpu.memory_space<vmem>>
      %dma_start3A_1251 = tpu.memref_squeeze %dma_start3A_1250 : memref<1x80xi32, #tpu.memory_space<vmem>> -> memref<80xi32, #tpu.memory_space<vmem>>
      %dma_start3A_1252 = arith.constant 0 : i32
      %dma_start3A_1253 = arith.constant 0 : i32
      %dma_start3A_1254 = tpu.memref_slice %arg12[%dma_start3A_1252, %dma_start3A_1253] : memref<10240x128xf32, #tpu.memory_space<vmem_shared>> -> memref<10240x128xf32, #tpu.memory_space<vmem_shared>>
      %dma_start3A_1255 = tpu.memref_slice %arg13[%scan3A_862] : memref<19x!tpu.dma_semaphore, #tpu.memory_space<semaphore_mem>> -> memref<1x!tpu.dma_semaphore, #tpu.memory_space<semaphore_mem>>
      %dma_start3A_1256 = tpu.memref_squeeze %dma_start3A_1255 : memref<1x!tpu.dma_semaphore, #tpu.memory_space<semaphore_mem>> -> memref<!tpu.dma_semaphore, #tpu.memory_space<semaphore_mem>>
      tpu.enqueue_indirect_dma source(%arg9 : memref<80x128xf32, #tpu.memory_space<vmem>>) target(%dma_start3A_1254 : memref<10240x128xf32, #tpu.memory_space<vmem_shared>>) offsets(%dma_start3A_1251 : memref<80xi32, #tpu.memory_space<vmem>>) semaphore(%dma_start3A_1256 : memref<!tpu.dma_semaphore, #tpu.memory_space<semaphore_mem>>) {add = true}
      %dma_wait3A_1257 = arith.constant 0 : i32
      %dma_wait3A_1258 = arith.constant 0 : i32
      %dma_wait3A_1259 = tpu.memref_slice %arg7[%dma_wait3A_1257, %dma_wait3A_1258] : memref<6x80xi32, #tpu.memory_space<vmem>> -> memref<1x80xi32, #tpu.memory_space<vmem>>
      %dma_wait3A_1260 = tpu.memref_squeeze %dma_wait3A_1259 : memref<1x80xi32, #tpu.memory_space<vmem>> -> memref<80xi32, #tpu.memory_space<vmem>>
      %dma_wait3A_1261 = arith.constant 0 : i32
      %dma_wait3A_1262 = arith.constant 0 : i32
      %dma_wait3A_1263 = tpu.memref_slice %arg12[%dma_wait3A_1261, %dma_wait3A_1262] : memref<10240x128xf32, #tpu.memory_space<vmem_shared>> -> memref<10240x128xf32, #tpu.memory_space<vmem_shared>>
      %dma_wait3A_1264 = tpu.memref_slice %arg13[%scan3A_854] : memref<19x!tpu.dma_semaphore, #tpu.memory_space<semaphore_mem>> -> memref<1x!tpu.dma_semaphore, #tpu.memory_space<semaphore_mem>>
      %dma_wait3A_1265 = tpu.memref_squeeze %dma_wait3A_1264 : memref<1x!tpu.dma_semaphore, #tpu.memory_space<semaphore_mem>> -> memref<!tpu.dma_semaphore, #tpu.memory_space<semaphore_mem>>
      tpu.wait_indirect_dma semaphore(%dma_wait3A_1265 : memref<!tpu.dma_semaphore, #tpu.memory_space<semaphore_mem>>) src(%arg8 : memref<80x128xf32, #tpu.memory_space<vmem>>) dst(%dma_wait3A_1263 : memref<10240x128xf32, #tpu.memory_space<vmem_shared>>)
      %add3A_1266 = arith.constant 6 : i32
      %add3A_1267 = arith.addi %add3A_1225, %add3A_1266 : i32
      %sub3A = arith.constant 1 : i32
      %sub3A_1268 = arith.subi %add3A_1267, %sub3A : i32
      %mul3A_1269 = arith.constant 80 : i32
      %mul3A_1270 = arith.muli %sub3A_1268, %mul3A_1269 : i32
      %add3A_1271 = arith.addi %mul3A_2, %mul3A_1270 : i32
      %dma_start3A_1272 = arith.constant 0 : i32
      %dma_start3A_1273 = arith.constant 0 : i32
      %dma_start3A_1274 = tpu.memref_slice %arg6[%dma_start3A_1272, %dma_start3A_1273] : memref<6x80xi32, #tpu.memory_space<vmem>> -> memref<1x80xi32, #tpu.memory_space<vmem>>
      %dma_start3A_1275 = tpu.memref_squeeze %dma_start3A_1274 : memref<1x80xi32, #tpu.memory_space<vmem>> -> memref<80xi32, #tpu.memory_space<vmem>>
      %dma_start3A_1276 = tpu.memref_slice %arg3[%add3A_1271] : memref<320000xi32, #tpu.memory_space<hbm>> -> memref<80xi32, #tpu.memory_space<hbm>>
      %dma_start3A_1277 = tpu.memref_slice %arg13[%scan3A_863] : memref<19x!tpu.dma_semaphore, #tpu.memory_space<semaphore_mem>> -> memref<1x!tpu.dma_semaphore, #tpu.memory_space<semaphore_mem>>
      %dma_start3A_1278 = tpu.memref_squeeze %dma_start3A_1277 : memref<1x!tpu.dma_semaphore, #tpu.memory_space<semaphore_mem>> -> memref<!tpu.dma_semaphore, #tpu.memory_space<semaphore_mem>>
      %dma_start3A_1279 = arith.constant 0 : i32
      %dma_start3A_1280 = tpu.memref_slice %arg6[%dma_start3A_1272, %dma_start3A_1279] : memref<6x80xi32, #tpu.memory_space<vmem>> -> memref<1x80xi32, #tpu.memory_space<vmem>>
      %dma_start3A_1281 = tpu.memref_squeeze %dma_start3A_1280 : memref<1x80xi32, #tpu.memory_space<vmem>> -> memref<80xi32, #tpu.memory_space<vmem>>
      %dma_start3A_1282 = tpu.memref_slice %arg3[%add3A_1271] : memref<320000xi32, #tpu.memory_space<hbm>> -> memref<80xi32, #tpu.memory_space<hbm>>
      tpu.enqueue_dma source(%dma_start3A_1282 : memref<80xi32, #tpu.memory_space<hbm>>) target(%dma_start3A_1281 : memref<80xi32, #tpu.memory_space<vmem>>) target_semaphore(%dma_start3A_1278 : memref<!tpu.dma_semaphore, #tpu.memory_space<semaphore_mem>>)
      %dma_start3A_1283 = arith.constant 0 : i32
      %dma_start3A_1284 = arith.constant 0 : i32
      %dma_start3A_1285 = tpu.memref_slice %arg7[%dma_start3A_1283, %dma_start3A_1284] : memref<6x80xi32, #tpu.memory_space<vmem>> -> memref<1x80xi32, #tpu.memory_space<vmem>>
      %dma_start3A_1286 = tpu.memref_squeeze %dma_start3A_1285 : memref<1x80xi32, #tpu.memory_space<vmem>> -> memref<80xi32, #tpu.memory_space<vmem>>
      %dma_start3A_1287 = tpu.memref_slice %arg4[%add3A_1271] : memref<320000xi32, #tpu.memory_space<hbm>> -> memref<80xi32, #tpu.memory_space<hbm>>
      %dma_start3A_1288 = tpu.memref_slice %arg13[%scan3A_853] : memref<19x!tpu.dma_semaphore, #tpu.memory_space<semaphore_mem>> -> memref<1x!tpu.dma_semaphore, #tpu.memory_space<semaphore_mem>>
      %dma_start3A_1289 = tpu.memref_squeeze %dma_start3A_1288 : memref<1x!tpu.dma_semaphore, #tpu.memory_space<semaphore_mem>> -> memref<!tpu.dma_semaphore, #tpu.memory_space<semaphore_mem>>
      %dma_start3A_1290 = arith.constant 0 : i32
      %dma_start3A_1291 = tpu.memref_slice %arg7[%dma_start3A_1283, %dma_start3A_1290] : memref<6x80xi32, #tpu.memory_space<vmem>> -> memref<1x80xi32, #tpu.memory_space<vmem>>
      %dma_start3A_1292 = tpu.memref_squeeze %dma_start3A_1291 : memref<1x80xi32, #tpu.memory_space<vmem>> -> memref<80xi32, #tpu.memory_space<vmem>>
      %dma_start3A_1293 = tpu.memref_slice %arg4[%add3A_1271] : memref<320000xi32, #tpu.memory_space<hbm>> -> memref<80xi32, #tpu.memory_space<hbm>>
      tpu.enqueue_dma source(%dma_start3A_1293 : memref<80xi32, #tpu.memory_space<hbm>>) target(%dma_start3A_1292 : memref<80xi32, #tpu.memory_space<vmem>>) target_semaphore(%dma_start3A_1289 : memref<!tpu.dma_semaphore, #tpu.memory_space<semaphore_mem>>)
      %add3A_1294 = arith.constant 2 : i32
      %add3A_1295 = arith.addi %add3A_1225, %add3A_1294 : i32
      %lt3A_1296 = arith.constant 125 : i32
      %lt3A_1297 = arith.cmpi slt, %add3A_1295, %lt3A_1296 : i32
      %convert_element_type3A_1298 = arith.extui %lt3A_1297 : i1 to i32
      %cond3A_1299 = arith.constant 0 : i32
      %cond3A_1300 = arith.cmpi ne, %convert_element_type3A_1298, %cond3A_1299 : i32
      scf.if %cond3A_1300 {
        %dma_wait3A_1613 = arith.constant 3 : i32
        %dma_wait3A_1614 = arith.constant 0 : i32
        %dma_wait3A_1615 = tpu.memref_slice %arg6[%dma_wait3A_1613, %dma_wait3A_1614] : memref<6x80xi32, #tpu.memory_space<vmem>> -> memref<1x80xi32, #tpu.memory_space<vmem>>
        %dma_wait3A_1616 = tpu.memref_squeeze %dma_wait3A_1615 : memref<1x80xi32, #tpu.memory_space<vmem>> -> memref<80xi32, #tpu.memory_space<vmem>>
        %dma_wait3A_1617 = arith.constant 0 : i32
        %dma_wait3A_1618 = tpu.memref_slice %arg3[%dma_wait3A_1617] : memref<320000xi32, #tpu.memory_space<hbm>> -> memref<80xi32, #tpu.memory_space<hbm>>
        %dma_wait3A_1619 = tpu.memref_slice %arg13[%scan3A_864] : memref<19x!tpu.dma_semaphore, #tpu.memory_space<semaphore_mem>> -> memref<1x!tpu.dma_semaphore, #tpu.memory_space<semaphore_mem>>
        %dma_wait3A_1620 = tpu.memref_squeeze %dma_wait3A_1619 : memref<1x!tpu.dma_semaphore, #tpu.memory_space<semaphore_mem>> -> memref<!tpu.dma_semaphore, #tpu.memory_space<semaphore_mem>>
        %dma_wait3A_1621 = arith.constant 0 : i32
        %dma_wait3A_1622 = tpu.memref_slice %arg6[%dma_wait3A_1613, %dma_wait3A_1621] : memref<6x80xi32, #tpu.memory_space<vmem>> -> memref<1x80xi32, #tpu.memory_space<vmem>>
        %dma_wait3A_1623 = tpu.memref_squeeze %dma_wait3A_1622 : memref<1x80xi32, #tpu.memory_space<vmem>> -> memref<80xi32, #tpu.memory_space<vmem>>
        %dma_wait3A_1624 = arith.constant 0 : i32
        %dma_wait3A_1625 = tpu.memref_slice %arg3[%dma_wait3A_1624] : memref<320000xi32, #tpu.memory_space<hbm>> -> memref<80xi32, #tpu.memory_space<hbm>>
        tpu.wait_dma2 semaphore(%dma_wait3A_1620 : memref<!tpu.dma_semaphore, #tpu.memory_space<semaphore_mem>>) src(%dma_wait3A_1625 : memref<80xi32, #tpu.memory_space<hbm>>) dst(%dma_wait3A_1623 : memref<80xi32, #tpu.memory_space<vmem>>)
        %dma_start3A_1626 = arith.constant 3 : i32
        %dma_start3A_1627 = arith.constant 0 : i32
        %dma_start3A_1628 = tpu.memref_slice %arg6[%dma_start3A_1626, %dma_start3A_1627] : memref<6x80xi32, #tpu.memory_space<vmem>> -> memref<1x80xi32, #tpu.memory_space<vmem>>
        %dma_start3A_1629 = tpu.memref_squeeze %dma_start3A_1628 : memref<1x80xi32, #tpu.memory_space<vmem>> -> memref<80xi32, #tpu.memory_space<vmem>>
        %dma_start3A_1630 = arith.constant 0 : i32
        %dma_start3A_1631 = arith.constant 0 : i32
        %dma_start3A_1632 = tpu.memref_slice %arg2[%dma_start3A_1630, %dma_start3A_1631] : memref<10000x128xf32, #tpu.memory_space<hbm>> -> memref<10000x128xf32, #tpu.memory_space<hbm>>
        %dma_start3A_1633 = tpu.memref_slice %arg13[%scan3A_852] : memref<19x!tpu.dma_semaphore, #tpu.memory_space<semaphore_mem>> -> memref<1x!tpu.dma_semaphore, #tpu.memory_space<semaphore_mem>>
        %dma_start3A_1634 = tpu.memref_squeeze %dma_start3A_1633 : memref<1x!tpu.dma_semaphore, #tpu.memory_space<semaphore_mem>> -> memref<!tpu.dma_semaphore, #tpu.memory_space<semaphore_mem>>
        tpu.enqueue_indirect_dma source(%dma_start3A_1632 : memref<10000x128xf32, #tpu.memory_space<hbm>>) target(%arg8 : memref<80x128xf32, #tpu.memory_space<vmem>>) offsets(%dma_start3A_1629 : memref<80xi32, #tpu.memory_space<vmem>>) semaphore(%dma_start3A_1634 : memref<!tpu.dma_semaphore, #tpu.memory_space<semaphore_mem>>)
      } else {
      }
      %add3A_1301 = arith.constant 2 : i32
      %add3A_1302 = arith.addi %add3A_1182, %add3A_1301 : i32
      %dma_wait3A_1303 = arith.constant 0 : i32
      %dma_wait3A_1304 = arith.constant 0 : i32
      %dma_wait3A_1305 = tpu.memref_slice %arg6[%dma_wait3A_1303, %dma_wait3A_1304] : memref<6x80xi32, #tpu.memory_space<vmem>> -> memref<1x80xi32, #tpu.memory_space<vmem>>
      %dma_wait3A_1306 = tpu.memref_squeeze %dma_wait3A_1305 : memref<1x80xi32, #tpu.memory_space<vmem>> -> memref<80xi32, #tpu.memory_space<vmem>>
      %dma_wait3A_1307 = arith.constant 0 : i32
      %dma_wait3A_1308 = arith.constant 0 : i32
      %dma_wait3A_1309 = tpu.memref_slice %arg2[%dma_wait3A_1307, %dma_wait3A_1308] : memref<10000x128xf32, #tpu.memory_space<hbm>> -> memref<10000x128xf32, #tpu.memory_space<hbm>>
      %dma_wait3A_1310 = tpu.memref_slice %arg13[%scan3A_859] : memref<19x!tpu.dma_semaphore, #tpu.memory_space<semaphore_mem>> -> memref<1x!tpu.dma_semaphore, #tpu.memory_space<semaphore_mem>>
      %dma_wait3A_1311 = tpu.memref_squeeze %dma_wait3A_1310 : memref<1x!tpu.dma_semaphore, #tpu.memory_space<semaphore_mem>> -> memref<!tpu.dma_semaphore, #tpu.memory_space<semaphore_mem>>
      tpu.wait_indirect_dma semaphore(%dma_wait3A_1311 : memref<!tpu.dma_semaphore, #tpu.memory_space<semaphore_mem>>) src(%dma_wait3A_1309 : memref<10000x128xf32, #tpu.memory_space<hbm>>) dst(%arg10 : memref<80x128xf32, #tpu.memory_space<vmem>>)
      %dma_wait3A_1312 = arith.constant 2 : i32
      %dma_wait3A_1313 = arith.constant 0 : i32
      %dma_wait3A_1314 = tpu.memref_slice %arg7[%dma_wait3A_1312, %dma_wait3A_1313] : memref<6x80xi32, #tpu.memory_space<vmem>> -> memref<1x80xi32, #tpu.memory_space<vmem>>
      %dma_wait3A_1315 = tpu.memref_squeeze %dma_wait3A_1314 : memref<1x80xi32, #tpu.memory_space<vmem>> -> memref<80xi32, #tpu.memory_space<vmem>>
      %dma_wait3A_1316 = arith.constant 0 : i32
      %dma_wait3A_1317 = tpu.memref_slice %arg3[%dma_wait3A_1316] : memref<320000xi32, #tpu.memory_space<hbm>> -> memref<80xi32, #tpu.memory_space<hbm>>
      %dma_wait3A_1318 = tpu.memref_slice %arg13[%scan3A_865] : memref<19x!tpu.dma_semaphore, #tpu.memory_space<semaphore_mem>> -> memref<1x!tpu.dma_semaphore, #tpu.memory_space<semaphore_mem>>
      %dma_wait3A_1319 = tpu.memref_squeeze %dma_wait3A_1318 : memref<1x!tpu.dma_semaphore, #tpu.memory_space<semaphore_mem>> -> memref<!tpu.dma_semaphore, #tpu.memory_space<semaphore_mem>>
      %dma_wait3A_1320 = arith.constant 0 : i32
      %dma_wait3A_1321 = tpu.memref_slice %arg7[%dma_wait3A_1312, %dma_wait3A_1320] : memref<6x80xi32, #tpu.memory_space<vmem>> -> memref<1x80xi32, #tpu.memory_space<vmem>>
      %dma_wait3A_1322 = tpu.memref_squeeze %dma_wait3A_1321 : memref<1x80xi32, #tpu.memory_space<vmem>> -> memref<80xi32, #tpu.memory_space<vmem>>
      %dma_wait3A_1323 = arith.constant 0 : i32
      %dma_wait3A_1324 = tpu.memref_slice %arg3[%dma_wait3A_1323] : memref<320000xi32, #tpu.memory_space<hbm>> -> memref<80xi32, #tpu.memory_space<hbm>>
      tpu.wait_dma2 semaphore(%dma_wait3A_1319 : memref<!tpu.dma_semaphore, #tpu.memory_space<semaphore_mem>>) src(%dma_wait3A_1324 : memref<80xi32, #tpu.memory_space<hbm>>) dst(%dma_wait3A_1322 : memref<80xi32, #tpu.memory_space<vmem>>)
      %dma_start3A_1325 = arith.constant 2 : i32
      %dma_start3A_1326 = arith.constant 0 : i32
      %dma_start3A_1327 = tpu.memref_slice %arg7[%dma_start3A_1325, %dma_start3A_1326] : memref<6x80xi32, #tpu.memory_space<vmem>> -> memref<1x80xi32, #tpu.memory_space<vmem>>
      %dma_start3A_1328 = tpu.memref_squeeze %dma_start3A_1327 : memref<1x80xi32, #tpu.memory_space<vmem>> -> memref<80xi32, #tpu.memory_space<vmem>>
      %dma_start3A_1329 = arith.constant 0 : i32
      %dma_start3A_1330 = arith.constant 0 : i32
      %dma_start3A_1331 = tpu.memref_slice %arg12[%dma_start3A_1329, %dma_start3A_1330] : memref<10240x128xf32, #tpu.memory_space<vmem_shared>> -> memref<10240x128xf32, #tpu.memory_space<vmem_shared>>
      %dma_start3A_1332 = tpu.memref_slice %arg13[%scan3A_855] : memref<19x!tpu.dma_semaphore, #tpu.memory_space<semaphore_mem>> -> memref<1x!tpu.dma_semaphore, #tpu.memory_space<semaphore_mem>>
      %dma_start3A_1333 = tpu.memref_squeeze %dma_start3A_1332 : memref<1x!tpu.dma_semaphore, #tpu.memory_space<semaphore_mem>> -> memref<!tpu.dma_semaphore, #tpu.memory_space<semaphore_mem>>
      tpu.enqueue_indirect_dma source(%arg10 : memref<80x128xf32, #tpu.memory_space<vmem>>) target(%dma_start3A_1331 : memref<10240x128xf32, #tpu.memory_space<vmem_shared>>) offsets(%dma_start3A_1328 : memref<80xi32, #tpu.memory_space<vmem>>) semaphore(%dma_start3A_1333 : memref<!tpu.dma_semaphore, #tpu.memory_space<semaphore_mem>>) {add = true}
      %dma_wait3A_1334 = arith.constant 1 : i32
      %dma_wait3A_1335 = arith.constant 0 : i32
      %dma_wait3A_1336 = tpu.memref_slice %arg7[%dma_wait3A_1334, %dma_wait3A_1335] : memref<6x80xi32, #tpu.memory_space<vmem>> -> memref<1x80xi32, #tpu.memory_space<vmem>>
      %dma_wait3A_1337 = tpu.memref_squeeze %dma_wait3A_1336 : memref<1x80xi32, #tpu.memory_space<vmem>> -> memref<80xi32, #tpu.memory_space<vmem>>
      %dma_wait3A_1338 = arith.constant 0 : i32
      %dma_wait3A_1339 = arith.constant 0 : i32
      %dma_wait3A_1340 = tpu.memref_slice %arg12[%dma_wait3A_1338, %dma_wait3A_1339] : memref<10240x128xf32, #tpu.memory_space<vmem_shared>> -> memref<10240x128xf32, #tpu.memory_space<vmem_shared>>
      %dma_wait3A_1341 = tpu.memref_slice %arg13[%scan3A_862] : memref<19x!tpu.dma_semaphore, #tpu.memory_space<semaphore_mem>> -> memref<1x!tpu.dma_semaphore, #tpu.memory_space<semaphore_mem>>
      %dma_wait3A_1342 = tpu.memref_squeeze %dma_wait3A_1341 : memref<1x!tpu.dma_semaphore, #tpu.memory_space<semaphore_mem>> -> memref<!tpu.dma_semaphore, #tpu.memory_space<semaphore_mem>>
      tpu.wait_indirect_dma semaphore(%dma_wait3A_1342 : memref<!tpu.dma_semaphore, #tpu.memory_space<semaphore_mem>>) src(%arg9 : memref<80x128xf32, #tpu.memory_space<vmem>>) dst(%dma_wait3A_1340 : memref<10240x128xf32, #tpu.memory_space<vmem_shared>>)
      %add3A_1343 = arith.constant 6 : i32
      %add3A_1344 = arith.addi %add3A_1302, %add3A_1343 : i32
      %sub3A_1345 = arith.constant 1 : i32
      %sub3A_1346 = arith.subi %add3A_1344, %sub3A_1345 : i32
      %mul3A_1347 = arith.constant 80 : i32
      %mul3A_1348 = arith.muli %sub3A_1346, %mul3A_1347 : i32
      %add3A_1349 = arith.addi %mul3A_2, %mul3A_1348 : i32
      %dma_start3A_1350 = arith.constant 1 : i32
      %dma_start3A_1351 = arith.constant 0 : i32
      %dma_start3A_1352 = tpu.memref_slice %arg6[%dma_start3A_1350, %dma_start3A_1351] : memref<6x80xi32, #tpu.memory_space<vmem>> -> memref<1x80xi32, #tpu.memory_space<vmem>>
      %dma_start3A_1353 = tpu.memref_squeeze %dma_start3A_1352 : memref<1x80xi32, #tpu.memory_space<vmem>> -> memref<80xi32, #tpu.memory_space<vmem>>
      %dma_start3A_1354 = tpu.memref_slice %arg3[%add3A_1349] : memref<320000xi32, #tpu.memory_space<hbm>> -> memref<80xi32, #tpu.memory_space<hbm>>
      %dma_start3A_1355 = tpu.memref_slice %arg13[%scan3A_866] : memref<19x!tpu.dma_semaphore, #tpu.memory_space<semaphore_mem>> -> memref<1x!tpu.dma_semaphore, #tpu.memory_space<semaphore_mem>>
      %dma_start3A_1356 = tpu.memref_squeeze %dma_start3A_1355 : memref<1x!tpu.dma_semaphore, #tpu.memory_space<semaphore_mem>> -> memref<!tpu.dma_semaphore, #tpu.memory_space<semaphore_mem>>
      %dma_start3A_1357 = arith.constant 0 : i32
      %dma_start3A_1358 = tpu.memref_slice %arg6[%dma_start3A_1350, %dma_start3A_1357] : memref<6x80xi32, #tpu.memory_space<vmem>> -> memref<1x80xi32, #tpu.memory_space<vmem>>
      %dma_start3A_1359 = tpu.memref_squeeze %dma_start3A_1358 : memref<1x80xi32, #tpu.memory_space<vmem>> -> memref<80xi32, #tpu.memory_space<vmem>>
      %dma_start3A_1360 = tpu.memref_slice %arg3[%add3A_1349] : memref<320000xi32, #tpu.memory_space<hbm>> -> memref<80xi32, #tpu.memory_space<hbm>>
      tpu.enqueue_dma source(%dma_start3A_1360 : memref<80xi32, #tpu.memory_space<hbm>>) target(%dma_start3A_1359 : memref<80xi32, #tpu.memory_space<vmem>>) target_semaphore(%dma_start3A_1356 : memref<!tpu.dma_semaphore, #tpu.memory_space<semaphore_mem>>)
      %dma_start3A_1361 = arith.constant 1 : i32
      %dma_start3A_1362 = arith.constant 0 : i32
      %dma_start3A_1363 = tpu.memref_slice %arg7[%dma_start3A_1361, %dma_start3A_1362] : memref<6x80xi32, #tpu.memory_space<vmem>> -> memref<1x80xi32, #tpu.memory_space<vmem>>
      %dma_start3A_1364 = tpu.memref_squeeze %dma_start3A_1363 : memref<1x80xi32, #tpu.memory_space<vmem>> -> memref<80xi32, #tpu.memory_space<vmem>>
      %dma_start3A_1365 = tpu.memref_slice %arg4[%add3A_1349] : memref<320000xi32, #tpu.memory_space<hbm>> -> memref<80xi32, #tpu.memory_space<hbm>>
      %dma_start3A_1366 = tpu.memref_slice %arg13[%scan3A_861] : memref<19x!tpu.dma_semaphore, #tpu.memory_space<semaphore_mem>> -> memref<1x!tpu.dma_semaphore, #tpu.memory_space<semaphore_mem>>
      %dma_start3A_1367 = tpu.memref_squeeze %dma_start3A_1366 : memref<1x!tpu.dma_semaphore, #tpu.memory_space<semaphore_mem>> -> memref<!tpu.dma_semaphore, #tpu.memory_space<semaphore_mem>>
      %dma_start3A_1368 = arith.constant 0 : i32
      %dma_start3A_1369 = tpu.memref_slice %arg7[%dma_start3A_1361, %dma_start3A_1368] : memref<6x80xi32, #tpu.memory_space<vmem>> -> memref<1x80xi32, #tpu.memory_space<vmem>>
      %dma_start3A_1370 = tpu.memref_squeeze %dma_start3A_1369 : memref<1x80xi32, #tpu.memory_space<vmem>> -> memref<80xi32, #tpu.memory_space<vmem>>
      %dma_start3A_1371 = tpu.memref_slice %arg4[%add3A_1349] : memref<320000xi32, #tpu.memory_space<hbm>> -> memref<80xi32, #tpu.memory_space<hbm>>
      tpu.enqueue_dma source(%dma_start3A_1371 : memref<80xi32, #tpu.memory_space<hbm>>) target(%dma_start3A_1370 : memref<80xi32, #tpu.memory_space<vmem>>) target_semaphore(%dma_start3A_1367 : memref<!tpu.dma_semaphore, #tpu.memory_space<semaphore_mem>>)
      %add3A_1372 = arith.constant 2 : i32
      %add3A_1373 = arith.addi %add3A_1302, %add3A_1372 : i32
      %lt3A_1374 = arith.constant 125 : i32
      %lt3A_1375 = arith.cmpi slt, %add3A_1373, %lt3A_1374 : i32
      %convert_element_type3A_1376 = arith.extui %lt3A_1375 : i1 to i32
      %cond3A_1377 = arith.constant 0 : i32
      %cond3A_1378 = arith.cmpi ne, %convert_element_type3A_1376, %cond3A_1377 : i32
      scf.if %cond3A_1378 {
        %dma_wait3A_1613 = arith.constant 4 : i32
        %dma_wait3A_1614 = arith.constant 0 : i32
        %dma_wait3A_1615 = tpu.memref_slice %arg6[%dma_wait3A_1613, %dma_wait3A_1614] : memref<6x80xi32, #tpu.memory_space<vmem>> -> memref<1x80xi32, #tpu.memory_space<vmem>>
        %dma_wait3A_1616 = tpu.memref_squeeze %dma_wait3A_1615 : memref<1x80xi32, #tpu.memory_space<vmem>> -> memref<80xi32, #tpu.memory_space<vmem>>
        %dma_wait3A_1617 = arith.constant 0 : i32
        %dma_wait3A_1618 = tpu.memref_slice %arg3[%dma_wait3A_1617] : memref<320000xi32, #tpu.memory_space<hbm>> -> memref<80xi32, #tpu.memory_space<hbm>>
        %dma_wait3A_1619 = tpu.memref_slice %arg13[%scan3A_867] : memref<19x!tpu.dma_semaphore, #tpu.memory_space<semaphore_mem>> -> memref<1x!tpu.dma_semaphore, #tpu.memory_space<semaphore_mem>>
        %dma_wait3A_1620 = tpu.memref_squeeze %dma_wait3A_1619 : memref<1x!tpu.dma_semaphore, #tpu.memory_space<semaphore_mem>> -> memref<!tpu.dma_semaphore, #tpu.memory_space<semaphore_mem>>
        %dma_wait3A_1621 = arith.constant 0 : i32
        %dma_wait3A_1622 = tpu.memref_slice %arg6[%dma_wait3A_1613, %dma_wait3A_1621] : memref<6x80xi32, #tpu.memory_space<vmem>> -> memref<1x80xi32, #tpu.memory_space<vmem>>
        %dma_wait3A_1623 = tpu.memref_squeeze %dma_wait3A_1622 : memref<1x80xi32, #tpu.memory_space<vmem>> -> memref<80xi32, #tpu.memory_space<vmem>>
        %dma_wait3A_1624 = arith.constant 0 : i32
        %dma_wait3A_1625 = tpu.memref_slice %arg3[%dma_wait3A_1624] : memref<320000xi32, #tpu.memory_space<hbm>> -> memref<80xi32, #tpu.memory_space<hbm>>
        tpu.wait_dma2 semaphore(%dma_wait3A_1620 : memref<!tpu.dma_semaphore, #tpu.memory_space<semaphore_mem>>) src(%dma_wait3A_1625 : memref<80xi32, #tpu.memory_space<hbm>>) dst(%dma_wait3A_1623 : memref<80xi32, #tpu.memory_space<vmem>>)
        %dma_start3A_1626 = arith.constant 4 : i32
        %dma_start3A_1627 = arith.constant 0 : i32
        %dma_start3A_1628 = tpu.memref_slice %arg6[%dma_start3A_1626, %dma_start3A_1627] : memref<6x80xi32, #tpu.memory_space<vmem>> -> memref<1x80xi32, #tpu.memory_space<vmem>>
        %dma_start3A_1629 = tpu.memref_squeeze %dma_start3A_1628 : memref<1x80xi32, #tpu.memory_space<vmem>> -> memref<80xi32, #tpu.memory_space<vmem>>
        %dma_start3A_1630 = arith.constant 0 : i32
        %dma_start3A_1631 = arith.constant 0 : i32
        %dma_start3A_1632 = tpu.memref_slice %arg2[%dma_start3A_1630, %dma_start3A_1631] : memref<10000x128xf32, #tpu.memory_space<hbm>> -> memref<10000x128xf32, #tpu.memory_space<hbm>>
        %dma_start3A_1633 = tpu.memref_slice %arg13[%scan3A_860] : memref<19x!tpu.dma_semaphore, #tpu.memory_space<semaphore_mem>> -> memref<1x!tpu.dma_semaphore, #tpu.memory_space<semaphore_mem>>
        %dma_start3A_1634 = tpu.memref_squeeze %dma_start3A_1633 : memref<1x!tpu.dma_semaphore, #tpu.memory_space<semaphore_mem>> -> memref<!tpu.dma_semaphore, #tpu.memory_space<semaphore_mem>>
        tpu.enqueue_indirect_dma source(%dma_start3A_1632 : memref<10000x128xf32, #tpu.memory_space<hbm>>) target(%arg9 : memref<80x128xf32, #tpu.memory_space<vmem>>) offsets(%dma_start3A_1629 : memref<80xi32, #tpu.memory_space<vmem>>) semaphore(%dma_start3A_1634 : memref<!tpu.dma_semaphore, #tpu.memory_space<semaphore_mem>>)
      } else {
      }
      %add3A_1379 = arith.constant 3 : i32
      %add3A_1380 = arith.addi %add3A_1182, %add3A_1379 : i32
      %dma_wait3A_1381 = arith.constant 0 : i32
      %dma_wait3A_1382 = arith.constant 0 : i32
      %dma_wait3A_1383 = tpu.memref_slice %arg6[%dma_wait3A_1381, %dma_wait3A_1382] : memref<6x80xi32, #tpu.memory_space<vmem>> -> memref<1x80xi32, #tpu.memory_space<vmem>>
      %dma_wait3A_1384 = tpu.memref_squeeze %dma_wait3A_1383 : memref<1x80xi32, #tpu.memory_space<vmem>> -> memref<80xi32, #tpu.memory_space<vmem>>
      %dma_wait3A_1385 = arith.constant 0 : i32
      %dma_wait3A_1386 = arith.constant 0 : i32
      %dma_wait3A_1387 = tpu.memref_slice %arg2[%dma_wait3A_1385, %dma_wait3A_1386] : memref<10000x128xf32, #tpu.memory_space<hbm>> -> memref<10000x128xf32, #tpu.memory_space<hbm>>
      %dma_wait3A_1388 = tpu.memref_slice %arg13[%scan3A_852] : memref<19x!tpu.dma_semaphore, #tpu.memory_space<semaphore_mem>> -> memref<1x!tpu.dma_semaphore, #tpu.memory_space<semaphore_mem>>
      %dma_wait3A_1389 = tpu.memref_squeeze %dma_wait3A_1388 : memref<1x!tpu.dma_semaphore, #tpu.memory_space<semaphore_mem>> -> memref<!tpu.dma_semaphore, #tpu.memory_space<semaphore_mem>>
      tpu.wait_indirect_dma semaphore(%dma_wait3A_1389 : memref<!tpu.dma_semaphore, #tpu.memory_space<semaphore_mem>>) src(%dma_wait3A_1387 : memref<10000x128xf32, #tpu.memory_space<hbm>>) dst(%arg8 : memref<80x128xf32, #tpu.memory_space<vmem>>)
      %dma_wait3A_1390 = arith.constant 3 : i32
      %dma_wait3A_1391 = arith.constant 0 : i32
      %dma_wait3A_1392 = tpu.memref_slice %arg7[%dma_wait3A_1390, %dma_wait3A_1391] : memref<6x80xi32, #tpu.memory_space<vmem>> -> memref<1x80xi32, #tpu.memory_space<vmem>>
      %dma_wait3A_1393 = tpu.memref_squeeze %dma_wait3A_1392 : memref<1x80xi32, #tpu.memory_space<vmem>> -> memref<80xi32, #tpu.memory_space<vmem>>
      %dma_wait3A_1394 = arith.constant 0 : i32
      %dma_wait3A_1395 = tpu.memref_slice %arg3[%dma_wait3A_1394] : memref<320000xi32, #tpu.memory_space<hbm>> -> memref<80xi32, #tpu.memory_space<hbm>>
      %dma_wait3A_1396 = tpu.memref_slice %arg13[%scan3A_868] : memref<19x!tpu.dma_semaphore, #tpu.memory_space<semaphore_mem>> -> memref<1x!tpu.dma_semaphore, #tpu.memory_space<semaphore_mem>>
      %dma_wait3A_1397 = tpu.memref_squeeze %dma_wait3A_1396 : memref<1x!tpu.dma_semaphore, #tpu.memory_space<semaphore_mem>> -> memref<!tpu.dma_semaphore, #tpu.memory_space<semaphore_mem>>
      %dma_wait3A_1398 = arith.constant 0 : i32
      %dma_wait3A_1399 = tpu.memref_slice %arg7[%dma_wait3A_1390, %dma_wait3A_1398] : memref<6x80xi32, #tpu.memory_space<vmem>> -> memref<1x80xi32, #tpu.memory_space<vmem>>
      %dma_wait3A_1400 = tpu.memref_squeeze %dma_wait3A_1399 : memref<1x80xi32, #tpu.memory_space<vmem>> -> memref<80xi32, #tpu.memory_space<vmem>>
      %dma_wait3A_1401 = arith.constant 0 : i32
      %dma_wait3A_1402 = tpu.memref_slice %arg3[%dma_wait3A_1401] : memref<320000xi32, #tpu.memory_space<hbm>> -> memref<80xi32, #tpu.memory_space<hbm>>
      tpu.wait_dma2 semaphore(%dma_wait3A_1397 : memref<!tpu.dma_semaphore, #tpu.memory_space<semaphore_mem>>) src(%dma_wait3A_1402 : memref<80xi32, #tpu.memory_space<hbm>>) dst(%dma_wait3A_1400 : memref<80xi32, #tpu.memory_space<vmem>>)
      %dma_start3A_1403 = arith.constant 3 : i32
      %dma_start3A_1404 = arith.constant 0 : i32
      %dma_start3A_1405 = tpu.memref_slice %arg7[%dma_start3A_1403, %dma_start3A_1404] : memref<6x80xi32, #tpu.memory_space<vmem>> -> memref<1x80xi32, #tpu.memory_space<vmem>>
      %dma_start3A_1406 = tpu.memref_squeeze %dma_start3A_1405 : memref<1x80xi32, #tpu.memory_space<vmem>> -> memref<80xi32, #tpu.memory_space<vmem>>
      %dma_start3A_1407 = arith.constant 0 : i32
      %dma_start3A_1408 = arith.constant 0 : i32
      %dma_start3A_1409 = tpu.memref_slice %arg12[%dma_start3A_1407, %dma_start3A_1408] : memref<10240x128xf32, #tpu.memory_space<vmem_shared>> -> memref<10240x128xf32, #tpu.memory_space<vmem_shared>>
      %dma_start3A_1410 = tpu.memref_slice %arg13[%scan3A_854] : memref<19x!tpu.dma_semaphore, #tpu.memory_space<semaphore_mem>> -> memref<1x!tpu.dma_semaphore, #tpu.memory_space<semaphore_mem>>
      %dma_start3A_1411 = tpu.memref_squeeze %dma_start3A_1410 : memref<1x!tpu.dma_semaphore, #tpu.memory_space<semaphore_mem>> -> memref<!tpu.dma_semaphore, #tpu.memory_space<semaphore_mem>>
      tpu.enqueue_indirect_dma source(%arg8 : memref<80x128xf32, #tpu.memory_space<vmem>>) target(%dma_start3A_1409 : memref<10240x128xf32, #tpu.memory_space<vmem_shared>>) offsets(%dma_start3A_1406 : memref<80xi32, #tpu.memory_space<vmem>>) semaphore(%dma_start3A_1411 : memref<!tpu.dma_semaphore, #tpu.memory_space<semaphore_mem>>) {add = true}
      %dma_wait3A_1412 = arith.constant 2 : i32
      %dma_wait3A_1413 = arith.constant 0 : i32
      %dma_wait3A_1414 = tpu.memref_slice %arg7[%dma_wait3A_1412, %dma_wait3A_1413] : memref<6x80xi32, #tpu.memory_space<vmem>> -> memref<1x80xi32, #tpu.memory_space<vmem>>
      %dma_wait3A_1415 = tpu.memref_squeeze %dma_wait3A_1414 : memref<1x80xi32, #tpu.memory_space<vmem>> -> memref<80xi32, #tpu.memory_space<vmem>>
      %dma_wait3A_1416 = arith.constant 0 : i32
      %dma_wait3A_1417 = arith.constant 0 : i32
      %dma_wait3A_1418 = tpu.memref_slice %arg12[%dma_wait3A_1416, %dma_wait3A_1417] : memref<10240x128xf32, #tpu.memory_space<vmem_shared>> -> memref<10240x128xf32, #tpu.memory_space<vmem_shared>>
      %dma_wait3A_1419 = tpu.memref_slice %arg13[%scan3A_855] : memref<19x!tpu.dma_semaphore, #tpu.memory_space<semaphore_mem>> -> memref<1x!tpu.dma_semaphore, #tpu.memory_space<semaphore_mem>>
      %dma_wait3A_1420 = tpu.memref_squeeze %dma_wait3A_1419 : memref<1x!tpu.dma_semaphore, #tpu.memory_space<semaphore_mem>> -> memref<!tpu.dma_semaphore, #tpu.memory_space<semaphore_mem>>
      tpu.wait_indirect_dma semaphore(%dma_wait3A_1420 : memref<!tpu.dma_semaphore, #tpu.memory_space<semaphore_mem>>) src(%arg10 : memref<80x128xf32, #tpu.memory_space<vmem>>) dst(%dma_wait3A_1418 : memref<10240x128xf32, #tpu.memory_space<vmem_shared>>)
      %add3A_1421 = arith.constant 6 : i32
      %add3A_1422 = arith.addi %add3A_1380, %add3A_1421 : i32
      %sub3A_1423 = arith.constant 1 : i32
      %sub3A_1424 = arith.subi %add3A_1422, %sub3A_1423 : i32
      %mul3A_1425 = arith.constant 80 : i32
      %mul3A_1426 = arith.muli %sub3A_1424, %mul3A_1425 : i32
      %add3A_1427 = arith.addi %mul3A_2, %mul3A_1426 : i32
      %dma_start3A_1428 = arith.constant 2 : i32
      %dma_start3A_1429 = arith.constant 0 : i32
      %dma_start3A_1430 = tpu.memref_slice %arg6[%dma_start3A_1428, %dma_start3A_1429] : memref<6x80xi32, #tpu.memory_space<vmem>> -> memref<1x80xi32, #tpu.memory_space<vmem>>
      %dma_start3A_1431 = tpu.memref_squeeze %dma_start3A_1430 : memref<1x80xi32, #tpu.memory_space<vmem>> -> memref<80xi32, #tpu.memory_space<vmem>>
      %dma_start3A_1432 = tpu.memref_slice %arg3[%add3A_1427] : memref<320000xi32, #tpu.memory_space<hbm>> -> memref<80xi32, #tpu.memory_space<hbm>>
      %dma_start3A_1433 = tpu.memref_slice %arg13[%scan3A_858] : memref<19x!tpu.dma_semaphore, #tpu.memory_space<semaphore_mem>> -> memref<1x!tpu.dma_semaphore, #tpu.memory_space<semaphore_mem>>
      %dma_start3A_1434 = tpu.memref_squeeze %dma_start3A_1433 : memref<1x!tpu.dma_semaphore, #tpu.memory_space<semaphore_mem>> -> memref<!tpu.dma_semaphore, #tpu.memory_space<semaphore_mem>>
      %dma_start3A_1435 = arith.constant 0 : i32
      %dma_start3A_1436 = tpu.memref_slice %arg6[%dma_start3A_1428, %dma_start3A_1435] : memref<6x80xi32, #tpu.memory_space<vmem>> -> memref<1x80xi32, #tpu.memory_space<vmem>>
      %dma_start3A_1437 = tpu.memref_squeeze %dma_start3A_1436 : memref<1x80xi32, #tpu.memory_space<vmem>> -> memref<80xi32, #tpu.memory_space<vmem>>
      %dma_start3A_1438 = tpu.memref_slice %arg3[%add3A_1427] : memref<320000xi32, #tpu.memory_space<hbm>> -> memref<80xi32, #tpu.memory_space<hbm>>
      tpu.enqueue_dma source(%dma_start3A_1438 : memref<80xi32, #tpu.memory_space<hbm>>) target(%dma_start3A_1437 : memref<80xi32, #tpu.memory_space<vmem>>) target_semaphore(%dma_start3A_1434 : memref<!tpu.dma_semaphore, #tpu.memory_space<semaphore_mem>>)
      %dma_start3A_1439 = arith.constant 2 : i32
      %dma_start3A_1440 = arith.constant 0 : i32
      %dma_start3A_1441 = tpu.memref_slice %arg7[%dma_start3A_1439, %dma_start3A_1440] : memref<6x80xi32, #tpu.memory_space<vmem>> -> memref<1x80xi32, #tpu.memory_space<vmem>>
      %dma_start3A_1442 = tpu.memref_squeeze %dma_start3A_1441 : memref<1x80xi32, #tpu.memory_space<vmem>> -> memref<80xi32, #tpu.memory_space<vmem>>
      %dma_start3A_1443 = tpu.memref_slice %arg4[%add3A_1427] : memref<320000xi32, #tpu.memory_space<hbm>> -> memref<80xi32, #tpu.memory_space<hbm>>
      %dma_start3A_1444 = tpu.memref_slice %arg13[%scan3A_865] : memref<19x!tpu.dma_semaphore, #tpu.memory_space<semaphore_mem>> -> memref<1x!tpu.dma_semaphore, #tpu.memory_space<semaphore_mem>>
      %dma_start3A_1445 = tpu.memref_squeeze %dma_start3A_1444 : memref<1x!tpu.dma_semaphore, #tpu.memory_space<semaphore_mem>> -> memref<!tpu.dma_semaphore, #tpu.memory_space<semaphore_mem>>
      %dma_start3A_1446 = arith.constant 0 : i32
      %dma_start3A_1447 = tpu.memref_slice %arg7[%dma_start3A_1439, %dma_start3A_1446] : memref<6x80xi32, #tpu.memory_space<vmem>> -> memref<1x80xi32, #tpu.memory_space<vmem>>
      %dma_start3A_1448 = tpu.memref_squeeze %dma_start3A_1447 : memref<1x80xi32, #tpu.memory_space<vmem>> -> memref<80xi32, #tpu.memory_space<vmem>>
      %dma_start3A_1449 = tpu.memref_slice %arg4[%add3A_1427] : memref<320000xi32, #tpu.memory_space<hbm>> -> memref<80xi32, #tpu.memory_space<hbm>>
      tpu.enqueue_dma source(%dma_start3A_1449 : memref<80xi32, #tpu.memory_space<hbm>>) target(%dma_start3A_1448 : memref<80xi32, #tpu.memory_space<vmem>>) target_semaphore(%dma_start3A_1445 : memref<!tpu.dma_semaphore, #tpu.memory_space<semaphore_mem>>)
      %add3A_1450 = arith.constant 2 : i32
      %add3A_1451 = arith.addi %add3A_1380, %add3A_1450 : i32
      %lt3A_1452 = arith.constant 125 : i32
      %lt3A_1453 = arith.cmpi slt, %add3A_1451, %lt3A_1452 : i32
      %convert_element_type3A_1454 = arith.extui %lt3A_1453 : i1 to i32
      %cond3A_1455 = arith.constant 0 : i32
      %cond3A_1456 = arith.cmpi ne, %convert_element_type3A_1454, %cond3A_1455 : i32
      scf.if %cond3A_1456 {
        %dma_wait3A_1613 = arith.constant 5 : i32
        %dma_wait3A_1614 = arith.constant 0 : i32
        %dma_wait3A_1615 = tpu.memref_slice %arg6[%dma_wait3A_1613, %dma_wait3A_1614] : memref<6x80xi32, #tpu.memory_space<vmem>> -> memref<1x80xi32, #tpu.memory_space<vmem>>
        %dma_wait3A_1616 = tpu.memref_squeeze %dma_wait3A_1615 : memref<1x80xi32, #tpu.memory_space<vmem>> -> memref<80xi32, #tpu.memory_space<vmem>>
        %dma_wait3A_1617 = arith.constant 0 : i32
        %dma_wait3A_1618 = tpu.memref_slice %arg3[%dma_wait3A_1617] : memref<320000xi32, #tpu.memory_space<hbm>> -> memref<80xi32, #tpu.memory_space<hbm>>
        %dma_wait3A_1619 = tpu.memref_slice %arg13[%scan3A_856] : memref<19x!tpu.dma_semaphore, #tpu.memory_space<semaphore_mem>> -> memref<1x!tpu.dma_semaphore, #tpu.memory_space<semaphore_mem>>
        %dma_wait3A_1620 = tpu.memref_squeeze %dma_wait3A_1619 : memref<1x!tpu.dma_semaphore, #tpu.memory_space<semaphore_mem>> -> memref<!tpu.dma_semaphore, #tpu.memory_space<semaphore_mem>>
        %dma_wait3A_1621 = arith.constant 0 : i32
        %dma_wait3A_1622 = tpu.memref_slice %arg6[%dma_wait3A_1613, %dma_wait3A_1621] : memref<6x80xi32, #tpu.memory_space<vmem>> -> memref<1x80xi32, #tpu.memory_space<vmem>>
        %dma_wait3A_1623 = tpu.memref_squeeze %dma_wait3A_1622 : memref<1x80xi32, #tpu.memory_space<vmem>> -> memref<80xi32, #tpu.memory_space<vmem>>
        %dma_wait3A_1624 = arith.constant 0 : i32
        %dma_wait3A_1625 = tpu.memref_slice %arg3[%dma_wait3A_1624] : memref<320000xi32, #tpu.memory_space<hbm>> -> memref<80xi32, #tpu.memory_space<hbm>>
        tpu.wait_dma2 semaphore(%dma_wait3A_1620 : memref<!tpu.dma_semaphore, #tpu.memory_space<semaphore_mem>>) src(%dma_wait3A_1625 : memref<80xi32, #tpu.memory_space<hbm>>) dst(%dma_wait3A_1623 : memref<80xi32, #tpu.memory_space<vmem>>)
        %dma_start3A_1626 = arith.constant 5 : i32
        %dma_start3A_1627 = arith.constant 0 : i32
        %dma_start3A_1628 = tpu.memref_slice %arg6[%dma_start3A_1626, %dma_start3A_1627] : memref<6x80xi32, #tpu.memory_space<vmem>> -> memref<1x80xi32, #tpu.memory_space<vmem>>
        %dma_start3A_1629 = tpu.memref_squeeze %dma_start3A_1628 : memref<1x80xi32, #tpu.memory_space<vmem>> -> memref<80xi32, #tpu.memory_space<vmem>>
        %dma_start3A_1630 = arith.constant 0 : i32
        %dma_start3A_1631 = arith.constant 0 : i32
        %dma_start3A_1632 = tpu.memref_slice %arg2[%dma_start3A_1630, %dma_start3A_1631] : memref<10000x128xf32, #tpu.memory_space<hbm>> -> memref<10000x128xf32, #tpu.memory_space<hbm>>
        %dma_start3A_1633 = tpu.memref_slice %arg13[%scan3A_859] : memref<19x!tpu.dma_semaphore, #tpu.memory_space<semaphore_mem>> -> memref<1x!tpu.dma_semaphore, #tpu.memory_space<semaphore_mem>>
        %dma_start3A_1634 = tpu.memref_squeeze %dma_start3A_1633 : memref<1x!tpu.dma_semaphore, #tpu.memory_space<semaphore_mem>> -> memref<!tpu.dma_semaphore, #tpu.memory_space<semaphore_mem>>
        tpu.enqueue_indirect_dma source(%dma_start3A_1632 : memref<10000x128xf32, #tpu.memory_space<hbm>>) target(%arg10 : memref<80x128xf32, #tpu.memory_space<vmem>>) offsets(%dma_start3A_1629 : memref<80xi32, #tpu.memory_space<vmem>>) semaphore(%dma_start3A_1634 : memref<!tpu.dma_semaphore, #tpu.memory_space<semaphore_mem>>)
      } else {
      }
      %add3A_1457 = arith.constant 4 : i32
      %add3A_1458 = arith.addi %add3A_1182, %add3A_1457 : i32
      %dma_wait3A_1459 = arith.constant 0 : i32
      %dma_wait3A_1460 = arith.constant 0 : i32
      %dma_wait3A_1461 = tpu.memref_slice %arg6[%dma_wait3A_1459, %dma_wait3A_1460] : memref<6x80xi32, #tpu.memory_space<vmem>> -> memref<1x80xi32, #tpu.memory_space<vmem>>
      %dma_wait3A_1462 = tpu.memref_squeeze %dma_wait3A_1461 : memref<1x80xi32, #tpu.memory_space<vmem>> -> memref<80xi32, #tpu.memory_space<vmem>>
      %dma_wait3A_1463 = arith.constant 0 : i32
      %dma_wait3A_1464 = arith.constant 0 : i32
      %dma_wait3A_1465 = tpu.memref_slice %arg2[%dma_wait3A_1463, %dma_wait3A_1464] : memref<10000x128xf32, #tpu.memory_space<hbm>> -> memref<10000x128xf32, #tpu.memory_space<hbm>>
      %dma_wait3A_1466 = tpu.memref_slice %arg13[%scan3A_860] : memref<19x!tpu.dma_semaphore, #tpu.memory_space<semaphore_mem>> -> memref<1x!tpu.dma_semaphore, #tpu.memory_space<semaphore_mem>>
      %dma_wait3A_1467 = tpu.memref_squeeze %dma_wait3A_1466 : memref<1x!tpu.dma_semaphore, #tpu.memory_space<semaphore_mem>> -> memref<!tpu.dma_semaphore, #tpu.memory_space<semaphore_mem>>
      tpu.wait_indirect_dma semaphore(%dma_wait3A_1467 : memref<!tpu.dma_semaphore, #tpu.memory_space<semaphore_mem>>) src(%dma_wait3A_1465 : memref<10000x128xf32, #tpu.memory_space<hbm>>) dst(%arg9 : memref<80x128xf32, #tpu.memory_space<vmem>>)
      %dma_wait3A_1468 = arith.constant 4 : i32
      %dma_wait3A_1469 = arith.constant 0 : i32
      %dma_wait3A_1470 = tpu.memref_slice %arg7[%dma_wait3A_1468, %dma_wait3A_1469] : memref<6x80xi32, #tpu.memory_space<vmem>> -> memref<1x80xi32, #tpu.memory_space<vmem>>
      %dma_wait3A_1471 = tpu.memref_squeeze %dma_wait3A_1470 : memref<1x80xi32, #tpu.memory_space<vmem>> -> memref<80xi32, #tpu.memory_space<vmem>>
      %dma_wait3A_1472 = arith.constant 0 : i32
      %dma_wait3A_1473 = tpu.memref_slice %arg3[%dma_wait3A_1472] : memref<320000xi32, #tpu.memory_space<hbm>> -> memref<80xi32, #tpu.memory_space<hbm>>
      %dma_wait3A_1474 = tpu.memref_slice %arg13[%scan3A_869] : memref<19x!tpu.dma_semaphore, #tpu.memory_space<semaphore_mem>> -> memref<1x!tpu.dma_semaphore, #tpu.memory_space<semaphore_mem>>
      %dma_wait3A_1475 = tpu.memref_squeeze %dma_wait3A_1474 : memref<1x!tpu.dma_semaphore, #tpu.memory_space<semaphore_mem>> -> memref<!tpu.dma_semaphore, #tpu.memory_space<semaphore_mem>>
      %dma_wait3A_1476 = arith.constant 0 : i32
      %dma_wait3A_1477 = tpu.memref_slice %arg7[%dma_wait3A_1468, %dma_wait3A_1476] : memref<6x80xi32, #tpu.memory_space<vmem>> -> memref<1x80xi32, #tpu.memory_space<vmem>>
      %dma_wait3A_1478 = tpu.memref_squeeze %dma_wait3A_1477 : memref<1x80xi32, #tpu.memory_space<vmem>> -> memref<80xi32, #tpu.memory_space<vmem>>
      %dma_wait3A_1479 = arith.constant 0 : i32
      %dma_wait3A_1480 = tpu.memref_slice %arg3[%dma_wait3A_1479] : memref<320000xi32, #tpu.memory_space<hbm>> -> memref<80xi32, #tpu.memory_space<hbm>>
      tpu.wait_dma2 semaphore(%dma_wait3A_1475 : memref<!tpu.dma_semaphore, #tpu.memory_space<semaphore_mem>>) src(%dma_wait3A_1480 : memref<80xi32, #tpu.memory_space<hbm>>) dst(%dma_wait3A_1478 : memref<80xi32, #tpu.memory_space<vmem>>)
      %dma_start3A_1481 = arith.constant 4 : i32
      %dma_start3A_1482 = arith.constant 0 : i32
      %dma_start3A_1483 = tpu.memref_slice %arg7[%dma_start3A_1481, %dma_start3A_1482] : memref<6x80xi32, #tpu.memory_space<vmem>> -> memref<1x80xi32, #tpu.memory_space<vmem>>
      %dma_start3A_1484 = tpu.memref_squeeze %dma_start3A_1483 : memref<1x80xi32, #tpu.memory_space<vmem>> -> memref<80xi32, #tpu.memory_space<vmem>>
      %dma_start3A_1485 = arith.constant 0 : i32
      %dma_start3A_1486 = arith.constant 0 : i32
      %dma_start3A_1487 = tpu.memref_slice %arg12[%dma_start3A_1485, %dma_start3A_1486] : memref<10240x128xf32, #tpu.memory_space<vmem_shared>> -> memref<10240x128xf32, #tpu.memory_space<vmem_shared>>
      %dma_start3A_1488 = tpu.memref_slice %arg13[%scan3A_862] : memref<19x!tpu.dma_semaphore, #tpu.memory_space<semaphore_mem>> -> memref<1x!tpu.dma_semaphore, #tpu.memory_space<semaphore_mem>>
      %dma_start3A_1489 = tpu.memref_squeeze %dma_start3A_1488 : memref<1x!tpu.dma_semaphore, #tpu.memory_space<semaphore_mem>> -> memref<!tpu.dma_semaphore, #tpu.memory_space<semaphore_mem>>
      tpu.enqueue_indirect_dma source(%arg9 : memref<80x128xf32, #tpu.memory_space<vmem>>) target(%dma_start3A_1487 : memref<10240x128xf32, #tpu.memory_space<vmem_shared>>) offsets(%dma_start3A_1484 : memref<80xi32, #tpu.memory_space<vmem>>) semaphore(%dma_start3A_1489 : memref<!tpu.dma_semaphore, #tpu.memory_space<semaphore_mem>>) {add = true}
      %dma_wait3A_1490 = arith.constant 3 : i32
      %dma_wait3A_1491 = arith.constant 0 : i32
      %dma_wait3A_1492 = tpu.memref_slice %arg7[%dma_wait3A_1490, %dma_wait3A_1491] : memref<6x80xi32, #tpu.memory_space<vmem>> -> memref<1x80xi32, #tpu.memory_space<vmem>>
      %dma_wait3A_1493 = tpu.memref_squeeze %dma_wait3A_1492 : memref<1x80xi32, #tpu.memory_space<vmem>> -> memref<80xi32, #tpu.memory_space<vmem>>
      %dma_wait3A_1494 = arith.constant 0 : i32
      %dma_wait3A_1495 = arith.constant 0 : i32
      %dma_wait3A_1496 = tpu.memref_slice %arg12[%dma_wait3A_1494, %dma_wait3A_1495] : memref<10240x128xf32, #tpu.memory_space<vmem_shared>> -> memref<10240x128xf32, #tpu.memory_space<vmem_shared>>
      %dma_wait3A_1497 = tpu.memref_slice %arg13[%scan3A_854] : memref<19x!tpu.dma_semaphore, #tpu.memory_space<semaphore_mem>> -> memref<1x!tpu.dma_semaphore, #tpu.memory_space<semaphore_mem>>
      %dma_wait3A_1498 = tpu.memref_squeeze %dma_wait3A_1497 : memref<1x!tpu.dma_semaphore, #tpu.memory_space<semaphore_mem>> -> memref<!tpu.dma_semaphore, #tpu.memory_space<semaphore_mem>>
      tpu.wait_indirect_dma semaphore(%dma_wait3A_1498 : memref<!tpu.dma_semaphore, #tpu.memory_space<semaphore_mem>>) src(%arg8 : memref<80x128xf32, #tpu.memory_space<vmem>>) dst(%dma_wait3A_1496 : memref<10240x128xf32, #tpu.memory_space<vmem_shared>>)
      %add3A_1499 = arith.constant 6 : i32
      %add3A_1500 = arith.addi %add3A_1458, %add3A_1499 : i32
      %sub3A_1501 = arith.constant 1 : i32
      %sub3A_1502 = arith.subi %add3A_1500, %sub3A_1501 : i32
      %mul3A_1503 = arith.constant 80 : i32
      %mul3A_1504 = arith.muli %sub3A_1502, %mul3A_1503 : i32
      %add3A_1505 = arith.addi %mul3A_2, %mul3A_1504 : i32
      %dma_start3A_1506 = arith.constant 3 : i32
      %dma_start3A_1507 = arith.constant 0 : i32
      %dma_start3A_1508 = tpu.memref_slice %arg6[%dma_start3A_1506, %dma_start3A_1507] : memref<6x80xi32, #tpu.memory_space<vmem>> -> memref<1x80xi32, #tpu.memory_space<vmem>>
      %dma_start3A_1509 = tpu.memref_squeeze %dma_start3A_1508 : memref<1x80xi32, #tpu.memory_space<vmem>> -> memref<80xi32, #tpu.memory_space<vmem>>
      %dma_start3A_1510 = tpu.memref_slice %arg3[%add3A_1505] : memref<320000xi32, #tpu.memory_space<hbm>> -> memref<80xi32, #tpu.memory_space<hbm>>
      %dma_start3A_1511 = tpu.memref_slice %arg13[%scan3A_864] : memref<19x!tpu.dma_semaphore, #tpu.memory_space<semaphore_mem>> -> memref<1x!tpu.dma_semaphore, #tpu.memory_space<semaphore_mem>>
      %dma_start3A_1512 = tpu.memref_squeeze %dma_start3A_1511 : memref<1x!tpu.dma_semaphore, #tpu.memory_space<semaphore_mem>> -> memref<!tpu.dma_semaphore, #tpu.memory_space<semaphore_mem>>
      %dma_start3A_1513 = arith.constant 0 : i32
      %dma_start3A_1514 = tpu.memref_slice %arg6[%dma_start3A_1506, %dma_start3A_1513] : memref<6x80xi32, #tpu.memory_space<vmem>> -> memref<1x80xi32, #tpu.memory_space<vmem>>
      %dma_start3A_1515 = tpu.memref_squeeze %dma_start3A_1514 : memref<1x80xi32, #tpu.memory_space<vmem>> -> memref<80xi32, #tpu.memory_space<vmem>>
      %dma_start3A_1516 = tpu.memref_slice %arg3[%add3A_1505] : memref<320000xi32, #tpu.memory_space<hbm>> -> memref<80xi32, #tpu.memory_space<hbm>>
      tpu.enqueue_dma source(%dma_start3A_1516 : memref<80xi32, #tpu.memory_space<hbm>>) target(%dma_start3A_1515 : memref<80xi32, #tpu.memory_space<vmem>>) target_semaphore(%dma_start3A_1512 : memref<!tpu.dma_semaphore, #tpu.memory_space<semaphore_mem>>)
      %dma_start3A_1517 = arith.constant 3 : i32
      %dma_start3A_1518 = arith.constant 0 : i32
      %dma_start3A_1519 = tpu.memref_slice %arg7[%dma_start3A_1517, %dma_start3A_1518] : memref<6x80xi32, #tpu.memory_space<vmem>> -> memref<1x80xi32, #tpu.memory_space<vmem>>
      %dma_start3A_1520 = tpu.memref_squeeze %dma_start3A_1519 : memref<1x80xi32, #tpu.memory_space<vmem>> -> memref<80xi32, #tpu.memory_space<vmem>>
      %dma_start3A_1521 = tpu.memref_slice %arg4[%add3A_1505] : memref<320000xi32, #tpu.memory_space<hbm>> -> memref<80xi32, #tpu.memory_space<hbm>>
      %dma_start3A_1522 = tpu.memref_slice %arg13[%scan3A_868] : memref<19x!tpu.dma_semaphore, #tpu.memory_space<semaphore_mem>> -> memref<1x!tpu.dma_semaphore, #tpu.memory_space<semaphore_mem>>
      %dma_start3A_1523 = tpu.memref_squeeze %dma_start3A_1522 : memref<1x!tpu.dma_semaphore, #tpu.memory_space<semaphore_mem>> -> memref<!tpu.dma_semaphore, #tpu.memory_space<semaphore_mem>>
      %dma_start3A_1524 = arith.constant 0 : i32
      %dma_start3A_1525 = tpu.memref_slice %arg7[%dma_start3A_1517, %dma_start3A_1524] : memref<6x80xi32, #tpu.memory_space<vmem>> -> memref<1x80xi32, #tpu.memory_space<vmem>>
      %dma_start3A_1526 = tpu.memref_squeeze %dma_start3A_1525 : memref<1x80xi32, #tpu.memory_space<vmem>> -> memref<80xi32, #tpu.memory_space<vmem>>
      %dma_start3A_1527 = tpu.memref_slice %arg4[%add3A_1505] : memref<320000xi32, #tpu.memory_space<hbm>> -> memref<80xi32, #tpu.memory_space<hbm>>
      tpu.enqueue_dma source(%dma_start3A_1527 : memref<80xi32, #tpu.memory_space<hbm>>) target(%dma_start3A_1526 : memref<80xi32, #tpu.memory_space<vmem>>) target_semaphore(%dma_start3A_1523 : memref<!tpu.dma_semaphore, #tpu.memory_space<semaphore_mem>>)
      %add3A_1528 = arith.constant 2 : i32
      %add3A_1529 = arith.addi %add3A_1458, %add3A_1528 : i32
      %lt3A_1530 = arith.constant 125 : i32
      %lt3A_1531 = arith.cmpi slt, %add3A_1529, %lt3A_1530 : i32
      %convert_element_type3A_1532 = arith.extui %lt3A_1531 : i1 to i32
      %cond3A_1533 = arith.constant 0 : i32
      %cond3A_1534 = arith.cmpi ne, %convert_element_type3A_1532, %cond3A_1533 : i32
      scf.if %cond3A_1534 {
        %dma_wait3A_1613 = arith.constant 0 : i32
        %dma_wait3A_1614 = arith.constant 0 : i32
        %dma_wait3A_1615 = tpu.memref_slice %arg6[%dma_wait3A_1613, %dma_wait3A_1614] : memref<6x80xi32, #tpu.memory_space<vmem>> -> memref<1x80xi32, #tpu.memory_space<vmem>>
        %dma_wait3A_1616 = tpu.memref_squeeze %dma_wait3A_1615 : memref<1x80xi32, #tpu.memory_space<vmem>> -> memref<80xi32, #tpu.memory_space<vmem>>
        %dma_wait3A_1617 = arith.constant 0 : i32
        %dma_wait3A_1618 = tpu.memref_slice %arg3[%dma_wait3A_1617] : memref<320000xi32, #tpu.memory_space<hbm>> -> memref<80xi32, #tpu.memory_space<hbm>>
        %dma_wait3A_1619 = tpu.memref_slice %arg13[%scan3A_863] : memref<19x!tpu.dma_semaphore, #tpu.memory_space<semaphore_mem>> -> memref<1x!tpu.dma_semaphore, #tpu.memory_space<semaphore_mem>>
        %dma_wait3A_1620 = tpu.memref_squeeze %dma_wait3A_1619 : memref<1x!tpu.dma_semaphore, #tpu.memory_space<semaphore_mem>> -> memref<!tpu.dma_semaphore, #tpu.memory_space<semaphore_mem>>
        %dma_wait3A_1621 = arith.constant 0 : i32
        %dma_wait3A_1622 = tpu.memref_slice %arg6[%dma_wait3A_1613, %dma_wait3A_1621] : memref<6x80xi32, #tpu.memory_space<vmem>> -> memref<1x80xi32, #tpu.memory_space<vmem>>
        %dma_wait3A_1623 = tpu.memref_squeeze %dma_wait3A_1622 : memref<1x80xi32, #tpu.memory_space<vmem>> -> memref<80xi32, #tpu.memory_space<vmem>>
        %dma_wait3A_1624 = arith.constant 0 : i32
        %dma_wait3A_1625 = tpu.memref_slice %arg3[%dma_wait3A_1624] : memref<320000xi32, #tpu.memory_space<hbm>> -> memref<80xi32, #tpu.memory_space<hbm>>
        tpu.wait_dma2 semaphore(%dma_wait3A_1620 : memref<!tpu.dma_semaphore, #tpu.memory_space<semaphore_mem>>) src(%dma_wait3A_1625 : memref<80xi32, #tpu.memory_space<hbm>>) dst(%dma_wait3A_1623 : memref<80xi32, #tpu.memory_space<vmem>>)
        %dma_start3A_1626 = arith.constant 0 : i32
        %dma_start3A_1627 = arith.constant 0 : i32
        %dma_start3A_1628 = tpu.memref_slice %arg6[%dma_start3A_1626, %dma_start3A_1627] : memref<6x80xi32, #tpu.memory_space<vmem>> -> memref<1x80xi32, #tpu.memory_space<vmem>>
        %dma_start3A_1629 = tpu.memref_squeeze %dma_start3A_1628 : memref<1x80xi32, #tpu.memory_space<vmem>> -> memref<80xi32, #tpu.memory_space<vmem>>
        %dma_start3A_1630 = arith.constant 0 : i32
        %dma_start3A_1631 = arith.constant 0 : i32
        %dma_start3A_1632 = tpu.memref_slice %arg2[%dma_start3A_1630, %dma_start3A_1631] : memref<10000x128xf32, #tpu.memory_space<hbm>> -> memref<10000x128xf32, #tpu.memory_space<hbm>>
        %dma_start3A_1633 = tpu.memref_slice %arg13[%scan3A_852] : memref<19x!tpu.dma_semaphore, #tpu.memory_space<semaphore_mem>> -> memref<1x!tpu.dma_semaphore, #tpu.memory_space<semaphore_mem>>
        %dma_start3A_1634 = tpu.memref_squeeze %dma_start3A_1633 : memref<1x!tpu.dma_semaphore, #tpu.memory_space<semaphore_mem>> -> memref<!tpu.dma_semaphore, #tpu.memory_space<semaphore_mem>>
        tpu.enqueue_indirect_dma source(%dma_start3A_1632 : memref<10000x128xf32, #tpu.memory_space<hbm>>) target(%arg8 : memref<80x128xf32, #tpu.memory_space<vmem>>) offsets(%dma_start3A_1629 : memref<80xi32, #tpu.memory_space<vmem>>) semaphore(%dma_start3A_1634 : memref<!tpu.dma_semaphore, #tpu.memory_space<semaphore_mem>>)
      } else {
      }
      %add3A_1535 = arith.constant 5 : i32
      %add3A_1536 = arith.addi %add3A_1182, %add3A_1535 : i32
      %dma_wait3A_1537 = arith.constant 0 : i32
      %dma_wait3A_1538 = arith.constant 0 : i32
      %dma_wait3A_1539 = tpu.memref_slice %arg6[%dma_wait3A_1537, %dma_wait3A_1538] : memref<6x80xi32, #tpu.memory_space<vmem>> -> memref<1x80xi32, #tpu.memory_space<vmem>>
      %dma_wait3A_1540 = tpu.memref_squeeze %dma_wait3A_1539 : memref<1x80xi32, #tpu.memory_space<vmem>> -> memref<80xi32, #tpu.memory_space<vmem>>
      %dma_wait3A_1541 = arith.constant 0 : i32
      %dma_wait3A_1542 = arith.constant 0 : i32
      %dma_wait3A_1543 = tpu.memref_slice %arg2[%dma_wait3A_1541, %dma_wait3A_1542] : memref<10000x128xf32, #tpu.memory_space<hbm>> -> memref<10000x128xf32, #tpu.memory_space<hbm>>
      %dma_wait3A_1544 = tpu.memref_slice %arg13[%scan3A_859] : memref<19x!tpu.dma_semaphore, #tpu.memory_space<semaphore_mem>> -> memref<1x!tpu.dma_semaphore, #tpu.memory_space<semaphore_mem>>
      %dma_wait3A_1545 = tpu.memref_squeeze %dma_wait3A_1544 : memref<1x!tpu.dma_semaphore, #tpu.memory_space<semaphore_mem>> -> memref<!tpu.dma_semaphore, #tpu.memory_space<semaphore_mem>>
      tpu.wait_indirect_dma semaphore(%dma_wait3A_1545 : memref<!tpu.dma_semaphore, #tpu.memory_space<semaphore_mem>>) src(%dma_wait3A_1543 : memref<10000x128xf32, #tpu.memory_space<hbm>>) dst(%arg10 : memref<80x128xf32, #tpu.memory_space<vmem>>)
      %dma_wait3A_1546 = arith.constant 5 : i32
      %dma_wait3A_1547 = arith.constant 0 : i32
      %dma_wait3A_1548 = tpu.memref_slice %arg7[%dma_wait3A_1546, %dma_wait3A_1547] : memref<6x80xi32, #tpu.memory_space<vmem>> -> memref<1x80xi32, #tpu.memory_space<vmem>>
      %dma_wait3A_1549 = tpu.memref_squeeze %dma_wait3A_1548 : memref<1x80xi32, #tpu.memory_space<vmem>> -> memref<80xi32, #tpu.memory_space<vmem>>
      %dma_wait3A_1550 = arith.constant 0 : i32
      %dma_wait3A_1551 = tpu.memref_slice %arg3[%dma_wait3A_1550] : memref<320000xi32, #tpu.memory_space<hbm>> -> memref<80xi32, #tpu.memory_space<hbm>>
      %dma_wait3A_1552 = tpu.memref_slice %arg13[%scan3A_857] : memref<19x!tpu.dma_semaphore, #tpu.memory_space<semaphore_mem>> -> memref<1x!tpu.dma_semaphore, #tpu.memory_space<semaphore_mem>>
      %dma_wait3A_1553 = tpu.memref_squeeze %dma_wait3A_1552 : memref<1x!tpu.dma_semaphore, #tpu.memory_space<semaphore_mem>> -> memref<!tpu.dma_semaphore, #tpu.memory_space<semaphore_mem>>
      %dma_wait3A_1554 = arith.constant 0 : i32
      %dma_wait3A_1555 = tpu.memref_slice %arg7[%dma_wait3A_1546, %dma_wait3A_1554] : memref<6x80xi32, #tpu.memory_space<vmem>> -> memref<1x80xi32, #tpu.memory_space<vmem>>
      %dma_wait3A_1556 = tpu.memref_squeeze %dma_wait3A_1555 : memref<1x80xi32, #tpu.memory_space<vmem>> -> memref<80xi32, #tpu.memory_space<vmem>>
      %dma_wait3A_1557 = arith.constant 0 : i32
      %dma_wait3A_1558 = tpu.memref_slice %arg3[%dma_wait3A_1557] : memref<320000xi32, #tpu.memory_space<hbm>> -> memref<80xi32, #tpu.memory_space<hbm>>
      tpu.wait_dma2 semaphore(%dma_wait3A_1553 : memref<!tpu.dma_semaphore, #tpu.memory_space<semaphore_mem>>) src(%dma_wait3A_1558 : memref<80xi32, #tpu.memory_space<hbm>>) dst(%dma_wait3A_1556 : memref<80xi32, #tpu.memory_space<vmem>>)
      %dma_start3A_1559 = arith.constant 5 : i32
      %dma_start3A_1560 = arith.constant 0 : i32
      %dma_start3A_1561 = tpu.memref_slice %arg7[%dma_start3A_1559, %dma_start3A_1560] : memref<6x80xi32, #tpu.memory_space<vmem>> -> memref<1x80xi32, #tpu.memory_space<vmem>>
      %dma_start3A_1562 = tpu.memref_squeeze %dma_start3A_1561 : memref<1x80xi32, #tpu.memory_space<vmem>> -> memref<80xi32, #tpu.memory_space<vmem>>
      %dma_start3A_1563 = arith.constant 0 : i32
      %dma_start3A_1564 = arith.constant 0 : i32
      %dma_start3A_1565 = tpu.memref_slice %arg12[%dma_start3A_1563, %dma_start3A_1564] : memref<10240x128xf32, #tpu.memory_space<vmem_shared>> -> memref<10240x128xf32, #tpu.memory_space<vmem_shared>>
      %dma_start3A_1566 = tpu.memref_slice %arg13[%scan3A_855] : memref<19x!tpu.dma_semaphore, #tpu.memory_space<semaphore_mem>> -> memref<1x!tpu.dma_semaphore, #tpu.memory_space<semaphore_mem>>
      %dma_start3A_1567 = tpu.memref_squeeze %dma_start3A_1566 : memref<1x!tpu.dma_semaphore, #tpu.memory_space<semaphore_mem>> -> memref<!tpu.dma_semaphore, #tpu.memory_space<semaphore_mem>>
      tpu.enqueue_indirect_dma source(%arg10 : memref<80x128xf32, #tpu.memory_space<vmem>>) target(%dma_start3A_1565 : memref<10240x128xf32, #tpu.memory_space<vmem_shared>>) offsets(%dma_start3A_1562 : memref<80xi32, #tpu.memory_space<vmem>>) semaphore(%dma_start3A_1567 : memref<!tpu.dma_semaphore, #tpu.memory_space<semaphore_mem>>) {add = true}
      %dma_wait3A_1568 = arith.constant 4 : i32
      %dma_wait3A_1569 = arith.constant 0 : i32
      %dma_wait3A_1570 = tpu.memref_slice %arg7[%dma_wait3A_1568, %dma_wait3A_1569] : memref<6x80xi32, #tpu.memory_space<vmem>> -> memref<1x80xi32, #tpu.memory_space<vmem>>
      %dma_wait3A_1571 = tpu.memref_squeeze %dma_wait3A_1570 : memref<1x80xi32, #tpu.memory_space<vmem>> -> memref<80xi32, #tpu.memory_space<vmem>>
      %dma_wait3A_1572 = arith.constant 0 : i32
      %dma_wait3A_1573 = arith.constant 0 : i32
      %dma_wait3A_1574 = tpu.memref_slice %arg12[%dma_wait3A_1572, %dma_wait3A_1573] : memref<10240x128xf32, #tpu.memory_space<vmem_shared>> -> memref<10240x128xf32, #tpu.memory_space<vmem_shared>>
      %dma_wait3A_1575 = tpu.memref_slice %arg13[%scan3A_862] : memref<19x!tpu.dma_semaphore, #tpu.memory_space<semaphore_mem>> -> memref<1x!tpu.dma_semaphore, #tpu.memory_space<semaphore_mem>>
      %dma_wait3A_1576 = tpu.memref_squeeze %dma_wait3A_1575 : memref<1x!tpu.dma_semaphore, #tpu.memory_space<semaphore_mem>> -> memref<!tpu.dma_semaphore, #tpu.memory_space<semaphore_mem>>
      tpu.wait_indirect_dma semaphore(%dma_wait3A_1576 : memref<!tpu.dma_semaphore, #tpu.memory_space<semaphore_mem>>) src(%arg9 : memref<80x128xf32, #tpu.memory_space<vmem>>) dst(%dma_wait3A_1574 : memref<10240x128xf32, #tpu.memory_space<vmem_shared>>)
      %add3A_1577 = arith.constant 6 : i32
      %add3A_1578 = arith.addi %add3A_1536, %add3A_1577 : i32
      %sub3A_1579 = arith.constant 1 : i32
      %sub3A_1580 = arith.subi %add3A_1578, %sub3A_1579 : i32
      %mul3A_1581 = arith.constant 80 : i32
      %mul3A_1582 = arith.muli %sub3A_1580, %mul3A_1581 : i32
      %add3A_1583 = arith.addi %mul3A_2, %mul3A_1582 : i32
      %dma_start3A_1584 = arith.constant 4 : i32
      %dma_start3A_1585 = arith.constant 0 : i32
      %dma_start3A_1586 = tpu.memref_slice %arg6[%dma_start3A_1584, %dma_start3A_1585] : memref<6x80xi32, #tpu.memory_space<vmem>> -> memref<1x80xi32, #tpu.memory_space<vmem>>
      %dma_start3A_1587 = tpu.memref_squeeze %dma_start3A_1586 : memref<1x80xi32, #tpu.memory_space<vmem>> -> memref<80xi32, #tpu.memory_space<vmem>>
      %dma_start3A_1588 = tpu.memref_slice %arg3[%add3A_1583] : memref<320000xi32, #tpu.memory_space<hbm>> -> memref<80xi32, #tpu.memory_space<hbm>>
      %dma_start3A_1589 = tpu.memref_slice %arg13[%scan3A_867] : memref<19x!tpu.dma_semaphore, #tpu.memory_space<semaphore_mem>> -> memref<1x!tpu.dma_semaphore, #tpu.memory_space<semaphore_mem>>
      %dma_start3A_1590 = tpu.memref_squeeze %dma_start3A_1589 : memref<1x!tpu.dma_semaphore, #tpu.memory_space<semaphore_mem>> -> memref<!tpu.dma_semaphore, #tpu.memory_space<semaphore_mem>>
      %dma_start3A_1591 = arith.constant 0 : i32
      %dma_start3A_1592 = tpu.memref_slice %arg6[%dma_start3A_1584, %dma_start3A_1591] : memref<6x80xi32, #tpu.memory_space<vmem>> -> memref<1x80xi32, #tpu.memory_space<vmem>>
      %dma_start3A_1593 = tpu.memref_squeeze %dma_start3A_1592 : memref<1x80xi32, #tpu.memory_space<vmem>> -> memref<80xi32, #tpu.memory_space<vmem>>
      %dma_start3A_1594 = tpu.memref_slice %arg3[%add3A_1583] : memref<320000xi32, #tpu.memory_space<hbm>> -> memref<80xi32, #tpu.memory_space<hbm>>
      tpu.enqueue_dma source(%dma_start3A_1594 : memref<80xi32, #tpu.memory_space<hbm>>) target(%dma_start3A_1593 : memref<80xi32, #tpu.memory_space<vmem>>) target_semaphore(%dma_start3A_1590 : memref<!tpu.dma_semaphore, #tpu.memory_space<semaphore_mem>>)
      %dma_start3A_1595 = arith.constant 4 : i32
      %dma_start3A_1596 = arith.constant 0 : i32
      %dma_start3A_1597 = tpu.memref_slice %arg7[%dma_start3A_1595, %dma_start3A_1596] : memref<6x80xi32, #tpu.memory_space<vmem>> -> memref<1x80xi32, #tpu.memory_space<vmem>>
      %dma_start3A_1598 = tpu.memref_squeeze %dma_start3A_1597 : memref<1x80xi32, #tpu.memory_space<vmem>> -> memref<80xi32, #tpu.memory_space<vmem>>
      %dma_start3A_1599 = tpu.memref_slice %arg4[%add3A_1583] : memref<320000xi32, #tpu.memory_space<hbm>> -> memref<80xi32, #tpu.memory_space<hbm>>
      %dma_start3A_1600 = tpu.memref_slice %arg13[%scan3A_869] : memref<19x!tpu.dma_semaphore, #tpu.memory_space<semaphore_mem>> -> memref<1x!tpu.dma_semaphore, #tpu.memory_space<semaphore_mem>>
      %dma_start3A_1601 = tpu.memref_squeeze %dma_start3A_1600 : memref<1x!tpu.dma_semaphore, #tpu.memory_space<semaphore_mem>> -> memref<!tpu.dma_semaphore, #tpu.memory_space<semaphore_mem>>
      %dma_start3A_1602 = arith.constant 0 : i32
      %dma_start3A_1603 = tpu.memref_slice %arg7[%dma_start3A_1595, %dma_start3A_1602] : memref<6x80xi32, #tpu.memory_space<vmem>> -> memref<1x80xi32, #tpu.memory_space<vmem>>
      %dma_start3A_1604 = tpu.memref_squeeze %dma_start3A_1603 : memref<1x80xi32, #tpu.memory_space<vmem>> -> memref<80xi32, #tpu.memory_space<vmem>>
      %dma_start3A_1605 = tpu.memref_slice %arg4[%add3A_1583] : memref<320000xi32, #tpu.memory_space<hbm>> -> memref<80xi32, #tpu.memory_space<hbm>>
      tpu.enqueue_dma source(%dma_start3A_1605 : memref<80xi32, #tpu.memory_space<hbm>>) target(%dma_start3A_1604 : memref<80xi32, #tpu.memory_space<vmem>>) target_semaphore(%dma_start3A_1601 : memref<!tpu.dma_semaphore, #tpu.memory_space<semaphore_mem>>)
      %add3A_1606 = arith.constant 2 : i32
      %add3A_1607 = arith.addi %add3A_1536, %add3A_1606 : i32
      %lt3A_1608 = arith.constant 125 : i32
      %lt3A_1609 = arith.cmpi slt, %add3A_1607, %lt3A_1608 : i32
      %convert_element_type3A_1610 = arith.extui %lt3A_1609 : i1 to i32
      %cond3A_1611 = arith.constant 0 : i32
      %cond3A_1612 = arith.cmpi ne, %convert_element_type3A_1610, %cond3A_1611 : i32
      scf.if %cond3A_1612 {
        %dma_wait3A_1613 = arith.constant 1 : i32
        %dma_wait3A_1614 = arith.constant 0 : i32
        %dma_wait3A_1615 = tpu.memref_slice %arg6[%dma_wait3A_1613, %dma_wait3A_1614] : memref<6x80xi32, #tpu.memory_space<vmem>> -> memref<1x80xi32, #tpu.memory_space<vmem>>
        %dma_wait3A_1616 = tpu.memref_squeeze %dma_wait3A_1615 : memref<1x80xi32, #tpu.memory_space<vmem>> -> memref<80xi32, #tpu.memory_space<vmem>>
        %dma_wait3A_1617 = arith.constant 0 : i32
        %dma_wait3A_1618 = tpu.memref_slice %arg3[%dma_wait3A_1617] : memref<320000xi32, #tpu.memory_space<hbm>> -> memref<80xi32, #tpu.memory_space<hbm>>
        %dma_wait3A_1619 = tpu.memref_slice %arg13[%scan3A_866] : memref<19x!tpu.dma_semaphore, #tpu.memory_space<semaphore_mem>> -> memref<1x!tpu.dma_semaphore, #tpu.memory_space<semaphore_mem>>
        %dma_wait3A_1620 = tpu.memref_squeeze %dma_wait3A_1619 : memref<1x!tpu.dma_semaphore, #tpu.memory_space<semaphore_mem>> -> memref<!tpu.dma_semaphore, #tpu.memory_space<semaphore_mem>>
        %dma_wait3A_1621 = arith.constant 0 : i32
        %dma_wait3A_1622 = tpu.memref_slice %arg6[%dma_wait3A_1613, %dma_wait3A_1621] : memref<6x80xi32, #tpu.memory_space<vmem>> -> memref<1x80xi32, #tpu.memory_space<vmem>>
        %dma_wait3A_1623 = tpu.memref_squeeze %dma_wait3A_1622 : memref<1x80xi32, #tpu.memory_space<vmem>> -> memref<80xi32, #tpu.memory_space<vmem>>
        %dma_wait3A_1624 = arith.constant 0 : i32
        %dma_wait3A_1625 = tpu.memref_slice %arg3[%dma_wait3A_1624] : memref<320000xi32, #tpu.memory_space<hbm>> -> memref<80xi32, #tpu.memory_space<hbm>>
        tpu.wait_dma2 semaphore(%dma_wait3A_1620 : memref<!tpu.dma_semaphore, #tpu.memory_space<semaphore_mem>>) src(%dma_wait3A_1625 : memref<80xi32, #tpu.memory_space<hbm>>) dst(%dma_wait3A_1623 : memref<80xi32, #tpu.memory_space<vmem>>)
        %dma_start3A_1626 = arith.constant 1 : i32
        %dma_start3A_1627 = arith.constant 0 : i32
        %dma_start3A_1628 = tpu.memref_slice %arg6[%dma_start3A_1626, %dma_start3A_1627] : memref<6x80xi32, #tpu.memory_space<vmem>> -> memref<1x80xi32, #tpu.memory_space<vmem>>
        %dma_start3A_1629 = tpu.memref_squeeze %dma_start3A_1628 : memref<1x80xi32, #tpu.memory_space<vmem>> -> memref<80xi32, #tpu.memory_space<vmem>>
        %dma_start3A_1630 = arith.constant 0 : i32
        %dma_start3A_1631 = arith.constant 0 : i32
        %dma_start3A_1632 = tpu.memref_slice %arg2[%dma_start3A_1630, %dma_start3A_1631] : memref<10000x128xf32, #tpu.memory_space<hbm>> -> memref<10000x128xf32, #tpu.memory_space<hbm>>
        %dma_start3A_1633 = tpu.memref_slice %arg13[%scan3A_860] : memref<19x!tpu.dma_semaphore, #tpu.memory_space<semaphore_mem>> -> memref<1x!tpu.dma_semaphore, #tpu.memory_space<semaphore_mem>>
        %dma_start3A_1634 = tpu.memref_squeeze %dma_start3A_1633 : memref<1x!tpu.dma_semaphore, #tpu.memory_space<semaphore_mem>> -> memref<!tpu.dma_semaphore, #tpu.memory_space<semaphore_mem>>
        tpu.enqueue_indirect_dma source(%dma_start3A_1632 : memref<10000x128xf32, #tpu.memory_space<hbm>>) target(%arg9 : memref<80x128xf32, #tpu.memory_space<vmem>>) offsets(%dma_start3A_1629 : memref<80xi32, #tpu.memory_space<vmem>>) semaphore(%dma_start3A_1634 : memref<!tpu.dma_semaphore, #tpu.memory_space<semaphore_mem>>)
      } else {
      }
    }
    %scan3A_874 = arith.constant 20 : i32
    %dma_wait3A_875 = arith.constant 0 : i32
    %dma_wait3A_876 = arith.constant 0 : i32
    %dma_wait3A_877 = arith.constant 0 : i32
    %dma_wait3A_878 = tpu.memref_slice %arg6[%dma_wait3A_875, %dma_wait3A_877] : memref<6x80xi32, #tpu.memory_space<vmem>> -> memref<1x80xi32, #tpu.memory_space<vmem>>
    %dma_wait3A_879 = tpu.memref_squeeze %dma_wait3A_878 : memref<1x80xi32, #tpu.memory_space<vmem>> -> memref<80xi32, #tpu.memory_space<vmem>>
    %dma_wait3A_880 = arith.constant 0 : i32
    %dma_wait3A_881 = arith.constant 0 : i32
    %dma_wait3A_882 = tpu.memref_slice %arg2[%dma_wait3A_880, %dma_wait3A_881] : memref<10000x128xf32, #tpu.memory_space<hbm>> -> memref<10000x128xf32, #tpu.memory_space<hbm>>
    %dma_wait3A_883 = tpu.memref_slice %arg13[%dma_wait3A_876] : memref<19x!tpu.dma_semaphore, #tpu.memory_space<semaphore_mem>> -> memref<1x!tpu.dma_semaphore, #tpu.memory_space<semaphore_mem>>
    %dma_wait3A_884 = tpu.memref_squeeze %dma_wait3A_883 : memref<1x!tpu.dma_semaphore, #tpu.memory_space<semaphore_mem>> -> memref<!tpu.dma_semaphore, #tpu.memory_space<semaphore_mem>>
    tpu.wait_indirect_dma semaphore(%dma_wait3A_884 : memref<!tpu.dma_semaphore, #tpu.memory_space<semaphore_mem>>) src(%dma_wait3A_882 : memref<10000x128xf32, #tpu.memory_space<hbm>>) dst(%arg8 : memref<80x128xf32, #tpu.memory_space<vmem>>)
    %dma_wait3A_885 = arith.constant 0 : i32
    %dma_wait3A_886 = arith.constant 12 : i32
    %dma_wait3A_887 = arith.constant 0 : i32
    %dma_wait3A_888 = tpu.memref_slice %arg7[%dma_wait3A_885, %dma_wait3A_887] : memref<6x80xi32, #tpu.memory_space<vmem>> -> memref<1x80xi32, #tpu.memory_space<vmem>>
    %dma_wait3A_889 = tpu.memref_squeeze %dma_wait3A_888 : memref<1x80xi32, #tpu.memory_space<vmem>> -> memref<80xi32, #tpu.memory_space<vmem>>
    %dma_wait3A_890 = arith.constant 0 : i32
    %dma_wait3A_891 = tpu.memref_slice %arg3[%dma_wait3A_890] : memref<320000xi32, #tpu.memory_space<hbm>> -> memref<80xi32, #tpu.memory_space<hbm>>
    %dma_wait3A_892 = tpu.memref_slice %arg13[%dma_wait3A_886] : memref<19x!tpu.dma_semaphore, #tpu.memory_space<semaphore_mem>> -> memref<1x!tpu.dma_semaphore, #tpu.memory_space<semaphore_mem>>
    %dma_wait3A_893 = tpu.memref_squeeze %dma_wait3A_892 : memref<1x!tpu.dma_semaphore, #tpu.memory_space<semaphore_mem>> -> memref<!tpu.dma_semaphore, #tpu.memory_space<semaphore_mem>>
    %dma_wait3A_894 = arith.constant 0 : i32
    %dma_wait3A_895 = tpu.memref_slice %arg7[%dma_wait3A_885, %dma_wait3A_894] : memref<6x80xi32, #tpu.memory_space<vmem>> -> memref<1x80xi32, #tpu.memory_space<vmem>>
    %dma_wait3A_896 = tpu.memref_squeeze %dma_wait3A_895 : memref<1x80xi32, #tpu.memory_space<vmem>> -> memref<80xi32, #tpu.memory_space<vmem>>
    %dma_wait3A_897 = arith.constant 0 : i32
    %dma_wait3A_898 = tpu.memref_slice %arg3[%dma_wait3A_897] : memref<320000xi32, #tpu.memory_space<hbm>> -> memref<80xi32, #tpu.memory_space<hbm>>
    tpu.wait_dma2 semaphore(%dma_wait3A_893 : memref<!tpu.dma_semaphore, #tpu.memory_space<semaphore_mem>>) src(%dma_wait3A_898 : memref<80xi32, #tpu.memory_space<hbm>>) dst(%dma_wait3A_896 : memref<80xi32, #tpu.memory_space<vmem>>)
    %dma_start3A_899 = arith.constant 0 : i32
    %dma_start3A_900 = arith.constant 3 : i32
    %dma_start3A_901 = arith.constant 0 : i32
    %dma_start3A_902 = tpu.memref_slice %arg7[%dma_start3A_899, %dma_start3A_901] : memref<6x80xi32, #tpu.memory_space<vmem>> -> memref<1x80xi32, #tpu.memory_space<vmem>>
    %dma_start3A_903 = tpu.memref_squeeze %dma_start3A_902 : memref<1x80xi32, #tpu.memory_space<vmem>> -> memref<80xi32, #tpu.memory_space<vmem>>
    %dma_start3A_904 = arith.constant 0 : i32
    %dma_start3A_905 = arith.constant 0 : i32
    %dma_start3A_906 = tpu.memref_slice %arg12[%dma_start3A_904, %dma_start3A_905] : memref<10240x128xf32, #tpu.memory_space<vmem_shared>> -> memref<10240x128xf32, #tpu.memory_space<vmem_shared>>
    %dma_start3A_907 = tpu.memref_slice %arg13[%dma_start3A_900] : memref<19x!tpu.dma_semaphore, #tpu.memory_space<semaphore_mem>> -> memref<1x!tpu.dma_semaphore, #tpu.memory_space<semaphore_mem>>
    %dma_start3A_908 = tpu.memref_squeeze %dma_start3A_907 : memref<1x!tpu.dma_semaphore, #tpu.memory_space<semaphore_mem>> -> memref<!tpu.dma_semaphore, #tpu.memory_space<semaphore_mem>>
    tpu.enqueue_indirect_dma source(%arg8 : memref<80x128xf32, #tpu.memory_space<vmem>>) target(%dma_start3A_906 : memref<10240x128xf32, #tpu.memory_space<vmem_shared>>) offsets(%dma_start3A_903 : memref<80xi32, #tpu.memory_space<vmem>>) semaphore(%dma_start3A_908 : memref<!tpu.dma_semaphore, #tpu.memory_space<semaphore_mem>>) {add = true}
    %dma_wait3A_909 = arith.constant 5 : i32
    %dma_wait3A_910 = arith.constant 5 : i32
    %dma_wait3A_911 = arith.constant 0 : i32
    %dma_wait3A_912 = tpu.memref_slice %arg7[%dma_wait3A_909, %dma_wait3A_911] : memref<6x80xi32, #tpu.memory_space<vmem>> -> memref<1x80xi32, #tpu.memory_space<vmem>>
    %dma_wait3A_913 = tpu.memref_squeeze %dma_wait3A_912 : memref<1x80xi32, #tpu.memory_space<vmem>> -> memref<80xi32, #tpu.memory_space<vmem>>
    %dma_wait3A_914 = arith.constant 0 : i32
    %dma_wait3A_915 = arith.constant 0 : i32
    %dma_wait3A_916 = tpu.memref_slice %arg12[%dma_wait3A_914, %dma_wait3A_915] : memref<10240x128xf32, #tpu.memory_space<vmem_shared>> -> memref<10240x128xf32, #tpu.memory_space<vmem_shared>>
    %dma_wait3A_917 = tpu.memref_slice %arg13[%dma_wait3A_910] : memref<19x!tpu.dma_semaphore, #tpu.memory_space<semaphore_mem>> -> memref<1x!tpu.dma_semaphore, #tpu.memory_space<semaphore_mem>>
    %dma_wait3A_918 = tpu.memref_squeeze %dma_wait3A_917 : memref<1x!tpu.dma_semaphore, #tpu.memory_space<semaphore_mem>> -> memref<!tpu.dma_semaphore, #tpu.memory_space<semaphore_mem>>
    tpu.wait_indirect_dma semaphore(%dma_wait3A_918 : memref<!tpu.dma_semaphore, #tpu.memory_space<semaphore_mem>>) src(%arg10 : memref<80x128xf32, #tpu.memory_space<vmem>>) dst(%dma_wait3A_916 : memref<10240x128xf32, #tpu.memory_space<vmem_shared>>)
    %dma_wait3A_919 = arith.constant 2 : i32
    %dma_wait3A_920 = arith.constant 8 : i32
    %dma_wait3A_921 = arith.constant 0 : i32
    %dma_wait3A_922 = tpu.memref_slice %arg6[%dma_wait3A_919, %dma_wait3A_921] : memref<6x80xi32, #tpu.memory_space<vmem>> -> memref<1x80xi32, #tpu.memory_space<vmem>>
    %dma_wait3A_923 = tpu.memref_squeeze %dma_wait3A_922 : memref<1x80xi32, #tpu.memory_space<vmem>> -> memref<80xi32, #tpu.memory_space<vmem>>
    %dma_wait3A_924 = arith.constant 0 : i32
    %dma_wait3A_925 = tpu.memref_slice %arg3[%dma_wait3A_924] : memref<320000xi32, #tpu.memory_space<hbm>> -> memref<80xi32, #tpu.memory_space<hbm>>
    %dma_wait3A_926 = tpu.memref_slice %arg13[%dma_wait3A_920] : memref<19x!tpu.dma_semaphore, #tpu.memory_space<semaphore_mem>> -> memref<1x!tpu.dma_semaphore, #tpu.memory_space<semaphore_mem>>
    %dma_wait3A_927 = tpu.memref_squeeze %dma_wait3A_926 : memref<1x!tpu.dma_semaphore, #tpu.memory_space<semaphore_mem>> -> memref<!tpu.dma_semaphore, #tpu.memory_space<semaphore_mem>>
    %dma_wait3A_928 = arith.constant 0 : i32
    %dma_wait3A_929 = tpu.memref_slice %arg6[%dma_wait3A_919, %dma_wait3A_928] : memref<6x80xi32, #tpu.memory_space<vmem>> -> memref<1x80xi32, #tpu.memory_space<vmem>>
    %dma_wait3A_930 = tpu.memref_squeeze %dma_wait3A_929 : memref<1x80xi32, #tpu.memory_space<vmem>> -> memref<80xi32, #tpu.memory_space<vmem>>
    %dma_wait3A_931 = arith.constant 0 : i32
    %dma_wait3A_932 = tpu.memref_slice %arg3[%dma_wait3A_931] : memref<320000xi32, #tpu.memory_space<hbm>> -> memref<80xi32, #tpu.memory_space<hbm>>
    tpu.wait_dma2 semaphore(%dma_wait3A_927 : memref<!tpu.dma_semaphore, #tpu.memory_space<semaphore_mem>>) src(%dma_wait3A_932 : memref<80xi32, #tpu.memory_space<hbm>>) dst(%dma_wait3A_930 : memref<80xi32, #tpu.memory_space<vmem>>)
    %dma_start3A_933 = arith.constant 2 : i32
    %dma_start3A_934 = arith.constant 2 : i32
    %dma_start3A_935 = arith.constant 0 : i32
    %dma_start3A_936 = tpu.memref_slice %arg6[%dma_start3A_933, %dma_start3A_935] : memref<6x80xi32, #tpu.memory_space<vmem>> -> memref<1x80xi32, #tpu.memory_space<vmem>>
    %dma_start3A_937 = tpu.memref_squeeze %dma_start3A_936 : memref<1x80xi32, #tpu.memory_space<vmem>> -> memref<80xi32, #tpu.memory_space<vmem>>
    %dma_start3A_938 = arith.constant 0 : i32
    %dma_start3A_939 = arith.constant 0 : i32
    %dma_start3A_940 = tpu.memref_slice %arg2[%dma_start3A_938, %dma_start3A_939] : memref<10000x128xf32, #tpu.memory_space<hbm>> -> memref<10000x128xf32, #tpu.memory_space<hbm>>
    %dma_start3A_941 = tpu.memref_slice %arg13[%dma_start3A_934] : memref<19x!tpu.dma_semaphore, #tpu.memory_space<semaphore_mem>> -> memref<1x!tpu.dma_semaphore, #tpu.memory_space<semaphore_mem>>
    %dma_start3A_942 = tpu.memref_squeeze %dma_start3A_941 : memref<1x!tpu.dma_semaphore, #tpu.memory_space<semaphore_mem>> -> memref<!tpu.dma_semaphore, #tpu.memory_space<semaphore_mem>>
    tpu.enqueue_indirect_dma source(%dma_start3A_940 : memref<10000x128xf32, #tpu.memory_space<hbm>>) target(%arg10 : memref<80x128xf32, #tpu.memory_space<vmem>>) offsets(%dma_start3A_937 : memref<80xi32, #tpu.memory_space<vmem>>) semaphore(%dma_start3A_942 : memref<!tpu.dma_semaphore, #tpu.memory_space<semaphore_mem>>)
    %dma_wait3A_943 = arith.constant 0 : i32
    %dma_wait3A_944 = arith.constant 1 : i32
    %dma_wait3A_945 = arith.constant 0 : i32
    %dma_wait3A_946 = tpu.memref_slice %arg6[%dma_wait3A_943, %dma_wait3A_945] : memref<6x80xi32, #tpu.memory_space<vmem>> -> memref<1x80xi32, #tpu.memory_space<vmem>>
    %dma_wait3A_947 = tpu.memref_squeeze %dma_wait3A_946 : memref<1x80xi32, #tpu.memory_space<vmem>> -> memref<80xi32, #tpu.memory_space<vmem>>
    %dma_wait3A_948 = arith.constant 0 : i32
    %dma_wait3A_949 = arith.constant 0 : i32
    %dma_wait3A_950 = tpu.memref_slice %arg2[%dma_wait3A_948, %dma_wait3A_949] : memref<10000x128xf32, #tpu.memory_space<hbm>> -> memref<10000x128xf32, #tpu.memory_space<hbm>>
    %dma_wait3A_951 = tpu.memref_slice %arg13[%dma_wait3A_944] : memref<19x!tpu.dma_semaphore, #tpu.memory_space<semaphore_mem>> -> memref<1x!tpu.dma_semaphore, #tpu.memory_space<semaphore_mem>>
    %dma_wait3A_952 = tpu.memref_squeeze %dma_wait3A_951 : memref<1x!tpu.dma_semaphore, #tpu.memory_space<semaphore_mem>> -> memref<!tpu.dma_semaphore, #tpu.memory_space<semaphore_mem>>
    tpu.wait_indirect_dma semaphore(%dma_wait3A_952 : memref<!tpu.dma_semaphore, #tpu.memory_space<semaphore_mem>>) src(%dma_wait3A_950 : memref<10000x128xf32, #tpu.memory_space<hbm>>) dst(%arg9 : memref<80x128xf32, #tpu.memory_space<vmem>>)
    %dma_wait3A_953 = arith.constant 1 : i32
    %dma_wait3A_954 = arith.constant 13 : i32
    %dma_wait3A_955 = arith.constant 0 : i32
    %dma_wait3A_956 = tpu.memref_slice %arg7[%dma_wait3A_953, %dma_wait3A_955] : memref<6x80xi32, #tpu.memory_space<vmem>> -> memref<1x80xi32, #tpu.memory_space<vmem>>
    %dma_wait3A_957 = tpu.memref_squeeze %dma_wait3A_956 : memref<1x80xi32, #tpu.memory_space<vmem>> -> memref<80xi32, #tpu.memory_space<vmem>>
    %dma_wait3A_958 = arith.constant 0 : i32
    %dma_wait3A_959 = tpu.memref_slice %arg3[%dma_wait3A_958] : memref<320000xi32, #tpu.memory_space<hbm>> -> memref<80xi32, #tpu.memory_space<hbm>>
    %dma_wait3A_960 = tpu.memref_slice %arg13[%dma_wait3A_954] : memref<19x!tpu.dma_semaphore, #tpu.memory_space<semaphore_mem>> -> memref<1x!tpu.dma_semaphore, #tpu.memory_space<semaphore_mem>>
    %dma_wait3A_961 = tpu.memref_squeeze %dma_wait3A_960 : memref<1x!tpu.dma_semaphore, #tpu.memory_space<semaphore_mem>> -> memref<!tpu.dma_semaphore, #tpu.memory_space<semaphore_mem>>
    %dma_wait3A_962 = arith.constant 0 : i32
    %dma_wait3A_963 = tpu.memref_slice %arg7[%dma_wait3A_953, %dma_wait3A_962] : memref<6x80xi32, #tpu.memory_space<vmem>> -> memref<1x80xi32, #tpu.memory_space<vmem>>
    %dma_wait3A_964 = tpu.memref_squeeze %dma_wait3A_963 : memref<1x80xi32, #tpu.memory_space<vmem>> -> memref<80xi32, #tpu.memory_space<vmem>>
    %dma_wait3A_965 = arith.constant 0 : i32
    %dma_wait3A_966 = tpu.memref_slice %arg3[%dma_wait3A_965] : memref<320000xi32, #tpu.memory_space<hbm>> -> memref<80xi32, #tpu.memory_space<hbm>>
    tpu.wait_dma2 semaphore(%dma_wait3A_961 : memref<!tpu.dma_semaphore, #tpu.memory_space<semaphore_mem>>) src(%dma_wait3A_966 : memref<80xi32, #tpu.memory_space<hbm>>) dst(%dma_wait3A_964 : memref<80xi32, #tpu.memory_space<vmem>>)
    %dma_start3A_967 = arith.constant 1 : i32
    %dma_start3A_968 = arith.constant 4 : i32
    %dma_start3A_969 = arith.constant 0 : i32
    %dma_start3A_970 = tpu.memref_slice %arg7[%dma_start3A_967, %dma_start3A_969] : memref<6x80xi32, #tpu.memory_space<vmem>> -> memref<1x80xi32, #tpu.memory_space<vmem>>
    %dma_start3A_971 = tpu.memref_squeeze %dma_start3A_970 : memref<1x80xi32, #tpu.memory_space<vmem>> -> memref<80xi32, #tpu.memory_space<vmem>>
    %dma_start3A_972 = arith.constant 0 : i32
    %dma_start3A_973 = arith.constant 0 : i32
    %dma_start3A_974 = tpu.memref_slice %arg12[%dma_start3A_972, %dma_start3A_973] : memref<10240x128xf32, #tpu.memory_space<vmem_shared>> -> memref<10240x128xf32, #tpu.memory_space<vmem_shared>>
    %dma_start3A_975 = tpu.memref_slice %arg13[%dma_start3A_968] : memref<19x!tpu.dma_semaphore, #tpu.memory_space<semaphore_mem>> -> memref<1x!tpu.dma_semaphore, #tpu.memory_space<semaphore_mem>>
    %dma_start3A_976 = tpu.memref_squeeze %dma_start3A_975 : memref<1x!tpu.dma_semaphore, #tpu.memory_space<semaphore_mem>> -> memref<!tpu.dma_semaphore, #tpu.memory_space<semaphore_mem>>
    tpu.enqueue_indirect_dma source(%arg9 : memref<80x128xf32, #tpu.memory_space<vmem>>) target(%dma_start3A_974 : memref<10240x128xf32, #tpu.memory_space<vmem_shared>>) offsets(%dma_start3A_971 : memref<80xi32, #tpu.memory_space<vmem>>) semaphore(%dma_start3A_976 : memref<!tpu.dma_semaphore, #tpu.memory_space<semaphore_mem>>) {add = true}
    %dma_wait3A_977 = arith.constant 0 : i32
    %dma_wait3A_978 = arith.constant 3 : i32
    %dma_wait3A_979 = arith.constant 0 : i32
    %dma_wait3A_980 = tpu.memref_slice %arg7[%dma_wait3A_977, %dma_wait3A_979] : memref<6x80xi32, #tpu.memory_space<vmem>> -> memref<1x80xi32, #tpu.memory_space<vmem>>
    %dma_wait3A_981 = tpu.memref_squeeze %dma_wait3A_980 : memref<1x80xi32, #tpu.memory_space<vmem>> -> memref<80xi32, #tpu.memory_space<vmem>>
    %dma_wait3A_982 = arith.constant 0 : i32
    %dma_wait3A_983 = arith.constant 0 : i32
    %dma_wait3A_984 = tpu.memref_slice %arg12[%dma_wait3A_982, %dma_wait3A_983] : memref<10240x128xf32, #tpu.memory_space<vmem_shared>> -> memref<10240x128xf32, #tpu.memory_space<vmem_shared>>
    %dma_wait3A_985 = tpu.memref_slice %arg13[%dma_wait3A_978] : memref<19x!tpu.dma_semaphore, #tpu.memory_space<semaphore_mem>> -> memref<1x!tpu.dma_semaphore, #tpu.memory_space<semaphore_mem>>
    %dma_wait3A_986 = tpu.memref_squeeze %dma_wait3A_985 : memref<1x!tpu.dma_semaphore, #tpu.memory_space<semaphore_mem>> -> memref<!tpu.dma_semaphore, #tpu.memory_space<semaphore_mem>>
    tpu.wait_indirect_dma semaphore(%dma_wait3A_986 : memref<!tpu.dma_semaphore, #tpu.memory_space<semaphore_mem>>) src(%arg8 : memref<80x128xf32, #tpu.memory_space<vmem>>) dst(%dma_wait3A_984 : memref<10240x128xf32, #tpu.memory_space<vmem_shared>>)
    %dma_wait3A_987 = arith.constant 3 : i32
    %dma_wait3A_988 = arith.constant 9 : i32
    %dma_wait3A_989 = arith.constant 0 : i32
    %dma_wait3A_990 = tpu.memref_slice %arg6[%dma_wait3A_987, %dma_wait3A_989] : memref<6x80xi32, #tpu.memory_space<vmem>> -> memref<1x80xi32, #tpu.memory_space<vmem>>
    %dma_wait3A_991 = tpu.memref_squeeze %dma_wait3A_990 : memref<1x80xi32, #tpu.memory_space<vmem>> -> memref<80xi32, #tpu.memory_space<vmem>>
    %dma_wait3A_992 = arith.constant 0 : i32
    %dma_wait3A_993 = tpu.memref_slice %arg3[%dma_wait3A_992] : memref<320000xi32, #tpu.memory_space<hbm>> -> memref<80xi32, #tpu.memory_space<hbm>>
    %dma_wait3A_994 = tpu.memref_slice %arg13[%dma_wait3A_988] : memref<19x!tpu.dma_semaphore, #tpu.memory_space<semaphore_mem>> -> memref<1x!tpu.dma_semaphore, #tpu.memory_space<semaphore_mem>>
    %dma_wait3A_995 = tpu.memref_squeeze %dma_wait3A_994 : memref<1x!tpu.dma_semaphore, #tpu.memory_space<semaphore_mem>> -> memref<!tpu.dma_semaphore, #tpu.memory_space<semaphore_mem>>
    %dma_wait3A_996 = arith.constant 0 : i32
    %dma_wait3A_997 = tpu.memref_slice %arg6[%dma_wait3A_987, %dma_wait3A_996] : memref<6x80xi32, #tpu.memory_space<vmem>> -> memref<1x80xi32, #tpu.memory_space<vmem>>
    %dma_wait3A_998 = tpu.memref_squeeze %dma_wait3A_997 : memref<1x80xi32, #tpu.memory_space<vmem>> -> memref<80xi32, #tpu.memory_space<vmem>>
    %dma_wait3A_999 = arith.constant 0 : i32
    %dma_wait3A_1000 = tpu.memref_slice %arg3[%dma_wait3A_999] : memref<320000xi32, #tpu.memory_space<hbm>> -> memref<80xi32, #tpu.memory_space<hbm>>
    tpu.wait_dma2 semaphore(%dma_wait3A_995 : memref<!tpu.dma_semaphore, #tpu.memory_space<semaphore_mem>>) src(%dma_wait3A_1000 : memref<80xi32, #tpu.memory_space<hbm>>) dst(%dma_wait3A_998 : memref<80xi32, #tpu.memory_space<vmem>>)
    %dma_start3A_1001 = arith.constant 3 : i32
    %dma_start3A_1002 = arith.constant 0 : i32
    %dma_start3A_1003 = arith.constant 0 : i32
    %dma_start3A_1004 = tpu.memref_slice %arg6[%dma_start3A_1001, %dma_start3A_1003] : memref<6x80xi32, #tpu.memory_space<vmem>> -> memref<1x80xi32, #tpu.memory_space<vmem>>
    %dma_start3A_1005 = tpu.memref_squeeze %dma_start3A_1004 : memref<1x80xi32, #tpu.memory_space<vmem>> -> memref<80xi32, #tpu.memory_space<vmem>>
    %dma_start3A_1006 = arith.constant 0 : i32
    %dma_start3A_1007 = arith.constant 0 : i32
    %dma_start3A_1008 = tpu.memref_slice %arg2[%dma_start3A_1006, %dma_start3A_1007] : memref<10000x128xf32, #tpu.memory_space<hbm>> -> memref<10000x128xf32, #tpu.memory_space<hbm>>
    %dma_start3A_1009 = tpu.memref_slice %arg13[%dma_start3A_1002] : memref<19x!tpu.dma_semaphore, #tpu.memory_space<semaphore_mem>> -> memref<1x!tpu.dma_semaphore, #tpu.memory_space<semaphore_mem>>
    %dma_start3A_1010 = tpu.memref_squeeze %dma_start3A_1009 : memref<1x!tpu.dma_semaphore, #tpu.memory_space<semaphore_mem>> -> memref<!tpu.dma_semaphore, #tpu.memory_space<semaphore_mem>>
    tpu.enqueue_indirect_dma source(%dma_start3A_1008 : memref<10000x128xf32, #tpu.memory_space<hbm>>) target(%arg8 : memref<80x128xf32, #tpu.memory_space<vmem>>) offsets(%dma_start3A_1005 : memref<80xi32, #tpu.memory_space<vmem>>) semaphore(%dma_start3A_1010 : memref<!tpu.dma_semaphore, #tpu.memory_space<semaphore_mem>>)
    %dma_wait3A_1011 = arith.constant 0 : i32
    %dma_wait3A_1012 = arith.constant 2 : i32
    %dma_wait3A_1013 = arith.constant 0 : i32
    %dma_wait3A_1014 = tpu.memref_slice %arg6[%dma_wait3A_1011, %dma_wait3A_1013] : memref<6x80xi32, #tpu.memory_space<vmem>> -> memref<1x80xi32, #tpu.memory_space<vmem>>
    %dma_wait3A_1015 = tpu.memref_squeeze %dma_wait3A_1014 : memref<1x80xi32, #tpu.memory_space<vmem>> -> memref<80xi32, #tpu.memory_space<vmem>>
    %dma_wait3A_1016 = arith.constant 0 : i32
    %dma_wait3A_1017 = arith.constant 0 : i32
    %dma_wait3A_1018 = tpu.memref_slice %arg2[%dma_wait3A_1016, %dma_wait3A_1017] : memref<10000x128xf32, #tpu.memory_space<hbm>> -> memref<10000x128xf32, #tpu.memory_space<hbm>>
    %dma_wait3A_1019 = tpu.memref_slice %arg13[%dma_wait3A_1012] : memref<19x!tpu.dma_semaphore, #tpu.memory_space<semaphore_mem>> -> memref<1x!tpu.dma_semaphore, #tpu.memory_space<semaphore_mem>>
    %dma_wait3A_1020 = tpu.memref_squeeze %dma_wait3A_1019 : memref<1x!tpu.dma_semaphore, #tpu.memory_space<semaphore_mem>> -> memref<!tpu.dma_semaphore, #tpu.memory_space<semaphore_mem>>
    tpu.wait_indirect_dma semaphore(%dma_wait3A_1020 : memref<!tpu.dma_semaphore, #tpu.memory_space<semaphore_mem>>) src(%dma_wait3A_1018 : memref<10000x128xf32, #tpu.memory_space<hbm>>) dst(%arg10 : memref<80x128xf32, #tpu.memory_space<vmem>>)
    %dma_wait3A_1021 = arith.constant 2 : i32
    %dma_wait3A_1022 = arith.constant 14 : i32
    %dma_wait3A_1023 = arith.constant 0 : i32
    %dma_wait3A_1024 = tpu.memref_slice %arg7[%dma_wait3A_1021, %dma_wait3A_1023] : memref<6x80xi32, #tpu.memory_space<vmem>> -> memref<1x80xi32, #tpu.memory_space<vmem>>
    %dma_wait3A_1025 = tpu.memref_squeeze %dma_wait3A_1024 : memref<1x80xi32, #tpu.memory_space<vmem>> -> memref<80xi32, #tpu.memory_space<vmem>>
    %dma_wait3A_1026 = arith.constant 0 : i32
    %dma_wait3A_1027 = tpu.memref_slice %arg3[%dma_wait3A_1026] : memref<320000xi32, #tpu.memory_space<hbm>> -> memref<80xi32, #tpu.memory_space<hbm>>
    %dma_wait3A_1028 = tpu.memref_slice %arg13[%dma_wait3A_1022] : memref<19x!tpu.dma_semaphore, #tpu.memory_space<semaphore_mem>> -> memref<1x!tpu.dma_semaphore, #tpu.memory_space<semaphore_mem>>
    %dma_wait3A_1029 = tpu.memref_squeeze %dma_wait3A_1028 : memref<1x!tpu.dma_semaphore, #tpu.memory_space<semaphore_mem>> -> memref<!tpu.dma_semaphore, #tpu.memory_space<semaphore_mem>>
    %dma_wait3A_1030 = arith.constant 0 : i32
    %dma_wait3A_1031 = tpu.memref_slice %arg7[%dma_wait3A_1021, %dma_wait3A_1030] : memref<6x80xi32, #tpu.memory_space<vmem>> -> memref<1x80xi32, #tpu.memory_space<vmem>>
    %dma_wait3A_1032 = tpu.memref_squeeze %dma_wait3A_1031 : memref<1x80xi32, #tpu.memory_space<vmem>> -> memref<80xi32, #tpu.memory_space<vmem>>
    %dma_wait3A_1033 = arith.constant 0 : i32
    %dma_wait3A_1034 = tpu.memref_slice %arg3[%dma_wait3A_1033] : memref<320000xi32, #tpu.memory_space<hbm>> -> memref<80xi32, #tpu.memory_space<hbm>>
    tpu.wait_dma2 semaphore(%dma_wait3A_1029 : memref<!tpu.dma_semaphore, #tpu.memory_space<semaphore_mem>>) src(%dma_wait3A_1034 : memref<80xi32, #tpu.memory_space<hbm>>) dst(%dma_wait3A_1032 : memref<80xi32, #tpu.memory_space<vmem>>)
    %dma_start3A_1035 = arith.constant 2 : i32
    %dma_start3A_1036 = arith.constant 5 : i32
    %dma_start3A_1037 = arith.constant 0 : i32
    %dma_start3A_1038 = tpu.memref_slice %arg7[%dma_start3A_1035, %dma_start3A_1037] : memref<6x80xi32, #tpu.memory_space<vmem>> -> memref<1x80xi32, #tpu.memory_space<vmem>>
    %dma_start3A_1039 = tpu.memref_squeeze %dma_start3A_1038 : memref<1x80xi32, #tpu.memory_space<vmem>> -> memref<80xi32, #tpu.memory_space<vmem>>
    %dma_start3A_1040 = arith.constant 0 : i32
    %dma_start3A_1041 = arith.constant 0 : i32
    %dma_start3A_1042 = tpu.memref_slice %arg12[%dma_start3A_1040, %dma_start3A_1041] : memref<10240x128xf32, #tpu.memory_space<vmem_shared>> -> memref<10240x128xf32, #tpu.memory_space<vmem_shared>>
    %dma_start3A_1043 = tpu.memref_slice %arg13[%dma_start3A_1036] : memref<19x!tpu.dma_semaphore, #tpu.memory_space<semaphore_mem>> -> memref<1x!tpu.dma_semaphore, #tpu.memory_space<semaphore_mem>>
    %dma_start3A_1044 = tpu.memref_squeeze %dma_start3A_1043 : memref<1x!tpu.dma_semaphore, #tpu.memory_space<semaphore_mem>> -> memref<!tpu.dma_semaphore, #tpu.memory_space<semaphore_mem>>
    tpu.enqueue_indirect_dma source(%arg10 : memref<80x128xf32, #tpu.memory_space<vmem>>) target(%dma_start3A_1042 : memref<10240x128xf32, #tpu.memory_space<vmem_shared>>) offsets(%dma_start3A_1039 : memref<80xi32, #tpu.memory_space<vmem>>) semaphore(%dma_start3A_1044 : memref<!tpu.dma_semaphore, #tpu.memory_space<semaphore_mem>>) {add = true}
    %dma_wait3A_1045 = arith.constant 1 : i32
    %dma_wait3A_1046 = arith.constant 4 : i32
    %dma_wait3A_1047 = arith.constant 0 : i32
    %dma_wait3A_1048 = tpu.memref_slice %arg7[%dma_wait3A_1045, %dma_wait3A_1047] : memref<6x80xi32, #tpu.memory_space<vmem>> -> memref<1x80xi32, #tpu.memory_space<vmem>>
    %dma_wait3A_1049 = tpu.memref_squeeze %dma_wait3A_1048 : memref<1x80xi32, #tpu.memory_space<vmem>> -> memref<80xi32, #tpu.memory_space<vmem>>
    %dma_wait3A_1050 = arith.constant 0 : i32
    %dma_wait3A_1051 = arith.constant 0 : i32
    %dma_wait3A_1052 = tpu.memref_slice %arg12[%dma_wait3A_1050, %dma_wait3A_1051] : memref<10240x128xf32, #tpu.memory_space<vmem_shared>> -> memref<10240x128xf32, #tpu.memory_space<vmem_shared>>
    %dma_wait3A_1053 = tpu.memref_slice %arg13[%dma_wait3A_1046] : memref<19x!tpu.dma_semaphore, #tpu.memory_space<semaphore_mem>> -> memref<1x!tpu.dma_semaphore, #tpu.memory_space<semaphore_mem>>
    %dma_wait3A_1054 = tpu.memref_squeeze %dma_wait3A_1053 : memref<1x!tpu.dma_semaphore, #tpu.memory_space<semaphore_mem>> -> memref<!tpu.dma_semaphore, #tpu.memory_space<semaphore_mem>>
    tpu.wait_indirect_dma semaphore(%dma_wait3A_1054 : memref<!tpu.dma_semaphore, #tpu.memory_space<semaphore_mem>>) src(%arg9 : memref<80x128xf32, #tpu.memory_space<vmem>>) dst(%dma_wait3A_1052 : memref<10240x128xf32, #tpu.memory_space<vmem_shared>>)
    %dma_wait3A_1055 = arith.constant 4 : i32
    %dma_wait3A_1056 = arith.constant 10 : i32
    %dma_wait3A_1057 = arith.constant 0 : i32
    %dma_wait3A_1058 = tpu.memref_slice %arg6[%dma_wait3A_1055, %dma_wait3A_1057] : memref<6x80xi32, #tpu.memory_space<vmem>> -> memref<1x80xi32, #tpu.memory_space<vmem>>
    %dma_wait3A_1059 = tpu.memref_squeeze %dma_wait3A_1058 : memref<1x80xi32, #tpu.memory_space<vmem>> -> memref<80xi32, #tpu.memory_space<vmem>>
    %dma_wait3A_1060 = arith.constant 0 : i32
    %dma_wait3A_1061 = tpu.memref_slice %arg3[%dma_wait3A_1060] : memref<320000xi32, #tpu.memory_space<hbm>> -> memref<80xi32, #tpu.memory_space<hbm>>
    %dma_wait3A_1062 = tpu.memref_slice %arg13[%dma_wait3A_1056] : memref<19x!tpu.dma_semaphore, #tpu.memory_space<semaphore_mem>> -> memref<1x!tpu.dma_semaphore, #tpu.memory_space<semaphore_mem>>
    %dma_wait3A_1063 = tpu.memref_squeeze %dma_wait3A_1062 : memref<1x!tpu.dma_semaphore, #tpu.memory_space<semaphore_mem>> -> memref<!tpu.dma_semaphore, #tpu.memory_space<semaphore_mem>>
    %dma_wait3A_1064 = arith.constant 0 : i32
    %dma_wait3A_1065 = tpu.memref_slice %arg6[%dma_wait3A_1055, %dma_wait3A_1064] : memref<6x80xi32, #tpu.memory_space<vmem>> -> memref<1x80xi32, #tpu.memory_space<vmem>>
    %dma_wait3A_1066 = tpu.memref_squeeze %dma_wait3A_1065 : memref<1x80xi32, #tpu.memory_space<vmem>> -> memref<80xi32, #tpu.memory_space<vmem>>
    %dma_wait3A_1067 = arith.constant 0 : i32
    %dma_wait3A_1068 = tpu.memref_slice %arg3[%dma_wait3A_1067] : memref<320000xi32, #tpu.memory_space<hbm>> -> memref<80xi32, #tpu.memory_space<hbm>>
    tpu.wait_dma2 semaphore(%dma_wait3A_1063 : memref<!tpu.dma_semaphore, #tpu.memory_space<semaphore_mem>>) src(%dma_wait3A_1068 : memref<80xi32, #tpu.memory_space<hbm>>) dst(%dma_wait3A_1066 : memref<80xi32, #tpu.memory_space<vmem>>)
    %dma_start3A_1069 = arith.constant 4 : i32
    %dma_start3A_1070 = arith.constant 1 : i32
    %dma_start3A_1071 = arith.constant 0 : i32
    %dma_start3A_1072 = tpu.memref_slice %arg6[%dma_start3A_1069, %dma_start3A_1071] : memref<6x80xi32, #tpu.memory_space<vmem>> -> memref<1x80xi32, #tpu.memory_space<vmem>>
    %dma_start3A_1073 = tpu.memref_squeeze %dma_start3A_1072 : memref<1x80xi32, #tpu.memory_space<vmem>> -> memref<80xi32, #tpu.memory_space<vmem>>
    %dma_start3A_1074 = arith.constant 0 : i32
    %dma_start3A_1075 = arith.constant 0 : i32
    %dma_start3A_1076 = tpu.memref_slice %arg2[%dma_start3A_1074, %dma_start3A_1075] : memref<10000x128xf32, #tpu.memory_space<hbm>> -> memref<10000x128xf32, #tpu.memory_space<hbm>>
    %dma_start3A_1077 = tpu.memref_slice %arg13[%dma_start3A_1070] : memref<19x!tpu.dma_semaphore, #tpu.memory_space<semaphore_mem>> -> memref<1x!tpu.dma_semaphore, #tpu.memory_space<semaphore_mem>>
    %dma_start3A_1078 = tpu.memref_squeeze %dma_start3A_1077 : memref<1x!tpu.dma_semaphore, #tpu.memory_space<semaphore_mem>> -> memref<!tpu.dma_semaphore, #tpu.memory_space<semaphore_mem>>
    tpu.enqueue_indirect_dma source(%dma_start3A_1076 : memref<10000x128xf32, #tpu.memory_space<hbm>>) target(%arg9 : memref<80x128xf32, #tpu.memory_space<vmem>>) offsets(%dma_start3A_1073 : memref<80xi32, #tpu.memory_space<vmem>>) semaphore(%dma_start3A_1078 : memref<!tpu.dma_semaphore, #tpu.memory_space<semaphore_mem>>)
    %dma_wait3A_1079 = arith.constant 0 : i32
    %dma_wait3A_1080 = arith.constant 0 : i32
    %dma_wait3A_1081 = arith.constant 0 : i32
    %dma_wait3A_1082 = tpu.memref_slice %arg6[%dma_wait3A_1079, %dma_wait3A_1081] : memref<6x80xi32, #tpu.memory_space<vmem>> -> memref<1x80xi32, #tpu.memory_space<vmem>>
    %dma_wait3A_1083 = tpu.memref_squeeze %dma_wait3A_1082 : memref<1x80xi32, #tpu.memory_space<vmem>> -> memref<80xi32, #tpu.memory_space<vmem>>
    %dma_wait3A_1084 = arith.constant 0 : i32
    %dma_wait3A_1085 = arith.constant 0 : i32
    %dma_wait3A_1086 = tpu.memref_slice %arg2[%dma_wait3A_1084, %dma_wait3A_1085] : memref<10000x128xf32, #tpu.memory_space<hbm>> -> memref<10000x128xf32, #tpu.memory_space<hbm>>
    %dma_wait3A_1087 = tpu.memref_slice %arg13[%dma_wait3A_1080] : memref<19x!tpu.dma_semaphore, #tpu.memory_space<semaphore_mem>> -> memref<1x!tpu.dma_semaphore, #tpu.memory_space<semaphore_mem>>
    %dma_wait3A_1088 = tpu.memref_squeeze %dma_wait3A_1087 : memref<1x!tpu.dma_semaphore, #tpu.memory_space<semaphore_mem>> -> memref<!tpu.dma_semaphore, #tpu.memory_space<semaphore_mem>>
    tpu.wait_indirect_dma semaphore(%dma_wait3A_1088 : memref<!tpu.dma_semaphore, #tpu.memory_space<semaphore_mem>>) src(%dma_wait3A_1086 : memref<10000x128xf32, #tpu.memory_space<hbm>>) dst(%arg8 : memref<80x128xf32, #tpu.memory_space<vmem>>)
    %dma_wait3A_1089 = arith.constant 3 : i32
    %dma_wait3A_1090 = arith.constant 15 : i32
    %dma_wait3A_1091 = arith.constant 0 : i32
    %dma_wait3A_1092 = tpu.memref_slice %arg7[%dma_wait3A_1089, %dma_wait3A_1091] : memref<6x80xi32, #tpu.memory_space<vmem>> -> memref<1x80xi32, #tpu.memory_space<vmem>>
    %dma_wait3A_1093 = tpu.memref_squeeze %dma_wait3A_1092 : memref<1x80xi32, #tpu.memory_space<vmem>> -> memref<80xi32, #tpu.memory_space<vmem>>
    %dma_wait3A_1094 = arith.constant 0 : i32
    %dma_wait3A_1095 = tpu.memref_slice %arg3[%dma_wait3A_1094] : memref<320000xi32, #tpu.memory_space<hbm>> -> memref<80xi32, #tpu.memory_space<hbm>>
    %dma_wait3A_1096 = tpu.memref_slice %arg13[%dma_wait3A_1090] : memref<19x!tpu.dma_semaphore, #tpu.memory_space<semaphore_mem>> -> memref<1x!tpu.dma_semaphore, #tpu.memory_space<semaphore_mem>>
    %dma_wait3A_1097 = tpu.memref_squeeze %dma_wait3A_1096 : memref<1x!tpu.dma_semaphore, #tpu.memory_space<semaphore_mem>> -> memref<!tpu.dma_semaphore, #tpu.memory_space<semaphore_mem>>
    %dma_wait3A_1098 = arith.constant 0 : i32
    %dma_wait3A_1099 = tpu.memref_slice %arg7[%dma_wait3A_1089, %dma_wait3A_1098] : memref<6x80xi32, #tpu.memory_space<vmem>> -> memref<1x80xi32, #tpu.memory_space<vmem>>
    %dma_wait3A_1100 = tpu.memref_squeeze %dma_wait3A_1099 : memref<1x80xi32, #tpu.memory_space<vmem>> -> memref<80xi32, #tpu.memory_space<vmem>>
    %dma_wait3A_1101 = arith.constant 0 : i32
    %dma_wait3A_1102 = tpu.memref_slice %arg3[%dma_wait3A_1101] : memref<320000xi32, #tpu.memory_space<hbm>> -> memref<80xi32, #tpu.memory_space<hbm>>
    tpu.wait_dma2 semaphore(%dma_wait3A_1097 : memref<!tpu.dma_semaphore, #tpu.memory_space<semaphore_mem>>) src(%dma_wait3A_1102 : memref<80xi32, #tpu.memory_space<hbm>>) dst(%dma_wait3A_1100 : memref<80xi32, #tpu.memory_space<vmem>>)
    %dma_start3A_1103 = arith.constant 3 : i32
    %dma_start3A_1104 = arith.constant 3 : i32
    %dma_start3A_1105 = arith.constant 0 : i32
    %dma_start3A_1106 = tpu.memref_slice %arg7[%dma_start3A_1103, %dma_start3A_1105] : memref<6x80xi32, #tpu.memory_space<vmem>> -> memref<1x80xi32, #tpu.memory_space<vmem>>
    %dma_start3A_1107 = tpu.memref_squeeze %dma_start3A_1106 : memref<1x80xi32, #tpu.memory_space<vmem>> -> memref<80xi32, #tpu.memory_space<vmem>>
    %dma_start3A_1108 = arith.constant 0 : i32
    %dma_start3A_1109 = arith.constant 0 : i32
    %dma_start3A_1110 = tpu.memref_slice %arg12[%dma_start3A_1108, %dma_start3A_1109] : memref<10240x128xf32, #tpu.memory_space<vmem_shared>> -> memref<10240x128xf32, #tpu.memory_space<vmem_shared>>
    %dma_start3A_1111 = tpu.memref_slice %arg13[%dma_start3A_1104] : memref<19x!tpu.dma_semaphore, #tpu.memory_space<semaphore_mem>> -> memref<1x!tpu.dma_semaphore, #tpu.memory_space<semaphore_mem>>
    %dma_start3A_1112 = tpu.memref_squeeze %dma_start3A_1111 : memref<1x!tpu.dma_semaphore, #tpu.memory_space<semaphore_mem>> -> memref<!tpu.dma_semaphore, #tpu.memory_space<semaphore_mem>>
    tpu.enqueue_indirect_dma source(%arg8 : memref<80x128xf32, #tpu.memory_space<vmem>>) target(%dma_start3A_1110 : memref<10240x128xf32, #tpu.memory_space<vmem_shared>>) offsets(%dma_start3A_1107 : memref<80xi32, #tpu.memory_space<vmem>>) semaphore(%dma_start3A_1112 : memref<!tpu.dma_semaphore, #tpu.memory_space<semaphore_mem>>) {add = true}
    %dma_wait3A_1113 = arith.constant 2 : i32
    %dma_wait3A_1114 = arith.constant 5 : i32
    %dma_wait3A_1115 = arith.constant 0 : i32
    %dma_wait3A_1116 = tpu.memref_slice %arg7[%dma_wait3A_1113, %dma_wait3A_1115] : memref<6x80xi32, #tpu.memory_space<vmem>> -> memref<1x80xi32, #tpu.memory_space<vmem>>
    %dma_wait3A_1117 = tpu.memref_squeeze %dma_wait3A_1116 : memref<1x80xi32, #tpu.memory_space<vmem>> -> memref<80xi32, #tpu.memory_space<vmem>>
    %dma_wait3A_1118 = arith.constant 0 : i32
    %dma_wait3A_1119 = arith.constant 0 : i32
    %dma_wait3A_1120 = tpu.memref_slice %arg12[%dma_wait3A_1118, %dma_wait3A_1119] : memref<10240x128xf32, #tpu.memory_space<vmem_shared>> -> memref<10240x128xf32, #tpu.memory_space<vmem_shared>>
    %dma_wait3A_1121 = tpu.memref_slice %arg13[%dma_wait3A_1114] : memref<19x!tpu.dma_semaphore, #tpu.memory_space<semaphore_mem>> -> memref<1x!tpu.dma_semaphore, #tpu.memory_space<semaphore_mem>>
    %dma_wait3A_1122 = tpu.memref_squeeze %dma_wait3A_1121 : memref<1x!tpu.dma_semaphore, #tpu.memory_space<semaphore_mem>> -> memref<!tpu.dma_semaphore, #tpu.memory_space<semaphore_mem>>
    tpu.wait_indirect_dma semaphore(%dma_wait3A_1122 : memref<!tpu.dma_semaphore, #tpu.memory_space<semaphore_mem>>) src(%arg10 : memref<80x128xf32, #tpu.memory_space<vmem>>) dst(%dma_wait3A_1120 : memref<10240x128xf32, #tpu.memory_space<vmem_shared>>)
    %dma_wait3A_1123 = arith.constant 0 : i32
    %dma_wait3A_1124 = arith.constant 1 : i32
    %dma_wait3A_1125 = arith.constant 0 : i32
    %dma_wait3A_1126 = tpu.memref_slice %arg6[%dma_wait3A_1123, %dma_wait3A_1125] : memref<6x80xi32, #tpu.memory_space<vmem>> -> memref<1x80xi32, #tpu.memory_space<vmem>>
    %dma_wait3A_1127 = tpu.memref_squeeze %dma_wait3A_1126 : memref<1x80xi32, #tpu.memory_space<vmem>> -> memref<80xi32, #tpu.memory_space<vmem>>
    %dma_wait3A_1128 = arith.constant 0 : i32
    %dma_wait3A_1129 = arith.constant 0 : i32
    %dma_wait3A_1130 = tpu.memref_slice %arg2[%dma_wait3A_1128, %dma_wait3A_1129] : memref<10000x128xf32, #tpu.memory_space<hbm>> -> memref<10000x128xf32, #tpu.memory_space<hbm>>
    %dma_wait3A_1131 = tpu.memref_slice %arg13[%dma_wait3A_1124] : memref<19x!tpu.dma_semaphore, #tpu.memory_space<semaphore_mem>> -> memref<1x!tpu.dma_semaphore, #tpu.memory_space<semaphore_mem>>
    %dma_wait3A_1132 = tpu.memref_squeeze %dma_wait3A_1131 : memref<1x!tpu.dma_semaphore, #tpu.memory_space<semaphore_mem>> -> memref<!tpu.dma_semaphore, #tpu.memory_space<semaphore_mem>>
    tpu.wait_indirect_dma semaphore(%dma_wait3A_1132 : memref<!tpu.dma_semaphore, #tpu.memory_space<semaphore_mem>>) src(%dma_wait3A_1130 : memref<10000x128xf32, #tpu.memory_space<hbm>>) dst(%arg9 : memref<80x128xf32, #tpu.memory_space<vmem>>)
    %dma_wait3A_1133 = arith.constant 4 : i32
    %dma_wait3A_1134 = arith.constant 16 : i32
    %dma_wait3A_1135 = arith.constant 0 : i32
    %dma_wait3A_1136 = tpu.memref_slice %arg7[%dma_wait3A_1133, %dma_wait3A_1135] : memref<6x80xi32, #tpu.memory_space<vmem>> -> memref<1x80xi32, #tpu.memory_space<vmem>>
    %dma_wait3A_1137 = tpu.memref_squeeze %dma_wait3A_1136 : memref<1x80xi32, #tpu.memory_space<vmem>> -> memref<80xi32, #tpu.memory_space<vmem>>
    %dma_wait3A_1138 = arith.constant 0 : i32
    %dma_wait3A_1139 = tpu.memref_slice %arg3[%dma_wait3A_1138] : memref<320000xi32, #tpu.memory_space<hbm>> -> memref<80xi32, #tpu.memory_space<hbm>>
    %dma_wait3A_1140 = tpu.memref_slice %arg13[%dma_wait3A_1134] : memref<19x!tpu.dma_semaphore, #tpu.memory_space<semaphore_mem>> -> memref<1x!tpu.dma_semaphore, #tpu.memory_space<semaphore_mem>>
    %dma_wait3A_1141 = tpu.memref_squeeze %dma_wait3A_1140 : memref<1x!tpu.dma_semaphore, #tpu.memory_space<semaphore_mem>> -> memref<!tpu.dma_semaphore, #tpu.memory_space<semaphore_mem>>
    %dma_wait3A_1142 = arith.constant 0 : i32
    %dma_wait3A_1143 = tpu.memref_slice %arg7[%dma_wait3A_1133, %dma_wait3A_1142] : memref<6x80xi32, #tpu.memory_space<vmem>> -> memref<1x80xi32, #tpu.memory_space<vmem>>
    %dma_wait3A_1144 = tpu.memref_squeeze %dma_wait3A_1143 : memref<1x80xi32, #tpu.memory_space<vmem>> -> memref<80xi32, #tpu.memory_space<vmem>>
    %dma_wait3A_1145 = arith.constant 0 : i32
    %dma_wait3A_1146 = tpu.memref_slice %arg3[%dma_wait3A_1145] : memref<320000xi32, #tpu.memory_space<hbm>> -> memref<80xi32, #tpu.memory_space<hbm>>
    tpu.wait_dma2 semaphore(%dma_wait3A_1141 : memref<!tpu.dma_semaphore, #tpu.memory_space<semaphore_mem>>) src(%dma_wait3A_1146 : memref<80xi32, #tpu.memory_space<hbm>>) dst(%dma_wait3A_1144 : memref<80xi32, #tpu.memory_space<vmem>>)
    %dma_start3A_1147 = arith.constant 4 : i32
    %dma_start3A_1148 = arith.constant 4 : i32
    %dma_start3A_1149 = arith.constant 0 : i32
    %dma_start3A_1150 = tpu.memref_slice %arg7[%dma_start3A_1147, %dma_start3A_1149] : memref<6x80xi32, #tpu.memory_space<vmem>> -> memref<1x80xi32, #tpu.memory_space<vmem>>
    %dma_start3A_1151 = tpu.memref_squeeze %dma_start3A_1150 : memref<1x80xi32, #tpu.memory_space<vmem>> -> memref<80xi32, #tpu.memory_space<vmem>>
    %dma_start3A_1152 = arith.constant 0 : i32
    %dma_start3A_1153 = arith.constant 0 : i32
    %dma_start3A_1154 = tpu.memref_slice %arg12[%dma_start3A_1152, %dma_start3A_1153] : memref<10240x128xf32, #tpu.memory_space<vmem_shared>> -> memref<10240x128xf32, #tpu.memory_space<vmem_shared>>
    %dma_start3A_1155 = tpu.memref_slice %arg13[%dma_start3A_1148] : memref<19x!tpu.dma_semaphore, #tpu.memory_space<semaphore_mem>> -> memref<1x!tpu.dma_semaphore, #tpu.memory_space<semaphore_mem>>
    %dma_start3A_1156 = tpu.memref_squeeze %dma_start3A_1155 : memref<1x!tpu.dma_semaphore, #tpu.memory_space<semaphore_mem>> -> memref<!tpu.dma_semaphore, #tpu.memory_space<semaphore_mem>>
    tpu.enqueue_indirect_dma source(%arg9 : memref<80x128xf32, #tpu.memory_space<vmem>>) target(%dma_start3A_1154 : memref<10240x128xf32, #tpu.memory_space<vmem_shared>>) offsets(%dma_start3A_1151 : memref<80xi32, #tpu.memory_space<vmem>>) semaphore(%dma_start3A_1156 : memref<!tpu.dma_semaphore, #tpu.memory_space<semaphore_mem>>) {add = true}
    %dma_wait3A_1157 = arith.constant 3 : i32
    %dma_wait3A_1158 = arith.constant 3 : i32
    %dma_wait3A_1159 = arith.constant 0 : i32
    %dma_wait3A_1160 = tpu.memref_slice %arg7[%dma_wait3A_1157, %dma_wait3A_1159] : memref<6x80xi32, #tpu.memory_space<vmem>> -> memref<1x80xi32, #tpu.memory_space<vmem>>
    %dma_wait3A_1161 = tpu.memref_squeeze %dma_wait3A_1160 : memref<1x80xi32, #tpu.memory_space<vmem>> -> memref<80xi32, #tpu.memory_space<vmem>>
    %dma_wait3A_1162 = arith.constant 0 : i32
    %dma_wait3A_1163 = arith.constant 0 : i32
    %dma_wait3A_1164 = tpu.memref_slice %arg12[%dma_wait3A_1162, %dma_wait3A_1163] : memref<10240x128xf32, #tpu.memory_space<vmem_shared>> -> memref<10240x128xf32, #tpu.memory_space<vmem_shared>>
    %dma_wait3A_1165 = tpu.memref_slice %arg13[%dma_wait3A_1158] : memref<19x!tpu.dma_semaphore, #tpu.memory_space<semaphore_mem>> -> memref<1x!tpu.dma_semaphore, #tpu.memory_space<semaphore_mem>>
    %dma_wait3A_1166 = tpu.memref_squeeze %dma_wait3A_1165 : memref<1x!tpu.dma_semaphore, #tpu.memory_space<semaphore_mem>> -> memref<!tpu.dma_semaphore, #tpu.memory_space<semaphore_mem>>
    tpu.wait_indirect_dma semaphore(%dma_wait3A_1166 : memref<!tpu.dma_semaphore, #tpu.memory_space<semaphore_mem>>) src(%arg8 : memref<80x128xf32, #tpu.memory_space<vmem>>) dst(%dma_wait3A_1164 : memref<10240x128xf32, #tpu.memory_space<vmem_shared>>)
    %dma_wait3A_1167 = arith.constant 4 : i32
    %dma_wait3A_1168 = arith.constant 4 : i32
    %dma_wait3A_1169 = arith.constant 0 : i32
    %dma_wait3A_1170 = tpu.memref_slice %arg7[%dma_wait3A_1167, %dma_wait3A_1169] : memref<6x80xi32, #tpu.memory_space<vmem>> -> memref<1x80xi32, #tpu.memory_space<vmem>>
    %dma_wait3A_1171 = tpu.memref_squeeze %dma_wait3A_1170 : memref<1x80xi32, #tpu.memory_space<vmem>> -> memref<80xi32, #tpu.memory_space<vmem>>
    %dma_wait3A_1172 = arith.constant 0 : i32
    %dma_wait3A_1173 = arith.constant 0 : i32
    %dma_wait3A_1174 = tpu.memref_slice %arg12[%dma_wait3A_1172, %dma_wait3A_1173] : memref<10240x128xf32, #tpu.memory_space<vmem_shared>> -> memref<10240x128xf32, #tpu.memory_space<vmem_shared>>
    %dma_wait3A_1175 = tpu.memref_slice %arg13[%dma_wait3A_1168] : memref<19x!tpu.dma_semaphore, #tpu.memory_space<semaphore_mem>> -> memref<1x!tpu.dma_semaphore, #tpu.memory_space<semaphore_mem>>
    %dma_wait3A_1176 = tpu.memref_squeeze %dma_wait3A_1175 : memref<1x!tpu.dma_semaphore, #tpu.memory_space<semaphore_mem>> -> memref<!tpu.dma_semaphore, #tpu.memory_space<semaphore_mem>>
    tpu.wait_indirect_dma semaphore(%dma_wait3A_1176 : memref<!tpu.dma_semaphore, #tpu.memory_space<semaphore_mem>>) src(%arg9 : memref<80x128xf32, #tpu.memory_space<vmem>>) dst(%dma_wait3A_1174 : memref<10240x128xf32, #tpu.memory_space<vmem_shared>>)
    %barrier3A_1177 = arith.constant 0 : index
    tpu.barrier barrier_id(%barrier3A_1177)
    "tpu.region"() ({
      %run_scoped3A = tpu.sem_alloc : memref<!tpu.dma_semaphore, #tpu.memory_space<semaphore_mem>>
      %dma_start3A_1178 = arith.constant 0 : i32
      %dma_start3A_1179 = tpu.memref_slice %arg5[%arg0, %mul3A_4, %dma_start3A_1178] : memref<2x10240x128xf32, #tpu.memory_space<hbm>> -> memref<1x640x128xf32, #tpu.memory_space<hbm>>
      %dma_start3A_1180 = tpu.memref_squeeze %dma_start3A_1179 : memref<1x640x128xf32, #tpu.memory_space<hbm>> -> memref<640x128xf32, #tpu.memory_space<hbm>>
      %dma_start3A_1181 = arith.constant 0 : i32
      %dma_start3A_1182 = tpu.memref_slice %arg12[%mul3A_4, %dma_start3A_1181] : memref<10240x128xf32, #tpu.memory_space<vmem_shared>> -> memref<640x128xf32, #tpu.memory_space<vmem_shared>>
      tpu.enqueue_dma source(%dma_start3A_1182 : memref<640x128xf32, #tpu.memory_space<vmem_shared>>) target(%dma_start3A_1180 : memref<640x128xf32, #tpu.memory_space<hbm>>) target_semaphore(%run_scoped3A : memref<!tpu.dma_semaphore, #tpu.memory_space<semaphore_mem>>)
      %dma_wait3A_1183 = arith.constant 0 : i32
      %dma_wait3A_1184 = tpu.memref_slice %arg5[%arg0, %mul3A_4, %dma_wait3A_1183] : memref<2x10240x128xf32, #tpu.memory_space<hbm>> -> memref<1x640x128xf32, #tpu.memory_space<hbm>>
      %dma_wait3A_1185 = tpu.memref_squeeze %dma_wait3A_1184 : memref<1x640x128xf32, #tpu.memory_space<hbm>> -> memref<640x128xf32, #tpu.memory_space<hbm>>
      %dma_wait3A_1186 = arith.constant 0 : i32
      %dma_wait3A_1187 = tpu.memref_slice %arg12[%mul3A_4, %dma_wait3A_1186] : memref<10240x128xf32, #tpu.memory_space<vmem_shared>> -> memref<640x128xf32, #tpu.memory_space<vmem_shared>>
      tpu.wait_dma2 semaphore(%run_scoped3A : memref<!tpu.dma_semaphore, #tpu.memory_space<semaphore_mem>>) src(%dma_wait3A_1187 : memref<640x128xf32, #tpu.memory_space<vmem_shared>>) dst(%dma_wait3A_1185 : memref<640x128xf32, #tpu.memory_space<hbm>>)
      tpu.yield
    }) : () -> ()
    return
  }
}

module attributes {stable_mosaic.version = 14 : i64} {
  func.func @_combine_body(%arg0: i32, %arg1: memref<2x2000x128xf32, #tpu.memory_space<vmem>>, %arg2: memref<1x128xf32, #tpu.memory_space<vmem>>, %arg3: memref<2000x128xf32, #tpu.memory_space<vmem>>) attributes {dimension_semantics = [#tpu.dimension_semantics<arbitrary>], iteration_bounds = array<i64: 5>, scalar_prefetch = 0 : i64, scratch_operands = 0 : i64, tpu.core_type = #tpu.core_type<tc>, window_params = [{transform_indices = @transform_0, window_bounds = array<i64: 2, 2000, 128>}, {pipeline_mode = #tpu.pipeline_mode<synchronous>, transform_indices = @transform_1, window_bounds = array<i64: 1, 128>}, {transform_indices = @transform_2, window_bounds = array<i64: 2000, 128>}]} {
    %get3A = arith.constant 0 : index
    %get3A_0 = arith.constant 0 : index
    %get3A_1 = arith.constant 0 : index
    %get3A_2 = vector.load %arg1[%get3A, %get3A_0, %get3A_1] : memref<2x2000x128xf32, #tpu.memory_space<vmem>>, vector<1x2000x128xf32>
    %get3A_3 = vector.shape_cast %get3A_2 : vector<1x2000x128xf32> to vector<2000x128xf32>
    %get3A_4 = arith.constant 1 : index
    %get3A_5 = arith.constant 0 : index
    %get3A_6 = arith.constant 0 : index
    %get3A_7 = vector.load %arg1[%get3A_4, %get3A_5, %get3A_6] : memref<2x2000x128xf32, #tpu.memory_space<vmem>>, vector<1x2000x128xf32>
    %get3A_8 = vector.shape_cast %get3A_7 : vector<1x2000x128xf32> to vector<2000x128xf32>
    %add3A = arith.addf %get3A_3, %get3A_8 : vector<2000x128xf32>
    %get3A_9 = arith.constant 0 : index
    %get3A_10 = arith.constant 0 : index
    %get3A_11 = vector.load %arg2[%get3A_9, %get3A_10] : memref<1x128xf32, #tpu.memory_space<vmem>>, vector<1x128xf32>
    %add3A_12 = vector.broadcast %get3A_11 : vector<1x128xf32> to vector<2000x128xf32>
    %add3A_13 = arith.addf %add3A, %add3A_12 : vector<2000x128xf32>
    %swap3A = arith.constant 0 : index
    %swap3A_14 = arith.constant 0 : index
    %swap3A_15 = vector.load %arg3[%swap3A, %swap3A_14] : memref<2000x128xf32, #tpu.memory_space<vmem>>, vector<2000x128xf32>
    tpu.vector_store %arg3[%swap3A, %swap3A_14], %add3A_13 {strides = array<i32>} : memref<2000x128xf32, #tpu.memory_space<vmem>>, vector<2000x128xf32>,
    return
  }
  func.func @transform_0(%arg0: i32) -> (i32, i32, i32) {
    %c0_i32 = arith.constant 0 : i32
    %c0_i32_0 = arith.constant 0 : i32
    %c0_i32_1 = arith.constant 0 : i32
    return %c0_i32, %arg0, %c0_i32_0 : i32, i32, i32
  }
  func.func @transform_1(%arg0: i32) -> (i32, i32) {
    %c0_i32 = arith.constant 0 : i32
    %c0_i32_0 = arith.constant 0 : i32
    %c0_i32_1 = arith.constant 0 : i32
    return %c0_i32, %c0_i32_0 : i32, i32
  }
  func.func @transform_2(%arg0: i32) -> (i32, i32) {
    %c0_i32 = arith.constant 0 : i32
    %c0_i32_0 = arith.constant 0 : i32
    return %arg0, %c0_i32 : i32, i32
  }
}

module attributes {stable_mosaic.version = 14 : i64} {
  func.func @_poly_body(%arg0: i32, %arg1: memref<2000x128xf32, #tpu.memory_space<vmem>>, %arg2: memref<4x128x128xf32, #tpu.memory_space<vmem>>, %arg3: memref<2x64000xi32, #tpu.memory_space<vmem>>, %arg4: memref<2000x128xf32, #tpu.memory_space<vmem>>, %arg5: memref<320000xi32, #tpu.memory_space<vmem>>, %arg6: memref<320000xi32, #tpu.memory_space<vmem>>) attributes {dimension_semantics = [#tpu.dimension_semantics<arbitrary>], iteration_bounds = array<i64: 5>, scalar_prefetch = 0 : i64, scratch_operands = 0 : i64, tpu.core_type = #tpu.core_type<tc>, window_params = [{transform_indices = @transform_0, window_bounds = array<i64: 2000, 128>}, {pipeline_mode = #tpu.pipeline_mode<synchronous>, transform_indices = @transform_1, window_bounds = array<i64: 4, 128, 128>}, {transform_indices = @transform_2, window_bounds = array<i64: 2, 64000>}, {transform_indices = @transform_3, window_bounds = array<i64: 2000, 128>}, {pipeline_mode = #tpu.pipeline_mode<synchronous>, transform_indices = @transform_4, window_bounds = array<i64: 320000>}, {pipeline_mode = #tpu.pipeline_mode<synchronous>, transform_indices = @transform_5, window_bounds = array<i64: 320000>}]} {
    %get3A = arith.constant 0 : index
    %get3A_0 = arith.constant 0 : index
    %get3A_1 = vector.load %arg1[%get3A, %get3A_0] : memref<2000x128xf32, #tpu.memory_space<vmem>>, vector<2000x128xf32>
    %get3A_2 = arith.constant 0 : index
    %get3A_3 = arith.constant 0 : index
    %get3A_4 = arith.constant 0 : index
    %get3A_5 = vector.load %arg2[%get3A_2, %get3A_3, %get3A_4] : memref<4x128x128xf32, #tpu.memory_space<vmem>>, vector<1x128x128xf32>
    %get3A_6 = vector.shape_cast %get3A_5 : vector<1x128x128xf32> to vector<128x128xf32>
    %reduce_sum3A = arith.constant dense<0.000000e+00> : vector<128xf32>
    %reduce_sum3A_7 = vector.multi_reduction <add>, %get3A_6, %reduce_sum3A [0] : vector<128x128xf32> to vector<128xf32>
    %broadcast_in_dim3A = vector.shape_cast %reduce_sum3A_7 : vector<128xf32> to vector<1x128xf32>
    %get3A_8 = arith.constant 1 : index
    %get3A_9 = arith.constant 0 : index
    %get3A_10 = arith.constant 0 : index
    %get3A_11 = vector.load %arg2[%get3A_8, %get3A_9, %get3A_10] : memref<4x128x128xf32, #tpu.memory_space<vmem>>, vector<1x128x128xf32>
    %get3A_12 = vector.shape_cast %get3A_11 : vector<1x128x128xf32> to vector<128x128xf32>
    %dot_general3A = arith.constant dense<0.000000e+00> : vector<2000x128xf32>
    %dot_general3A_13 = tpu.matmul %get3A_1, %get3A_12, %dot_general3A {dimension_numbers = #tpu.dot_dimension_numbers<[1], [0], [0], [1], [0, 0, 1, 1], [], []>, transpose_lhs_hint = false} : vector<2000x128xf32>, vector<128x128xf32>, vector<2000x128xf32> -> vector<2000x128xf32>
    %add3A = vector.broadcast %broadcast_in_dim3A : vector<1x128xf32> to vector<2000x128xf32>
    %add3A_14 = arith.addf %add3A, %dot_general3A_13 : vector<2000x128xf32>
    %mul3A = arith.mulf %get3A_1, %get3A_1 : vector<2000x128xf32>
    %get3A_15 = arith.constant 2 : index
    %get3A_16 = arith.constant 0 : index
    %get3A_17 = arith.constant 0 : index
    %get3A_18 = vector.load %arg2[%get3A_15, %get3A_16, %get3A_17] : memref<4x128x128xf32, #tpu.memory_space<vmem>>, vector<1x128x128xf32>
    %get3A_19 = vector.shape_cast %get3A_18 : vector<1x128x128xf32> to vector<128x128xf32>
    %dot_general3A_20 = arith.constant dense<0.000000e+00> : vector<2000x128xf32>
    %dot_general3A_21 = tpu.matmul %mul3A, %get3A_19, %dot_general3A_20 {dimension_numbers = #tpu.dot_dimension_numbers<[1], [0], [0], [1], [0, 0, 1, 1], [], []>, transpose_lhs_hint = false} : vector<2000x128xf32>, vector<128x128xf32>, vector<2000x128xf32> -> vector<2000x128xf32>
    %add3A_22 = arith.addf %add3A_14, %dot_general3A_21 : vector<2000x128xf32>
    %mul3A_23 = arith.mulf %mul3A, %get3A_1 : vector<2000x128xf32>
    %get3A_24 = arith.constant 3 : index
    %get3A_25 = arith.constant 0 : index
    %get3A_26 = arith.constant 0 : index
    %get3A_27 = vector.load %arg2[%get3A_24, %get3A_25, %get3A_26] : memref<4x128x128xf32, #tpu.memory_space<vmem>>, vector<1x128x128xf32>
    %get3A_28 = vector.shape_cast %get3A_27 : vector<1x128x128xf32> to vector<128x128xf32>
    %dot_general3A_29 = arith.constant dense<0.000000e+00> : vector<2000x128xf32>
    %dot_general3A_30 = tpu.matmul %mul3A_23, %get3A_28, %dot_general3A_29 {dimension_numbers = #tpu.dot_dimension_numbers<[1], [0], [0], [1], [0, 0, 1, 1], [], []>, transpose_lhs_hint = false} : vector<2000x128xf32>, vector<128x128xf32>, vector<2000x128xf32> -> vector<2000x128xf32>
    %add3A_31 = arith.addf %add3A_22, %dot_general3A_30 : vector<2000x128xf32>
    %swap3A = arith.constant 0 : index
    %swap3A_32 = arith.constant 0 : index
    %swap3A_33 = vector.load %arg4[%swap3A, %swap3A_32] : memref<2000x128xf32, #tpu.memory_space<vmem>>, vector<2000x128xf32>
    tpu.vector_store %arg4[%swap3A, %swap3A_32], %add3A_31 {strides = array<i32>} : memref<2000x128xf32, #tpu.memory_space<vmem>>, vector<2000x128xf32>,
    %get3A_34 = arith.constant 0 : index
    %get3A_35 = arith.constant 0 : index
    %get3A_36 = vector.load %arg3[%get3A_34, %get3A_35] : memref<2x64000xi32, #tpu.memory_space<vmem>>, vector<2x64000xi32>
    %slice3A = vector.extract_strided_slice %get3A_36 {offsets = [0, 0], sizes = [1, 64000], strides = [1, 1]} : vector<2x64000xi32> to vector<1x64000xi32>
    %squeeze3A = vector.shape_cast %slice3A : vector<1x64000xi32> to vector<64000xi32>
    %mul3A_37 = arith.constant 64000 : i32
    %mul3A_38 = arith.muli %arg0, %mul3A_37 : i32
    %swap3A_39 = arith.index_cast %mul3A_38 : i32 to index
    %swap3A_40 = vector.load %arg5[%swap3A_39] : memref<320000xi32, #tpu.memory_space<vmem>>, vector<64000xi32>
    tpu.vector_store %arg5[%swap3A_39], %squeeze3A {strides = array<i32>} : memref<320000xi32, #tpu.memory_space<vmem>>, vector<64000xi32>,
    %slice3A_41 = vector.extract_strided_slice %get3A_36 {offsets = [1, 0], sizes = [1, 64000], strides = [1, 1]} : vector<2x64000xi32> to vector<1x64000xi32>
    %squeeze3A_42 = vector.shape_cast %slice3A_41 : vector<1x64000xi32> to vector<64000xi32>
    %mul3A_43 = arith.constant 64000 : i32
    %mul3A_44 = arith.muli %arg0, %mul3A_43 : i32
    %swap3A_45 = arith.index_cast %mul3A_44 : i32 to index
    %swap3A_46 = vector.load %arg6[%swap3A_45] : memref<320000xi32, #tpu.memory_space<vmem>>, vector<64000xi32>
    tpu.vector_store %arg6[%swap3A_45], %squeeze3A_42 {strides = array<i32>} : memref<320000xi32, #tpu.memory_space<vmem>>, vector<64000xi32>,
    return
  }
  func.func @transform_0(%arg0: i32) -> (i32, i32) {
    %c0_i32 = arith.constant 0 : i32
    %c0_i32_0 = arith.constant 0 : i32
    return %arg0, %c0_i32 : i32, i32
  }
  func.func @transform_1(%arg0: i32) -> (i32, i32, i32) {
    %c0_i32 = arith.constant 0 : i32
    %c0_i32_0 = arith.constant 0 : i32
    %c0_i32_1 = arith.constant 0 : i32
    %c0_i32_2 = arith.constant 0 : i32
    return %c0_i32, %c0_i32_0, %c0_i32_1 : i32, i32, i32
  }
  func.func @transform_2(%arg0: i32) -> (i32, i32) {
    %c0_i32 = arith.constant 0 : i32
    %c0_i32_0 = arith.constant 0 : i32
    return %c0_i32, %arg0 : i32, i32
  }
  func.func @transform_3(%arg0: i32) -> (i32, i32) {
    %c0_i32 = arith.constant 0 : i32
    %c0_i32_0 = arith.constant 0 : i32
    return %arg0, %c0_i32 : i32, i32
  }
  func.func @transform_4(%arg0: i32) -> i32 {
    %c0_i32 = arith.constant 0 : i32
    %c0_i32_0 = arith.constant 0 : i32
    return %c0_i32 : i32
  }
  func.func @transform_5(%arg0: i32) -> i32 {
    %c0_i32 = arith.constant 0 : i32
    %c0_i32_0 = arith.constant 0 : i32
    return %c0_i32 : i32
  }
}

</mosaic_0001>

<sc_bundles>
// kernel: kernel.5.cloned.1.call-start
scs
__scs_entry_jumppad:
0x0: {  	(pc) =	sbr.rel $0x88, $3  }
0x1: {  	(tag) =	ssettag $0x0;
	lr =	simm.s32 $0x1  }
0x2: {  	[smem:$0x3F9D] =	sst lr;
	_ =	strace $0xD0000000  }
0x3: {  	_ = 	snop  }
0x4: {  	_ = 	snop  }
0x5: {  	_ = 	snop  }
0x6: {  	_ = 	snop  }
0x7: {  	_ = 	snop  }
__scs_overlays_trampoline_lowered:
0x8: {  	[smem:$0x3FAC] =	sst s0  }
0x9: {  	[smem:$0x3FAD] =	sst s1  }
0xa: {  	[smem:$0x3FAE] =	sst s2  }
0xb: {  	[smem:$0x3FAF] =	sst s3  }
0xc: {  	[smem:$0x3FB0] =	sst s4  }
0xd: {  	[smem:$0x3FB1] =	sst s5  }
0xe: {  	[smem:$0x3FB2] =	sst s6  }
0xf: {  	[smem:$0x3FB3] =	sst s7  }
0x10: {  	[smem:$0x3FB4] =	sst s8  }
0x11: {  	[smem:$0x3FB5] =	sst s9;
	s0 =	simm.s32 @!p0 $0x0  }
0x12: {  	s1 =	sld [smem:$0x3F9B];
	s0 =	simm.s32 @p0 $0x1  }
0x13: {  	[smem:$0x3FB6] =	sst s0;
	s0 =	simm.s32 @!p1 $0x0  }
0x14: {  	s2 =	sld [smem:$0x3F9A];
	s0 =	simm.s32 @p1 $0x1  }
0x15: {  	[smem:$0x3FB7] =	sst s0;
	s0 =	simm.s32 @!p2 $0x0  }
0x16: {  	s3 =	sld [smem:$0x3FDB];
	s0 =	simm.s32 @p2 $0x1  }
0x17: {  	s4 =	simm.s32 $0x1BF5;
	[smem:$0x3FB9] =	sst s0  }
0x18: {  	s0 =	sld [smem:$0x3F9C];
	_ =	swait.ge [sflag:s4], $0x0  }
0x19: {  	s7 =	sld [smem:$0x3F9D]  }
0x1a: {  	s8 =	sadd.s32 $0xFFFFE003, lr  }
0x1b: {  	s9 =	sadd.s32 $0xFFFFFEF7, lr;
	s5 =	simm.s32 $0xFFFFFFFF;
	p2 =	slt.u32 s8, $0xFFFFF086  }
0x1c: {  	p1 =	slt.u32 s9, $0xF7A;
	s5 =	simm.s32 @!p2 $0x0  }
0x1d: {  	s5 =	simm.s32 @p1 $0x1;
	p0 =	seq.s32 s7, s2  }
0x1e: {  	s7 =	smul.u32 @!p0 $0xF7A, s2;
	p2 =	seq.s32 @!p0 s5, $0x0  }
0x1f: {  	s9 =	smul.u32 $0xF7A, s1;
	s8 =	simm.s32 @!p0 $0x1BF5;
	p2 =	por !p2, p0  }
0x20: {  	[sflag:s8] =	ssyncset.s32 @!p0 $0xFFFFF086;
	s6 =	sadd.s32 @!p0 s3, s7;
	s7 =	simm.s32 @!p0 $0x108  }
0x21: {  	s3 =	sadd.s32 s3, s9;
	s6 =	sadd.s32 @!p0 $0x88, s6;
	s7 =	simm.s32 @p2 $0x1082  }
0x22: {  	[simem:s7], [sflag:s8] =	dma.local @!p0 [hbm:s6], $0xF7A  }
0x23: {  	s9 =	sor.u32 $0xD0000000, s2;
	s6 =	simm.s32 $0x108;
	_ =	swait.ge @!p0 [sflag:s8], $0x0  }
0x24: {  	s3 =	sadd.s32 $0x88, s3;
	s6 =	simm.s32 @!p1 $0x1082;
	[sflag:s4] =	ssyncset.s32 $0xFFFFF086  }
0x25: {  	[simem:s6], [sflag:s4] =	dma.local [hbm:s3], $0xF7A  }
0x26: {  	[smem:$0x3F9D] =	sst s1;
	(tag) =	ssettag s2;
	_ =	strace s9  }
0x27: {  	s1 =	sld [smem:$0x3FAD]  }
0x28: {  	s2 =	sld [smem:$0x3FAE]  }
0x29: {  	s4 =	sld [smem:$0x3FB0]  }
0x2a: {  	p0 =	seq.s32 s5, $0x0;
	s5 =	sld [smem:$0x3FB1]  }
0x2b: {  	s6 =	sld [smem:$0x3FB2]  }
0x2c: {  	s7 =	sld [smem:$0x3FB3]  }
0x2d: {  	s3 =	simm.s32 $0x108;
	s8 =	sld [smem:$0x3FB4]  }
0x2e: {  	s3 =	simm.s32 @!p0 $0x1082;
	s9 =	sld [smem:$0x3FB5]  }
0x2f: {  	lr =	sadd.s32 s0, s3;
	s0 =	sld [smem:$0x3FAC]  }
0x30: {  	s3 =	sld [smem:$0x3FAF]  }
0x31: {  	[smem:$0x3FB8] =	sst s10  }
0x32: {  	s10 =	sld [smem:$0x3FB6];
	_ =	sdelay $0x3  }
0x33: {  	p0 =	seq.s32 s10, $0x1;
	s10 =	sld [smem:$0x3FB8];
	_ =	sdelay $0x3  }
0x34: {  	[smem:$0x3FB8] =	sst s10  }
0x35: {  	s10 =	sld [smem:$0x3FB7];
	_ =	sdelay $0x3  }
0x36: {  	p1 =	seq.s32 s10, $0x1;
	s10 =	sld [smem:$0x3FB8];
	_ =	sdelay $0x3  }
0x37: {  	[smem:$0x3FB8] =	sst s10  }
0x38: {  	s10 =	sld [smem:$0x3FB9]  }
0x39: {  	_ = 	snop;
	(pc) =	sbr.ind lr, $3  }
0x3a: {  	_ = 	snop  }
0x3b: {  	_ = 	snop  }
0x3c: {  	p2 =	seq.s32 s10, $0x1;
	s10 =	sld [smem:$0x3FB8]  }
0x3d: {  	_ =	shalt  }
0x3e: {  	_ =	shalt  }
0x3f: {  	_ =	shalt  }
0x40: {  	_ =	shalt  }
0x41: {  	_ =	shalt  }
0x42: {  	_ =	shalt  }
0x43: {  	_ =	shalt  }
0x44: {  	_ =	shalt  }
0x45: {  	_ =	shalt  }
0x46: {  	_ =	shalt  }
0x47: {  	_ =	shalt  }
0x48: {  	_ =	shalt  }
0x49: {  	_ =	shalt  }
0x4a: {  	_ =	shalt  }
0x4b: {  	_ =	shalt  }
0x4c: {  	_ =	shalt  }
0x4d: {  	_ =	shalt  }
0x4e: {  	_ =	shalt  }
0x4f: {  	_ =	shalt  }
0x50: {  	_ =	shalt  }
0x51: {  	_ =	shalt  }
0x52: {  	_ =	shalt  }
0x53: {  	_ =	shalt  }
0x54: {  	_ =	shalt  }
0x55: {  	_ =	shalt  }
0x56: {  	_ =	shalt  }
0x57: {  	_ =	shalt  }
0x58: {  	_ =	shalt  }
0x59: {  	_ =	shalt  }
0x5a: {  	_ =	shalt  }
0x5b: {  	_ =	shalt  }
0x5c: {  	_ =	shalt  }
0x5d: {  	_ =	shalt  }
0x5e: {  	_ =	shalt  }
0x5f: {  	_ =	shalt  }
0x60: {  	_ =	shalt  }
0x61: {  	_ =	shalt  }
0x62: {  	_ =	shalt  }
0x63: {  	_ =	shalt  }
0x64: {  	_ =	shalt  }
0x65: {  	_ =	shalt  }
0x66: {  	_ =	shalt  }
0x67: {  	_ =	shalt  }
0x68: {  	_ =	shalt  }
0x69: {  	_ =	shalt  }
0x6a: {  	_ =	shalt  }
0x6b: {  	_ =	shalt  }
0x6c: {  	_ =	shalt  }
0x6d: {  	_ =	shalt  }
0x6e: {  	_ =	shalt  }
0x6f: {  	_ =	shalt  }
0x70: {  	_ =	shalt  }
0x71: {  	_ =	shalt  }
0x72: {  	_ =	shalt  }
0x73: {  	_ =	shalt  }
0x74: {  	_ =	shalt  }
0x75: {  	_ =	shalt  }
0x76: {  	_ =	shalt  }
0x77: {  	_ =	shalt  }
0x78: {  	_ =	shalt  }
0x79: {  	_ =	shalt  }
0x7a: {  	_ =	shalt  }
0x7b: {  	_ =	shalt  }
0x7c: {  	_ =	shalt  }
0x7d: {  	_ =	shalt  }
0x7e: {  	_ =	shalt  }
0x7f: {  	_ =	shalt  }
0x80: {  	_ =	shalt  }
0x81: {  	_ =	shalt  }
0x82: {  	_ =	shalt  }
0x83: {  	_ =	shalt  }
0x84: {  	_ =	shalt  }
0x85: {  	_ =	shalt  }
0x86: {  	_ =	shalt  }
0x87: {  	_ =	shalt  }
.Lfunc_end0:
.L_simem_size_0:
called_computation_lowered:
.L_overlay_start_0:
0x88: {  	s2 =	sld [smem:$0x3FD9]  }
0x89: {  	s3 =	sld [smem:$0x3FFE];
	_ =	sdelay $0x1  }
0x8a: {  	s1 =	srdreg.scid  }
0x8b: {  	s0 =	sand.u32 $0x1, s1  }
0x8c: {  	s17 =	sshll.u32 s0, $0xA;
	s2 =	sadd.s32 s3, s2  }
0x8d: {  	s2 =	sadd.s32 s2, s17  }
0x8e: {  	[smem:$0x3FC4] =	sst s2  }
0x8f: {  	_ = 	snop  }
0x90: {  	s2 =	sld [smem:$0x3FD0];
	(tm) =	ssettm $0x1  }
0x91: {  	s18 =	sld [smem:$0x3FFB];
	_ =	sdelay $0x3  }
0x92: {  	_ =	strace s18  }
0x93: {  	s3 =	sld [smem:$0x3FFC];
	_ =	sdelay $0x3  }
0x94: {  	_ =	strace s3  }
0x95: {  	s3 =	sld [smem:$0x3FFD];
	_ =	sdelay $0x3  }
0x96: {  	_ =	strace s3  }
0x97: {  	_ =	strace $0x8FFFFFFF  }
0x98: {  	s19 =	sld [smem:$0x3FDB];
	_ =	sdelay $0x1  }
0x99: {  	s4 =	simm.s32 $_scs_section_size  }
0x9a: {  	s5 =	simm.s32 $_size__tile_overlayer_lowered;
	s6 =	simm.s32 $_tile_overlayer_lowered  }
0x9b: {  	s22 =	simm.s32 $0x1BFF;
	s21 =	sshll.u32 s6, $0x1;
	s3 =	sadd.s32 s4, s19  }
0x9c: {  	s7 =	simm.s32 $0x0;
	s20 =	sshll.u32 s5, $0x1;
	s5 =	sadd.s32 s21, s3  }
0x9d: {  	[timem:s7], [sflag:s22] =	dma.local [hbm:s5], s20  }
0x9e: {  	_ =	swait.ge [sflag:s22], s20  }
0x9f: {  	s4 =	ssub.s32 $0x0, s20;
	[sflag:s22] =	ssyncset.done $0x0  }
0xa0: {  	[sflag:s22] =	ssyncadd.s32 s4;
	_ =	sdelay $0x1  }
0xa1: {  	s23 =	simm.s32 $0x1B8B  }
0xa2: {  	_ =	swait.ge [sflag:s23], $0x1  }
0xa3: {  	[sflag:s23] =	ssyncset.done $0x0  }
0xa4: {  	s25 =	simm.s32 $0x1B8E;
	s24 =	sld [smem:$0x3FFE];
	[sflag:s23] =	ssyncadd.s32 $0xFFFFFFFF  }
0xa5: {  	s26 =	simm.s32 $execute0_lowered;
	[smem:$0x3FD2] =	sst s25  }
0xa6: {  	s5 =	sshll.u32 s26, $0x1;
	_ =	strace $0x80000046;
	[dreg:$0x1] =	wrdreg $0xFFFFFFFF  }
0xa7: {  	s28 =	simm.s32 $_size_execute0_lowered;
	s3 =	sadd.s32 s3, s5;
	[dreg:$0x0] =	wrdreg $0x0  }
0xa8: {  	s5 =	sshll.u32 s28, $0x1;
	[dreg:$0x2] =	wrdreg s3  }
0xa9: {  	[dreg:$0x3] =	wrdreg s5  }
0xaa: {  	[dreg:$0x4] =	wrdreg $0xC0  }
0xab: {  	_ =	task [dreg:s7], $0x5FFFF  }
0xac: {  	[dreg:$0x1] =	wrdreg $0xFFFFFFFF  }
0xad: {  	[dreg:$0x0] =	wrdreg $0x60  }
0xae: {  	[dreg:$0x2] =	wrdreg s2  }
0xaf: {  	[dreg:$0x3] =	wrdreg s24  }
0xb0: {  	[dreg:$0x4] =	wrdreg $0x88000  }
0xb1: {  	[dreg:$0x5] =	wrdreg $0x9  }
0xb2: {  	_ =	task.clear_ibuf [dreg:s7], $0x6FFFF;
	_ =	strace $0x90000046  }
0xb3: {  	s29 =	simm.s32 $0x9;
	_ =	strace $0x80000048  }
0xb4: {  	_ =	swait.ge [sflag:s29], $0x1  }
0xb5: {  	[sflag:s29] =	ssyncadd.s32 $0xFFFFFFFF  }
0xb6: {  	_ =	strace $0x90000048  }
0xb7: {  	_ =	sfence  }
0xb8: {  	s30 =	sld [smem:$0x0];
	_ =	sdelay $0x2  }
0xb9: {  	s31 =	sshll.u32 s1, $0xD;
	s1 =	sshrl.u32 s1, $0x2  }
0xba: {  	s3 =	sand.u32 $0x4000, s31;
	s1 =	sadd.s32 s1, s30  }
0xbb: {  	s0 =	sor.u32 s3, s0;
	s1 =	sshll.u32 s1, $0x11  }
0xbc: {  	s0 =	sor.u32 s1, s0  }
0xbd: {  	s0 =	sadd.s32 $0x8F2B, s0  }
0xbe: {  	[sflag:s0] =	ssyncadd.remote.s32 $0x1  }
0xbf: {  	_ =	sfence.sel $0xFFFF  }
0xc0: {  	[dreg:$0x0] =	wrdreg $0xFFFFFFFF;
	(pc) =	sbr.abs _section_cstart, $3  }
0xc1: {  	[dreg:$0x1] =	wrdreg $0xFFFFFFFF  }
0xc2: {  	_ =	task.clear_ibuf [dreg:s7], $0x2FFFF;
	_ =	strace $0x9FFFFFFF  }
0xc3: {  	(tm) =	ssettm $0x7FFFFFFF  }
tec
execute0_lowered:
.L_overlay_start_1:
0x0: {  	(tag) =	ssettag $0x1  }
0x1: {  	s2 =	rddreg [dreg:$0x0]  }
0x2: {  	s0 =	rddreg [dreg:$0x1]  }
0x3: {  	s1 =	rddreg [dreg:$0x2]  }
0x4: {  	s3 =	srdreg.scid;
	s12 =	stileid.u32  }
0x5: {  	s4 =	simm.s32 $0x0;
	s3 =	sand.u32 $0x1, s3;
	s8 =	smul.u32 $0x14000, s12  }
0x6: {  	[smem:$0x7FF] =	sst s4;
	s7 =	smul.u32 $0x140000, s3;
	s5 =	sshll.u32 s3, $0x4  }
0x7: {  	_ =	strace $0x80000047;
	s19 =	ssub.s32 $0x2, s3;
	s6 =	sor.u32 s12, s5  }
0x8: {  	s5 =	sadd.s32 $0x1400, s0;
	s9 =	smul.u32 $0x2710, s6;
	s7 =	sadd.s32 s8, s7  }
0x9: {  	s10 =	sshrl.u32 s19, $0x1;
	s6 =	sadd.s32 $0xB200, s0;
	s7 =	sshrl.u32 s7, $0x3  }
0xa: {  	s11 =	sshrl.u32 s9, $0x3;
	s0 =	sadd.s32 s7, s0;
	s18 =	sadd.s32 $0x1E0, s9  }
0xb: {  	s7 =	ssub.s32 s19, s10;
	s19 =	sadd.s32 $0x230, s9;
	[dreg:$0x4] =	wrdreg s18  }
0xc: {  	s21 =	sadd.s32 s5, s11;
	[dreg:$0x5] =	wrdreg s19  }
0xd: {  	s22 =	sadd.s32 s6, s11;
	[dreg:$0x9] =	wrdreg s21  }
0xe: {  	s20 =	sadd.s32 $0xA, s11;
	s0 =	sadd.s32 $0x15000, s0;
	[dreg:$0xa] =	wrdreg s22  }
0xf: {  	s15 =	smul.u32 $0x50000, s12;
	s23 =	sadd.s32 s5, s20;
	[dreg:$0x18] =	wrdreg s0  }
0x10: {  	s24 =	sadd.s32 $0x14, s11;
	s8 =	sadd.s32 s6, s20;
	[dreg:$0xb] =	wrdreg s23  }
0x11: {  	s25 =	sadd.s32 $0x1E, s11;
	s13 =	sadd.s32 s5, s24;
	[dreg:$0xc] =	wrdreg s8  }
0x12: {  	s14 =	sadd.s32 $0x28, s11;
	s26 =	sadd.s32 s5, s25;
	[dreg:$0xd] =	wrdreg s13  }
0x13: {  	s17 =	sadd.s32 $0x32, s11;
	s16 =	sadd.s32 s5, s14;
	[dreg:$0xf] =	wrdreg s26  }
0x14: {  	s11 =	sadd.s32 s5, s17;
	[dreg:$0x11] =	wrdreg s16  }
0x15: {  	s10 =	sshrl.u32 s15, $0x2;
	s20 =	sadd.s32 $0x280, s9;
	[dreg:$0x13] =	wrdreg s11  }
0x16: {  	s22 =	sadd.s32 s10, s1;
	[dreg:$0x6] =	wrdreg s20  }
0x17: {  	s8 =	sadd.s32 s6, s24;
	[dreg:$0x15] =	wrdreg s22  }
0x18: {  	s3 =	smul.u32 $0x27100, s3;
	s13 =	sadd.s32 s6, s25;
	[dreg:$0xe] =	wrdreg s8  }
0x19: {  	s12 =	smul.u32 $0x2710, s12;
	s21 =	sadd.s32 $0x800, s22;
	[dreg:$0x10] =	wrdreg s13  }
0x1a: {  	s23 =	sadd.s32 $0x2D0, s9;
	[dreg:$0x16] =	wrdreg s21  }
0x1b: {  	s3 =	sadd.s32 s12, s3;
	s25 =	sadd.s32 $0x1000, s22;
	[dreg:$0x7] =	wrdreg s23  }
0x1c: {  	s3 =	sadd.s32 $0x190, s3;
	s24 =	sadd.s32 $0x320, s9;
	[dreg:$0x17] =	wrdreg s25  }
0x1d: {  	s3 =	sshrl.u32 s3, $0x3;
	s26 =	smax.u32 s7, $0x1;
	[dreg:$0x8] =	wrdreg s24  }
0x1e: {  	s7 =	sadd.s32 s3, s6;
	[dreg:$0x19] =	wrdreg s26  }
0x1f: {  	s9 =	sadd.s32 $0x1800, s22;
	[dreg:$0x1a] =	wrdreg s7  }
0x20: {  	s10 =	sadd.s32 $0x2000, s22;
	[dreg:$0x1c] =	wrdreg s9  }
0x21: {  	s11 =	sadd.s32 $0x2800, s22;
	[dreg:$0x1d] =	wrdreg s10  }
0x22: {  	s12 =	sadd.s32 $0x3000, s22;
	[dreg:$0x1e] =	wrdreg s11  }
0x23: {  	s15 =	sadd.s32 $0x4800, s22;
	[dreg:$0x1f] =	wrdreg s12  }
0x24: {  	s16 =	sadd.s32 $0x5000, s22;
	[smem:$0x7DF] =	sst s15  }
0x25: {  	s18 =	sadd.s32 $0x6000, s22;
	[smem:$0x7E0] =	sst s16  }
0x26: {  	s19 =	sadd.s32 $0x6800, s22;
	[smem:$0x7E2] =	sst s18  }
0x27: {  	s20 =	sadd.s32 $0x7000, s22;
	[smem:$0x7E3] =	sst s19  }
0x28: {  	s8 =	sadd.s32 s6, s14;
	[smem:$0x7E4] =	sst s20  }
0x29: {  	s13 =	sadd.s32 $0x3800, s22;
	[dreg:$0x12] =	wrdreg s8  }
0x2a: {  	s14 =	sadd.s32 $0x4000, s22;
	[smem:$0x7DD] =	sst s13  }
0x2b: {  	s21 =	sadd.s32 $0x7800, s22;
	[smem:$0x7DE] =	sst s14  }
0x2c: {  	s23 =	sadd.s32 $0x8000, s22;
	[smem:$0x7E5] =	sst s21  }
0x2d: {  	s24 =	sadd.s32 $0x8800, s22;
	[smem:$0x7E6] =	sst s23  }
0x2e: {  	s25 =	sadd.s32 $0x9000, s22;
	[smem:$0x7E7] =	sst s24  }
0x2f: {  	s26 =	sadd.s32 $0x9800, s22;
	[smem:$0x7E8] =	sst s25  }
0x30: {  	s7 =	sadd.s32 $0xA800, s22;
	[smem:$0x7E9] =	sst s26  }
0x31: {  	s9 =	sadd.s32 $0xB800, s22;
	[smem:$0x7EB] =	sst s7  }
0x32: {  	s10 =	sadd.s32 $0xC000, s22;
	[smem:$0x7ED] =	sst s9  }
0x33: {  	s29 =	simm.s32 $0x400;
	s11 =	sadd.s32 $0xC800, s22;
	[smem:$0x7EE] =	sst s10  }
0x34: {  	s28 =	simm.s32 $0x500;
	s12 =	sadd.s32 $0xD000, s22;
	[smem:$0x7EF] =	sst s11  }
0x35: {  	s31 =	simm.s32 $0x600;
	s15 =	sadd.s32 $0xE800, s22;
	[smem:$0x7F0] =	sst s12  }
0x36: {  	s30 =	simm.s32 $0x50;
	s16 =	sadd.s32 $0xF000, s22;
	[smem:$0x7F3] =	sst s15  }
0x37: {  	s18 =	sadd.s32 $0x10000, s22;
	s19 =	sadd.s32 $0x10800, s22;
	[smem:$0x7F4] =	sst s16  }
0x38: {  	s20 =	sadd.s32 $0x11000, s22;
	s8 =	sadd.s32 s6, s17;
	[smem:$0x7F6] =	sst s18  }
0x39: {  	s17 =	sadd.s32 $0x5800, s22;
	s13 =	sadd.s32 $0xD800, s22;
	[smem:$0x7F7] =	sst s19  }
0x3a: {  	s14 =	sadd.s32 $0xE000, s22;
	[smem:$0x7F8] =	sst s20;
	s21 =	sadd.s32 $0x11800, s22  }
0x3b: {  	s23 =	sadd.s32 $0x12000, s22;
	s24 =	sadd.s32 $0x12800, s22;
	[dreg:$0x14] =	wrdreg s8  }
0x3c: {  	s25 =	sadd.s32 $0x13000, s22;
	s26 =	sadd.s32 $0x13800, s22;
	[smem:$0x7E1] =	sst s17  }
0x3d: {  	s11 =	simm.s32 $0x480;
	s10 =	simm.s32 $0x100;
	[smem:$0x7F1] =	sst s13  }
0x3e: {  	s16 =	simm.s32 $0x200;
	s15 =	simm.s32 $0x280;
	[smem:$0x7F2] =	sst s14  }
0x3f: {  	s19 =	simm.s32 $0x680;
	s18 =	simm.s32 $0x8;
	[smem:$0x7F9] =	sst s21  }
0x40: {  	s12 =	simm.s32 $0x3000;
	s9 =	simm.s32 $0x1;
	[smem:$0x7FA] =	sst s23  }
0x41: {  	s7 =	simm.s32 $0x5;
	s8 =	sadd.s32 s3, s5;
	[smem:$0x7FB] =	sst s24  }
0x42: {  	s3 =	sadd.s32 $0xA000, s22;
	s17 =	sadd.s32 $0xF800, s22;
	[smem:$0x7FC] =	sst s25  }
0x43: {  	[smem:$0x7FD] =	sst s26;
	s23 =	simm.s32 $0x80;
	s25 =	simm.s32 $0x180  }
0x44: {  	s14 =	simm.s32 $0x580;
	s13 =	simm.s32 $0x2;
	[dreg:$0x1b] =	wrdreg s8  }
0x45: {  	s24 =	simm.s32 $0x4;
	s26 =	simm.s32 $0x3;
	[smem:$0x7EA] =	sst s3  }
0x46: {  	s8 =	sadd.s32 $0xB000, s22;
	[smem:$0x7F5] =	sst s17;
	s17 =	simm.s32 $0x7  }
0x47: {  	v0 =	vimm.f32 $0.0e+00;
	s3 =	simm.s32 $0x800;
	[smem:$0x7EC] =	sst s8;
	s8 =	simm.s32 $0x0  }
.LBB2_1:
0x48: {  	[smem:$0x7DC] =	sst s8  }
0x49: {  	s0 =	rddreg [dreg:$0x9]  }
0x4a: {  	[tilespmem:s4], [sflag:$0x7] =	stream.linear.gather [hbm4b:s0+s4], $0x50, $0x38;
	[tilespmem:$0x1C800] =	vst v63  }
0x4b: {  	s8 =	rddreg [dreg:$0xa]  }
0x4c: {  	[tilespmem:s29], [sflag:$0xD] =	stream.linear.gather [hbm4b:s8+s4], $0x50, $0x38;
	[tilespmem:$0x1C800] =	vst v63  }
0x4d: {  	s20 =	rddreg [dreg:$0xb]  }
0x4e: {  	[tilespmem:s23], [sflag:$0x8] =	stream.linear.gather [hbm4b:s20+s4], $0x50, $0x38;
	[tilespmem:$0x1C800] =	vst v63  }
0x4f: {  	s21 =	rddreg [dreg:$0xc]  }
0x50: {  	[tilespmem:s11], [sflag:$0xE] =	stream.linear.gather [hbm4b:s21+s4], $0x50, $0x38;
	[tilespmem:$0x1C800] =	vst v63  }
0x51: {  	s8 =	rddreg [dreg:$0xd]  }
0x52: {  	[tilespmem:s10], [sflag:$0x9] =	stream.linear.gather [hbm4b:s8+s4], $0x50, $0x38;
	[tilespmem:$0x1C800] =	vst v63  }
0x53: {  	s20 =	rddreg [dreg:$0xe]  }
0x54: {  	[tilespmem:s28], [sflag:$0xF] =	stream.linear.gather [hbm4b:s20+s4], $0x50, $0x38;
	[tilespmem:$0x1C800] =	vst v63  }
0x55: {  	s21 =	rddreg [dreg:$0xf]  }
0x56: {  	[tilespmem:s25], [sflag:$0xA] =	stream.linear.gather [hbm4b:s21+s4], $0x50, $0x38;
	[tilespmem:$0x1C800] =	vst v63  }
0x57: {  	s8 =	rddreg [dreg:$0x10]  }
0x58: {  	[tilespmem:s14], [sflag:$0x10] =	stream.linear.gather [hbm4b:s8+s4], $0x50, $0x38;
	[tilespmem:$0x1C800] =	vst v63  }
0x59: {  	s10 =	rddreg [dreg:$0x11]  }
0x5a: {  	[tilespmem:s16], [sflag:$0xB] =	stream.linear.gather [hbm4b:s10+s4], $0x50, $0x38;
	[tilespmem:$0x1C800] =	vst v63  }
0x5b: {  	s14 =	rddreg [dreg:$0x12]  }
0x5c: {  	[tilespmem:s31], [sflag:$0x11] =	stream.linear.gather [hbm4b:s14+s4], $0x50, $0x38;
	[tilespmem:$0x1C800] =	vst v63  }
0x5d: {  	s20 =	rddreg [dreg:$0x13]  }
0x5e: {  	[tilespmem:s15], [sflag:$0xC] =	stream.linear.gather [hbm4b:s20+s4], $0x50, $0x38;
	[tilespmem:$0x1C800] =	vst v63  }
0x5f: {  	s21 =	rddreg [dreg:$0x14]  }
0x60: {  	[tilespmem:s19], [sflag:$0x12] =	stream.linear.gather [hbm4b:s21+s4], $0x50, $0x38;
	[tilespmem:$0x1C800] =	vst v63  }
0x61: {  	_ =	swait.ge [sflag:s17], $0x50  }
0x62: {  	[sflag:s17] =	ssyncset.done $0x0  }
0x63: {  	[sflag:s17] =	ssyncadd.s32 $0xFFFFFFB0  }
0x64: {  	[tilespmem:s3], [sflag:$0x1] =	stream.indirect.gather [hbm4b:s2+s30], $0x80, s4, s30, $0xb8;
	[tilespmem:$0x1C800] =	vst v63  }
0x65: {  	_ =	swait.ge [sflag:s18], $0x50  }
0x66: {  	[sflag:s18] =	ssyncset.done $0x0  }
0x67: {  	s20 =	simm.s32 $0x0;
	s21 =	simm.s32 $0x200;
	[sflag:s18] =	ssyncadd.s32 $0xFFFFFFB0  }
0x68: {  	[tilespmem:s12], [sflag:$0x2] =	stream.indirect.gather [hbm4b:s2+s30], $0x80, s23, s30, $0xb8;
	[tilespmem:$0x1C800] =	vst v63  }
.LBB2_2:
0x69: {  	p0 =	sne.s32 s21, $0x1E00;
	[tilespmem:s20+$0x8070] =	vst v0  }
0x6a: {  	[tilespmem:s20+$0x8000] =	vst v0  }
0x6b: {  	[tilespmem:s20+$0x8010] =	vst v0  }
.Ltmp0:
0x6c: {  	[tilespmem:s20+$0x8020] =	vst v0;
	(pc) =	sbr.rel @p0 .LBB2_2-.Ltmp0, $4  }
0x6d: {  	[tilespmem:s20+$0x8030] =	vst v0  }
0x6e: {  	[tilespmem:s20+$0x8040] =	vst v0  }
0x6f: {  	[tilespmem:s20+$0x8050] =	vst v0  }
0x70: {  	[tilespmem:s20+$0x8060] =	vst v0;
	s20 =	sshra.s32 s21, $0x2;
	s21 =	sadd.s32 $0x200, s21  }
0x71: {  	[tilespmem:s20+$0x8070] =	vst v0  }
0x72: {  	[tilespmem:s20+$0x8000] =	vst v0  }
0x73: {  	[tilespmem:s20+$0x8010] =	vst v0  }
0x74: {  	[tilespmem:s20+$0x8020] =	vst v0  }
0x75: {  	[tilespmem:s20+$0x8030] =	vst v0  }
0x76: {  	[tilespmem:s20+$0x8040] =	vst v0  }
0x77: {  	[tilespmem:s20+$0x8050] =	vst v0  }
0x78: {  	[tilespmem:s20+$0x8060] =	vst v0;
	s10 =	simm.s32 $0x8000;
	s0 =	rddreg [dreg:$0x16]  }
0x79: {  	[spmem:s22] =	stream.linear.scatter [tilespmem:s10], [sflag:$0x13], $0x800, $0x38;
	[tilespmem:$0x1C800] =	vst v63  }
0x7a: {  	s17 =	rddreg [dreg:$0x17]  }
0x7b: {  	[spmem:s0] =	stream.linear.scatter [tilespmem:s10], [sflag:$0x13], $0x800, $0x38;
	[tilespmem:$0x1C800] =	vst v63  }
0x7c: {  	s18 =	rddreg [dreg:$0x1c]  }
0x7d: {  	[spmem:s17] =	stream.linear.scatter [tilespmem:s10], [sflag:$0x13], $0x800, $0x38;
	[tilespmem:$0x1C800] =	vst v63  }
0x7e: {  	s19 =	rddreg [dreg:$0x1d]  }
0x7f: {  	[spmem:s18] =	stream.linear.scatter [tilespmem:s10], [sflag:$0x13], $0x800, $0x38;
	[tilespmem:$0x1C800] =	vst v63  }
0x80: {  	s20 =	rddreg [dreg:$0x1e]  }
0x81: {  	[spmem:s19] =	stream.linear.scatter [tilespmem:s10], [sflag:$0x13], $0x800, $0x38;
	[tilespmem:$0x1C800] =	vst v63  }
0x82: {  	s21 =	rddreg [dreg:$0x1f]  }
0x83: {  	[spmem:s20] =	stream.linear.scatter [tilespmem:s10], [sflag:$0x13], $0x800, $0x38;
	[tilespmem:$0x1C800] =	vst v63  }
0x84: {  	s22 =	sld [smem:$0x7DD]  }
0x85: {  	[spmem:s21] =	stream.linear.scatter [tilespmem:s10], [sflag:$0x13], $0x800, $0x38;
	[tilespmem:$0x1C800] =	vst v63  }
0x86: {  	s8 =	sld [smem:$0x7DE]  }
0x87: {  	[spmem:s22] =	stream.linear.scatter [tilespmem:s10], [sflag:$0x13], $0x800, $0x38;
	[tilespmem:$0x1C800] =	vst v63  }
0x88: {  	s12 =	sld [smem:$0x7DF]  }
0x89: {  	[spmem:s8] =	stream.linear.scatter [tilespmem:s10], [sflag:$0x13], $0x800, $0x38;
	[tilespmem:$0x1C800] =	vst v63  }
0x8a: {  	s14 =	sld [smem:$0x7E0]  }
0x8b: {  	[spmem:s12] =	stream.linear.scatter [tilespmem:s10], [sflag:$0x13], $0x800, $0x38;
	[tilespmem:$0x1C800] =	vst v63  }
0x8c: {  	s15 =	sld [smem:$0x7E1]  }
0x8d: {  	[spmem:s14] =	stream.linear.scatter [tilespmem:s10], [sflag:$0x13], $0x800, $0x38;
	[tilespmem:$0x1C800] =	vst v63  }
0x8e: {  	s17 =	sld [smem:$0x7E2]  }
0x8f: {  	[spmem:s15] =	stream.linear.scatter [tilespmem:s10], [sflag:$0x13], $0x800, $0x38;
	[tilespmem:$0x1C800] =	vst v63  }
0x90: {  	s18 =	sld [smem:$0x7E3]  }
0x91: {  	[spmem:s17] =	stream.linear.scatter [tilespmem:s10], [sflag:$0x13], $0x800, $0x38;
	[tilespmem:$0x1C800] =	vst v63  }
0x92: {  	s19 =	sld [smem:$0x7E4]  }
0x93: {  	[spmem:s18] =	stream.linear.scatter [tilespmem:s10], [sflag:$0x13], $0x800, $0x38;
	[tilespmem:$0x1C800] =	vst v63  }
0x94: {  	s20 =	sld [smem:$0x7E5]  }
0x95: {  	[spmem:s19] =	stream.linear.scatter [tilespmem:s10], [sflag:$0x13], $0x800, $0x38;
	[tilespmem:$0x1C800] =	vst v63  }
0x96: {  	s21 =	sld [smem:$0x7E6]  }
0x97: {  	[spmem:s20] =	stream.linear.scatter [tilespmem:s10], [sflag:$0x13], $0x800, $0x38;
	[tilespmem:$0x1C800] =	vst v63  }
0x98: {  	s22 =	sld [smem:$0x7E7]  }
0x99: {  	[spmem:s21] =	stream.linear.scatter [tilespmem:s10], [sflag:$0x13], $0x800, $0x38;
	[tilespmem:$0x1C800] =	vst v63  }
0x9a: {  	s8 =	sld [smem:$0x7E8]  }
0x9b: {  	[spmem:s22] =	stream.linear.scatter [tilespmem:s10], [sflag:$0x13], $0x800, $0x38;
	[tilespmem:$0x1C800] =	vst v63  }
0x9c: {  	s12 =	sld [smem:$0x7E9]  }
0x9d: {  	[spmem:s8] =	stream.linear.scatter [tilespmem:s10], [sflag:$0x13], $0x800, $0x38;
	[tilespmem:$0x1C800] =	vst v63  }
0x9e: {  	s14 =	sld [smem:$0x7EA]  }
0x9f: {  	[spmem:s12] =	stream.linear.scatter [tilespmem:s10], [sflag:$0x13], $0x800, $0x38;
	[tilespmem:$0x1C800] =	vst v63  }
0xa0: {  	s15 =	sld [smem:$0x7EB]  }
0xa1: {  	[spmem:s14] =	stream.linear.scatter [tilespmem:s10], [sflag:$0x13], $0x800, $0x38;
	[tilespmem:$0x1C800] =	vst v63  }
0xa2: {  	s17 =	sld [smem:$0x7EC]  }
0xa3: {  	[spmem:s15] =	stream.linear.scatter [tilespmem:s10], [sflag:$0x13], $0x800, $0x38;
	[tilespmem:$0x1C800] =	vst v63  }
0xa4: {  	s18 =	sld [smem:$0x7ED]  }
0xa5: {  	[spmem:s17] =	stream.linear.scatter [tilespmem:s10], [sflag:$0x13], $0x800, $0x38;
	[tilespmem:$0x1C800] =	vst v63  }
0xa6: {  	s19 =	sld [smem:$0x7EE]  }
0xa7: {  	[spmem:s18] =	stream.linear.scatter [tilespmem:s10], [sflag:$0x13], $0x800, $0x38;
	[tilespmem:$0x1C800] =	vst v63  }
0xa8: {  	s20 =	sld [smem:$0x7EF]  }
0xa9: {  	[spmem:s19] =	stream.linear.scatter [tilespmem:s10], [sflag:$0x13], $0x800, $0x38;
	[tilespmem:$0x1C800] =	vst v63  }
0xaa: {  	s21 =	sld [smem:$0x7F0]  }
0xab: {  	[spmem:s20] =	stream.linear.scatter [tilespmem:s10], [sflag:$0x13], $0x800, $0x38;
	[tilespmem:$0x1C800] =	vst v63  }
0xac: {  	s22 =	sld [smem:$0x7F1]  }
0xad: {  	[spmem:s21] =	stream.linear.scatter [tilespmem:s10], [sflag:$0x13], $0x800, $0x38;
	[tilespmem:$0x1C800] =	vst v63  }
0xae: {  	s8 =	sld [smem:$0x7F2]  }
0xaf: {  	[spmem:s22] =	stream.linear.scatter [tilespmem:s10], [sflag:$0x13], $0x800, $0x38;
	[tilespmem:$0x1C800] =	vst v63  }
0xb0: {  	s12 =	sld [smem:$0x7F3]  }
0xb1: {  	[spmem:s8] =	stream.linear.scatter [tilespmem:s10], [sflag:$0x13], $0x800, $0x38;
	[tilespmem:$0x1C800] =	vst v63  }
0xb2: {  	s14 =	sld [smem:$0x7F4]  }
0xb3: {  	[spmem:s12] =	stream.linear.scatter [tilespmem:s10], [sflag:$0x13], $0x800, $0x38;
	[tilespmem:$0x1C800] =	vst v63  }
0xb4: {  	s15 =	sld [smem:$0x7F5]  }
0xb5: {  	[spmem:s14] =	stream.linear.scatter [tilespmem:s10], [sflag:$0x13], $0x800, $0x38;
	[tilespmem:$0x1C800] =	vst v63  }
0xb6: {  	s17 =	sld [smem:$0x7F6]  }
0xb7: {  	[spmem:s15] =	stream.linear.scatter [tilespmem:s10], [sflag:$0x13], $0x800, $0x38;
	[tilespmem:$0x1C800] =	vst v63  }
0xb8: {  	s18 =	sld [smem:$0x7F7]  }
0xb9: {  	[spmem:s17] =	stream.linear.scatter [tilespmem:s10], [sflag:$0x13], $0x800, $0x38;
	[tilespmem:$0x1C800] =	vst v63  }
0xba: {  	s19 =	sld [smem:$0x7F8]  }
0xbb: {  	[spmem:s18] =	stream.linear.scatter [tilespmem:s10], [sflag:$0x13], $0x800, $0x38;
	[tilespmem:$0x1C800] =	vst v63  }
0xbc: {  	s20 =	sld [smem:$0x7F9]  }
0xbd: {  	[spmem:s19] =	stream.linear.scatter [tilespmem:s10], [sflag:$0x13], $0x800, $0x38;
	[tilespmem:$0x1C800] =	vst v63  }
0xbe: {  	s21 =	sld [smem:$0x7FA]  }
0xbf: {  	[spmem:s20] =	stream.linear.scatter [tilespmem:s10], [sflag:$0x13], $0x800, $0x38;
	[tilespmem:$0x1C800] =	vst v63  }
0xc0: {  	s22 =	sld [smem:$0x7FB]  }
0xc1: {  	[spmem:s21] =	stream.linear.scatter [tilespmem:s10], [sflag:$0x13], $0x800, $0x38;
	[tilespmem:$0x1C800] =	vst v63  }
0xc2: {  	s8 =	sld [smem:$0x7FC]  }
0xc3: {  	[spmem:s22] =	stream.linear.scatter [tilespmem:s10], [sflag:$0x13], $0x800, $0x38;
	[tilespmem:$0x1C800] =	vst v63  }
0xc4: {  	s12 =	sld [smem:$0x7FD]  }
0xc5: {  	[spmem:s8] =	stream.linear.scatter [tilespmem:s10], [sflag:$0x13], $0x800, $0x38;
	[tilespmem:$0x1C800] =	vst v63  }
0xc6: {  	s14 =	simm.s32 $0x13  }
0xc7: {  	[spmem:s12] =	stream.linear.scatter [tilespmem:s10], [sflag:$0x13], $0x800, $0x38;
	[tilespmem:$0x1C800] =	vst v63  }
0xc8: {  	_ =	swait.ge [sflag:s14], $0x800  }
0xc9: {  	[sflag:s14] =	ssyncset.done $0x0  }
0xca: {  	[sflag:s14] =	ssyncadd.s32 $0xFFFFF800  }
0xcb: {  	_ =	swait.ge [sflag:s14], $0x800  }
0xcc: {  	[sflag:s14] =	ssyncset.done $0x0  }
0xcd: {  	[sflag:s14] =	ssyncadd.s32 $0xFFFFF800  }
0xce: {  	_ =	swait.ge [sflag:s14], $0x800  }
0xcf: {  	[sflag:s14] =	ssyncset.done $0x0  }
0xd0: {  	[sflag:s14] =	ssyncadd.s32 $0xFFFFF800  }
0xd1: {  	_ =	swait.ge [sflag:s14], $0x800  }
0xd2: {  	[sflag:s14] =	ssyncset.done $0x0  }
0xd3: {  	[sflag:s14] =	ssyncadd.s32 $0xFFFFF800  }
0xd4: {  	_ =	swait.ge [sflag:s14], $0x800  }
0xd5: {  	[sflag:s14] =	ssyncset.done $0x0  }
0xd6: {  	[sflag:s14] =	ssyncadd.s32 $0xFFFFF800  }
0xd7: {  	_ =	swait.ge [sflag:s14], $0x800  }
0xd8: {  	[sflag:s14] =	ssyncset.done $0x0  }
0xd9: {  	[sflag:s14] =	ssyncadd.s32 $0xFFFFF800  }
0xda: {  	_ =	swait.ge [sflag:s14], $0x800  }
0xdb: {  	[sflag:s14] =	ssyncset.done $0x0  }
0xdc: {  	[sflag:s14] =	ssyncadd.s32 $0xFFFFF800  }
0xdd: {  	_ =	swait.ge [sflag:s14], $0x800  }
0xde: {  	[sflag:s14] =	ssyncset.done $0x0  }
0xdf: {  	[sflag:s14] =	ssyncadd.s32 $0xFFFFF800  }
0xe0: {  	_ =	swait.ge [sflag:s14], $0x800  }
0xe1: {  	[sflag:s14] =	ssyncset.done $0x0  }
0xe2: {  	[sflag:s14] =	ssyncadd.s32 $0xFFFFF800  }
0xe3: {  	_ =	swait.ge [sflag:s14], $0x800  }
0xe4: {  	[sflag:s14] =	ssyncset.done $0x0  }
0xe5: {  	[sflag:s14] =	ssyncadd.s32 $0xFFFFF800  }
0xe6: {  	_ =	swait.ge [sflag:s14], $0x800  }
0xe7: {  	[sflag:s14] =	ssyncset.done $0x0  }
0xe8: {  	[sflag:s14] =	ssyncadd.s32 $0xFFFFF800  }
0xe9: {  	_ =	swait.ge [sflag:s14], $0x800  }
0xea: {  	[sflag:s14] =	ssyncset.done $0x0  }
0xeb: {  	[sflag:s14] =	ssyncadd.s32 $0xFFFFF800  }
0xec: {  	_ =	swait.ge [sflag:s14], $0x800  }
0xed: {  	[sflag:s14] =	ssyncset.done $0x0  }
0xee: {  	[sflag:s14] =	ssyncadd.s32 $0xFFFFF800  }
0xef: {  	_ =	swait.ge [sflag:s14], $0x800  }
0xf0: {  	[sflag:s14] =	ssyncset.done $0x0  }
0xf1: {  	[sflag:s14] =	ssyncadd.s32 $0xFFFFF800  }
0xf2: {  	_ =	swait.ge [sflag:s14], $0x800  }
0xf3: {  	[sflag:s14] =	ssyncset.done $0x0  }
0xf4: {  	[sflag:s14] =	ssyncadd.s32 $0xFFFFF800  }
0xf5: {  	_ =	swait.ge [sflag:s14], $0x800  }
0xf6: {  	[sflag:s14] =	ssyncset.done $0x0  }
0xf7: {  	[sflag:s14] =	ssyncadd.s32 $0xFFFFF800  }
0xf8: {  	_ =	swait.ge [sflag:s14], $0x800  }
0xf9: {  	[sflag:s14] =	ssyncset.done $0x0  }
0xfa: {  	[sflag:s14] =	ssyncadd.s32 $0xFFFFF800  }
0xfb: {  	_ =	swait.ge [sflag:s14], $0x800  }
0xfc: {  	[sflag:s14] =	ssyncset.done $0x0  }
0xfd: {  	[sflag:s14] =	ssyncadd.s32 $0xFFFFF800  }
0xfe: {  	_ =	swait.ge [sflag:s14], $0x800  }
0xff: {  	[sflag:s14] =	ssyncset.done $0x0  }
0x100: {  	[sflag:s14] =	ssyncadd.s32 $0xFFFFF800  }
0x101: {  	_ =	swait.ge [sflag:s14], $0x800  }
0x102: {  	[sflag:s14] =	ssyncset.done $0x0  }
0x103: {  	[sflag:s14] =	ssyncadd.s32 $0xFFFFF800  }
0x104: {  	_ =	swait.ge [sflag:s14], $0x800  }
0x105: {  	[sflag:s14] =	ssyncset.done $0x0  }
0x106: {  	[sflag:s14] =	ssyncadd.s32 $0xFFFFF800  }
0x107: {  	_ =	swait.ge [sflag:s14], $0x800  }
0x108: {  	[sflag:s14] =	ssyncset.done $0x0  }
0x109: {  	[sflag:s14] =	ssyncadd.s32 $0xFFFFF800  }
0x10a: {  	_ =	swait.ge [sflag:s14], $0x800  }
0x10b: {  	[sflag:s14] =	ssyncset.done $0x0  }
0x10c: {  	[sflag:s14] =	ssyncadd.s32 $0xFFFFF800  }
0x10d: {  	_ =	swait.ge [sflag:s14], $0x800  }
0x10e: {  	[sflag:s14] =	ssyncset.done $0x0  }
0x10f: {  	[sflag:s14] =	ssyncadd.s32 $0xFFFFF800  }
0x110: {  	_ =	swait.ge [sflag:s14], $0x800  }
0x111: {  	[sflag:s14] =	ssyncset.done $0x0  }
0x112: {  	[sflag:s14] =	ssyncadd.s32 $0xFFFFF800  }
0x113: {  	_ =	swait.ge [sflag:s14], $0x800  }
0x114: {  	[sflag:s14] =	ssyncset.done $0x0  }
0x115: {  	[sflag:s14] =	ssyncadd.s32 $0xFFFFF800  }
0x116: {  	_ =	swait.ge [sflag:s14], $0x800  }
0x117: {  	[sflag:s14] =	ssyncset.done $0x0  }
0x118: {  	[sflag:s14] =	ssyncadd.s32 $0xFFFFF800  }
0x119: {  	_ =	swait.ge [sflag:s14], $0x800  }
0x11a: {  	[sflag:s14] =	ssyncset.done $0x0  }
0x11b: {  	[sflag:s14] =	ssyncadd.s32 $0xFFFFF800  }
0x11c: {  	_ =	swait.ge [sflag:s14], $0x800  }
0x11d: {  	[sflag:s14] =	ssyncset.done $0x0  }
0x11e: {  	[sflag:s14] =	ssyncadd.s32 $0xFFFFF800  }
0x11f: {  	_ =	swait.ge [sflag:s14], $0x800  }
0x120: {  	[sflag:s14] =	ssyncset.done $0x0  }
0x121: {  	[sflag:s14] =	ssyncadd.s32 $0xFFFFF800  }
0x122: {  	_ =	swait.ge [sflag:s14], $0x800  }
0x123: {  	[sflag:s14] =	ssyncset.done $0x0  }
0x124: {  	[sflag:s14] =	ssyncadd.s32 $0xFFFFF800  }
0x125: {  	_ =	swait.ge [sflag:s14], $0x800  }
0x126: {  	[sflag:s14] =	ssyncset.done $0x0  }
0x127: {  	[sflag:s14] =	ssyncadd.s32 $0xFFFFF800  }
0x128: {  	_ =	swait.ge [sflag:s14], $0x800  }
0x129: {  	[sflag:s14] =	ssyncset.done $0x0  }
0x12a: {  	[sflag:s14] =	ssyncadd.s32 $0xFFFFF800  }
0x12b: {  	_ =	swait.ge [sflag:s14], $0x800  }
0x12c: {  	[sflag:s14] =	ssyncset.done $0x0  }
0x12d: {  	[sflag:s14] =	ssyncadd.s32 $0xFFFFF800  }
0x12e: {  	_ =	swait.ge [sflag:s14], $0x800  }
0x12f: {  	[sflag:s14] =	ssyncset.done $0x0  }
0x130: {  	[sflag:s14] =	ssyncadd.s32 $0xFFFFF800  }
0x131: {  	_ =	swait.ge [sflag:s14], $0x800  }
0x132: {  	[sflag:s14] =	ssyncset.done $0x0  }
0x133: {  	[sflag:s14] =	ssyncadd.s32 $0xFFFFF800  }
0x134: {  	_ =	swait.ge [sflag:s14], $0x800  }
0x135: {  	[sflag:s14] =	ssyncset.done $0x0  }
0x136: {  	[sflag:s14] =	ssyncadd.s32 $0xFFFFF800  }
0x137: {  	_ =	swait.ge [sflag:s14], $0x800  }
0x138: {  	[sflag:s14] =	ssyncset.done $0x0  }
0x139: {  	[sflag:s14] =	ssyncadd.s32 $0xFFFFF800  }
0x13a: {  	_ =	swait.ge [sflag:s14], $0x800  }
0x13b: {  	[sflag:s14] =	ssyncset.done $0x0  }
0x13c: {  	[sflag:s14] =	ssyncadd.s32 $0xFFFFF800  }
0x13d: {  	_ =	swait.ge [sflag:s14], $0x800  }
0x13e: {  	[sflag:s14] =	ssyncset.done $0x0  }
0x13f: {  	[sflag:s14] =	ssyncadd.s32 $0xFFFFF800  }
0x140: {  	[bflag:$0x0] =	sbarrier.arrive $0xFFFF  }
0x141: {  	_ =	swait.ge [sflag:s9], $0x2800  }
0x142: {  	[sflag:s9] =	ssyncset.done $0x0  }
0x143: {  	s15 =	simm.s32 $0xD;
	[sflag:s9] =	ssyncadd.s32 $0xFFFFD800  }
0x144: {  	_ =	swait.ge [sflag:s15], $0x50  }
0x145: {  	p0 =	por $0x1, $0x1;
	[sflag:s15] =	ssyncset.done $0x0  }
0x146: {  	s20 =	simm.s32 @!p0 $0x6;
	[sflag:s15] =	ssyncadd.s32 $0xFFFFFFB0  }
0x147: {  	[spmem:s1] =	stream.indirect.scatter.add.f32 [tilespmem:s3], [sflag:$0x4], $0x80, s29, s30, $0xb8;
	[tilespmem:$0x1C800] =	vst v63  }
0x148: {  	_ =	swait.ge @!p0 [sflag:s20], $0x2800  }
0x149: {  	s21 =	simm.s32 @!p0 $0x0;
	[sflag:s20] =	ssyncset.done @!p0 $0x0  }
0x14a: {  	s22 =	simm.s32 @!p0 $0x280;
	s10 =	rddreg [dreg:$0x1b];
	[sflag:s20] =	ssyncadd.s32 @!p0 $0xFFFFD800  }
0x14b: {  	[tilespmem:s22], [sflag:$0xC] =	stream.linear.gather @!p0 [hbm4b:s10+s21], $0x50, $0x38;
	[tilespmem:$0x1C800] =	vst v63  }
0x14c: {  	s8 =	simm.s32 $0x9;
	s0 =	rddreg [dreg:$0x1a];
	s20 =	simm.s32 @!p0 $0x680  }
0x14d: {  	[tilespmem:s20], [sflag:$0x12] =	stream.linear.gather @!p0 [hbm4b:s0+s21], $0x50, $0x38;
	[tilespmem:$0x1C800] =	vst v63  }
0x14e: {  	_ =	swait.ge [sflag:s8], $0x50  }
0x14f: {  	[sflag:s8] =	ssyncset.done $0x0  }
0x150: {  	s14 =	simm.s32 $0x100;
	s15 =	simm.s32 $0x5800;
	[sflag:s8] =	ssyncadd.s32 $0xFFFFFFB0  }
0x151: {  	[tilespmem:s15], [sflag:$0x3] =	stream.indirect.gather [hbm4b:s2+s30], $0x80, s14, s30, $0xb8;
	[tilespmem:$0x1C800] =	vst v63  }
0x152: {  	_ =	swait.ge [sflag:s13], $0x2800  }
0x153: {  	[sflag:s13] =	ssyncset.done $0x0  }
0x154: {  	s17 =	simm.s32 $0xE;
	[sflag:s13] =	ssyncadd.s32 $0xFFFFD800  }
0x155: {  	_ =	swait.ge [sflag:s17], $0x50  }
0x156: {  	[sflag:s17] =	ssyncset.done $0x0  }
0x157: {  	s12 =	simm.s32 $0x3000;
	[sflag:s17] =	ssyncadd.s32 $0xFFFFFFB0  }
0x158: {  	[spmem:s1] =	stream.indirect.scatter.add.f32 [tilespmem:s12], [sflag:$0x5], $0x80, s11, s30, $0xb8;
	[tilespmem:$0x1C800] =	vst v63  }
0x159: {  	s20 =	simm.s32 $0x0;
	_ =	swait.ge [sflag:s24], $0x2800  }
0x15a: {  	s20 =	simm.s32 @p0 $0x0;
	s18 =	rddreg [dreg:$0x4]  }
0x15b: {  	s21 =	sadd.s32 s20, s18  }
0x15c: {  	[sflag:s24] =	ssyncset.done $0x0;
	s21 =	sshrl.u32 s21, $0x3  }
0x15d: {  	[sflag:s24] =	ssyncadd.s32 $0xFFFFD800;
	s19 =	sadd.s32 s5, s21  }
0x15e: {  	[tilespmem:s4], [sflag:$0x7] =	stream.linear.gather [hbm4b:s19+s4], $0x50, $0x38;
	[tilespmem:$0x1C800] =	vst v63  }
0x15f: {  	s22 =	simm.s32 $0xA;
	s21 =	sadd.s32 s6, s21  }
0x160: {  	[tilespmem:s29], [sflag:$0xD] =	stream.linear.gather [hbm4b:s21+s4], $0x50, $0x38;
	[tilespmem:$0x1C800] =	vst v63  }
0x161: {  	_ =	swait.ge [sflag:s22], $0x50  }
0x162: {  	[sflag:s22] =	ssyncset.done $0x0  }
0x163: {  	s3 =	simm.s32 $0x800;
	[sflag:s22] =	ssyncadd.s32 $0xFFFFFFB0  }
0x164: {  	[tilespmem:s3], [sflag:$0x1] =	stream.indirect.gather [hbm4b:s2+s30], $0x80, s25, s30, $0xb8;
	[tilespmem:$0x1C800] =	vst v63  }
0x165: {  	_ =	swait.ge [sflag:s26], $0x2800  }
0x166: {  	[sflag:s26] =	ssyncset.done $0x0  }
0x167: {  	s25 =	simm.s32 $0xF;
	[sflag:s26] =	ssyncadd.s32 $0xFFFFD800  }
0x168: {  	_ =	swait.ge [sflag:s25], $0x50  }
0x169: {  	[sflag:s25] =	ssyncset.done $0x0  }
0x16a: {  	[sflag:s25] =	ssyncadd.s32 $0xFFFFFFB0  }
0x16b: {  	[spmem:s1] =	stream.indirect.scatter.add.f32 [tilespmem:s15], [sflag:$0x6], $0x80, s28, s30, $0xb8;
	[tilespmem:$0x1C800] =	vst v63  }
0x16c: {  	_ =	swait.ge [sflag:s7], $0x2800  }
0x16d: {  	s17 =	rddreg [dreg:$0x5]  }
0x16e: {  	s21 =	sadd.s32 s20, s17  }
0x16f: {  	[sflag:s7] =	ssyncset.done $0x0;
	s21 =	sshrl.u32 s21, $0x3  }
0x170: {  	[sflag:s7] =	ssyncadd.s32 $0xFFFFD800;
	s18 =	sadd.s32 s5, s21  }
0x171: {  	[tilespmem:s23], [sflag:$0x8] =	stream.linear.gather [hbm4b:s18+s4], $0x50, $0x38;
	[tilespmem:$0x1C800] =	vst v63  }
0x172: {  	s19 =	simm.s32 $0xB;
	s21 =	sadd.s32 s6, s21  }
0x173: {  	[tilespmem:s11], [sflag:$0xE] =	stream.linear.gather [hbm4b:s21+s4], $0x50, $0x38;
	[tilespmem:$0x1C800] =	vst v63  }
0x174: {  	_ =	swait.ge [sflag:s19], $0x50  }
0x175: {  	[sflag:s19] =	ssyncset.done $0x0  }
0x176: {  	[sflag:s19] =	ssyncadd.s32 $0xFFFFFFB0  }
0x177: {  	[tilespmem:s12], [sflag:$0x2] =	stream.indirect.gather [hbm4b:s2+s30], $0x80, s16, s30, $0xb8;
	[tilespmem:$0x1C800] =	vst v63  }
0x178: {  	_ =	swait.ge [sflag:s9], $0x2800  }
0x179: {  	[sflag:s9] =	ssyncset.done $0x0  }
0x17a: {  	s21 =	simm.s32 $0x10;
	[sflag:s9] =	ssyncadd.s32 $0xFFFFD800  }
0x17b: {  	_ =	swait.ge [sflag:s21], $0x50  }
0x17c: {  	[sflag:s21] =	ssyncset.done $0x0  }
0x17d: {  	s22 =	simm.s32 $0x6;
	s17 =	simm.s32 $0x580;
	[sflag:s21] =	ssyncadd.s32 $0xFFFFFFB0  }
0x17e: {  	[spmem:s1] =	stream.indirect.scatter.add.f32 [tilespmem:s3], [sflag:$0x4], $0x80, s17, s30, $0xb8;
	[tilespmem:$0x1C800] =	vst v63  }
0x17f: {  	_ =	swait.ge [sflag:s22], $0x2800  }
0x180: {  	s23 =	rddreg [dreg:$0x6]  }
0x181: {  	s21 =	sadd.s32 s20, s23  }
0x182: {  	[sflag:s22] =	ssyncset.done $0x0;
	s21 =	sshrl.u32 s21, $0x3  }
0x183: {  	[sflag:s22] =	ssyncadd.s32 $0xFFFFD800;
	s25 =	sadd.s32 s5, s21  }
0x184: {  	[tilespmem:s14], [sflag:$0x9] =	stream.linear.gather [hbm4b:s25+s4], $0x50, $0x38;
	[tilespmem:$0x1C800] =	vst v63  }
0x185: {  	s28 =	simm.s32 $0xC;
	s18 =	simm.s32 $0x500;
	s21 =	sadd.s32 s6, s21  }
0x186: {  	[tilespmem:s18], [sflag:$0xF] =	stream.linear.gather [hbm4b:s21+s4], $0x50, $0x38;
	[tilespmem:$0x1C800] =	vst v63  }
0x187: {  	_ =	swait.ge [sflag:s28], $0x50  }
0x188: {  	[sflag:s28] =	ssyncset.done $0x0  }
0x189: {  	s11 =	simm.s32 $0x280;
	[sflag:s28] =	ssyncadd.s32 $0xFFFFFFB0  }
0x18a: {  	[tilespmem:s15], [sflag:$0x3] =	stream.indirect.gather [hbm4b:s2+s30], $0x80, s11, s30, $0xb8;
	[tilespmem:$0x1C800] =	vst v63  }
0x18b: {  	_ =	swait.ge [sflag:s13], $0x2800  }
0x18c: {  	[sflag:s13] =	ssyncset.done $0x0  }
0x18d: {  	s14 =	simm.s32 $0x11;
	[sflag:s13] =	ssyncadd.s32 $0xFFFFD800  }
0x18e: {  	_ =	swait.ge [sflag:s14], $0x50  }
0x18f: {  	[sflag:s14] =	ssyncset.done $0x0  }
0x190: {  	[sflag:s14] =	ssyncadd.s32 $0xFFFFFFB0  }
0x191: {  	[spmem:s1] =	stream.indirect.scatter.add.f32 [tilespmem:s12], [sflag:$0x5], $0x80, s31, s30, $0xb8;
	[tilespmem:$0x1C800] =	vst v63  }
0x192: {  	_ =	swait.ge [sflag:s24], $0x2800  }
0x193: {  	s18 =	rddreg [dreg:$0x7]  }
0x194: {  	s21 =	sadd.s32 s20, s18  }
0x195: {  	[sflag:s24] =	ssyncset.done $0x0;
	s21 =	sshrl.u32 s21, $0x3  }
0x196: {  	s8 =	simm.s32 $0x180;
	[sflag:s24] =	ssyncadd.s32 $0xFFFFD800;
	s19 =	sadd.s32 s5, s21  }
0x197: {  	[tilespmem:s8], [sflag:$0xA] =	stream.linear.gather [hbm4b:s19+s4], $0x50, $0x38;
	[tilespmem:$0x1C800] =	vst v63  }
0x198: {  	s21 =	sadd.s32 s6, s21  }
0x199: {  	[tilespmem:s17], [sflag:$0x10] =	stream.linear.gather [hbm4b:s21+s4], $0x50, $0x38;
	[tilespmem:$0x1C800] =	vst v63  }
0x19a: {  	s21 =	simm.s32 $0x7  }
0x19b: {  	_ =	swait.ge [sflag:s21], $0x50  }
0x19c: {  	[sflag:s21] =	ssyncset.done $0x0  }
0x19d: {  	[sflag:s21] =	ssyncadd.s32 $0xFFFFFFB0  }
0x19e: {  	[tilespmem:s3], [sflag:$0x1] =	stream.indirect.gather [hbm4b:s2+s30], $0x80, s4, s30, $0xb8;
	[tilespmem:$0x1C800] =	vst v63  }
0x19f: {  	_ =	swait.ge [sflag:s26], $0x2800  }
0x1a0: {  	[sflag:s26] =	ssyncset.done $0x0  }
0x1a1: {  	s23 =	simm.s32 $0x12;
	[sflag:s26] =	ssyncadd.s32 $0xFFFFD800  }
0x1a2: {  	_ =	swait.ge [sflag:s23], $0x50  }
0x1a3: {  	[sflag:s23] =	ssyncset.done $0x0  }
0x1a4: {  	s24 =	simm.s32 $0x680;
	[sflag:s23] =	ssyncadd.s32 $0xFFFFFFB0  }
0x1a5: {  	[spmem:s1] =	stream.indirect.scatter.add.f32 [tilespmem:s15], [sflag:$0x6], $0x80, s24, s30, $0xb8;
	[tilespmem:$0x1C800] =	vst v63  }
0x1a6: {  	_ =	swait.ge [sflag:s7], $0x2800  }
0x1a7: {  	s25 =	rddreg [dreg:$0x8]  }
0x1a8: {  	s22 =	simm.s32 $0x600;
	s13 =	simm.s32 $0x1;
	s20 =	sadd.s32 s20, s25  }
0x1a9: {  	s31 =	simm.s32 $0x8;
	[sflag:s7] =	ssyncset.done $0x0;
	s20 =	sshrl.u32 s20, $0x3  }
0x1aa: {  	s21 =	sadd.s32 $0x3C, s10;
	[sflag:s7] =	ssyncadd.s32 $0xFFFFD800;
	s28 =	sadd.s32 s5, s20  }
0x1ab: {  	[tilespmem:s16], [sflag:$0xB] =	stream.linear.gather [hbm4b:s28+s4], $0x50, $0x38;
	[tilespmem:$0x1C800] =	vst v63  }
0x1ac: {  	s3 =	simm.s32 $0x5;
	s24 =	simm.s32 $0x2;
	s20 =	sadd.s32 s6, s20  }
0x1ad: {  	[tilespmem:s22], [sflag:$0x11] =	stream.linear.gather [hbm4b:s20+s4], $0x50, $0x38;
	[tilespmem:$0x1C800] =	vst v63  }
0x1ae: {  	s7 =	simm.s32 $0x4;
	s20 =	simm.s32 $0x1E0;
	_ =	swait.ge [sflag:s31], $0x50  }
0x1af: {  	s22 =	smov.u32 s0;
	s4 =	simm.s32 $0x0;
	[sflag:s31] =	ssyncset.done $0x0  }
.LBB2_4:
0x1b0: {  	s0 =	simm.s32 $0x8  }
0x1b1: {  	s28 =	simm.s32 $0x3000;
	s11 =	simm.s32 $0x80;
	[sflag:s0] =	ssyncadd.s32 $0xFFFFFFB0  }
0x1b2: {  	[tilespmem:s28], [sflag:$0x2] =	stream.indirect.gather [hbm4b:s2+s30], $0x80, s11, s30, $0xb8;
	[tilespmem:$0x1C800] =	vst v63  }
0x1b3: {  	_ =	swait.ge [sflag:s13], $0x2800  }
0x1b4: {  	[sflag:s13] =	ssyncset.done $0x0  }
0x1b5: {  	s25 =	simm.s32 $0xD;
	[sflag:s13] =	ssyncadd.s32 $0xFFFFD800  }
0x1b6: {  	_ =	swait.ge [sflag:s25], $0x50  }
0x1b7: {  	s23 =	smov.u32 s20;
	[sflag:s25] =	ssyncset.done $0x0  }
0x1b8: {  	s12 =	simm.s32 $0x800;
	p1 =	seq.s32 s23, $0x0;
	[sflag:s25] =	ssyncadd.s32 $0xFFFFFFB0  }
0x1b9: {  	[spmem:s1] =	stream.indirect.scatter.add.f32 [tilespmem:s12], [sflag:$0x4], $0x80, s29, s30, $0xb8;
	[tilespmem:$0x1C800] =	vst v63  }
0x1ba: {  	s29 =	simm.s32 @!p1 $0x6  }
0x1bb: {  	_ =	swait.ge @!p1 [sflag:s29], $0x2800  }
0x1bc: {  	[sflag:s29] =	ssyncset.done @!p1 $0x0  }
0x1bd: {  	s0 =	simm.s32 @!p1 $0x0;
	s10 =	simm.s32 @!p1 $0x280;
	[sflag:s29] =	ssyncadd.s32 @!p1 $0xFFFFD800  }
0x1be: {  	[tilespmem:s10], [sflag:$0xC] =	stream.linear.gather @!p1 [hbm4b:s21+s0], $0x50, $0x38;
	[tilespmem:$0x1C800] =	vst v63  }
0x1bf: {  	s22 =	sadd.s32 $0x3C, s22;
	s8 =	simm.s32 $0x9;
	s29 =	simm.s32 @!p1 $0x680  }
0x1c0: {  	[tilespmem:s29], [sflag:$0x12] =	stream.linear.gather @!p1 [hbm4b:s22+s0], $0x50, $0x38;
	[tilespmem:$0x1C800] =	vst v63  }
0x1c1: {  	_ =	swait.ge [sflag:s8], $0x50  }
0x1c2: {  	[sflag:s8] =	ssyncset.done $0x0  }
0x1c3: {  	s17 =	simm.s32 $0x5800;
	[sflag:s8] =	ssyncadd.s32 $0xFFFFFFB0;
	s8 =	simm.s32 $0x100  }
0x1c4: {  	[tilespmem:s17], [sflag:$0x3] =	stream.indirect.gather [hbm4b:s2+s30], $0x80, s8, s30, $0xb8;
	[tilespmem:$0x1C800] =	vst v63  }
0x1c5: {  	_ =	swait.ge [sflag:s24], $0x2800  }
0x1c6: {  	[sflag:s24] =	ssyncset.done $0x0  }
0x1c7: {  	s9 =	simm.s32 $0xE;
	[sflag:s24] =	ssyncadd.s32 $0xFFFFD800  }
0x1c8: {  	_ =	swait.ge [sflag:s9], $0x50  }
0x1c9: {  	[sflag:s9] =	ssyncset.done $0x0  }
0x1ca: {  	[sflag:s9] =	ssyncadd.s32 $0xFFFFFFB0;
	s9 =	simm.s32 $0x480  }
0x1cb: {  	[spmem:s1] =	stream.indirect.scatter.add.f32 [tilespmem:s28], [sflag:$0x5], $0x80, s9, s30, $0xb8;
	[tilespmem:$0x1C800] =	vst v63  }
0x1cc: {  	_ =	swait.ge [sflag:s7], $0x2800  }
0x1cd: {  	s23 =	simm.s32 @p1 $0x0;
	s10 =	rddreg [dreg:$0x4]  }
0x1ce: {  	s0 =	sadd.s32 s23, s10  }
0x1cf: {  	[sflag:s7] =	ssyncset.done $0x0;
	s0 =	sshrl.u32 s0, $0x3  }
0x1d0: {  	[sflag:s7] =	ssyncadd.s32 $0xFFFFD800;
	s14 =	sadd.s32 s5, s0  }
0x1d1: {  	[tilespmem:s4], [sflag:$0x7] =	stream.linear.gather [hbm4b:s14+s4], $0x50, $0x38;
	[tilespmem:$0x1C800] =	vst v63  }
0x1d2: {  	s15 =	simm.s32 $0xA;
	s29 =	simm.s32 $0x400;
	s0 =	sadd.s32 s6, s0  }
0x1d3: {  	[tilespmem:s29], [sflag:$0xD] =	stream.linear.gather [hbm4b:s0+s4], $0x50, $0x38;
	[tilespmem:$0x1C800] =	vst v63  }
0x1d4: {  	_ =	swait.ge [sflag:s15], $0x50  }
0x1d5: {  	[sflag:s15] =	ssyncset.done $0x0  }
0x1d6: {  	s14 =	simm.s32 $0x180;
	[sflag:s15] =	ssyncadd.s32 $0xFFFFFFB0  }
0x1d7: {  	[tilespmem:s12], [sflag:$0x1] =	stream.indirect.gather [hbm4b:s2+s30], $0x80, s14, s30, $0xb8;
	[tilespmem:$0x1C800] =	vst v63  }
0x1d8: {  	_ =	swait.ge [sflag:s26], $0x2800  }
0x1d9: {  	[sflag:s26] =	ssyncset.done $0x0  }
0x1da: {  	s16 =	simm.s32 $0xF;
	[sflag:s26] =	ssyncadd.s32 $0xFFFFD800  }
0x1db: {  	_ =	swait.ge [sflag:s16], $0x50  }
0x1dc: {  	[sflag:s16] =	ssyncset.done $0x0  }
0x1dd: {  	s25 =	simm.s32 $0x500;
	[sflag:s16] =	ssyncadd.s32 $0xFFFFFFB0  }
0x1de: {  	[spmem:s1] =	stream.indirect.scatter.add.f32 [tilespmem:s17], [sflag:$0x6], $0x80, s25, s30, $0xb8;
	[tilespmem:$0x1C800] =	vst v63  }
0x1df: {  	_ =	swait.ge [sflag:s3], $0x2800  }
0x1e0: {  	s18 =	rddreg [dreg:$0x5]  }
0x1e1: {  	s0 =	sadd.s32 s23, s18  }
0x1e2: {  	[sflag:s3] =	ssyncset.done $0x0;
	s0 =	sshrl.u32 s0, $0x3  }
0x1e3: {  	[sflag:s3] =	ssyncadd.s32 $0xFFFFD800;
	s19 =	sadd.s32 s5, s0  }
0x1e4: {  	[tilespmem:s11], [sflag:$0x8] =	stream.linear.gather [hbm4b:s19+s4], $0x50, $0x38;
	[tilespmem:$0x1C800] =	vst v63  }
0x1e5: {  	s0 =	sadd.s32 s6, s0;
	s11 =	simm.s32 $0xB  }
0x1e6: {  	[tilespmem:s9], [sflag:$0xE] =	stream.linear.gather [hbm4b:s0+s4], $0x50, $0x38;
	[tilespmem:$0x1C800] =	vst v63  }
0x1e7: {  	_ =	swait.ge [sflag:s11], $0x50  }
0x1e8: {  	[sflag:s11] =	ssyncset.done $0x0  }
0x1e9: {  	s19 =	simm.s32 $0x200;
	[sflag:s11] =	ssyncadd.s32 $0xFFFFFFB0  }
0x1ea: {  	[tilespmem:s28], [sflag:$0x2] =	stream.indirect.gather [hbm4b:s2+s30], $0x80, s19, s30, $0xb8;
	[tilespmem:$0x1C800] =	vst v63  }
0x1eb: {  	_ =	swait.ge [sflag:s13], $0x2800  }
0x1ec: {  	[sflag:s13] =	ssyncset.done $0x0  }
0x1ed: {  	s15 =	simm.s32 $0x10;
	[sflag:s13] =	ssyncadd.s32 $0xFFFFD800  }
0x1ee: {  	_ =	swait.ge [sflag:s15], $0x50  }
0x1ef: {  	[sflag:s15] =	ssyncset.done $0x0  }
0x1f0: {  	s16 =	simm.s32 $0x6;
	s11 =	simm.s32 $0x580;
	[sflag:s15] =	ssyncadd.s32 $0xFFFFFFB0  }
0x1f1: {  	[spmem:s1] =	stream.indirect.scatter.add.f32 [tilespmem:s12], [sflag:$0x4], $0x80, s11, s30, $0xb8;
	[tilespmem:$0x1C800] =	vst v63  }
0x1f2: {  	_ =	swait.ge [sflag:s16], $0x2800  }
0x1f3: {  	s9 =	rddreg [dreg:$0x6]  }
0x1f4: {  	s0 =	sadd.s32 s23, s9  }
0x1f5: {  	[sflag:s16] =	ssyncset.done $0x0;
	s0 =	sshrl.u32 s0, $0x3  }
0x1f6: {  	[sflag:s16] =	ssyncadd.s32 $0xFFFFD800;
	s15 =	sadd.s32 s5, s0  }
0x1f7: {  	[tilespmem:s8], [sflag:$0x9] =	stream.linear.gather [hbm4b:s15+s4], $0x50, $0x38;
	[tilespmem:$0x1C800] =	vst v63  }
0x1f8: {  	s0 =	sadd.s32 s6, s0  }
0x1f9: {  	[tilespmem:s25], [sflag:$0xF] =	stream.linear.gather [hbm4b:s0+s4], $0x50, $0x38;
	[tilespmem:$0x1C800] =	vst v63  }
0x1fa: {  	s25 =	simm.s32 $0xC  }
0x1fb: {  	_ =	swait.ge [sflag:s25], $0x50  }
0x1fc: {  	[sflag:s25] =	ssyncset.done $0x0  }
0x1fd: {  	s8 =	simm.s32 $0x280;
	[sflag:s25] =	ssyncadd.s32 $0xFFFFFFB0  }
0x1fe: {  	[tilespmem:s17], [sflag:$0x3] =	stream.indirect.gather [hbm4b:s2+s30], $0x80, s8, s30, $0xb8;
	[tilespmem:$0x1C800] =	vst v63  }
0x1ff: {  	_ =	swait.ge [sflag:s24], $0x2800  }
0x200: {  	[sflag:s24] =	ssyncset.done $0x0  }
0x201: {  	s10 =	simm.s32 $0x11;
	[sflag:s24] =	ssyncadd.s32 $0xFFFFD800  }
0x202: {  	_ =	swait.ge [sflag:s10], $0x50  }
0x203: {  	[sflag:s10] =	ssyncset.done $0x0  }
0x204: {  	s25 =	simm.s32 $0x600;
	[sflag:s10] =	ssyncadd.s32 $0xFFFFFFB0  }
0x205: {  	[spmem:s1] =	stream.indirect.scatter.add.f32 [tilespmem:s28], [sflag:$0x5], $0x80, s25, s30, $0xb8;
	[tilespmem:$0x1C800] =	vst v63  }
0x206: {  	_ =	swait.ge [sflag:s7], $0x2800  }
0x207: {  	s15 =	rddreg [dreg:$0x7]  }
0x208: {  	s0 =	sadd.s32 s23, s15  }
0x209: {  	[sflag:s7] =	ssyncset.done $0x0;
	s0 =	sshrl.u32 s0, $0x3  }
0x20a: {  	[sflag:s7] =	ssyncadd.s32 $0xFFFFD800;
	s8 =	sadd.s32 s5, s0  }
0x20b: {  	[tilespmem:s14], [sflag:$0xA] =	stream.linear.gather [hbm4b:s8+s4], $0x50, $0x38;
	[tilespmem:$0x1C800] =	vst v63  }
0x20c: {  	s0 =	sadd.s32 s6, s0  }
0x20d: {  	[tilespmem:s11], [sflag:$0x10] =	stream.linear.gather [hbm4b:s0+s4], $0x50, $0x38;
	[tilespmem:$0x1C800] =	vst v63  }
0x20e: {  	s11 =	simm.s32 $0x7  }
0x20f: {  	_ =	swait.ge [sflag:s11], $0x50  }
0x210: {  	[sflag:s11] =	ssyncset.done $0x0  }
0x211: {  	[sflag:s11] =	ssyncadd.s32 $0xFFFFFFB0  }
0x212: {  	[tilespmem:s12], [sflag:$0x1] =	stream.indirect.gather [hbm4b:s2+s30], $0x80, s4, s30, $0xb8;
	[tilespmem:$0x1C800] =	vst v63  }
0x213: {  	_ =	swait.ge [sflag:s26], $0x2800  }
0x214: {  	[sflag:s26] =	ssyncset.done $0x0  }
0x215: {  	s12 =	simm.s32 $0x12;
	[sflag:s26] =	ssyncadd.s32 $0xFFFFD800  }
0x216: {  	_ =	swait.ge [sflag:s12], $0x50  }
0x217: {  	[sflag:s12] =	ssyncset.done $0x0  }
0x218: {  	s14 =	simm.s32 $0x680;
	[sflag:s12] =	ssyncadd.s32 $0xFFFFFFB0  }
0x219: {  	[spmem:s1] =	stream.indirect.scatter.add.f32 [tilespmem:s17], [sflag:$0x6], $0x80, s14, s30, $0xb8;
	[tilespmem:$0x1C800] =	vst v63  }
0x21a: {  	_ =	swait.ge [sflag:s3], $0x2800  }
0x21b: {  	s20 =	sadd.s32 $0x1E0, s20;
	s17 =	rddreg [dreg:$0x8]  }
0x21c: {  	s31 =	simm.s32 $0x480;
	p0 =	sne.s32 s20, $0x2580;
	s0 =	sadd.s32 s23, s17  }
0x21d: {  	s21 =	sadd.s32 $0x3C, s21;
	[sflag:s3] =	ssyncset.done $0x0;
	s0 =	sshrl.u32 s0, $0x3  }
0x21e: {  	s18 =	simm.s32 $0x80;
	[sflag:s3] =	ssyncadd.s32 $0xFFFFD800;
	s23 =	sadd.s32 s5, s0  }
0x21f: {  	[tilespmem:s19], [sflag:$0xB] =	stream.linear.gather [hbm4b:s23+s4], $0x50, $0x38;
	[tilespmem:$0x1C800] =	vst v63  }
.Ltmp1:
0x220: {  	s16 =	simm.s32 $0x100;
	s0 =	sadd.s32 s6, s0;
	(pc) =	sbr.rel @p0 .LBB2_4-.Ltmp1, $4  }
0x221: {  	[tilespmem:s25], [sflag:$0x11] =	stream.linear.gather [hbm4b:s0+s4], $0x50, $0x38;
	[tilespmem:$0x1C800] =	vst v63  }
0x222: {  	s9 =	simm.s32 $0x500;
	s28 =	simm.s32 $0x580;
	s25 =	simm.s32 $0x8  }
0x223: {  	s15 =	simm.s32 $0x180;
	s8 =	simm.s32 $0x600;
	_ =	swait.ge [sflag:s25], $0x50  }
0x224: {  	s11 =	simm.s32 $0x200;
	s0 =	simm.s32 $0x8;
	[sflag:s25] =	ssyncset.done $0x0  }
0x225: {  	[sflag:s0] =	ssyncadd.s32 $0xFFFFFFB0;
	s14 =	simm.s32 $0x3000  }
0x226: {  	[tilespmem:s14], [sflag:$0x2] =	stream.indirect.gather [hbm4b:s2+s30], $0x80, s18, s30, $0xb8;
	[tilespmem:$0x1C800] =	vst v63  }
0x227: {  	_ =	swait.ge [sflag:s13], $0x2800  }
0x228: {  	[sflag:s13] =	ssyncset.done $0x0  }
0x229: {  	s22 =	simm.s32 $0xD;
	[sflag:s13] =	ssyncadd.s32 $0xFFFFD800  }
0x22a: {  	_ =	swait.ge [sflag:s22], $0x50  }
0x22b: {  	[sflag:s22] =	ssyncset.done $0x0  }
0x22c: {  	s12 =	simm.s32 $0x800;
	s10 =	simm.s32 $0x6;
	[sflag:s22] =	ssyncadd.s32 $0xFFFFFFB0  }
0x22d: {  	[spmem:s1] =	stream.indirect.scatter.add.f32 [tilespmem:s12], [sflag:$0x4], $0x80, s29, s30, $0xb8;
	[tilespmem:$0x1C800] =	vst v63  }
0x22e: {  	_ =	swait.ge [sflag:s10], $0x2800  }
0x22f: {  	[sflag:s10] =	ssyncset.done $0x0  }
0x230: {  	s23 =	simm.s32 $0x9;
	[sflag:s10] =	ssyncadd.s32 $0xFFFFD800  }
0x231: {  	_ =	swait.ge [sflag:s23], $0x50  }
0x232: {  	[sflag:s23] =	ssyncset.done $0x0  }
0x233: {  	s17 =	simm.s32 $0x5800;
	[sflag:s23] =	ssyncadd.s32 $0xFFFFFFB0  }
0x234: {  	[tilespmem:s17], [sflag:$0x3] =	stream.indirect.gather [hbm4b:s2+s30], $0x80, s16, s30, $0xb8;
	[tilespmem:$0x1C800] =	vst v63  }
0x235: {  	_ =	swait.ge [sflag:s24], $0x2800  }
0x236: {  	[sflag:s24] =	ssyncset.done $0x0  }
0x237: {  	s25 =	simm.s32 $0xE;
	[sflag:s24] =	ssyncadd.s32 $0xFFFFD800  }
0x238: {  	_ =	swait.ge [sflag:s25], $0x50  }
0x239: {  	[sflag:s25] =	ssyncset.done $0x0  }
0x23a: {  	[sflag:s25] =	ssyncadd.s32 $0xFFFFFFB0  }
0x23b: {  	[spmem:s1] =	stream.indirect.scatter.add.f32 [tilespmem:s14], [sflag:$0x5], $0x80, s31, s30, $0xb8;
	[tilespmem:$0x1C800] =	vst v63  }
0x23c: {  	_ =	swait.ge [sflag:s7], $0x2800  }
0x23d: {  	[sflag:s7] =	ssyncset.done $0x0  }
0x23e: {  	s4 =	simm.s32 $0xA;
	[sflag:s7] =	ssyncadd.s32 $0xFFFFD800  }
0x23f: {  	_ =	swait.ge [sflag:s4], $0x50  }
0x240: {  	[sflag:s4] =	ssyncset.done $0x0  }
0x241: {  	[sflag:s4] =	ssyncadd.s32 $0xFFFFFFB0  }
0x242: {  	[tilespmem:s12], [sflag:$0x1] =	stream.indirect.gather [hbm4b:s2+s30], $0x80, s15, s30, $0xb8;
	[tilespmem:$0x1C800] =	vst v63  }
0x243: {  	_ =	swait.ge [sflag:s26], $0x2800  }
0x244: {  	[sflag:s26] =	ssyncset.done $0x0  }
0x245: {  	s16 =	simm.s32 $0xF;
	[sflag:s26] =	ssyncadd.s32 $0xFFFFD800  }
0x246: {  	_ =	swait.ge [sflag:s16], $0x50  }
0x247: {  	[sflag:s16] =	ssyncset.done $0x0  }
0x248: {  	[sflag:s16] =	ssyncadd.s32 $0xFFFFFFB0  }
0x249: {  	[spmem:s1] =	stream.indirect.scatter.add.f32 [tilespmem:s17], [sflag:$0x6], $0x80, s9, s30, $0xb8;
	[tilespmem:$0x1C800] =	vst v63  }
0x24a: {  	_ =	swait.ge [sflag:s3], $0x2800  }
0x24b: {  	[sflag:s3] =	ssyncset.done $0x0  }
0x24c: {  	s17 =	simm.s32 $0xB;
	[sflag:s3] =	ssyncadd.s32 $0xFFFFD800  }
0x24d: {  	_ =	swait.ge [sflag:s17], $0x50  }
0x24e: {  	[sflag:s17] =	ssyncset.done $0x0  }
0x24f: {  	[sflag:s17] =	ssyncadd.s32 $0xFFFFFFB0  }
0x250: {  	[tilespmem:s14], [sflag:$0x2] =	stream.indirect.gather [hbm4b:s2+s30], $0x80, s11, s30, $0xb8;
	[tilespmem:$0x1C800] =	vst v63  }
0x251: {  	_ =	swait.ge [sflag:s13], $0x2800  }
0x252: {  	[sflag:s13] =	ssyncset.done $0x0  }
0x253: {  	s18 =	simm.s32 $0x10;
	[sflag:s13] =	ssyncadd.s32 $0xFFFFD800  }
0x254: {  	_ =	swait.ge [sflag:s18], $0x50  }
0x255: {  	[sflag:s18] =	ssyncset.done $0x0  }
0x256: {  	[sflag:s18] =	ssyncadd.s32 $0xFFFFFFB0  }
0x257: {  	[spmem:s1] =	stream.indirect.scatter.add.f32 [tilespmem:s12], [sflag:$0x4], $0x80, s28, s30, $0xb8;
	[tilespmem:$0x1C800] =	vst v63  }
0x258: {  	_ =	swait.ge [sflag:s10], $0x2800  }
0x259: {  	[sflag:s10] =	ssyncset.done $0x0  }
0x25a: {  	[sflag:s10] =	ssyncadd.s32 $0xFFFFD800  }
0x25b: {  	_ =	swait.ge [sflag:s24], $0x2800  }
0x25c: {  	[sflag:s24] =	ssyncset.done $0x0  }
0x25d: {  	s19 =	simm.s32 $0x11;
	[sflag:s24] =	ssyncadd.s32 $0xFFFFD800  }
0x25e: {  	_ =	swait.ge [sflag:s19], $0x50  }
0x25f: {  	[sflag:s19] =	ssyncset.done $0x0  }
0x260: {  	[sflag:s19] =	ssyncadd.s32 $0xFFFFFFB0  }
0x261: {  	[spmem:s1] =	stream.indirect.scatter.add.f32 [tilespmem:s14], [sflag:$0x5], $0x80, s8, s30, $0xb8;
	[tilespmem:$0x1C800] =	vst v63  }
0x262: {  	_ =	swait.ge [sflag:s7], $0x2800  }
0x263: {  	[sflag:s7] =	ssyncset.done $0x0  }
0x264: {  	[sflag:s7] =	ssyncadd.s32 $0xFFFFD800  }
0x265: {  	_ =	swait.ge [sflag:s3], $0x2800  }
0x266: {  	[sflag:s3] =	ssyncset.done $0x0  }
0x267: {  	s20 =	stileid.u32;
	[sflag:s3] =	ssyncadd.s32 $0xFFFFD800  }
0x268: {  	s0 =	sshll.u32 s20, $0x6;
	[bflag:$0x0] =	sbarrier.arrive $0xFFFF  }
0x269: {  	s0 =	sor.u32 $0x1C14, s0;
	s22 =	rddreg [dreg:$0x15]  }
0x26a: {  	s23 =	simm.s32 $0x14;
	s20 =	rddreg [dreg:$0x18];
	s21 =	sshrl.u32 s22, $0x3  }
0x26b: {  	[hbm:s20], [sflag:s0] =	dma.local [spmem:s21], $0x2800  }
0x26c: {  	_ =	swait.ge [sflag:s23], $0x2800  }
0x26d: {  	s24 =	sld [smem:$0x7DC]  }
0x26e: {  	s31 =	simm.s32 $0x600  }
0x26f: {  	s4 =	simm.s32 $0x0;
	s15 =	simm.s32 $0x280;
	s16 =	simm.s32 $0x200  }
0x270: {  	s9 =	simm.s32 $0x1;
	s25 =	rddreg [dreg:$0x19];
	s8 =	sadd.s32 $0x1, s24  }
0x271: {  	s17 =	simm.s32 $0x7;
	s11 =	simm.s32 $0x480;
	p0 =	sne.s32 s8, s25  }
.Ltmp2:
0x272: {  	s13 =	simm.s32 $0x2;
	s18 =	simm.s32 $0x8;
	(pc) =	sbr.rel @p0 .LBB2_1-.Ltmp2, $4  }
0x273: {  	s28 =	simm.s32 $0x500;
	s12 =	simm.s32 $0x3000;
	s10 =	simm.s32 $0x100  }
0x274: {  	s19 =	simm.s32 $0x680;
	s14 =	simm.s32 $0x580;
	[sflag:s23] =	ssyncset.done $0x0  }
0x275: {  	s7 =	simm.s32 $0x5;
	s3 =	simm.s32 $0x800;
	[sflag:s23] =	ssyncadd.s32 $0xFFFFD800  }
0x276: {  	s23 =	simm.s32 $0x80;
	s24 =	simm.s32 $0x4;
	s25 =	simm.s32 $0x180  }
0x277: {  	_ =	sfence.sel $0x180000  }
0x278: {  	[bflag:$0x0] =	sbarrier.arrive $0xFFFF  }
0x279: {  	_ =	strace $0x90000047  }
0x27a: {  	s0 =	stileid.u32;
	[bflag:$0x2] =	sbarrier.arrive $0xFFFF  }
0x27b: {  	p0 =	sne.s32 s0, $0x0;
	s0 =	rddreg [dreg:$0x3]  }
0x27c: {  	s0 =	sadd.s32 @!p0 $0x100000, s0  }
0x27d: {  	[sflag:s0] =	ssyncadd.tile.s32 @!p0 $0x1;
	_ =	shalt  }
.Lfunc_end2:
_tile_overlayer_lowered:
.L_overlay_start_2:
0x27e: {  	(tag) =	ssettag $0x2  }
0x27f: {  	s0 =	rddreg [dreg:$0x0];
	s2 =	stileid.u32  }
0x280: {  	s1 =	rddreg [dreg:$0x1];
	p0 =	sne.s32 s2, $0x0  }
0x281: {  	s3 =	rddreg [dreg:$0x2];
	[bflag:$0x3] =	sbarrier.arrive $0xFFFF;
	s2 =	simm.s32 @!p0 $0x1C14  }
0x282: {  	[timem:s3], [sflag:s2] =	dma.local @!p0 [hbm:s0], s1  }
0x283: {  	s0 =	simm.s32 @!p0 $0x14  }
0x284: {  	_ =	swait.ge @!p0 [sflag:s0], s1  }
0x285: {  	s1 =	ssub.s32 @!p0 $0x0, s1;
	[sflag:s0] =	ssyncset.done @!p0 $0x0  }
0x286: {  	[sflag:s0] =	ssyncadd.s32 @!p0 s1  }
0x287: {  	[bflag:$0x3] =	sbarrier.arrive $0xFFFF  }
0x288: {  	_ =	shalt  }

</sc_bundles>
